<compile_context>
chip_gen: v7x
topology: tpu7x:2x2x1
jax: 0.10.2.dev20260603
libtpu: 0.0.44.dev20260713+nightly
codegen_flags: <defaults>
</compile_context>

<pallas_src>
import functools

import jax
import jax.numpy as jnp
import numpy as np
from jax import lax
from jax.experimental import pallas as pl
from jax.experimental.pallas import tpu as pltpu
from jax.experimental.pallas import tpu_sc as plsc

MODEL_DIM = 2048
MAX_SEQ_LEN = 8192


def _pe_table_np(seq_len: int, model_dim: int) -> np.ndarray:
    positions = np.arange(0, seq_len, dtype=np.float32)[:, None]
    i = np.arange(0, model_dim // 2, dtype=np.float32)
    frequencies = np.power(np.float32(10000.0), 2.0 * i / np.float32(model_dim))
    pe = np.zeros((seq_len, model_dim), dtype=np.float32)
    pe[:, 0::2] = np.sin(positions / frequencies)
    pe[:, 1::2] = np.cos(positions / frequencies)
    return pe


_PE = _pe_table_np(MAX_SEQ_LEN, MODEL_DIM)

_NUM_WORKERS = 32
_P = 4
_NBUF = 3


def _make_sc_kernel(batch: int, seq_len: int, d: int):
    mesh = plsc.VectorSubcoreMesh(core_axis_name="c", subcore_axis_name="s")
    pos_per_w = seq_len // _NUM_WORKERS
    n_chunks = pos_per_w // _P
    n_rows = batch * seq_len
    dv = d // 16

    @functools.partial(
        pl.kernel,
        mesh=mesh,
        out_type=jax.ShapeDtypeStruct((n_rows, d), jnp.float32),
        scratch_types=[
            pltpu.VMEM((batch, pos_per_w), jnp.int32),
            pltpu.VMEM((_NBUF, batch, _P, d), jnp.float32),
            pltpu.VMEM((_NBUF, _P, d), jnp.float32),
            pltpu.SemaphoreType.DMA,
            pltpu.SemaphoreType.DMA,
            pltpu.SemaphoreType.DMA,
            pltpu.SemaphoreType.DMA,
            pltpu.SemaphoreType.DMA,
            pltpu.SemaphoreType.DMA,
        ],
    )
    def body(ids_hbm, table_hbm, pe_hbm, out_hbm, idx_v, rows_v, pe_v,
             gsem0, gsem1, gsem2, ssem0, ssem1, ssem2):
        nc = 2
        wid = lax.axis_index("s") * nc + lax.axis_index("c")
        pos0 = wid * pos_per_w

        pltpu.sync_copy(ids_hbm.at[pl.ds(wid * batch, batch)], idx_v)

        gsems = (gsem0, gsem1, gsem2)
        ssems = (ssem0, ssem1, ssem2)

        def load_descs(c, buf):
            descs = [
                pltpu.make_async_copy(
                    table_hbm.at[idx_v.at[b, pl.ds(c * _P, _P)]],
                    rows_v.at[buf, b], gsems[buf])
                for b in range(batch)
            ]
            descs.append(pltpu.make_async_copy(
                pe_hbm.at[pl.ds(pos0 + c * _P, _P)], pe_v.at[buf], gsems[buf]))
            return descs

        def store_descs(c, buf):
            return [
                pltpu.make_async_copy(
                    rows_v.at[buf, b],
                    out_hbm.at[pl.ds(b * seq_len + pos0 + c * _P, _P)],
                    ssems[buf])
                for b in range(batch)
            ]

        def multiply(buf):
            def mul_body(j, _):
                col = j * 16
                for p in range(_P):
                    pe_vec = pe_v[buf, p, pl.ds(col, 16)]
                    for b in range(batch):
                        rows_v[buf, b, p, pl.ds(col, 16)] = (
                            rows_v[buf, b, p, pl.ds(col, 16)] * pe_vec
                        )
                return 0

            lax.fori_loop(0, dv, mul_body, 0)

        for desc in load_descs(0, 0):
            desc.start()

        def chunk_step(c, buf):
            ahead = (buf + 1) % _NBUF

            @pl.when(c + 1 < n_chunks)
            def _():
                @pl.when(c >= 2)
                def _():
                    for desc in store_descs(c - 2, ahead):
                        desc.wait()

                for desc in load_descs(c + 1, ahead):
                    desc.start()

            for desc in load_descs(c, buf):
                desc.wait()
            multiply(buf)
            for desc in store_descs(c, buf):
                desc.start()

        def group_body(g, _):
            for local in range(_NBUF):
                c = _NBUF * g + local
                chunk_step(c, local)
            return 0

        n_groups = n_chunks // _NBUF
        lax.fori_loop(0, n_groups, group_body, 0)
        for c in range(n_groups * _NBUF, n_chunks):
            chunk_step(c, c % _NBUF)

        for c in range(n_chunks - _NBUF, n_chunks):
            for desc in store_descs(c, c % _NBUF):
                desc.wait()

    return body


def kernel(input_ids, embedding_table):
    b, seq_len = input_ids.shape
    d = embedding_table.shape[1]
    pos_per_w = seq_len // _NUM_WORKERS
    ids_perm = (
        input_ids.astype(jnp.int32)
        .reshape(b, _NUM_WORKERS, pos_per_w)
        .transpose(1, 0, 2)
        .reshape(_NUM_WORKERS * b, pos_per_w)
    )
    pe = jnp.asarray(_PE[:seq_len])
    out = _make_sc_kernel(b, seq_len, d)(ids_perm, embedding_table, pe)
    return out.reshape(b, seq_len, d)

# --- scband reference (transcript-rebuilt; emitter-appended) ---
"""Pipeline reference for scband-transformer-embeddings-85942295592964 (READ-ONLY COPY).

The authoritative reference and input builder live on the scoring server;
editing this copy changes nothing except your own understanding.
"""

import jax, jax.numpy as jnp
import numpy as np

MODEL_DIM = 2048
VOCAB_SIZE = 100000
MAX_SEQ_LEN = 8192


def _positional_encoding_table():
    positions = jnp.arange(0, MAX_SEQ_LEN, dtype=jnp.float32)[:, None]
    i = jnp.arange(0, MODEL_DIM // 2, dtype=jnp.float32)
    frequencies = jnp.power(10000.0, 2.0 * i / MODEL_DIM)
    pe = jnp.zeros((MAX_SEQ_LEN, MODEL_DIM), dtype=jnp.float32)
    pe = pe.at[:, 0::2].set(jnp.sin(positions / frequencies))
    pe = pe.at[:, 1::2].set(jnp.cos(positions / frequencies))
    return pe


def setup_inputs(seed: int = 0) -> dict:
    key = jax.random.key(seed)
    k1, k2 = jax.random.split(key)
    input_ids = jax.random.randint(k1, (4, 2048), 0, VOCAB_SIZE, dtype=jnp.int64 if jax.config.read('jax_enable_x64') else jnp.int32)
    embedding_table = jax.random.normal(k2, (VOCAB_SIZE, MODEL_DIM), dtype=jnp.float32)
    return {"input_ids": input_ids, "embedding_table": embedding_table}


def reference(input_ids, embedding_table):
    # TokenEmbeddings: gather (multiply_dim_sqrt=False)
    tok = jnp.take(embedding_table, input_ids, axis=0)
    # PositionalEncoding: sinusoidal table sliced to seq_len
    seq_len = input_ids.shape[1]
    pe = _positional_encoding_table()[:seq_len]
    # TransformerEmbeddings forward: dropout(tok * pe); dropout is identity in eval
    return tok * pe

if __name__ == "__main__":
    import jax
    _d = setup_inputs()
    print(jax.jit(kernel)(*tuple(_d.values())))

</pallas_src>

<mosaic_0001>
#map = affine_map<(d0, d1) -> (0, 0)>
module attributes {stable_mosaic.version = 14 : i64} {
  func.func @body(%arg0: i32, %arg1: i32, %arg2: memref<128x64xi32, #tpu.memory_space<hbm>>, %arg3: memref<100000x2048xf32, #tpu.memory_space<hbm>>, %arg4: memref<2048x2048xf32, #tpu.memory_space<hbm>>, %arg5: memref<8192x2048xf32, #tpu.memory_space<hbm>>, %arg6: memref<4x64xi32, #tpu.memory_space<vmem>>, %arg7: memref<3x4x4x2048xf32, #tpu.memory_space<vmem>>, %arg8: memref<3x4x2048xf32, #tpu.memory_space<vmem>>, %arg9: memref<!tpu.dma_semaphore, #tpu.memory_space<semaphore_mem>>, %arg10: memref<!tpu.dma_semaphore, #tpu.memory_space<semaphore_mem>>, %arg11: memref<!tpu.dma_semaphore, #tpu.memory_space<semaphore_mem>>, %arg12: memref<!tpu.dma_semaphore, #tpu.memory_space<semaphore_mem>>, %arg13: memref<!tpu.dma_semaphore, #tpu.memory_space<semaphore_mem>>, %arg14: memref<!tpu.dma_semaphore, #tpu.memory_space<semaphore_mem>>) attributes {dimension_semantics = [#tpu.dimension_semantics<core_parallel>, #tpu.dimension_semantics<subcore_parallel>], iteration_bounds = array<i64: 2, 16>, scalar_prefetch = 0 : i64, scratch_operands = 9 : i64, tpu.core_type = #tpu.core_type<sc_vector_subcore>, window_params = [{transform_indices = #map}, {transform_indices = #map}, {transform_indices = #map}, {transform_indices = #map}]} {
    %mul3A = arith.constant 2 : i32
    %mul3A_0 = arith.muli %arg1, %mul3A : i32
    %add3A = arith.addi %mul3A_0, %arg0 : i32
    %mul3A_1 = arith.constant 64 : i32
    %mul3A_2 = arith.muli %add3A, %mul3A_1 : i32
    %mul3A_3 = arith.constant 4 : i32
    %mul3A_4 = arith.muli %add3A, %mul3A_3 : i32
    "tpu.region"() ({
      %run_scoped3A = tpu.sem_alloc : memref<!tpu.dma_semaphore, #tpu.memory_space<semaphore_mem>>
      %dma_start3A_438 = arith.constant 0 : i32
      %dma_start3A_439 = tpu.memref_slice %arg2[%mul3A_4, %dma_start3A_438] : memref<128x64xi32, #tpu.memory_space<hbm>> -> memref<4x64xi32, #tpu.memory_space<hbm>>
      %dma_start3A_440 = arith.constant 0 : i32
      %dma_start3A_441 = tpu.memref_slice %arg2[%mul3A_4, %dma_start3A_440] : memref<128x64xi32, #tpu.memory_space<hbm>> -> memref<4x64xi32, #tpu.memory_space<hbm>>
      tpu.enqueue_dma source(%dma_start3A_441 : memref<4x64xi32, #tpu.memory_space<hbm>>) target(%arg6 : memref<4x64xi32, #tpu.memory_space<vmem>>) target_semaphore(%run_scoped3A : memref<!tpu.dma_semaphore, #tpu.memory_space<semaphore_mem>>)
      %dma_wait3A_442 = arith.constant 0 : i32
      %dma_wait3A_443 = tpu.memref_slice %arg2[%mul3A_4, %dma_wait3A_442] : memref<128x64xi32, #tpu.memory_space<hbm>> -> memref<4x64xi32, #tpu.memory_space<hbm>>
      %dma_wait3A_444 = arith.constant 0 : i32
      %dma_wait3A_445 = tpu.memref_slice %arg2[%mul3A_4, %dma_wait3A_444] : memref<128x64xi32, #tpu.memory_space<hbm>> -> memref<4x64xi32, #tpu.memory_space<hbm>>
      tpu.wait_dma2 semaphore(%run_scoped3A : memref<!tpu.dma_semaphore, #tpu.memory_space<semaphore_mem>>) src(%dma_wait3A_445 : memref<4x64xi32, #tpu.memory_space<hbm>>) dst(%arg6 : memref<4x64xi32, #tpu.memory_space<vmem>>)
      tpu.yield
    }) : () -> ()
    %add3A_5 = arith.constant 0 : i32
    %add3A_6 = arith.addi %mul3A_2, %add3A_5 : i32
    %dma_start3A = arith.constant 0 : i32
    %dma_start3A_7 = arith.constant 0 : i32
    %dma_start3A_8 = arith.constant 0 : i32
    %dma_start3A_9 = arith.constant 0 : i32
    %dma_start3A_10 = arith.constant 0 : i32
    %dma_start3A_11 = tpu.memref_slice %arg7[%dma_start3A_7, %dma_start3A_8, %dma_start3A_9, %dma_start3A_10] : memref<3x4x4x2048xf32, #tpu.memory_space<vmem>> -> memref<1x1x4x2048xf32, #tpu.memory_space<vmem>>
    %dma_start3A_12 = tpu.memref_squeeze %dma_start3A_11 : memref<1x1x4x2048xf32, #tpu.memory_space<vmem>> -> memref<4x2048xf32, #tpu.memory_space<vmem>>
    %dma_start3A_13 = arith.constant 0 : i32
    %dma_start3A_14 = tpu.memref_slice %arg6[%dma_start3A, %dma_start3A_13] : memref<4x64xi32, #tpu.memory_space<vmem>> -> memref<1x4xi32, #tpu.memory_space<vmem>>
    %dma_start3A_15 = tpu.memref_squeeze %dma_start3A_14 : memref<1x4xi32, #tpu.memory_space<vmem>> -> memref<4xi32, #tpu.memory_space<vmem>>
    %dma_start3A_16 = arith.constant 0 : i32
    %dma_start3A_17 = arith.constant 0 : i32
    %dma_start3A_18 = tpu.memref_slice %arg3[%dma_start3A_16, %dma_start3A_17] : memref<100000x2048xf32, #tpu.memory_space<hbm>> -> memref<100000x2048xf32, #tpu.memory_space<hbm>>
    tpu.enqueue_indirect_dma source(%dma_start3A_18 : memref<100000x2048xf32, #tpu.memory_space<hbm>>) target(%dma_start3A_12 : memref<4x2048xf32, #tpu.memory_space<vmem>>) offsets(%dma_start3A_15 : memref<4xi32, #tpu.memory_space<vmem>>) semaphore(%arg9 : memref<!tpu.dma_semaphore, #tpu.memory_space<semaphore_mem>>)
    %dma_start3A_19 = arith.constant 1 : i32
    %dma_start3A_20 = arith.constant 0 : i32
    %dma_start3A_21 = arith.constant 1 : i32
    %dma_start3A_22 = arith.constant 0 : i32
    %dma_start3A_23 = arith.constant 0 : i32
    %dma_start3A_24 = tpu.memref_slice %arg7[%dma_start3A_20, %dma_start3A_21, %dma_start3A_22, %dma_start3A_23] : memref<3x4x4x2048xf32, #tpu.memory_space<vmem>> -> memref<1x1x4x2048xf32, #tpu.memory_space<vmem>>
    %dma_start3A_25 = tpu.memref_squeeze %dma_start3A_24 : memref<1x1x4x2048xf32, #tpu.memory_space<vmem>> -> memref<4x2048xf32, #tpu.memory_space<vmem>>
    %dma_start3A_26 = arith.constant 0 : i32
    %dma_start3A_27 = tpu.memref_slice %arg6[%dma_start3A_19, %dma_start3A_26] : memref<4x64xi32, #tpu.memory_space<vmem>> -> memref<1x4xi32, #tpu.memory_space<vmem>>
    %dma_start3A_28 = tpu.memref_squeeze %dma_start3A_27 : memref<1x4xi32, #tpu.memory_space<vmem>> -> memref<4xi32, #tpu.memory_space<vmem>>
    %dma_start3A_29 = arith.constant 0 : i32
    %dma_start3A_30 = arith.constant 0 : i32
    %dma_start3A_31 = tpu.memref_slice %arg3[%dma_start3A_29, %dma_start3A_30] : memref<100000x2048xf32, #tpu.memory_space<hbm>> -> memref<100000x2048xf32, #tpu.memory_space<hbm>>
    tpu.enqueue_indirect_dma source(%dma_start3A_31 : memref<100000x2048xf32, #tpu.memory_space<hbm>>) target(%dma_start3A_25 : memref<4x2048xf32, #tpu.memory_space<vmem>>) offsets(%dma_start3A_28 : memref<4xi32, #tpu.memory_space<vmem>>) semaphore(%arg9 : memref<!tpu.dma_semaphore, #tpu.memory_space<semaphore_mem>>)
    %dma_start3A_32 = arith.constant 2 : i32
    %dma_start3A_33 = arith.constant 0 : i32
    %dma_start3A_34 = arith.constant 2 : i32
    %dma_start3A_35 = arith.constant 0 : i32
    %dma_start3A_36 = arith.constant 0 : i32
    %dma_start3A_37 = tpu.memref_slice %arg7[%dma_start3A_33, %dma_start3A_34, %dma_start3A_35, %dma_start3A_36] : memref<3x4x4x2048xf32, #tpu.memory_space<vmem>> -> memref<1x1x4x2048xf32, #tpu.memory_space<vmem>>
    %dma_start3A_38 = tpu.memref_squeeze %dma_start3A_37 : memref<1x1x4x2048xf32, #tpu.memory_space<vmem>> -> memref<4x2048xf32, #tpu.memory_space<vmem>>
    %dma_start3A_39 = arith.constant 0 : i32
    %dma_start3A_40 = tpu.memref_slice %arg6[%dma_start3A_32, %dma_start3A_39] : memref<4x64xi32, #tpu.memory_space<vmem>> -> memref<1x4xi32, #tpu.memory_space<vmem>>
    %dma_start3A_41 = tpu.memref_squeeze %dma_start3A_40 : memref<1x4xi32, #tpu.memory_space<vmem>> -> memref<4xi32, #tpu.memory_space<vmem>>
    %dma_start3A_42 = arith.constant 0 : i32
    %dma_start3A_43 = arith.constant 0 : i32
    %dma_start3A_44 = tpu.memref_slice %arg3[%dma_start3A_42, %dma_start3A_43] : memref<100000x2048xf32, #tpu.memory_space<hbm>> -> memref<100000x2048xf32, #tpu.memory_space<hbm>>
    tpu.enqueue_indirect_dma source(%dma_start3A_44 : memref<100000x2048xf32, #tpu.memory_space<hbm>>) target(%dma_start3A_38 : memref<4x2048xf32, #tpu.memory_space<vmem>>) offsets(%dma_start3A_41 : memref<4xi32, #tpu.memory_space<vmem>>) semaphore(%arg9 : memref<!tpu.dma_semaphore, #tpu.memory_space<semaphore_mem>>)
    %dma_start3A_45 = arith.constant 3 : i32
    %dma_start3A_46 = arith.constant 0 : i32
    %dma_start3A_47 = arith.constant 3 : i32
    %dma_start3A_48 = arith.constant 0 : i32
    %dma_start3A_49 = arith.constant 0 : i32
    %dma_start3A_50 = tpu.memref_slice %arg7[%dma_start3A_46, %dma_start3A_47, %dma_start3A_48, %dma_start3A_49] : memref<3x4x4x2048xf32, #tpu.memory_space<vmem>> -> memref<1x1x4x2048xf32, #tpu.memory_space<vmem>>
    %dma_start3A_51 = tpu.memref_squeeze %dma_start3A_50 : memref<1x1x4x2048xf32, #tpu.memory_space<vmem>> -> memref<4x2048xf32, #tpu.memory_space<vmem>>
    %dma_start3A_52 = arith.constant 0 : i32
    %dma_start3A_53 = tpu.memref_slice %arg6[%dma_start3A_45, %dma_start3A_52] : memref<4x64xi32, #tpu.memory_space<vmem>> -> memref<1x4xi32, #tpu.memory_space<vmem>>
    %dma_start3A_54 = tpu.memref_squeeze %dma_start3A_53 : memref<1x4xi32, #tpu.memory_space<vmem>> -> memref<4xi32, #tpu.memory_space<vmem>>
    %dma_start3A_55 = arith.constant 0 : i32
    %dma_start3A_56 = arith.constant 0 : i32
    %dma_start3A_57 = tpu.memref_slice %arg3[%dma_start3A_55, %dma_start3A_56] : memref<100000x2048xf32, #tpu.memory_space<hbm>> -> memref<100000x2048xf32, #tpu.memory_space<hbm>>
    tpu.enqueue_indirect_dma source(%dma_start3A_57 : memref<100000x2048xf32, #tpu.memory_space<hbm>>) target(%dma_start3A_51 : memref<4x2048xf32, #tpu.memory_space<vmem>>) offsets(%dma_start3A_54 : memref<4xi32, #tpu.memory_space<vmem>>) semaphore(%arg9 : memref<!tpu.dma_semaphore, #tpu.memory_space<semaphore_mem>>)
    %dma_start3A_58 = arith.constant 0 : i32
    %dma_start3A_59 = arith.constant 0 : i32
    %dma_start3A_60 = arith.constant 0 : i32
    %dma_start3A_61 = tpu.memref_slice %arg8[%dma_start3A_58, %dma_start3A_59, %dma_start3A_60] : memref<3x4x2048xf32, #tpu.memory_space<vmem>> -> memref<1x4x2048xf32, #tpu.memory_space<vmem>>
    %dma_start3A_62 = tpu.memref_squeeze %dma_start3A_61 : memref<1x4x2048xf32, #tpu.memory_space<vmem>> -> memref<4x2048xf32, #tpu.memory_space<vmem>>
    %dma_start3A_63 = arith.constant 0 : i32
    %dma_start3A_64 = tpu.memref_slice %arg4[%add3A_6, %dma_start3A_63] : memref<2048x2048xf32, #tpu.memory_space<hbm>> -> memref<4x2048xf32, #tpu.memory_space<hbm>>
    %dma_start3A_65 = arith.constant 0 : i32
    %dma_start3A_66 = arith.constant 0 : i32
    %dma_start3A_67 = tpu.memref_slice %arg8[%dma_start3A_58, %dma_start3A_65, %dma_start3A_66] : memref<3x4x2048xf32, #tpu.memory_space<vmem>> -> memref<1x4x2048xf32, #tpu.memory_space<vmem>>
    %dma_start3A_68 = tpu.memref_squeeze %dma_start3A_67 : memref<1x4x2048xf32, #tpu.memory_space<vmem>> -> memref<4x2048xf32, #tpu.memory_space<vmem>>
    %dma_start3A_69 = arith.constant 0 : i32
    %dma_start3A_70 = tpu.memref_slice %arg4[%add3A_6, %dma_start3A_69] : memref<2048x2048xf32, #tpu.memory_space<hbm>> -> memref<4x2048xf32, #tpu.memory_space<hbm>>
    tpu.enqueue_dma source(%dma_start3A_70 : memref<4x2048xf32, #tpu.memory_space<hbm>>) target(%dma_start3A_68 : memref<4x2048xf32, #tpu.memory_space<vmem>>) target_semaphore(%arg9 : memref<!tpu.dma_semaphore, #tpu.memory_space<semaphore_mem>>)
    %scan3A = arith.constant 0 : i32
    %scan3A_71 = arith.constant 0 : i32
    %scan3A_72 = arith.constant 5 : i32
    %scan3A_73 = arith.addi %scan3A_71, %scan3A_72 : i32
    %scan3A_74 = arith.constant 1 : i32
    %scan3A_75 = scf.for %scan3A_438 = %scan3A_71 to %scan3A_73 step %scan3A_74 iter_args(%scan3A_439 = %scan3A) -> (i32)  : i32 {
      %mul3A_440 = arith.constant 3 : i32
      %mul3A_441 = arith.muli %mul3A_440, %scan3A_438 : i32
      %add3A_442 = arith.constant 0 : i32
      %add3A_443 = arith.addi %mul3A_441, %add3A_442 : i32
      %add3A_444 = arith.constant 1 : i32
      %add3A_445 = arith.addi %add3A_443, %add3A_444 : i32
      %lt3A = arith.constant 16 : i32
      %lt3A_446 = arith.cmpi slt, %add3A_445, %lt3A : i32
      %convert_element_type3A = arith.extui %lt3A_446 : i1 to i32
      %cond3A = arith.constant 0 : i32
      %cond3A_447 = arith.cmpi ne, %convert_element_type3A, %cond3A : i32
      scf.if %cond3A_447 {
        %ge3A = arith.constant 2 : i32
        %ge3A_936 = arith.cmpi sge, %add3A_443, %ge3A : i32
        %convert_element_type3A_937 = arith.extui %ge3A_936 : i1 to i32
        %cond3A_938 = arith.constant 0 : i32
        %cond3A_939 = arith.cmpi ne, %convert_element_type3A_937, %cond3A_938 : i32
        scf.if %cond3A_939 {
          %sub3A = arith.constant 2 : i32
          %sub3A_1014 = arith.subi %add3A_443, %sub3A : i32
          %add3A_1015 = arith.constant 0 : i32
          %add3A_1016 = arith.addi %add3A_1015, %mul3A_2 : i32
          %mul3A_1017 = arith.constant 4 : i32
          %mul3A_1018 = arith.muli %sub3A_1014, %mul3A_1017 : i32
          %add3A_1019 = arith.addi %add3A_1016, %mul3A_1018 : i32
          %add3A_1020 = arith.constant 2048 : i32
          %add3A_1021 = arith.addi %add3A_1020, %mul3A_2 : i32
          %mul3A_1022 = arith.constant 4 : i32
          %mul3A_1023 = arith.muli %sub3A_1014, %mul3A_1022 : i32
          %add3A_1024 = arith.addi %add3A_1021, %mul3A_1023 : i32
          %add3A_1025 = arith.constant 4096 : i32
          %add3A_1026 = arith.addi %add3A_1025, %mul3A_2 : i32
          %mul3A_1027 = arith.constant 4 : i32
          %mul3A_1028 = arith.muli %sub3A_1014, %mul3A_1027 : i32
          %add3A_1029 = arith.addi %add3A_1026, %mul3A_1028 : i32
          %add3A_1030 = arith.constant 6144 : i32
          %add3A_1031 = arith.addi %add3A_1030, %mul3A_2 : i32
          %mul3A_1032 = arith.constant 4 : i32
          %mul3A_1033 = arith.muli %sub3A_1014, %mul3A_1032 : i32
          %add3A_1034 = arith.addi %add3A_1031, %mul3A_1033 : i32
          %dma_wait3A_1035 = arith.constant 1 : i32
          %dma_wait3A_1036 = arith.constant 0 : i32
          %dma_wait3A_1037 = arith.constant 0 : i32
          %dma_wait3A_1038 = arith.constant 0 : i32
          %dma_wait3A_1039 = tpu.memref_slice %arg7[%dma_wait3A_1035, %dma_wait3A_1036, %dma_wait3A_1037, %dma_wait3A_1038] : memref<3x4x4x2048xf32, #tpu.memory_space<vmem>> -> memref<1x1x4x2048xf32, #tpu.memory_space<vmem>>
          %dma_wait3A_1040 = tpu.memref_squeeze %dma_wait3A_1039 : memref<1x1x4x2048xf32, #tpu.memory_space<vmem>> -> memref<4x2048xf32, #tpu.memory_space<vmem>>
          %dma_wait3A_1041 = arith.constant 0 : i32
          %dma_wait3A_1042 = tpu.memref_slice %arg5[%add3A_1019, %dma_wait3A_1041] : memref<8192x2048xf32, #tpu.memory_space<hbm>> -> memref<4x2048xf32, #tpu.memory_space<hbm>>
          %dma_wait3A_1043 = arith.constant 0 : i32
          %dma_wait3A_1044 = tpu.memref_slice %arg5[%add3A_1019, %dma_wait3A_1043] : memref<8192x2048xf32, #tpu.memory_space<hbm>> -> memref<4x2048xf32, #tpu.memory_space<hbm>>
          %dma_wait3A_1045 = arith.constant 0 : i32
          %dma_wait3A_1046 = arith.constant 0 : i32
          %dma_wait3A_1047 = tpu.memref_slice %arg7[%dma_wait3A_1035, %dma_wait3A_1036, %dma_wait3A_1045, %dma_wait3A_1046] : memref<3x4x4x2048xf32, #tpu.memory_space<vmem>> -> memref<1x1x4x2048xf32, #tpu.memory_space<vmem>>
          %dma_wait3A_1048 = tpu.memref_squeeze %dma_wait3A_1047 : memref<1x1x4x2048xf32, #tpu.memory_space<vmem>> -> memref<4x2048xf32, #tpu.memory_space<vmem>>
          tpu.wait_dma2 semaphore(%arg13 : memref<!tpu.dma_semaphore, #tpu.memory_space<semaphore_mem>>) src(%dma_wait3A_1048 : memref<4x2048xf32, #tpu.memory_space<vmem>>) dst(%dma_wait3A_1044 : memref<4x2048xf32, #tpu.memory_space<hbm>>)
          %dma_wait3A_1049 = arith.constant 1 : i32
          %dma_wait3A_1050 = arith.constant 1 : i32
          %dma_wait3A_1051 = arith.constant 0 : i32
          %dma_wait3A_1052 = arith.constant 0 : i32
          %dma_wait3A_1053 = tpu.memref_slice %arg7[%dma_wait3A_1049, %dma_wait3A_1050, %dma_wait3A_1051, %dma_wait3A_1052] : memref<3x4x4x2048xf32, #tpu.memory_space<vmem>> -> memref<1x1x4x2048xf32, #tpu.memory_space<vmem>>
          %dma_wait3A_1054 = tpu.memref_squeeze %dma_wait3A_1053 : memref<1x1x4x2048xf32, #tpu.memory_space<vmem>> -> memref<4x2048xf32, #tpu.memory_space<vmem>>
          %dma_wait3A_1055 = arith.constant 0 : i32
          %dma_wait3A_1056 = tpu.memref_slice %arg5[%add3A_1024, %dma_wait3A_1055] : memref<8192x2048xf32, #tpu.memory_space<hbm>> -> memref<4x2048xf32, #tpu.memory_space<hbm>>
          %dma_wait3A_1057 = arith.constant 0 : i32
          %dma_wait3A_1058 = tpu.memref_slice %arg5[%add3A_1024, %dma_wait3A_1057] : memref<8192x2048xf32, #tpu.memory_space<hbm>> -> memref<4x2048xf32, #tpu.memory_space<hbm>>
          %dma_wait3A_1059 = arith.constant 0 : i32
          %dma_wait3A_1060 = arith.constant 0 : i32
          %dma_wait3A_1061 = tpu.memref_slice %arg7[%dma_wait3A_1049, %dma_wait3A_1050, %dma_wait3A_1059, %dma_wait3A_1060] : memref<3x4x4x2048xf32, #tpu.memory_space<vmem>> -> memref<1x1x4x2048xf32, #tpu.memory_space<vmem>>
          %dma_wait3A_1062 = tpu.memref_squeeze %dma_wait3A_1061 : memref<1x1x4x2048xf32, #tpu.memory_space<vmem>> -> memref<4x2048xf32, #tpu.memory_space<vmem>>
          tpu.wait_dma2 semaphore(%arg13 : memref<!tpu.dma_semaphore, #tpu.memory_space<semaphore_mem>>) src(%dma_wait3A_1062 : memref<4x2048xf32, #tpu.memory_space<vmem>>) dst(%dma_wait3A_1058 : memref<4x2048xf32, #tpu.memory_space<hbm>>)
          %dma_wait3A_1063 = arith.constant 1 : i32
          %dma_wait3A_1064 = arith.constant 2 : i32
          %dma_wait3A_1065 = arith.constant 0 : i32
          %dma_wait3A_1066 = arith.constant 0 : i32
          %dma_wait3A_1067 = tpu.memref_slice %arg7[%dma_wait3A_1063, %dma_wait3A_1064, %dma_wait3A_1065, %dma_wait3A_1066] : memref<3x4x4x2048xf32, #tpu.memory_space<vmem>> -> memref<1x1x4x2048xf32, #tpu.memory_space<vmem>>
          %dma_wait3A_1068 = tpu.memref_squeeze %dma_wait3A_1067 : memref<1x1x4x2048xf32, #tpu.memory_space<vmem>> -> memref<4x2048xf32, #tpu.memory_space<vmem>>
          %dma_wait3A_1069 = arith.constant 0 : i32
          %dma_wait3A_1070 = tpu.memref_slice %arg5[%add3A_1029, %dma_wait3A_1069] : memref<8192x2048xf32, #tpu.memory_space<hbm>> -> memref<4x2048xf32, #tpu.memory_space<hbm>>
          %dma_wait3A_1071 = arith.constant 0 : i32
          %dma_wait3A_1072 = tpu.memref_slice %arg5[%add3A_1029, %dma_wait3A_1071] : memref<8192x2048xf32, #tpu.memory_space<hbm>> -> memref<4x2048xf32, #tpu.memory_space<hbm>>
          %dma_wait3A_1073 = arith.constant 0 : i32
          %dma_wait3A_1074 = arith.constant 0 : i32
          %dma_wait3A_1075 = tpu.memref_slice %arg7[%dma_wait3A_1063, %dma_wait3A_1064, %dma_wait3A_1073, %dma_wait3A_1074] : memref<3x4x4x2048xf32, #tpu.memory_space<vmem>> -> memref<1x1x4x2048xf32, #tpu.memory_space<vmem>>
          %dma_wait3A_1076 = tpu.memref_squeeze %dma_wait3A_1075 : memref<1x1x4x2048xf32, #tpu.memory_space<vmem>> -> memref<4x2048xf32, #tpu.memory_space<vmem>>
          tpu.wait_dma2 semaphore(%arg13 : memref<!tpu.dma_semaphore, #tpu.memory_space<semaphore_mem>>) src(%dma_wait3A_1076 : memref<4x2048xf32, #tpu.memory_space<vmem>>) dst(%dma_wait3A_1072 : memref<4x2048xf32, #tpu.memory_space<hbm>>)
          %dma_wait3A_1077 = arith.constant 1 : i32
          %dma_wait3A_1078 = arith.constant 3 : i32
          %dma_wait3A_1079 = arith.constant 0 : i32
          %dma_wait3A_1080 = arith.constant 0 : i32
          %dma_wait3A_1081 = tpu.memref_slice %arg7[%dma_wait3A_1077, %dma_wait3A_1078, %dma_wait3A_1079, %dma_wait3A_1080] : memref<3x4x4x2048xf32, #tpu.memory_space<vmem>> -> memref<1x1x4x2048xf32, #tpu.memory_space<vmem>>
          %dma_wait3A_1082 = tpu.memref_squeeze %dma_wait3A_1081 : memref<1x1x4x2048xf32, #tpu.memory_space<vmem>> -> memref<4x2048xf32, #tpu.memory_space<vmem>>
          %dma_wait3A_1083 = arith.constant 0 : i32
          %dma_wait3A_1084 = tpu.memref_slice %arg5[%add3A_1034, %dma_wait3A_1083] : memref<8192x2048xf32, #tpu.memory_space<hbm>> -> memref<4x2048xf32, #tpu.memory_space<hbm>>
          %dma_wait3A_1085 = arith.constant 0 : i32
          %dma_wait3A_1086 = tpu.memref_slice %arg5[%add3A_1034, %dma_wait3A_1085] : memref<8192x2048xf32, #tpu.memory_space<hbm>> -> memref<4x2048xf32, #tpu.memory_space<hbm>>
          %dma_wait3A_1087 = arith.constant 0 : i32
          %dma_wait3A_1088 = arith.constant 0 : i32
          %dma_wait3A_1089 = tpu.memref_slice %arg7[%dma_wait3A_1077, %dma_wait3A_1078, %dma_wait3A_1087, %dma_wait3A_1088] : memref<3x4x4x2048xf32, #tpu.memory_space<vmem>> -> memref<1x1x4x2048xf32, #tpu.memory_space<vmem>>
          %dma_wait3A_1090 = tpu.memref_squeeze %dma_wait3A_1089 : memref<1x1x4x2048xf32, #tpu.memory_space<vmem>> -> memref<4x2048xf32, #tpu.memory_space<vmem>>
          tpu.wait_dma2 semaphore(%arg13 : memref<!tpu.dma_semaphore, #tpu.memory_space<semaphore_mem>>) src(%dma_wait3A_1090 : memref<4x2048xf32, #tpu.memory_space<vmem>>) dst(%dma_wait3A_1086 : memref<4x2048xf32, #tpu.memory_space<hbm>>)
        } else {
        }
        %add3A_940 = arith.constant 1 : i32
        %add3A_941 = arith.addi %add3A_443, %add3A_940 : i32
        %mul3A_942 = arith.constant 4 : i32
        %mul3A_943 = arith.muli %add3A_941, %mul3A_942 : i32
        %mul3A_944 = arith.constant 4 : i32
        %mul3A_945 = arith.muli %add3A_941, %mul3A_944 : i32
        %mul3A_946 = arith.constant 4 : i32
        %mul3A_947 = arith.muli %add3A_941, %mul3A_946 : i32
        %mul3A_948 = arith.constant 4 : i32
        %mul3A_949 = arith.muli %add3A_941, %mul3A_948 : i32
        %mul3A_950 = arith.constant 4 : i32
        %mul3A_951 = arith.muli %add3A_941, %mul3A_950 : i32
        %add3A_952 = arith.addi %mul3A_2, %mul3A_951 : i32
        %dma_start3A_953 = arith.constant 0 : i32
        %dma_start3A_954 = arith.constant 1 : i32
        %dma_start3A_955 = arith.constant 0 : i32
        %dma_start3A_956 = arith.constant 0 : i32
        %dma_start3A_957 = arith.constant 0 : i32
        %dma_start3A_958 = tpu.memref_slice %arg7[%dma_start3A_954, %dma_start3A_955, %dma_start3A_956, %dma_start3A_957] : memref<3x4x4x2048xf32, #tpu.memory_space<vmem>> -> memref<1x1x4x2048xf32, #tpu.memory_space<vmem>>
        %dma_start3A_959 = tpu.memref_squeeze %dma_start3A_958 : memref<1x1x4x2048xf32, #tpu.memory_space<vmem>> -> memref<4x2048xf32, #tpu.memory_space<vmem>>
        %dma_start3A_960 = tpu.memref_slice %arg6[%dma_start3A_953, %mul3A_943] : memref<4x64xi32, #tpu.memory_space<vmem>> -> memref<1x4xi32, #tpu.memory_space<vmem>>
        %dma_start3A_961 = tpu.memref_squeeze %dma_start3A_960 : memref<1x4xi32, #tpu.memory_space<vmem>> -> memref<4xi32, #tpu.memory_space<vmem>>
        %dma_start3A_962 = arith.constant 0 : i32
        %dma_start3A_963 = arith.constant 0 : i32
        %dma_start3A_964 = tpu.memref_slice %arg3[%dma_start3A_962, %dma_start3A_963] : memref<100000x2048xf32, #tpu.memory_space<hbm>> -> memref<100000x2048xf32, #tpu.memory_space<hbm>>
        tpu.enqueue_indirect_dma source(%dma_start3A_964 : memref<100000x2048xf32, #tpu.memory_space<hbm>>) target(%dma_start3A_959 : memref<4x2048xf32, #tpu.memory_space<vmem>>) offsets(%dma_start3A_961 : memref<4xi32, #tpu.memory_space<vmem>>) semaphore(%arg10 : memref<!tpu.dma_semaphore, #tpu.memory_space<semaphore_mem>>)
        %dma_start3A_965 = arith.constant 1 : i32
        %dma_start3A_966 = arith.constant 1 : i32
        %dma_start3A_967 = arith.constant 1 : i32
        %dma_start3A_968 = arith.constant 0 : i32
        %dma_start3A_969 = arith.constant 0 : i32
        %dma_start3A_970 = tpu.memref_slice %arg7[%dma_start3A_966, %dma_start3A_967, %dma_start3A_968, %dma_start3A_969] : memref<3x4x4x2048xf32, #tpu.memory_space<vmem>> -> memref<1x1x4x2048xf32, #tpu.memory_space<vmem>>
        %dma_start3A_971 = tpu.memref_squeeze %dma_start3A_970 : memref<1x1x4x2048xf32, #tpu.memory_space<vmem>> -> memref<4x2048xf32, #tpu.memory_space<vmem>>
        %dma_start3A_972 = tpu.memref_slice %arg6[%dma_start3A_965, %mul3A_945] : memref<4x64xi32, #tpu.memory_space<vmem>> -> memref<1x4xi32, #tpu.memory_space<vmem>>
        %dma_start3A_973 = tpu.memref_squeeze %dma_start3A_972 : memref<1x4xi32, #tpu.memory_space<vmem>> -> memref<4xi32, #tpu.memory_space<vmem>>
        %dma_start3A_974 = arith.constant 0 : i32
        %dma_start3A_975 = arith.constant 0 : i32
        %dma_start3A_976 = tpu.memref_slice %arg3[%dma_start3A_974, %dma_start3A_975] : memref<100000x2048xf32, #tpu.memory_space<hbm>> -> memref<100000x2048xf32, #tpu.memory_space<hbm>>
        tpu.enqueue_indirect_dma source(%dma_start3A_976 : memref<100000x2048xf32, #tpu.memory_space<hbm>>) target(%dma_start3A_971 : memref<4x2048xf32, #tpu.memory_space<vmem>>) offsets(%dma_start3A_973 : memref<4xi32, #tpu.memory_space<vmem>>) semaphore(%arg10 : memref<!tpu.dma_semaphore, #tpu.memory_space<semaphore_mem>>)
        %dma_start3A_977 = arith.constant 2 : i32
        %dma_start3A_978 = arith.constant 1 : i32
        %dma_start3A_979 = arith.constant 2 : i32
        %dma_start3A_980 = arith.constant 0 : i32
        %dma_start3A_981 = arith.constant 0 : i32
        %dma_start3A_982 = tpu.memref_slice %arg7[%dma_start3A_978, %dma_start3A_979, %dma_start3A_980, %dma_start3A_981] : memref<3x4x4x2048xf32, #tpu.memory_space<vmem>> -> memref<1x1x4x2048xf32, #tpu.memory_space<vmem>>
        %dma_start3A_983 = tpu.memref_squeeze %dma_start3A_982 : memref<1x1x4x2048xf32, #tpu.memory_space<vmem>> -> memref<4x2048xf32, #tpu.memory_space<vmem>>
        %dma_start3A_984 = tpu.memref_slice %arg6[%dma_start3A_977, %mul3A_947] : memref<4x64xi32, #tpu.memory_space<vmem>> -> memref<1x4xi32, #tpu.memory_space<vmem>>
        %dma_start3A_985 = tpu.memref_squeeze %dma_start3A_984 : memref<1x4xi32, #tpu.memory_space<vmem>> -> memref<4xi32, #tpu.memory_space<vmem>>
        %dma_start3A_986 = arith.constant 0 : i32
        %dma_start3A_987 = arith.constant 0 : i32
        %dma_start3A_988 = tpu.memref_slice %arg3[%dma_start3A_986, %dma_start3A_987] : memref<100000x2048xf32, #tpu.memory_space<hbm>> -> memref<100000x2048xf32, #tpu.memory_space<hbm>>
        tpu.enqueue_indirect_dma source(%dma_start3A_988 : memref<100000x2048xf32, #tpu.memory_space<hbm>>) target(%dma_start3A_983 : memref<4x2048xf32, #tpu.memory_space<vmem>>) offsets(%dma_start3A_985 : memref<4xi32, #tpu.memory_space<vmem>>) semaphore(%arg10 : memref<!tpu.dma_semaphore, #tpu.memory_space<semaphore_mem>>)
        %dma_start3A_989 = arith.constant 3 : i32
        %dma_start3A_990 = arith.constant 1 : i32
        %dma_start3A_991 = arith.constant 3 : i32
        %dma_start3A_992 = arith.constant 0 : i32
        %dma_start3A_993 = arith.constant 0 : i32
        %dma_start3A_994 = tpu.memref_slice %arg7[%dma_start3A_990, %dma_start3A_991, %dma_start3A_992, %dma_start3A_993] : memref<3x4x4x2048xf32, #tpu.memory_space<vmem>> -> memref<1x1x4x2048xf32, #tpu.memory_space<vmem>>
        %dma_start3A_995 = tpu.memref_squeeze %dma_start3A_994 : memref<1x1x4x2048xf32, #tpu.memory_space<vmem>> -> memref<4x2048xf32, #tpu.memory_space<vmem>>
        %dma_start3A_996 = tpu.memref_slice %arg6[%dma_start3A_989, %mul3A_949] : memref<4x64xi32, #tpu.memory_space<vmem>> -> memref<1x4xi32, #tpu.memory_space<vmem>>
        %dma_start3A_997 = tpu.memref_squeeze %dma_start3A_996 : memref<1x4xi32, #tpu.memory_space<vmem>> -> memref<4xi32, #tpu.memory_space<vmem>>
        %dma_start3A_998 = arith.constant 0 : i32
        %dma_start3A_999 = arith.constant 0 : i32
        %dma_start3A_1000 = tpu.memref_slice %arg3[%dma_start3A_998, %dma_start3A_999] : memref<100000x2048xf32, #tpu.memory_space<hbm>> -> memref<100000x2048xf32, #tpu.memory_space<hbm>>
        tpu.enqueue_indirect_dma source(%dma_start3A_1000 : memref<100000x2048xf32, #tpu.memory_space<hbm>>) target(%dma_start3A_995 : memref<4x2048xf32, #tpu.memory_space<vmem>>) offsets(%dma_start3A_997 : memref<4xi32, #tpu.memory_space<vmem>>) semaphore(%arg10 : memref<!tpu.dma_semaphore, #tpu.memory_space<semaphore_mem>>)
        %dma_start3A_1001 = arith.constant 1 : i32
        %dma_start3A_1002 = arith.constant 0 : i32
        %dma_start3A_1003 = arith.constant 0 : i32
        %dma_start3A_1004 = tpu.memref_slice %arg8[%dma_start3A_1001, %dma_start3A_1002, %dma_start3A_1003] : memref<3x4x2048xf32, #tpu.memory_space<vmem>> -> memref<1x4x2048xf32, #tpu.memory_space<vmem>>
        %dma_start3A_1005 = tpu.memref_squeeze %dma_start3A_1004 : memref<1x4x2048xf32, #tpu.memory_space<vmem>> -> memref<4x2048xf32, #tpu.memory_space<vmem>>
        %dma_start3A_1006 = arith.constant 0 : i32
        %dma_start3A_1007 = tpu.memref_slice %arg4[%add3A_952, %dma_start3A_1006] : memref<2048x2048xf32, #tpu.memory_space<hbm>> -> memref<4x2048xf32, #tpu.memory_space<hbm>>
        %dma_start3A_1008 = arith.constant 0 : i32
        %dma_start3A_1009 = arith.constant 0 : i32
        %dma_start3A_1010 = tpu.memref_slice %arg8[%dma_start3A_1001, %dma_start3A_1008, %dma_start3A_1009] : memref<3x4x2048xf32, #tpu.memory_space<vmem>> -> memref<1x4x2048xf32, #tpu.memory_space<vmem>>
        %dma_start3A_1011 = tpu.memref_squeeze %dma_start3A_1010 : memref<1x4x2048xf32, #tpu.memory_space<vmem>> -> memref<4x2048xf32, #tpu.memory_space<vmem>>
        %dma_start3A_1012 = arith.constant 0 : i32
        %dma_start3A_1013 = tpu.memref_slice %arg4[%add3A_952, %dma_start3A_1012] : memref<2048x2048xf32, #tpu.memory_space<hbm>> -> memref<4x2048xf32, #tpu.memory_space<hbm>>
        tpu.enqueue_dma source(%dma_start3A_1013 : memref<4x2048xf32, #tpu.memory_space<hbm>>) target(%dma_start3A_1011 : memref<4x2048xf32, #tpu.memory_space<vmem>>) target_semaphore(%arg10 : memref<!tpu.dma_semaphore, #tpu.memory_space<semaphore_mem>>)
      } else {
      }
      %mul3A_448 = arith.constant 4 : i32
      %mul3A_449 = arith.muli %add3A_443, %mul3A_448 : i32
      %mul3A_450 = arith.constant 4 : i32
      %mul3A_451 = arith.muli %add3A_443, %mul3A_450 : i32
      %mul3A_452 = arith.constant 4 : i32
      %mul3A_453 = arith.muli %add3A_443, %mul3A_452 : i32
      %mul3A_454 = arith.constant 4 : i32
      %mul3A_455 = arith.muli %add3A_443, %mul3A_454 : i32
      %mul3A_456 = arith.constant 4 : i32
      %mul3A_457 = arith.muli %add3A_443, %mul3A_456 : i32
      %add3A_458 = arith.addi %mul3A_2, %mul3A_457 : i32
      %dma_wait3A_459 = arith.constant 0 : i32
      %dma_wait3A_460 = arith.constant 0 : i32
      %dma_wait3A_461 = arith.constant 0 : i32
      %dma_wait3A_462 = arith.constant 0 : i32
      %dma_wait3A_463 = arith.constant 0 : i32
      %dma_wait3A_464 = tpu.memref_slice %arg7[%dma_wait3A_460, %dma_wait3A_461, %dma_wait3A_462, %dma_wait3A_463] : memref<3x4x4x2048xf32, #tpu.memory_space<vmem>> -> memref<1x1x4x2048xf32, #tpu.memory_space<vmem>>
      %dma_wait3A_465 = tpu.memref_squeeze %dma_wait3A_464 : memref<1x1x4x2048xf32, #tpu.memory_space<vmem>> -> memref<4x2048xf32, #tpu.memory_space<vmem>>
      %dma_wait3A_466 = tpu.memref_slice %arg6[%dma_wait3A_459, %mul3A_449] : memref<4x64xi32, #tpu.memory_space<vmem>> -> memref<1x4xi32, #tpu.memory_space<vmem>>
      %dma_wait3A_467 = tpu.memref_squeeze %dma_wait3A_466 : memref<1x4xi32, #tpu.memory_space<vmem>> -> memref<4xi32, #tpu.memory_space<vmem>>
      %dma_wait3A_468 = arith.constant 0 : i32
      %dma_wait3A_469 = arith.constant 0 : i32
      %dma_wait3A_470 = tpu.memref_slice %arg3[%dma_wait3A_468, %dma_wait3A_469] : memref<100000x2048xf32, #tpu.memory_space<hbm>> -> memref<100000x2048xf32, #tpu.memory_space<hbm>>
      tpu.wait_indirect_dma semaphore(%arg9 : memref<!tpu.dma_semaphore, #tpu.memory_space<semaphore_mem>>) src(%dma_wait3A_470 : memref<100000x2048xf32, #tpu.memory_space<hbm>>) dst(%dma_wait3A_465 : memref<4x2048xf32, #tpu.memory_space<vmem>>)
      %dma_wait3A_471 = arith.constant 1 : i32
      %dma_wait3A_472 = arith.constant 0 : i32
      %dma_wait3A_473 = arith.constant 1 : i32
      %dma_wait3A_474 = arith.constant 0 : i32
      %dma_wait3A_475 = arith.constant 0 : i32
      %dma_wait3A_476 = tpu.memref_slice %arg7[%dma_wait3A_472, %dma_wait3A_473, %dma_wait3A_474, %dma_wait3A_475] : memref<3x4x4x2048xf32, #tpu.memory_space<vmem>> -> memref<1x1x4x2048xf32, #tpu.memory_space<vmem>>
      %dma_wait3A_477 = tpu.memref_squeeze %dma_wait3A_476 : memref<1x1x4x2048xf32, #tpu.memory_space<vmem>> -> memref<4x2048xf32, #tpu.memory_space<vmem>>
      %dma_wait3A_478 = tpu.memref_slice %arg6[%dma_wait3A_471, %mul3A_451] : memref<4x64xi32, #tpu.memory_space<vmem>> -> memref<1x4xi32, #tpu.memory_space<vmem>>
      %dma_wait3A_479 = tpu.memref_squeeze %dma_wait3A_478 : memref<1x4xi32, #tpu.memory_space<vmem>> -> memref<4xi32, #tpu.memory_space<vmem>>
      %dma_wait3A_480 = arith.constant 0 : i32
      %dma_wait3A_481 = arith.constant 0 : i32
      %dma_wait3A_482 = tpu.memref_slice %arg3[%dma_wait3A_480, %dma_wait3A_481] : memref<100000x2048xf32, #tpu.memory_space<hbm>> -> memref<100000x2048xf32, #tpu.memory_space<hbm>>
      tpu.wait_indirect_dma semaphore(%arg9 : memref<!tpu.dma_semaphore, #tpu.memory_space<semaphore_mem>>) src(%dma_wait3A_482 : memref<100000x2048xf32, #tpu.memory_space<hbm>>) dst(%dma_wait3A_477 : memref<4x2048xf32, #tpu.memory_space<vmem>>)
      %dma_wait3A_483 = arith.constant 2 : i32
      %dma_wait3A_484 = arith.constant 0 : i32
      %dma_wait3A_485 = arith.constant 2 : i32
      %dma_wait3A_486 = arith.constant 0 : i32
      %dma_wait3A_487 = arith.constant 0 : i32
      %dma_wait3A_488 = tpu.memref_slice %arg7[%dma_wait3A_484, %dma_wait3A_485, %dma_wait3A_486, %dma_wait3A_487] : memref<3x4x4x2048xf32, #tpu.memory_space<vmem>> -> memref<1x1x4x2048xf32, #tpu.memory_space<vmem>>
      %dma_wait3A_489 = tpu.memref_squeeze %dma_wait3A_488 : memref<1x1x4x2048xf32, #tpu.memory_space<vmem>> -> memref<4x2048xf32, #tpu.memory_space<vmem>>
      %dma_wait3A_490 = tpu.memref_slice %arg6[%dma_wait3A_483, %mul3A_453] : memref<4x64xi32, #tpu.memory_space<vmem>> -> memref<1x4xi32, #tpu.memory_space<vmem>>
      %dma_wait3A_491 = tpu.memref_squeeze %dma_wait3A_490 : memref<1x4xi32, #tpu.memory_space<vmem>> -> memref<4xi32, #tpu.memory_space<vmem>>
      %dma_wait3A_492 = arith.constant 0 : i32
      %dma_wait3A_493 = arith.constant 0 : i32
      %dma_wait3A_494 = tpu.memref_slice %arg3[%dma_wait3A_492, %dma_wait3A_493] : memref<100000x2048xf32, #tpu.memory_space<hbm>> -> memref<100000x2048xf32, #tpu.memory_space<hbm>>
      tpu.wait_indirect_dma semaphore(%arg9 : memref<!tpu.dma_semaphore, #tpu.memory_space<semaphore_mem>>) src(%dma_wait3A_494 : memref<100000x2048xf32, #tpu.memory_space<hbm>>) dst(%dma_wait3A_489 : memref<4x2048xf32, #tpu.memory_space<vmem>>)
      %dma_wait3A_495 = arith.constant 3 : i32
      %dma_wait3A_496 = arith.constant 0 : i32
      %dma_wait3A_497 = arith.constant 3 : i32
      %dma_wait3A_498 = arith.constant 0 : i32
      %dma_wait3A_499 = arith.constant 0 : i32
      %dma_wait3A_500 = tpu.memref_slice %arg7[%dma_wait3A_496, %dma_wait3A_497, %dma_wait3A_498, %dma_wait3A_499] : memref<3x4x4x2048xf32, #tpu.memory_space<vmem>> -> memref<1x1x4x2048xf32, #tpu.memory_space<vmem>>
      %dma_wait3A_501 = tpu.memref_squeeze %dma_wait3A_500 : memref<1x1x4x2048xf32, #tpu.memory_space<vmem>> -> memref<4x2048xf32, #tpu.memory_space<vmem>>
      %dma_wait3A_502 = tpu.memref_slice %arg6[%dma_wait3A_495, %mul3A_455] : memref<4x64xi32, #tpu.memory_space<vmem>> -> memref<1x4xi32, #tpu.memory_space<vmem>>
      %dma_wait3A_503 = tpu.memref_squeeze %dma_wait3A_502 : memref<1x4xi32, #tpu.memory_space<vmem>> -> memref<4xi32, #tpu.memory_space<vmem>>
      %dma_wait3A_504 = arith.constant 0 : i32
      %dma_wait3A_505 = arith.constant 0 : i32
      %dma_wait3A_506 = tpu.memref_slice %arg3[%dma_wait3A_504, %dma_wait3A_505] : memref<100000x2048xf32, #tpu.memory_space<hbm>> -> memref<100000x2048xf32, #tpu.memory_space<hbm>>
      tpu.wait_indirect_dma semaphore(%arg9 : memref<!tpu.dma_semaphore, #tpu.memory_space<semaphore_mem>>) src(%dma_wait3A_506 : memref<100000x2048xf32, #tpu.memory_space<hbm>>) dst(%dma_wait3A_501 : memref<4x2048xf32, #tpu.memory_space<vmem>>)
      %dma_wait3A_507 = arith.constant 0 : i32
      %dma_wait3A_508 = arith.constant 0 : i32
      %dma_wait3A_509 = arith.constant 0 : i32
      %dma_wait3A_510 = tpu.memref_slice %arg8[%dma_wait3A_507, %dma_wait3A_508, %dma_wait3A_509] : memref<3x4x2048xf32, #tpu.memory_space<vmem>> -> memref<1x4x2048xf32, #tpu.memory_space<vmem>>
      %dma_wait3A_511 = tpu.memref_squeeze %dma_wait3A_510 : memref<1x4x2048xf32, #tpu.memory_space<vmem>> -> memref<4x2048xf32, #tpu.memory_space<vmem>>
      %dma_wait3A_512 = arith.constant 0 : i32
      %dma_wait3A_513 = tpu.memref_slice %arg4[%add3A_458, %dma_wait3A_512] : memref<2048x2048xf32, #tpu.memory_space<hbm>> -> memref<4x2048xf32, #tpu.memory_space<hbm>>
      %dma_wait3A_514 = arith.constant 0 : i32
      %dma_wait3A_515 = arith.constant 0 : i32
      %dma_wait3A_516 = tpu.memref_slice %arg8[%dma_wait3A_507, %dma_wait3A_514, %dma_wait3A_515] : memref<3x4x2048xf32, #tpu.memory_space<vmem>> -> memref<1x4x2048xf32, #tpu.memory_space<vmem>>
      %dma_wait3A_517 = tpu.memref_squeeze %dma_wait3A_516 : memref<1x4x2048xf32, #tpu.memory_space<vmem>> -> memref<4x2048xf32, #tpu.memory_space<vmem>>
      %dma_wait3A_518 = arith.constant 0 : i32
      %dma_wait3A_519 = tpu.memref_slice %arg4[%add3A_458, %dma_wait3A_518] : memref<2048x2048xf32, #tpu.memory_space<hbm>> -> memref<4x2048xf32, #tpu.memory_space<hbm>>
      tpu.wait_dma2 semaphore(%arg9 : memref<!tpu.dma_semaphore, #tpu.memory_space<semaphore_mem>>) src(%dma_wait3A_519 : memref<4x2048xf32, #tpu.memory_space<hbm>>) dst(%dma_wait3A_517 : memref<4x2048xf32, #tpu.memory_space<vmem>>)
      %scan3A_520 = arith.constant 0 : i32
      %scan3A_521 = arith.constant 0 : i32
      %scan3A_522 = arith.constant 128 : i32
      %scan3A_523 = arith.addi %scan3A_521, %scan3A_522 : i32
      %scan3A_524 = arith.constant 1 : i32
      %scan3A_525 = scf.for %scan3A_936 = %scan3A_521 to %scan3A_523 step %scan3A_524 iter_args(%scan3A_937 = %scan3A_520) -> (i32)  : i32 {
        %mul3A_938 = arith.constant 16 : i32
        %mul3A_939 = arith.muli %scan3A_936, %mul3A_938 : i32
        %get3A = arith.constant 0 : i32
        %get3A_940 = arith.constant 0 : i32
        %get3A_941 = arith.index_cast %get3A : i32 to index
        %get3A_942 = arith.index_cast %get3A_940 : i32 to index
        %get3A_943 = arith.index_cast %mul3A_939 : i32 to index
        %get3A_944 = tpu.vector_load %arg8[%get3A_941, %get3A_942, %get3A_943] {strides = array<i32>} : memref<3x4x2048xf32, #tpu.memory_space<vmem>>, vector<1x1x16xf32>,
        %get3A_945 = vector.shape_cast %get3A_944 : vector<1x1x16xf32> to vector<16xf32>
        %get3A_946 = arith.constant 0 : i32
        %get3A_947 = arith.constant 0 : i32
        %get3A_948 = arith.constant 0 : i32
        %get3A_949 = arith.index_cast %get3A_946 : i32 to index
        %get3A_950 = arith.index_cast %get3A_947 : i32 to index
        %get3A_951 = arith.index_cast %get3A_948 : i32 to index
        %get3A_952 = arith.index_cast %mul3A_939 : i32 to index
        %get3A_953 = tpu.vector_load %arg7[%get3A_949, %get3A_950, %get3A_951, %get3A_952] {strides = array<i32>} : memref<3x4x4x2048xf32, #tpu.memory_space<vmem>>, vector<1x1x1x16xf32>,
        %get3A_954 = vector.shape_cast %get3A_953 : vector<1x1x1x16xf32> to vector<16xf32>
        %mul3A_955 = arith.mulf %get3A_954, %get3A_945 : vector<16xf32>
        %swap3A = arith.constant 0 : i32
        %swap3A_956 = arith.constant 0 : i32
        %swap3A_957 = arith.constant 0 : i32
        %swap3A_958 = arith.index_cast %swap3A : i32 to index
        %swap3A_959 = arith.index_cast %swap3A_956 : i32 to index
        %swap3A_960 = arith.index_cast %swap3A_957 : i32 to index
        %swap3A_961 = arith.index_cast %mul3A_939 : i32 to index
        %swap3A_962 = tpu.vector_load %arg7[%swap3A_958, %swap3A_959, %swap3A_960, %swap3A_961] {strides = array<i32>} : memref<3x4x4x2048xf32, #tpu.memory_space<vmem>>, vector<1x1x1x16xf32>,
        %swap3A_963 = vector.shape_cast %swap3A_962 : vector<1x1x1x16xf32> to vector<16xf32>
        %swap3A_964 = vector.shape_cast %mul3A_955 : vector<16xf32> to vector<1x1x1x16xf32>
        tpu.vector_store %arg7[%swap3A_958, %swap3A_959, %swap3A_960, %swap3A_961], %swap3A_964 {strides = array<i32>} : memref<3x4x4x2048xf32, #tpu.memory_space<vmem>>, vector<1x1x1x16xf32>,
        %get3A_965 = arith.constant 0 : i32
        %get3A_966 = arith.constant 1 : i32
        %get3A_967 = arith.constant 0 : i32
        %get3A_968 = arith.index_cast %get3A_965 : i32 to index
        %get3A_969 = arith.index_cast %get3A_966 : i32 to index
        %get3A_970 = arith.index_cast %get3A_967 : i32 to index
        %get3A_971 = arith.index_cast %mul3A_939 : i32 to index
        %get3A_972 = tpu.vector_load %arg7[%get3A_968, %get3A_969, %get3A_970, %get3A_971] {strides = array<i32>} : memref<3x4x4x2048xf32, #tpu.memory_space<vmem>>, vector<1x1x1x16xf32>,
        %get3A_973 = vector.shape_cast %get3A_972 : vector<1x1x1x16xf32> to vector<16xf32>
        %mul3A_974 = arith.mulf %get3A_973, %get3A_945 : vector<16xf32>
        %swap3A_975 = arith.constant 0 : i32
        %swap3A_976 = arith.constant 1 : i32
        %swap3A_977 = arith.constant 0 : i32
        %swap3A_978 = arith.index_cast %swap3A_975 : i32 to index
        %swap3A_979 = arith.index_cast %swap3A_976 : i32 to index
        %swap3A_980 = arith.index_cast %swap3A_977 : i32 to index
        %swap3A_981 = arith.index_cast %mul3A_939 : i32 to index
        %swap3A_982 = tpu.vector_load %arg7[%swap3A_978, %swap3A_979, %swap3A_980, %swap3A_981] {strides = array<i32>} : memref<3x4x4x2048xf32, #tpu.memory_space<vmem>>, vector<1x1x1x16xf32>,
        %swap3A_983 = vector.shape_cast %swap3A_982 : vector<1x1x1x16xf32> to vector<16xf32>
        %swap3A_984 = vector.shape_cast %mul3A_974 : vector<16xf32> to vector<1x1x1x16xf32>
        tpu.vector_store %arg7[%swap3A_978, %swap3A_979, %swap3A_980, %swap3A_981], %swap3A_984 {strides = array<i32>} : memref<3x4x4x2048xf32, #tpu.memory_space<vmem>>, vector<1x1x1x16xf32>,
        %get3A_985 = arith.constant 0 : i32
        %get3A_986 = arith.constant 2 : i32
        %get3A_987 = arith.constant 0 : i32
        %get3A_988 = arith.index_cast %get3A_985 : i32 to index
        %get3A_989 = arith.index_cast %get3A_986 : i32 to index
        %get3A_990 = arith.index_cast %get3A_987 : i32 to index
        %get3A_991 = arith.index_cast %mul3A_939 : i32 to index
        %get3A_992 = tpu.vector_load %arg7[%get3A_988, %get3A_989, %get3A_990, %get3A_991] {strides = array<i32>} : memref<3x4x4x2048xf32, #tpu.memory_space<vmem>>, vector<1x1x1x16xf32>,
        %get3A_993 = vector.shape_cast %get3A_992 : vector<1x1x1x16xf32> to vector<16xf32>
        %mul3A_994 = arith.mulf %get3A_993, %get3A_945 : vector<16xf32>
        %swap3A_995 = arith.constant 0 : i32
        %swap3A_996 = arith.constant 2 : i32
        %swap3A_997 = arith.constant 0 : i32
        %swap3A_998 = arith.index_cast %swap3A_995 : i32 to index
        %swap3A_999 = arith.index_cast %swap3A_996 : i32 to index
        %swap3A_1000 = arith.index_cast %swap3A_997 : i32 to index
        %swap3A_1001 = arith.index_cast %mul3A_939 : i32 to index
        %swap3A_1002 = tpu.vector_load %arg7[%swap3A_998, %swap3A_999, %swap3A_1000, %swap3A_1001] {strides = array<i32>} : memref<3x4x4x2048xf32, #tpu.memory_space<vmem>>, vector<1x1x1x16xf32>,
        %swap3A_1003 = vector.shape_cast %swap3A_1002 : vector<1x1x1x16xf32> to vector<16xf32>
        %swap3A_1004 = vector.shape_cast %mul3A_994 : vector<16xf32> to vector<1x1x1x16xf32>
        tpu.vector_store %arg7[%swap3A_998, %swap3A_999, %swap3A_1000, %swap3A_1001], %swap3A_1004 {strides = array<i32>} : memref<3x4x4x2048xf32, #tpu.memory_space<vmem>>, vector<1x1x1x16xf32>,
        %get3A_1005 = arith.constant 0 : i32
        %get3A_1006 = arith.constant 3 : i32
        %get3A_1007 = arith.constant 0 : i32
        %get3A_1008 = arith.index_cast %get3A_1005 : i32 to index
        %get3A_1009 = arith.index_cast %get3A_1006 : i32 to index
        %get3A_1010 = arith.index_cast %get3A_1007 : i32 to index
        %get3A_1011 = arith.index_cast %mul3A_939 : i32 to index
        %get3A_1012 = tpu.vector_load %arg7[%get3A_1008, %get3A_1009, %get3A_1010, %get3A_1011] {strides = array<i32>} : memref<3x4x4x2048xf32, #tpu.memory_space<vmem>>, vector<1x1x1x16xf32>,
        %get3A_1013 = vector.shape_cast %get3A_1012 : vector<1x1x1x16xf32> to vector<16xf32>
        %mul3A_1014 = arith.mulf %get3A_1013, %get3A_945 : vector<16xf32>
        %swap3A_1015 = arith.constant 0 : i32
        %swap3A_1016 = arith.constant 3 : i32
        %swap3A_1017 = arith.constant 0 : i32
        %swap3A_1018 = arith.index_cast %swap3A_1015 : i32 to index
        %swap3A_1019 = arith.index_cast %swap3A_1016 : i32 to index
        %swap3A_1020 = arith.index_cast %swap3A_1017 : i32 to index
        %swap3A_1021 = arith.index_cast %mul3A_939 : i32 to index
        %swap3A_1022 = tpu.vector_load %arg7[%swap3A_1018, %swap3A_1019, %swap3A_1020, %swap3A_1021] {strides = array<i32>} : memref<3x4x4x2048xf32, #tpu.memory_space<vmem>>, vector<1x1x1x16xf32>,
        %swap3A_1023 = vector.shape_cast %swap3A_1022 : vector<1x1x1x16xf32> to vector<16xf32>
        %swap3A_1024 = vector.shape_cast %mul3A_1014 : vector<16xf32> to vector<1x1x1x16xf32>
        tpu.vector_store %arg7[%swap3A_1018, %swap3A_1019, %swap3A_1020, %swap3A_1021], %swap3A_1024 {strides = array<i32>} : memref<3x4x4x2048xf32, #tpu.memory_space<vmem>>, vector<1x1x1x16xf32>,
        %get3A_1025 = arith.constant 0 : i32
        %get3A_1026 = arith.constant 1 : i32
        %get3A_1027 = arith.index_cast %get3A_1025 : i32 to index
        %get3A_1028 = arith.index_cast %get3A_1026 : i32 to index
        %get3A_1029 = arith.index_cast %mul3A_939 : i32 to index
        %get3A_1030 = tpu.vector_load %arg8[%get3A_1027, %get3A_1028, %get3A_1029] {strides = array<i32>} : memref<3x4x2048xf32, #tpu.memory_space<vmem>>, vector<1x1x16xf32>,
        %get3A_1031 = vector.shape_cast %get3A_1030 : vector<1x1x16xf32> to vector<16xf32>
        %get3A_1032 = arith.constant 0 : i32
        %get3A_1033 = arith.constant 0 : i32
        %get3A_1034 = arith.constant 1 : i32
        %get3A_1035 = arith.index_cast %get3A_1032 : i32 to index
        %get3A_1036 = arith.index_cast %get3A_1033 : i32 to index
        %get3A_1037 = arith.index_cast %get3A_1034 : i32 to index
        %get3A_1038 = arith.index_cast %mul3A_939 : i32 to index
        %get3A_1039 = tpu.vector_load %arg7[%get3A_1035, %get3A_1036, %get3A_1037, %get3A_1038] {strides = array<i32>} : memref<3x4x4x2048xf32, #tpu.memory_space<vmem>>, vector<1x1x1x16xf32>,
        %get3A_1040 = vector.shape_cast %get3A_1039 : vector<1x1x1x16xf32> to vector<16xf32>
        %mul3A_1041 = arith.mulf %get3A_1040, %get3A_1031 : vector<16xf32>
        %swap3A_1042 = arith.constant 0 : i32
        %swap3A_1043 = arith.constant 0 : i32
        %swap3A_1044 = arith.constant 1 : i32
        %swap3A_1045 = arith.index_cast %swap3A_1042 : i32 to index
        %swap3A_1046 = arith.index_cast %swap3A_1043 : i32 to index
        %swap3A_1047 = arith.index_cast %swap3A_1044 : i32 to index
        %swap3A_1048 = arith.index_cast %mul3A_939 : i32 to index
        %swap3A_1049 = tpu.vector_load %arg7[%swap3A_1045, %swap3A_1046, %swap3A_1047, %swap3A_1048] {strides = array<i32>} : memref<3x4x4x2048xf32, #tpu.memory_space<vmem>>, vector<1x1x1x16xf32>,
        %swap3A_1050 = vector.shape_cast %swap3A_1049 : vector<1x1x1x16xf32> to vector<16xf32>
        %swap3A_1051 = vector.shape_cast %mul3A_1041 : vector<16xf32> to vector<1x1x1x16xf32>
        tpu.vector_store %arg7[%swap3A_1045, %swap3A_1046, %swap3A_1047, %swap3A_1048], %swap3A_1051 {strides = array<i32>} : memref<3x4x4x2048xf32, #tpu.memory_space<vmem>>, vector<1x1x1x16xf32>,
        %get3A_1052 = arith.constant 0 : i32
        %get3A_1053 = arith.constant 1 : i32
        %get3A_1054 = arith.constant 1 : i32
        %get3A_1055 = arith.index_cast %get3A_1052 : i32 to index
        %get3A_1056 = arith.index_cast %get3A_1053 : i32 to index
        %get3A_1057 = arith.index_cast %get3A_1054 : i32 to index
        %get3A_1058 = arith.index_cast %mul3A_939 : i32 to index
        %get3A_1059 = tpu.vector_load %arg7[%get3A_1055, %get3A_1056, %get3A_1057, %get3A_1058] {strides = array<i32>} : memref<3x4x4x2048xf32, #tpu.memory_space<vmem>>, vector<1x1x1x16xf32>,
        %get3A_1060 = vector.shape_cast %get3A_1059 : vector<1x1x1x16xf32> to vector<16xf32>
        %mul3A_1061 = arith.mulf %get3A_1060, %get3A_1031 : vector<16xf32>
        %swap3A_1062 = arith.constant 0 : i32
        %swap3A_1063 = arith.constant 1 : i32
        %swap3A_1064 = arith.constant 1 : i32
        %swap3A_1065 = arith.index_cast %swap3A_1062 : i32 to index
        %swap3A_1066 = arith.index_cast %swap3A_1063 : i32 to index
        %swap3A_1067 = arith.index_cast %swap3A_1064 : i32 to index
        %swap3A_1068 = arith.index_cast %mul3A_939 : i32 to index
        %swap3A_1069 = tpu.vector_load %arg7[%swap3A_1065, %swap3A_1066, %swap3A_1067, %swap3A_1068] {strides = array<i32>} : memref<3x4x4x2048xf32, #tpu.memory_space<vmem>>, vector<1x1x1x16xf32>,
        %swap3A_1070 = vector.shape_cast %swap3A_1069 : vector<1x1x1x16xf32> to vector<16xf32>
        %swap3A_1071 = vector.shape_cast %mul3A_1061 : vector<16xf32> to vector<1x1x1x16xf32>
        tpu.vector_store %arg7[%swap3A_1065, %swap3A_1066, %swap3A_1067, %swap3A_1068], %swap3A_1071 {strides = array<i32>} : memref<3x4x4x2048xf32, #tpu.memory_space<vmem>>, vector<1x1x1x16xf32>,
        %get3A_1072 = arith.constant 0 : i32
        %get3A_1073 = arith.constant 2 : i32
        %get3A_1074 = arith.constant 1 : i32
        %get3A_1075 = arith.index_cast %get3A_1072 : i32 to index
        %get3A_1076 = arith.index_cast %get3A_1073 : i32 to index
        %get3A_1077 = arith.index_cast %get3A_1074 : i32 to index
        %get3A_1078 = arith.index_cast %mul3A_939 : i32 to index
        %get3A_1079 = tpu.vector_load %arg7[%get3A_1075, %get3A_1076, %get3A_1077, %get3A_1078] {strides = array<i32>} : memref<3x4x4x2048xf32, #tpu.memory_space<vmem>>, vector<1x1x1x16xf32>,
        %get3A_1080 = vector.shape_cast %get3A_1079 : vector<1x1x1x16xf32> to vector<16xf32>
        %mul3A_1081 = arith.mulf %get3A_1080, %get3A_1031 : vector<16xf32>
        %swap3A_1082 = arith.constant 0 : i32
        %swap3A_1083 = arith.constant 2 : i32
        %swap3A_1084 = arith.constant 1 : i32
        %swap3A_1085 = arith.index_cast %swap3A_1082 : i32 to index
        %swap3A_1086 = arith.index_cast %swap3A_1083 : i32 to index
        %swap3A_1087 = arith.index_cast %swap3A_1084 : i32 to index
        %swap3A_1088 = arith.index_cast %mul3A_939 : i32 to index
        %swap3A_1089 = tpu.vector_load %arg7[%swap3A_1085, %swap3A_1086, %swap3A_1087, %swap3A_1088] {strides = array<i32>} : memref<3x4x4x2048xf32, #tpu.memory_space<vmem>>, vector<1x1x1x16xf32>,
        %swap3A_1090 = vector.shape_cast %swap3A_1089 : vector<1x1x1x16xf32> to vector<16xf32>
        %swap3A_1091 = vector.shape_cast %mul3A_1081 : vector<16xf32> to vector<1x1x1x16xf32>
        tpu.vector_store %arg7[%swap3A_1085, %swap3A_1086, %swap3A_1087, %swap3A_1088], %swap3A_1091 {strides = array<i32>} : memref<3x4x4x2048xf32, #tpu.memory_space<vmem>>, vector<1x1x1x16xf32>,
        %get3A_1092 = arith.constant 0 : i32
        %get3A_1093 = arith.constant 3 : i32
        %get3A_1094 = arith.constant 1 : i32
        %get3A_1095 = arith.index_cast %get3A_1092 : i32 to index
        %get3A_1096 = arith.index_cast %get3A_1093 : i32 to index
        %get3A_1097 = arith.index_cast %get3A_1094 : i32 to index
        %get3A_1098 = arith.index_cast %mul3A_939 : i32 to index
        %get3A_1099 = tpu.vector_load %arg7[%get3A_1095, %get3A_1096, %get3A_1097, %get3A_1098] {strides = array<i32>} : memref<3x4x4x2048xf32, #tpu.memory_space<vmem>>, vector<1x1x1x16xf32>,
        %get3A_1100 = vector.shape_cast %get3A_1099 : vector<1x1x1x16xf32> to vector<16xf32>
        %mul3A_1101 = arith.mulf %get3A_1100, %get3A_1031 : vector<16xf32>
        %swap3A_1102 = arith.constant 0 : i32
        %swap3A_1103 = arith.constant 3 : i32
        %swap3A_1104 = arith.constant 1 : i32
        %swap3A_1105 = arith.index_cast %swap3A_1102 : i32 to index
        %swap3A_1106 = arith.index_cast %swap3A_1103 : i32 to index
        %swap3A_1107 = arith.index_cast %swap3A_1104 : i32 to index
        %swap3A_1108 = arith.index_cast %mul3A_939 : i32 to index
        %swap3A_1109 = tpu.vector_load %arg7[%swap3A_1105, %swap3A_1106, %swap3A_1107, %swap3A_1108] {strides = array<i32>} : memref<3x4x4x2048xf32, #tpu.memory_space<vmem>>, vector<1x1x1x16xf32>,
        %swap3A_1110 = vector.shape_cast %swap3A_1109 : vector<1x1x1x16xf32> to vector<16xf32>
        %swap3A_1111 = vector.shape_cast %mul3A_1101 : vector<16xf32> to vector<1x1x1x16xf32>
        tpu.vector_store %arg7[%swap3A_1105, %swap3A_1106, %swap3A_1107, %swap3A_1108], %swap3A_1111 {strides = array<i32>} : memref<3x4x4x2048xf32, #tpu.memory_space<vmem>>, vector<1x1x1x16xf32>,
        %get3A_1112 = arith.constant 0 : i32
        %get3A_1113 = arith.constant 2 : i32
        %get3A_1114 = arith.index_cast %get3A_1112 : i32 to index
        %get3A_1115 = arith.index_cast %get3A_1113 : i32 to index
        %get3A_1116 = arith.index_cast %mul3A_939 : i32 to index
        %get3A_1117 = tpu.vector_load %arg8[%get3A_1114, %get3A_1115, %get3A_1116] {strides = array<i32>} : memref<3x4x2048xf32, #tpu.memory_space<vmem>>, vector<1x1x16xf32>,
        %get3A_1118 = vector.shape_cast %get3A_1117 : vector<1x1x16xf32> to vector<16xf32>
        %get3A_1119 = arith.constant 0 : i32
        %get3A_1120 = arith.constant 0 : i32
        %get3A_1121 = arith.constant 2 : i32
        %get3A_1122 = arith.index_cast %get3A_1119 : i32 to index
        %get3A_1123 = arith.index_cast %get3A_1120 : i32 to index
        %get3A_1124 = arith.index_cast %get3A_1121 : i32 to index
        %get3A_1125 = arith.index_cast %mul3A_939 : i32 to index
        %get3A_1126 = tpu.vector_load %arg7[%get3A_1122, %get3A_1123, %get3A_1124, %get3A_1125] {strides = array<i32>} : memref<3x4x4x2048xf32, #tpu.memory_space<vmem>>, vector<1x1x1x16xf32>,
        %get3A_1127 = vector.shape_cast %get3A_1126 : vector<1x1x1x16xf32> to vector<16xf32>
        %mul3A_1128 = arith.mulf %get3A_1127, %get3A_1118 : vector<16xf32>
        %swap3A_1129 = arith.constant 0 : i32
        %swap3A_1130 = arith.constant 0 : i32
        %swap3A_1131 = arith.constant 2 : i32
        %swap3A_1132 = arith.index_cast %swap3A_1129 : i32 to index
        %swap3A_1133 = arith.index_cast %swap3A_1130 : i32 to index
        %swap3A_1134 = arith.index_cast %swap3A_1131 : i32 to index
        %swap3A_1135 = arith.index_cast %mul3A_939 : i32 to index
        %swap3A_1136 = tpu.vector_load %arg7[%swap3A_1132, %swap3A_1133, %swap3A_1134, %swap3A_1135] {strides = array<i32>} : memref<3x4x4x2048xf32, #tpu.memory_space<vmem>>, vector<1x1x1x16xf32>,
        %swap3A_1137 = vector.shape_cast %swap3A_1136 : vector<1x1x1x16xf32> to vector<16xf32>
        %swap3A_1138 = vector.shape_cast %mul3A_1128 : vector<16xf32> to vector<1x1x1x16xf32>
        tpu.vector_store %arg7[%swap3A_1132, %swap3A_1133, %swap3A_1134, %swap3A_1135], %swap3A_1138 {strides = array<i32>} : memref<3x4x4x2048xf32, #tpu.memory_space<vmem>>, vector<1x1x1x16xf32>,
        %get3A_1139 = arith.constant 0 : i32
        %get3A_1140 = arith.constant 1 : i32
        %get3A_1141 = arith.constant 2 : i32
        %get3A_1142 = arith.index_cast %get3A_1139 : i32 to index
        %get3A_1143 = arith.index_cast %get3A_1140 : i32 to index
        %get3A_1144 = arith.index_cast %get3A_1141 : i32 to index
        %get3A_1145 = arith.index_cast %mul3A_939 : i32 to index
        %get3A_1146 = tpu.vector_load %arg7[%get3A_1142, %get3A_1143, %get3A_1144, %get3A_1145] {strides = array<i32>} : memref<3x4x4x2048xf32, #tpu.memory_space<vmem>>, vector<1x1x1x16xf32>,
        %get3A_1147 = vector.shape_cast %get3A_1146 : vector<1x1x1x16xf32> to vector<16xf32>
        %mul3A_1148 = arith.mulf %get3A_1147, %get3A_1118 : vector<16xf32>
        %swap3A_1149 = arith.constant 0 : i32
        %swap3A_1150 = arith.constant 1 : i32
        %swap3A_1151 = arith.constant 2 : i32
        %swap3A_1152 = arith.index_cast %swap3A_1149 : i32 to index
        %swap3A_1153 = arith.index_cast %swap3A_1150 : i32 to index
        %swap3A_1154 = arith.index_cast %swap3A_1151 : i32 to index
        %swap3A_1155 = arith.index_cast %mul3A_939 : i32 to index
        %swap3A_1156 = tpu.vector_load %arg7[%swap3A_1152, %swap3A_1153, %swap3A_1154, %swap3A_1155] {strides = array<i32>} : memref<3x4x4x2048xf32, #tpu.memory_space<vmem>>, vector<1x1x1x16xf32>,
        %swap3A_1157 = vector.shape_cast %swap3A_1156 : vector<1x1x1x16xf32> to vector<16xf32>
        %swap3A_1158 = vector.shape_cast %mul3A_1148 : vector<16xf32> to vector<1x1x1x16xf32>
        tpu.vector_store %arg7[%swap3A_1152, %swap3A_1153, %swap3A_1154, %swap3A_1155], %swap3A_1158 {strides = array<i32>} : memref<3x4x4x2048xf32, #tpu.memory_space<vmem>>, vector<1x1x1x16xf32>,
        %get3A_1159 = arith.constant 0 : i32
        %get3A_1160 = arith.constant 2 : i32
        %get3A_1161 = arith.constant 2 : i32
        %get3A_1162 = arith.index_cast %get3A_1159 : i32 to index
        %get3A_1163 = arith.index_cast %get3A_1160 : i32 to index
        %get3A_1164 = arith.index_cast %get3A_1161 : i32 to index
        %get3A_1165 = arith.index_cast %mul3A_939 : i32 to index
        %get3A_1166 = tpu.vector_load %arg7[%get3A_1162, %get3A_1163, %get3A_1164, %get3A_1165] {strides = array<i32>} : memref<3x4x4x2048xf32, #tpu.memory_space<vmem>>, vector<1x1x1x16xf32>,
        %get3A_1167 = vector.shape_cast %get3A_1166 : vector<1x1x1x16xf32> to vector<16xf32>
        %mul3A_1168 = arith.mulf %get3A_1167, %get3A_1118 : vector<16xf32>
        %swap3A_1169 = arith.constant 0 : i32
        %swap3A_1170 = arith.constant 2 : i32
        %swap3A_1171 = arith.constant 2 : i32
        %swap3A_1172 = arith.index_cast %swap3A_1169 : i32 to index
        %swap3A_1173 = arith.index_cast %swap3A_1170 : i32 to index
        %swap3A_1174 = arith.index_cast %swap3A_1171 : i32 to index
        %swap3A_1175 = arith.index_cast %mul3A_939 : i32 to index
        %swap3A_1176 = tpu.vector_load %arg7[%swap3A_1172, %swap3A_1173, %swap3A_1174, %swap3A_1175] {strides = array<i32>} : memref<3x4x4x2048xf32, #tpu.memory_space<vmem>>, vector<1x1x1x16xf32>,
        %swap3A_1177 = vector.shape_cast %swap3A_1176 : vector<1x1x1x16xf32> to vector<16xf32>
        %swap3A_1178 = vector.shape_cast %mul3A_1168 : vector<16xf32> to vector<1x1x1x16xf32>
        tpu.vector_store %arg7[%swap3A_1172, %swap3A_1173, %swap3A_1174, %swap3A_1175], %swap3A_1178 {strides = array<i32>} : memref<3x4x4x2048xf32, #tpu.memory_space<vmem>>, vector<1x1x1x16xf32>,
        %get3A_1179 = arith.constant 0 : i32
        %get3A_1180 = arith.constant 3 : i32
        %get3A_1181 = arith.constant 2 : i32
        %get3A_1182 = arith.index_cast %get3A_1179 : i32 to index
        %get3A_1183 = arith.index_cast %get3A_1180 : i32 to index
        %get3A_1184 = arith.index_cast %get3A_1181 : i32 to index
        %get3A_1185 = arith.index_cast %mul3A_939 : i32 to index
        %get3A_1186 = tpu.vector_load %arg7[%get3A_1182, %get3A_1183, %get3A_1184, %get3A_1185] {strides = array<i32>} : memref<3x4x4x2048xf32, #tpu.memory_space<vmem>>, vector<1x1x1x16xf32>,
        %get3A_1187 = vector.shape_cast %get3A_1186 : vector<1x1x1x16xf32> to vector<16xf32>
        %mul3A_1188 = arith.mulf %get3A_1187, %get3A_1118 : vector<16xf32>
        %swap3A_1189 = arith.constant 0 : i32
        %swap3A_1190 = arith.constant 3 : i32
        %swap3A_1191 = arith.constant 2 : i32
        %swap3A_1192 = arith.index_cast %swap3A_1189 : i32 to index
        %swap3A_1193 = arith.index_cast %swap3A_1190 : i32 to index
        %swap3A_1194 = arith.index_cast %swap3A_1191 : i32 to index
        %swap3A_1195 = arith.index_cast %mul3A_939 : i32 to index
        %swap3A_1196 = tpu.vector_load %arg7[%swap3A_1192, %swap3A_1193, %swap3A_1194, %swap3A_1195] {strides = array<i32>} : memref<3x4x4x2048xf32, #tpu.memory_space<vmem>>, vector<1x1x1x16xf32>,
        %swap3A_1197 = vector.shape_cast %swap3A_1196 : vector<1x1x1x16xf32> to vector<16xf32>
        %swap3A_1198 = vector.shape_cast %mul3A_1188 : vector<16xf32> to vector<1x1x1x16xf32>
        tpu.vector_store %arg7[%swap3A_1192, %swap3A_1193, %swap3A_1194, %swap3A_1195], %swap3A_1198 {strides = array<i32>} : memref<3x4x4x2048xf32, #tpu.memory_space<vmem>>, vector<1x1x1x16xf32>,
        %get3A_1199 = arith.constant 0 : i32
        %get3A_1200 = arith.constant 3 : i32
        %get3A_1201 = arith.index_cast %get3A_1199 : i32 to index
        %get3A_1202 = arith.index_cast %get3A_1200 : i32 to index
        %get3A_1203 = arith.index_cast %mul3A_939 : i32 to index
        %get3A_1204 = tpu.vector_load %arg8[%get3A_1201, %get3A_1202, %get3A_1203] {strides = array<i32>} : memref<3x4x2048xf32, #tpu.memory_space<vmem>>, vector<1x1x16xf32>,
        %get3A_1205 = vector.shape_cast %get3A_1204 : vector<1x1x16xf32> to vector<16xf32>
        %get3A_1206 = arith.constant 0 : i32
        %get3A_1207 = arith.constant 0 : i32
        %get3A_1208 = arith.constant 3 : i32
        %get3A_1209 = arith.index_cast %get3A_1206 : i32 to index
        %get3A_1210 = arith.index_cast %get3A_1207 : i32 to index
        %get3A_1211 = arith.index_cast %get3A_1208 : i32 to index
        %get3A_1212 = arith.index_cast %mul3A_939 : i32 to index
        %get3A_1213 = tpu.vector_load %arg7[%get3A_1209, %get3A_1210, %get3A_1211, %get3A_1212] {strides = array<i32>} : memref<3x4x4x2048xf32, #tpu.memory_space<vmem>>, vector<1x1x1x16xf32>,
        %get3A_1214 = vector.shape_cast %get3A_1213 : vector<1x1x1x16xf32> to vector<16xf32>
        %mul3A_1215 = arith.mulf %get3A_1214, %get3A_1205 : vector<16xf32>
        %swap3A_1216 = arith.constant 0 : i32
        %swap3A_1217 = arith.constant 0 : i32
        %swap3A_1218 = arith.constant 3 : i32
        %swap3A_1219 = arith.index_cast %swap3A_1216 : i32 to index
        %swap3A_1220 = arith.index_cast %swap3A_1217 : i32 to index
        %swap3A_1221 = arith.index_cast %swap3A_1218 : i32 to index
        %swap3A_1222 = arith.index_cast %mul3A_939 : i32 to index
        %swap3A_1223 = tpu.vector_load %arg7[%swap3A_1219, %swap3A_1220, %swap3A_1221, %swap3A_1222] {strides = array<i32>} : memref<3x4x4x2048xf32, #tpu.memory_space<vmem>>, vector<1x1x1x16xf32>,
        %swap3A_1224 = vector.shape_cast %swap3A_1223 : vector<1x1x1x16xf32> to vector<16xf32>
        %swap3A_1225 = vector.shape_cast %mul3A_1215 : vector<16xf32> to vector<1x1x1x16xf32>
        tpu.vector_store %arg7[%swap3A_1219, %swap3A_1220, %swap3A_1221, %swap3A_1222], %swap3A_1225 {strides = array<i32>} : memref<3x4x4x2048xf32, #tpu.memory_space<vmem>>, vector<1x1x1x16xf32>,
        %get3A_1226 = arith.constant 0 : i32
        %get3A_1227 = arith.constant 1 : i32
        %get3A_1228 = arith.constant 3 : i32
        %get3A_1229 = arith.index_cast %get3A_1226 : i32 to index
        %get3A_1230 = arith.index_cast %get3A_1227 : i32 to index
        %get3A_1231 = arith.index_cast %get3A_1228 : i32 to index
        %get3A_1232 = arith.index_cast %mul3A_939 : i32 to index
        %get3A_1233 = tpu.vector_load %arg7[%get3A_1229, %get3A_1230, %get3A_1231, %get3A_1232] {strides = array<i32>} : memref<3x4x4x2048xf32, #tpu.memory_space<vmem>>, vector<1x1x1x16xf32>,
        %get3A_1234 = vector.shape_cast %get3A_1233 : vector<1x1x1x16xf32> to vector<16xf32>
        %mul3A_1235 = arith.mulf %get3A_1234, %get3A_1205 : vector<16xf32>
        %swap3A_1236 = arith.constant 0 : i32
        %swap3A_1237 = arith.constant 1 : i32
        %swap3A_1238 = arith.constant 3 : i32
        %swap3A_1239 = arith.index_cast %swap3A_1236 : i32 to index
        %swap3A_1240 = arith.index_cast %swap3A_1237 : i32 to index
        %swap3A_1241 = arith.index_cast %swap3A_1238 : i32 to index
        %swap3A_1242 = arith.index_cast %mul3A_939 : i32 to index
        %swap3A_1243 = tpu.vector_load %arg7[%swap3A_1239, %swap3A_1240, %swap3A_1241, %swap3A_1242] {strides = array<i32>} : memref<3x4x4x2048xf32, #tpu.memory_space<vmem>>, vector<1x1x1x16xf32>,
        %swap3A_1244 = vector.shape_cast %swap3A_1243 : vector<1x1x1x16xf32> to vector<16xf32>
        %swap3A_1245 = vector.shape_cast %mul3A_1235 : vector<16xf32> to vector<1x1x1x16xf32>
        tpu.vector_store %arg7[%swap3A_1239, %swap3A_1240, %swap3A_1241, %swap3A_1242], %swap3A_1245 {strides = array<i32>} : memref<3x4x4x2048xf32, #tpu.memory_space<vmem>>, vector<1x1x1x16xf32>,
        %get3A_1246 = arith.constant 0 : i32
        %get3A_1247 = arith.constant 2 : i32
        %get3A_1248 = arith.constant 3 : i32
        %get3A_1249 = arith.index_cast %get3A_1246 : i32 to index
        %get3A_1250 = arith.index_cast %get3A_1247 : i32 to index
        %get3A_1251 = arith.index_cast %get3A_1248 : i32 to index
        %get3A_1252 = arith.index_cast %mul3A_939 : i32 to index
        %get3A_1253 = tpu.vector_load %arg7[%get3A_1249, %get3A_1250, %get3A_1251, %get3A_1252] {strides = array<i32>} : memref<3x4x4x2048xf32, #tpu.memory_space<vmem>>, vector<1x1x1x16xf32>,
        %get3A_1254 = vector.shape_cast %get3A_1253 : vector<1x1x1x16xf32> to vector<16xf32>
        %mul3A_1255 = arith.mulf %get3A_1254, %get3A_1205 : vector<16xf32>
        %swap3A_1256 = arith.constant 0 : i32
        %swap3A_1257 = arith.constant 2 : i32
        %swap3A_1258 = arith.constant 3 : i32
        %swap3A_1259 = arith.index_cast %swap3A_1256 : i32 to index
        %swap3A_1260 = arith.index_cast %swap3A_1257 : i32 to index
        %swap3A_1261 = arith.index_cast %swap3A_1258 : i32 to index
        %swap3A_1262 = arith.index_cast %mul3A_939 : i32 to index
        %swap3A_1263 = tpu.vector_load %arg7[%swap3A_1259, %swap3A_1260, %swap3A_1261, %swap3A_1262] {strides = array<i32>} : memref<3x4x4x2048xf32, #tpu.memory_space<vmem>>, vector<1x1x1x16xf32>,
        %swap3A_1264 = vector.shape_cast %swap3A_1263 : vector<1x1x1x16xf32> to vector<16xf32>
        %swap3A_1265 = vector.shape_cast %mul3A_1255 : vector<16xf32> to vector<1x1x1x16xf32>
        tpu.vector_store %arg7[%swap3A_1259, %swap3A_1260, %swap3A_1261, %swap3A_1262], %swap3A_1265 {strides = array<i32>} : memref<3x4x4x2048xf32, #tpu.memory_space<vmem>>, vector<1x1x1x16xf32>,
        %get3A_1266 = arith.constant 0 : i32
        %get3A_1267 = arith.constant 3 : i32
        %get3A_1268 = arith.constant 3 : i32
        %get3A_1269 = arith.index_cast %get3A_1266 : i32 to index
        %get3A_1270 = arith.index_cast %get3A_1267 : i32 to index
        %get3A_1271 = arith.index_cast %get3A_1268 : i32 to index
        %get3A_1272 = arith.index_cast %mul3A_939 : i32 to index
        %get3A_1273 = tpu.vector_load %arg7[%get3A_1269, %get3A_1270, %get3A_1271, %get3A_1272] {strides = array<i32>} : memref<3x4x4x2048xf32, #tpu.memory_space<vmem>>, vector<1x1x1x16xf32>,
        %get3A_1274 = vector.shape_cast %get3A_1273 : vector<1x1x1x16xf32> to vector<16xf32>
        %mul3A_1275 = arith.mulf %get3A_1274, %get3A_1205 : vector<16xf32>
        %swap3A_1276 = arith.constant 0 : i32
        %swap3A_1277 = arith.constant 3 : i32
        %swap3A_1278 = arith.constant 3 : i32
        %swap3A_1279 = arith.index_cast %swap3A_1276 : i32 to index
        %swap3A_1280 = arith.index_cast %swap3A_1277 : i32 to index
        %swap3A_1281 = arith.index_cast %swap3A_1278 : i32 to index
        %swap3A_1282 = arith.index_cast %mul3A_939 : i32 to index
        %swap3A_1283 = tpu.vector_load %arg7[%swap3A_1279, %swap3A_1280, %swap3A_1281, %swap3A_1282] {strides = array<i32>} : memref<3x4x4x2048xf32, #tpu.memory_space<vmem>>, vector<1x1x1x16xf32>,
        %swap3A_1284 = vector.shape_cast %swap3A_1283 : vector<1x1x1x16xf32> to vector<16xf32>
        %swap3A_1285 = vector.shape_cast %mul3A_1275 : vector<16xf32> to vector<1x1x1x16xf32>
        tpu.vector_store %arg7[%swap3A_1279, %swap3A_1280, %swap3A_1281, %swap3A_1282], %swap3A_1285 {strides = array<i32>} : memref<3x4x4x2048xf32, #tpu.memory_space<vmem>>, vector<1x1x1x16xf32>,
        %scan3A_1286 = arith.constant 0 : i32
        scf.yield %scan3A_1286 : i32
      }
      %scan3A_526 = arith.constant 128 : i32
      %add3A_527 = arith.constant 0 : i32
      %add3A_528 = arith.addi %add3A_527, %mul3A_2 : i32
      %mul3A_529 = arith.constant 4 : i32
      %mul3A_530 = arith.muli %add3A_443, %mul3A_529 : i32
      %add3A_531 = arith.addi %add3A_528, %mul3A_530 : i32
      %add3A_532 = arith.constant 2048 : i32
      %add3A_533 = arith.addi %add3A_532, %mul3A_2 : i32
      %mul3A_534 = arith.constant 4 : i32
      %mul3A_535 = arith.muli %add3A_443, %mul3A_534 : i32
      %add3A_536 = arith.addi %add3A_533, %mul3A_535 : i32
      %add3A_537 = arith.constant 4096 : i32
      %add3A_538 = arith.addi %add3A_537, %mul3A_2 : i32
      %mul3A_539 = arith.constant 4 : i32
      %mul3A_540 = arith.muli %add3A_443, %mul3A_539 : i32
      %add3A_541 = arith.addi %add3A_538, %mul3A_540 : i32
      %add3A_542 = arith.constant 6144 : i32
      %add3A_543 = arith.addi %add3A_542, %mul3A_2 : i32
      %mul3A_544 = arith.constant 4 : i32
      %mul3A_545 = arith.muli %add3A_443, %mul3A_544 : i32
      %add3A_546 = arith.addi %add3A_543, %mul3A_545 : i32
      %dma_start3A_547 = arith.constant 0 : i32
      %dma_start3A_548 = arith.constant 0 : i32
      %dma_start3A_549 = arith.constant 0 : i32
      %dma_start3A_550 = arith.constant 0 : i32
      %dma_start3A_551 = tpu.memref_slice %arg7[%dma_start3A_547, %dma_start3A_548, %dma_start3A_549, %dma_start3A_550] : memref<3x4x4x2048xf32, #tpu.memory_space<vmem>> -> memref<1x1x4x2048xf32, #tpu.memory_space<vmem>>
      %dma_start3A_552 = tpu.memref_squeeze %dma_start3A_551 : memref<1x1x4x2048xf32, #tpu.memory_space<vmem>> -> memref<4x2048xf32, #tpu.memory_space<vmem>>
      %dma_start3A_553 = arith.constant 0 : i32
      %dma_start3A_554 = tpu.memref_slice %arg5[%add3A_531, %dma_start3A_553] : memref<8192x2048xf32, #tpu.memory_space<hbm>> -> memref<4x2048xf32, #tpu.memory_space<hbm>>
      %dma_start3A_555 = arith.constant 0 : i32
      %dma_start3A_556 = tpu.memref_slice %arg5[%add3A_531, %dma_start3A_555] : memref<8192x2048xf32, #tpu.memory_space<hbm>> -> memref<4x2048xf32, #tpu.memory_space<hbm>>
      %dma_start3A_557 = arith.constant 0 : i32
      %dma_start3A_558 = arith.constant 0 : i32
      %dma_start3A_559 = tpu.memref_slice %arg7[%dma_start3A_547, %dma_start3A_548, %dma_start3A_557, %dma_start3A_558] : memref<3x4x4x2048xf32, #tpu.memory_space<vmem>> -> memref<1x1x4x2048xf32, #tpu.memory_space<vmem>>
      %dma_start3A_560 = tpu.memref_squeeze %dma_start3A_559 : memref<1x1x4x2048xf32, #tpu.memory_space<vmem>> -> memref<4x2048xf32, #tpu.memory_space<vmem>>
      tpu.enqueue_dma source(%dma_start3A_560 : memref<4x2048xf32, #tpu.memory_space<vmem>>) target(%dma_start3A_556 : memref<4x2048xf32, #tpu.memory_space<hbm>>) target_semaphore(%arg12 : memref<!tpu.dma_semaphore, #tpu.memory_space<semaphore_mem>>)
      %dma_start3A_561 = arith.constant 0 : i32
      %dma_start3A_562 = arith.constant 1 : i32
      %dma_start3A_563 = arith.constant 0 : i32
      %dma_start3A_564 = arith.constant 0 : i32
      %dma_start3A_565 = tpu.memref_slice %arg7[%dma_start3A_561, %dma_start3A_562, %dma_start3A_563, %dma_start3A_564] : memref<3x4x4x2048xf32, #tpu.memory_space<vmem>> -> memref<1x1x4x2048xf32, #tpu.memory_space<vmem>>
      %dma_start3A_566 = tpu.memref_squeeze %dma_start3A_565 : memref<1x1x4x2048xf32, #tpu.memory_space<vmem>> -> memref<4x2048xf32, #tpu.memory_space<vmem>>
      %dma_start3A_567 = arith.constant 0 : i32
      %dma_start3A_568 = tpu.memref_slice %arg5[%add3A_536, %dma_start3A_567] : memref<8192x2048xf32, #tpu.memory_space<hbm>> -> memref<4x2048xf32, #tpu.memory_space<hbm>>
      %dma_start3A_569 = arith.constant 0 : i32
      %dma_start3A_570 = tpu.memref_slice %arg5[%add3A_536, %dma_start3A_569] : memref<8192x2048xf32, #tpu.memory_space<hbm>> -> memref<4x2048xf32, #tpu.memory_space<hbm>>
      %dma_start3A_571 = arith.constant 0 : i32
      %dma_start3A_572 = arith.constant 0 : i32
      %dma_start3A_573 = tpu.memref_slice %arg7[%dma_start3A_561, %dma_start3A_562, %dma_start3A_571, %dma_start3A_572] : memref<3x4x4x2048xf32, #tpu.memory_space<vmem>> -> memref<1x1x4x2048xf32, #tpu.memory_space<vmem>>
      %dma_start3A_574 = tpu.memref_squeeze %dma_start3A_573 : memref<1x1x4x2048xf32, #tpu.memory_space<vmem>> -> memref<4x2048xf32, #tpu.memory_space<vmem>>
      tpu.enqueue_dma source(%dma_start3A_574 : memref<4x2048xf32, #tpu.memory_space<vmem>>) target(%dma_start3A_570 : memref<4x2048xf32, #tpu.memory_space<hbm>>) target_semaphore(%arg12 : memref<!tpu.dma_semaphore, #tpu.memory_space<semaphore_mem>>)
      %dma_start3A_575 = arith.constant 0 : i32
      %dma_start3A_576 = arith.constant 2 : i32
      %dma_start3A_577 = arith.constant 0 : i32
      %dma_start3A_578 = arith.constant 0 : i32
      %dma_start3A_579 = tpu.memref_slice %arg7[%dma_start3A_575, %dma_start3A_576, %dma_start3A_577, %dma_start3A_578] : memref<3x4x4x2048xf32, #tpu.memory_space<vmem>> -> memref<1x1x4x2048xf32, #tpu.memory_space<vmem>>
      %dma_start3A_580 = tpu.memref_squeeze %dma_start3A_579 : memref<1x1x4x2048xf32, #tpu.memory_space<vmem>> -> memref<4x2048xf32, #tpu.memory_space<vmem>>
      %dma_start3A_581 = arith.constant 0 : i32
      %dma_start3A_582 = tpu.memref_slice %arg5[%add3A_541, %dma_start3A_581] : memref<8192x2048xf32, #tpu.memory_space<hbm>> -> memref<4x2048xf32, #tpu.memory_space<hbm>>
      %dma_start3A_583 = arith.constant 0 : i32
      %dma_start3A_584 = tpu.memref_slice %arg5[%add3A_541, %dma_start3A_583] : memref<8192x2048xf32, #tpu.memory_space<hbm>> -> memref<4x2048xf32, #tpu.memory_space<hbm>>
      %dma_start3A_585 = arith.constant 0 : i32
      %dma_start3A_586 = arith.constant 0 : i32
      %dma_start3A_587 = tpu.memref_slice %arg7[%dma_start3A_575, %dma_start3A_576, %dma_start3A_585, %dma_start3A_586] : memref<3x4x4x2048xf32, #tpu.memory_space<vmem>> -> memref<1x1x4x2048xf32, #tpu.memory_space<vmem>>
      %dma_start3A_588 = tpu.memref_squeeze %dma_start3A_587 : memref<1x1x4x2048xf32, #tpu.memory_space<vmem>> -> memref<4x2048xf32, #tpu.memory_space<vmem>>
      tpu.enqueue_dma source(%dma_start3A_588 : memref<4x2048xf32, #tpu.memory_space<vmem>>) target(%dma_start3A_584 : memref<4x2048xf32, #tpu.memory_space<hbm>>) target_semaphore(%arg12 : memref<!tpu.dma_semaphore, #tpu.memory_space<semaphore_mem>>)
      %dma_start3A_589 = arith.constant 0 : i32
      %dma_start3A_590 = arith.constant 3 : i32
      %dma_start3A_591 = arith.constant 0 : i32
      %dma_start3A_592 = arith.constant 0 : i32
      %dma_start3A_593 = tpu.memref_slice %arg7[%dma_start3A_589, %dma_start3A_590, %dma_start3A_591, %dma_start3A_592] : memref<3x4x4x2048xf32, #tpu.memory_space<vmem>> -> memref<1x1x4x2048xf32, #tpu.memory_space<vmem>>
      %dma_start3A_594 = tpu.memref_squeeze %dma_start3A_593 : memref<1x1x4x2048xf32, #tpu.memory_space<vmem>> -> memref<4x2048xf32, #tpu.memory_space<vmem>>
      %dma_start3A_595 = arith.constant 0 : i32
      %dma_start3A_596 = tpu.memref_slice %arg5[%add3A_546, %dma_start3A_595] : memref<8192x2048xf32, #tpu.memory_space<hbm>> -> memref<4x2048xf32, #tpu.memory_space<hbm>>
      %dma_start3A_597 = arith.constant 0 : i32
      %dma_start3A_598 = tpu.memref_slice %arg5[%add3A_546, %dma_start3A_597] : memref<8192x2048xf32, #tpu.memory_space<hbm>> -> memref<4x2048xf32, #tpu.memory_space<hbm>>
      %dma_start3A_599 = arith.constant 0 : i32
      %dma_start3A_600 = arith.constant 0 : i32
      %dma_start3A_601 = tpu.memref_slice %arg7[%dma_start3A_589, %dma_start3A_590, %dma_start3A_599, %dma_start3A_600] : memref<3x4x4x2048xf32, #tpu.memory_space<vmem>> -> memref<1x1x4x2048xf32, #tpu.memory_space<vmem>>
      %dma_start3A_602 = tpu.memref_squeeze %dma_start3A_601 : memref<1x1x4x2048xf32, #tpu.memory_space<vmem>> -> memref<4x2048xf32, #tpu.memory_space<vmem>>
      tpu.enqueue_dma source(%dma_start3A_602 : memref<4x2048xf32, #tpu.memory_space<vmem>>) target(%dma_start3A_598 : memref<4x2048xf32, #tpu.memory_space<hbm>>) target_semaphore(%arg12 : memref<!tpu.dma_semaphore, #tpu.memory_space<semaphore_mem>>)
      %mul3A_603 = arith.constant 3 : i32
      %mul3A_604 = arith.muli %mul3A_603, %scan3A_438 : i32
      %add3A_605 = arith.constant 1 : i32
      %add3A_606 = arith.addi %mul3A_604, %add3A_605 : i32
      %add3A_607 = arith.constant 1 : i32
      %add3A_608 = arith.addi %add3A_606, %add3A_607 : i32
      %lt3A_609 = arith.constant 16 : i32
      %lt3A_610 = arith.cmpi slt, %add3A_608, %lt3A_609 : i32
      %convert_element_type3A_611 = arith.extui %lt3A_610 : i1 to i32
      %cond3A_612 = arith.constant 0 : i32
      %cond3A_613 = arith.cmpi ne, %convert_element_type3A_611, %cond3A_612 : i32
      scf.if %cond3A_613 {
        %ge3A = arith.constant 2 : i32
        %ge3A_936 = arith.cmpi sge, %add3A_606, %ge3A : i32
        %convert_element_type3A_937 = arith.extui %ge3A_936 : i1 to i32
        %cond3A_938 = arith.constant 0 : i32
        %cond3A_939 = arith.cmpi ne, %convert_element_type3A_937, %cond3A_938 : i32
        scf.if %cond3A_939 {
          %sub3A = arith.constant 2 : i32
          %sub3A_1014 = arith.subi %add3A_606, %sub3A : i32
          %add3A_1015 = arith.constant 0 : i32
          %add3A_1016 = arith.addi %add3A_1015, %mul3A_2 : i32
          %mul3A_1017 = arith.constant 4 : i32
          %mul3A_1018 = arith.muli %sub3A_1014, %mul3A_1017 : i32
          %add3A_1019 = arith.addi %add3A_1016, %mul3A_1018 : i32
          %add3A_1020 = arith.constant 2048 : i32
          %add3A_1021 = arith.addi %add3A_1020, %mul3A_2 : i32
          %mul3A_1022 = arith.constant 4 : i32
          %mul3A_1023 = arith.muli %sub3A_1014, %mul3A_1022 : i32
          %add3A_1024 = arith.addi %add3A_1021, %mul3A_1023 : i32
          %add3A_1025 = arith.constant 4096 : i32
          %add3A_1026 = arith.addi %add3A_1025, %mul3A_2 : i32
          %mul3A_1027 = arith.constant 4 : i32
          %mul3A_1028 = arith.muli %sub3A_1014, %mul3A_1027 : i32
          %add3A_1029 = arith.addi %add3A_1026, %mul3A_1028 : i32
          %add3A_1030 = arith.constant 6144 : i32
          %add3A_1031 = arith.addi %add3A_1030, %mul3A_2 : i32
          %mul3A_1032 = arith.constant 4 : i32
          %mul3A_1033 = arith.muli %sub3A_1014, %mul3A_1032 : i32
          %add3A_1034 = arith.addi %add3A_1031, %mul3A_1033 : i32
          %dma_wait3A_1035 = arith.constant 2 : i32
          %dma_wait3A_1036 = arith.constant 0 : i32
          %dma_wait3A_1037 = arith.constant 0 : i32
          %dma_wait3A_1038 = arith.constant 0 : i32
          %dma_wait3A_1039 = tpu.memref_slice %arg7[%dma_wait3A_1035, %dma_wait3A_1036, %dma_wait3A_1037, %dma_wait3A_1038] : memref<3x4x4x2048xf32, #tpu.memory_space<vmem>> -> memref<1x1x4x2048xf32, #tpu.memory_space<vmem>>
          %dma_wait3A_1040 = tpu.memref_squeeze %dma_wait3A_1039 : memref<1x1x4x2048xf32, #tpu.memory_space<vmem>> -> memref<4x2048xf32, #tpu.memory_space<vmem>>
          %dma_wait3A_1041 = arith.constant 0 : i32
          %dma_wait3A_1042 = tpu.memref_slice %arg5[%add3A_1019, %dma_wait3A_1041] : memref<8192x2048xf32, #tpu.memory_space<hbm>> -> memref<4x2048xf32, #tpu.memory_space<hbm>>
          %dma_wait3A_1043 = arith.constant 0 : i32
          %dma_wait3A_1044 = tpu.memref_slice %arg5[%add3A_1019, %dma_wait3A_1043] : memref<8192x2048xf32, #tpu.memory_space<hbm>> -> memref<4x2048xf32, #tpu.memory_space<hbm>>
          %dma_wait3A_1045 = arith.constant 0 : i32
          %dma_wait3A_1046 = arith.constant 0 : i32
          %dma_wait3A_1047 = tpu.memref_slice %arg7[%dma_wait3A_1035, %dma_wait3A_1036, %dma_wait3A_1045, %dma_wait3A_1046] : memref<3x4x4x2048xf32, #tpu.memory_space<vmem>> -> memref<1x1x4x2048xf32, #tpu.memory_space<vmem>>
          %dma_wait3A_1048 = tpu.memref_squeeze %dma_wait3A_1047 : memref<1x1x4x2048xf32, #tpu.memory_space<vmem>> -> memref<4x2048xf32, #tpu.memory_space<vmem>>
          tpu.wait_dma2 semaphore(%arg14 : memref<!tpu.dma_semaphore, #tpu.memory_space<semaphore_mem>>) src(%dma_wait3A_1048 : memref<4x2048xf32, #tpu.memory_space<vmem>>) dst(%dma_wait3A_1044 : memref<4x2048xf32, #tpu.memory_space<hbm>>)
          %dma_wait3A_1049 = arith.constant 2 : i32
          %dma_wait3A_1050 = arith.constant 1 : i32
          %dma_wait3A_1051 = arith.constant 0 : i32
          %dma_wait3A_1052 = arith.constant 0 : i32
          %dma_wait3A_1053 = tpu.memref_slice %arg7[%dma_wait3A_1049, %dma_wait3A_1050, %dma_wait3A_1051, %dma_wait3A_1052] : memref<3x4x4x2048xf32, #tpu.memory_space<vmem>> -> memref<1x1x4x2048xf32, #tpu.memory_space<vmem>>
          %dma_wait3A_1054 = tpu.memref_squeeze %dma_wait3A_1053 : memref<1x1x4x2048xf32, #tpu.memory_space<vmem>> -> memref<4x2048xf32, #tpu.memory_space<vmem>>
          %dma_wait3A_1055 = arith.constant 0 : i32
          %dma_wait3A_1056 = tpu.memref_slice %arg5[%add3A_1024, %dma_wait3A_1055] : memref<8192x2048xf32, #tpu.memory_space<hbm>> -> memref<4x2048xf32, #tpu.memory_space<hbm>>
          %dma_wait3A_1057 = arith.constant 0 : i32
          %dma_wait3A_1058 = tpu.memref_slice %arg5[%add3A_1024, %dma_wait3A_1057] : memref<8192x2048xf32, #tpu.memory_space<hbm>> -> memref<4x2048xf32, #tpu.memory_space<hbm>>
          %dma_wait3A_1059 = arith.constant 0 : i32
          %dma_wait3A_1060 = arith.constant 0 : i32
          %dma_wait3A_1061 = tpu.memref_slice %arg7[%dma_wait3A_1049, %dma_wait3A_1050, %dma_wait3A_1059, %dma_wait3A_1060] : memref<3x4x4x2048xf32, #tpu.memory_space<vmem>> -> memref<1x1x4x2048xf32, #tpu.memory_space<vmem>>
          %dma_wait3A_1062 = tpu.memref_squeeze %dma_wait3A_1061 : memref<1x1x4x2048xf32, #tpu.memory_space<vmem>> -> memref<4x2048xf32, #tpu.memory_space<vmem>>
          tpu.wait_dma2 semaphore(%arg14 : memref<!tpu.dma_semaphore, #tpu.memory_space<semaphore_mem>>) src(%dma_wait3A_1062 : memref<4x2048xf32, #tpu.memory_space<vmem>>) dst(%dma_wait3A_1058 : memref<4x2048xf32, #tpu.memory_space<hbm>>)
          %dma_wait3A_1063 = arith.constant 2 : i32
          %dma_wait3A_1064 = arith.constant 2 : i32
          %dma_wait3A_1065 = arith.constant 0 : i32
          %dma_wait3A_1066 = arith.constant 0 : i32
          %dma_wait3A_1067 = tpu.memref_slice %arg7[%dma_wait3A_1063, %dma_wait3A_1064, %dma_wait3A_1065, %dma_wait3A_1066] : memref<3x4x4x2048xf32, #tpu.memory_space<vmem>> -> memref<1x1x4x2048xf32, #tpu.memory_space<vmem>>
          %dma_wait3A_1068 = tpu.memref_squeeze %dma_wait3A_1067 : memref<1x1x4x2048xf32, #tpu.memory_space<vmem>> -> memref<4x2048xf32, #tpu.memory_space<vmem>>
          %dma_wait3A_1069 = arith.constant 0 : i32
          %dma_wait3A_1070 = tpu.memref_slice %arg5[%add3A_1029, %dma_wait3A_1069] : memref<8192x2048xf32, #tpu.memory_space<hbm>> -> memref<4x2048xf32, #tpu.memory_space<hbm>>
          %dma_wait3A_1071 = arith.constant 0 : i32
          %dma_wait3A_1072 = tpu.memref_slice %arg5[%add3A_1029, %dma_wait3A_1071] : memref<8192x2048xf32, #tpu.memory_space<hbm>> -> memref<4x2048xf32, #tpu.memory_space<hbm>>
          %dma_wait3A_1073 = arith.constant 0 : i32
          %dma_wait3A_1074 = arith.constant 0 : i32
          %dma_wait3A_1075 = tpu.memref_slice %arg7[%dma_wait3A_1063, %dma_wait3A_1064, %dma_wait3A_1073, %dma_wait3A_1074] : memref<3x4x4x2048xf32, #tpu.memory_space<vmem>> -> memref<1x1x4x2048xf32, #tpu.memory_space<vmem>>
          %dma_wait3A_1076 = tpu.memref_squeeze %dma_wait3A_1075 : memref<1x1x4x2048xf32, #tpu.memory_space<vmem>> -> memref<4x2048xf32, #tpu.memory_space<vmem>>
          tpu.wait_dma2 semaphore(%arg14 : memref<!tpu.dma_semaphore, #tpu.memory_space<semaphore_mem>>) src(%dma_wait3A_1076 : memref<4x2048xf32, #tpu.memory_space<vmem>>) dst(%dma_wait3A_1072 : memref<4x2048xf32, #tpu.memory_space<hbm>>)
          %dma_wait3A_1077 = arith.constant 2 : i32
          %dma_wait3A_1078 = arith.constant 3 : i32
          %dma_wait3A_1079 = arith.constant 0 : i32
          %dma_wait3A_1080 = arith.constant 0 : i32
          %dma_wait3A_1081 = tpu.memref_slice %arg7[%dma_wait3A_1077, %dma_wait3A_1078, %dma_wait3A_1079, %dma_wait3A_1080] : memref<3x4x4x2048xf32, #tpu.memory_space<vmem>> -> memref<1x1x4x2048xf32, #tpu.memory_space<vmem>>
          %dma_wait3A_1082 = tpu.memref_squeeze %dma_wait3A_1081 : memref<1x1x4x2048xf32, #tpu.memory_space<vmem>> -> memref<4x2048xf32, #tpu.memory_space<vmem>>
          %dma_wait3A_1083 = arith.constant 0 : i32
          %dma_wait3A_1084 = tpu.memref_slice %arg5[%add3A_1034, %dma_wait3A_1083] : memref<8192x2048xf32, #tpu.memory_space<hbm>> -> memref<4x2048xf32, #tpu.memory_space<hbm>>
          %dma_wait3A_1085 = arith.constant 0 : i32
          %dma_wait3A_1086 = tpu.memref_slice %arg5[%add3A_1034, %dma_wait3A_1085] : memref<8192x2048xf32, #tpu.memory_space<hbm>> -> memref<4x2048xf32, #tpu.memory_space<hbm>>
          %dma_wait3A_1087 = arith.constant 0 : i32
          %dma_wait3A_1088 = arith.constant 0 : i32
          %dma_wait3A_1089 = tpu.memref_slice %arg7[%dma_wait3A_1077, %dma_wait3A_1078, %dma_wait3A_1087, %dma_wait3A_1088] : memref<3x4x4x2048xf32, #tpu.memory_space<vmem>> -> memref<1x1x4x2048xf32, #tpu.memory_space<vmem>>
          %dma_wait3A_1090 = tpu.memref_squeeze %dma_wait3A_1089 : memref<1x1x4x2048xf32, #tpu.memory_space<vmem>> -> memref<4x2048xf32, #tpu.memory_space<vmem>>
          tpu.wait_dma2 semaphore(%arg14 : memref<!tpu.dma_semaphore, #tpu.memory_space<semaphore_mem>>) src(%dma_wait3A_1090 : memref<4x2048xf32, #tpu.memory_space<vmem>>) dst(%dma_wait3A_1086 : memref<4x2048xf32, #tpu.memory_space<hbm>>)
        } else {
        }
        %add3A_940 = arith.constant 1 : i32
        %add3A_941 = arith.addi %add3A_606, %add3A_940 : i32
        %mul3A_942 = arith.constant 4 : i32
        %mul3A_943 = arith.muli %add3A_941, %mul3A_942 : i32
        %mul3A_944 = arith.constant 4 : i32
        %mul3A_945 = arith.muli %add3A_941, %mul3A_944 : i32
        %mul3A_946 = arith.constant 4 : i32
        %mul3A_947 = arith.muli %add3A_941, %mul3A_946 : i32
        %mul3A_948 = arith.constant 4 : i32
        %mul3A_949 = arith.muli %add3A_941, %mul3A_948 : i32
        %mul3A_950 = arith.constant 4 : i32
        %mul3A_951 = arith.muli %add3A_941, %mul3A_950 : i32
        %add3A_952 = arith.addi %mul3A_2, %mul3A_951 : i32
        %dma_start3A_953 = arith.constant 0 : i32
        %dma_start3A_954 = arith.constant 2 : i32
        %dma_start3A_955 = arith.constant 0 : i32
        %dma_start3A_956 = arith.constant 0 : i32
        %dma_start3A_957 = arith.constant 0 : i32
        %dma_start3A_958 = tpu.memref_slice %arg7[%dma_start3A_954, %dma_start3A_955, %dma_start3A_956, %dma_start3A_957] : memref<3x4x4x2048xf32, #tpu.memory_space<vmem>> -> memref<1x1x4x2048xf32, #tpu.memory_space<vmem>>
        %dma_start3A_959 = tpu.memref_squeeze %dma_start3A_958 : memref<1x1x4x2048xf32, #tpu.memory_space<vmem>> -> memref<4x2048xf32, #tpu.memory_space<vmem>>
        %dma_start3A_960 = tpu.memref_slice %arg6[%dma_start3A_953, %mul3A_943] : memref<4x64xi32, #tpu.memory_space<vmem>> -> memref<1x4xi32, #tpu.memory_space<vmem>>
        %dma_start3A_961 = tpu.memref_squeeze %dma_start3A_960 : memref<1x4xi32, #tpu.memory_space<vmem>> -> memref<4xi32, #tpu.memory_space<vmem>>
        %dma_start3A_962 = arith.constant 0 : i32
        %dma_start3A_963 = arith.constant 0 : i32
        %dma_start3A_964 = tpu.memref_slice %arg3[%dma_start3A_962, %dma_start3A_963] : memref<100000x2048xf32, #tpu.memory_space<hbm>> -> memref<100000x2048xf32, #tpu.memory_space<hbm>>
        tpu.enqueue_indirect_dma source(%dma_start3A_964 : memref<100000x2048xf32, #tpu.memory_space<hbm>>) target(%dma_start3A_959 : memref<4x2048xf32, #tpu.memory_space<vmem>>) offsets(%dma_start3A_961 : memref<4xi32, #tpu.memory_space<vmem>>) semaphore(%arg11 : memref<!tpu.dma_semaphore, #tpu.memory_space<semaphore_mem>>)
        %dma_start3A_965 = arith.constant 1 : i32
        %dma_start3A_966 = arith.constant 2 : i32
        %dma_start3A_967 = arith.constant 1 : i32
        %dma_start3A_968 = arith.constant 0 : i32
        %dma_start3A_969 = arith.constant 0 : i32
        %dma_start3A_970 = tpu.memref_slice %arg7[%dma_start3A_966, %dma_start3A_967, %dma_start3A_968, %dma_start3A_969] : memref<3x4x4x2048xf32, #tpu.memory_space<vmem>> -> memref<1x1x4x2048xf32, #tpu.memory_space<vmem>>
        %dma_start3A_971 = tpu.memref_squeeze %dma_start3A_970 : memref<1x1x4x2048xf32, #tpu.memory_space<vmem>> -> memref<4x2048xf32, #tpu.memory_space<vmem>>
        %dma_start3A_972 = tpu.memref_slice %arg6[%dma_start3A_965, %mul3A_945] : memref<4x64xi32, #tpu.memory_space<vmem>> -> memref<1x4xi32, #tpu.memory_space<vmem>>
        %dma_start3A_973 = tpu.memref_squeeze %dma_start3A_972 : memref<1x4xi32, #tpu.memory_space<vmem>> -> memref<4xi32, #tpu.memory_space<vmem>>
        %dma_start3A_974 = arith.constant 0 : i32
        %dma_start3A_975 = arith.constant 0 : i32
        %dma_start3A_976 = tpu.memref_slice %arg3[%dma_start3A_974, %dma_start3A_975] : memref<100000x2048xf32, #tpu.memory_space<hbm>> -> memref<100000x2048xf32, #tpu.memory_space<hbm>>
        tpu.enqueue_indirect_dma source(%dma_start3A_976 : memref<100000x2048xf32, #tpu.memory_space<hbm>>) target(%dma_start3A_971 : memref<4x2048xf32, #tpu.memory_space<vmem>>) offsets(%dma_start3A_973 : memref<4xi32, #tpu.memory_space<vmem>>) semaphore(%arg11 : memref<!tpu.dma_semaphore, #tpu.memory_space<semaphore_mem>>)
        %dma_start3A_977 = arith.constant 2 : i32
        %dma_start3A_978 = arith.constant 2 : i32
        %dma_start3A_979 = arith.constant 2 : i32
        %dma_start3A_980 = arith.constant 0 : i32
        %dma_start3A_981 = arith.constant 0 : i32
        %dma_start3A_982 = tpu.memref_slice %arg7[%dma_start3A_978, %dma_start3A_979, %dma_start3A_980, %dma_start3A_981] : memref<3x4x4x2048xf32, #tpu.memory_space<vmem>> -> memref<1x1x4x2048xf32, #tpu.memory_space<vmem>>
        %dma_start3A_983 = tpu.memref_squeeze %dma_start3A_982 : memref<1x1x4x2048xf32, #tpu.memory_space<vmem>> -> memref<4x2048xf32, #tpu.memory_space<vmem>>
        %dma_start3A_984 = tpu.memref_slice %arg6[%dma_start3A_977, %mul3A_947] : memref<4x64xi32, #tpu.memory_space<vmem>> -> memref<1x4xi32, #tpu.memory_space<vmem>>
        %dma_start3A_985 = tpu.memref_squeeze %dma_start3A_984 : memref<1x4xi32, #tpu.memory_space<vmem>> -> memref<4xi32, #tpu.memory_space<vmem>>
        %dma_start3A_986 = arith.constant 0 : i32
        %dma_start3A_987 = arith.constant 0 : i32
        %dma_start3A_988 = tpu.memref_slice %arg3[%dma_start3A_986, %dma_start3A_987] : memref<100000x2048xf32, #tpu.memory_space<hbm>> -> memref<100000x2048xf32, #tpu.memory_space<hbm>>
        tpu.enqueue_indirect_dma source(%dma_start3A_988 : memref<100000x2048xf32, #tpu.memory_space<hbm>>) target(%dma_start3A_983 : memref<4x2048xf32, #tpu.memory_space<vmem>>) offsets(%dma_start3A_985 : memref<4xi32, #tpu.memory_space<vmem>>) semaphore(%arg11 : memref<!tpu.dma_semaphore, #tpu.memory_space<semaphore_mem>>)
        %dma_start3A_989 = arith.constant 3 : i32
        %dma_start3A_990 = arith.constant 2 : i32
        %dma_start3A_991 = arith.constant 3 : i32
        %dma_start3A_992 = arith.constant 0 : i32
        %dma_start3A_993 = arith.constant 0 : i32
        %dma_start3A_994 = tpu.memref_slice %arg7[%dma_start3A_990, %dma_start3A_991, %dma_start3A_992, %dma_start3A_993] : memref<3x4x4x2048xf32, #tpu.memory_space<vmem>> -> memref<1x1x4x2048xf32, #tpu.memory_space<vmem>>
        %dma_start3A_995 = tpu.memref_squeeze %dma_start3A_994 : memref<1x1x4x2048xf32, #tpu.memory_space<vmem>> -> memref<4x2048xf32, #tpu.memory_space<vmem>>
        %dma_start3A_996 = tpu.memref_slice %arg6[%dma_start3A_989, %mul3A_949] : memref<4x64xi32, #tpu.memory_space<vmem>> -> memref<1x4xi32, #tpu.memory_space<vmem>>
        %dma_start3A_997 = tpu.memref_squeeze %dma_start3A_996 : memref<1x4xi32, #tpu.memory_space<vmem>> -> memref<4xi32, #tpu.memory_space<vmem>>
        %dma_start3A_998 = arith.constant 0 : i32
        %dma_start3A_999 = arith.constant 0 : i32
        %dma_start3A_1000 = tpu.memref_slice %arg3[%dma_start3A_998, %dma_start3A_999] : memref<100000x2048xf32, #tpu.memory_space<hbm>> -> memref<100000x2048xf32, #tpu.memory_space<hbm>>
        tpu.enqueue_indirect_dma source(%dma_start3A_1000 : memref<100000x2048xf32, #tpu.memory_space<hbm>>) target(%dma_start3A_995 : memref<4x2048xf32, #tpu.memory_space<vmem>>) offsets(%dma_start3A_997 : memref<4xi32, #tpu.memory_space<vmem>>) semaphore(%arg11 : memref<!tpu.dma_semaphore, #tpu.memory_space<semaphore_mem>>)
        %dma_start3A_1001 = arith.constant 2 : i32
        %dma_start3A_1002 = arith.constant 0 : i32
        %dma_start3A_1003 = arith.constant 0 : i32
        %dma_start3A_1004 = tpu.memref_slice %arg8[%dma_start3A_1001, %dma_start3A_1002, %dma_start3A_1003] : memref<3x4x2048xf32, #tpu.memory_space<vmem>> -> memref<1x4x2048xf32, #tpu.memory_space<vmem>>
        %dma_start3A_1005 = tpu.memref_squeeze %dma_start3A_1004 : memref<1x4x2048xf32, #tpu.memory_space<vmem>> -> memref<4x2048xf32, #tpu.memory_space<vmem>>
        %dma_start3A_1006 = arith.constant 0 : i32
        %dma_start3A_1007 = tpu.memref_slice %arg4[%add3A_952, %dma_start3A_1006] : memref<2048x2048xf32, #tpu.memory_space<hbm>> -> memref<4x2048xf32, #tpu.memory_space<hbm>>
        %dma_start3A_1008 = arith.constant 0 : i32
        %dma_start3A_1009 = arith.constant 0 : i32
        %dma_start3A_1010 = tpu.memref_slice %arg8[%dma_start3A_1001, %dma_start3A_1008, %dma_start3A_1009] : memref<3x4x2048xf32, #tpu.memory_space<vmem>> -> memref<1x4x2048xf32, #tpu.memory_space<vmem>>
        %dma_start3A_1011 = tpu.memref_squeeze %dma_start3A_1010 : memref<1x4x2048xf32, #tpu.memory_space<vmem>> -> memref<4x2048xf32, #tpu.memory_space<vmem>>
        %dma_start3A_1012 = arith.constant 0 : i32
        %dma_start3A_1013 = tpu.memref_slice %arg4[%add3A_952, %dma_start3A_1012] : memref<2048x2048xf32, #tpu.memory_space<hbm>> -> memref<4x2048xf32, #tpu.memory_space<hbm>>
        tpu.enqueue_dma source(%dma_start3A_1013 : memref<4x2048xf32, #tpu.memory_space<hbm>>) target(%dma_start3A_1011 : memref<4x2048xf32, #tpu.memory_space<vmem>>) target_semaphore(%arg11 : memref<!tpu.dma_semaphore, #tpu.memory_space<semaphore_mem>>)
      } else {
      }
      %mul3A_614 = arith.constant 4 : i32
      %mul3A_615 = arith.muli %add3A_606, %mul3A_614 : i32
      %mul3A_616 = arith.constant 4 : i32
      %mul3A_617 = arith.muli %add3A_606, %mul3A_616 : i32
      %mul3A_618 = arith.constant 4 : i32
      %mul3A_619 = arith.muli %add3A_606, %mul3A_618 : i32
      %mul3A_620 = arith.constant 4 : i32
      %mul3A_621 = arith.muli %add3A_606, %mul3A_620 : i32
      %mul3A_622 = arith.constant 4 : i32
      %mul3A_623 = arith.muli %add3A_606, %mul3A_622 : i32
      %add3A_624 = arith.addi %mul3A_2, %mul3A_623 : i32
      %dma_wait3A_625 = arith.constant 0 : i32
      %dma_wait3A_626 = arith.constant 1 : i32
      %dma_wait3A_627 = arith.constant 0 : i32
      %dma_wait3A_628 = arith.constant 0 : i32
      %dma_wait3A_629 = arith.constant 0 : i32
      %dma_wait3A_630 = tpu.memref_slice %arg7[%dma_wait3A_626, %dma_wait3A_627, %dma_wait3A_628, %dma_wait3A_629] : memref<3x4x4x2048xf32, #tpu.memory_space<vmem>> -> memref<1x1x4x2048xf32, #tpu.memory_space<vmem>>
      %dma_wait3A_631 = tpu.memref_squeeze %dma_wait3A_630 : memref<1x1x4x2048xf32, #tpu.memory_space<vmem>> -> memref<4x2048xf32, #tpu.memory_space<vmem>>
      %dma_wait3A_632 = tpu.memref_slice %arg6[%dma_wait3A_625, %mul3A_615] : memref<4x64xi32, #tpu.memory_space<vmem>> -> memref<1x4xi32, #tpu.memory_space<vmem>>
      %dma_wait3A_633 = tpu.memref_squeeze %dma_wait3A_632 : memref<1x4xi32, #tpu.memory_space<vmem>> -> memref<4xi32, #tpu.memory_space<vmem>>
      %dma_wait3A_634 = arith.constant 0 : i32
      %dma_wait3A_635 = arith.constant 0 : i32
      %dma_wait3A_636 = tpu.memref_slice %arg3[%dma_wait3A_634, %dma_wait3A_635] : memref<100000x2048xf32, #tpu.memory_space<hbm>> -> memref<100000x2048xf32, #tpu.memory_space<hbm>>
      tpu.wait_indirect_dma semaphore(%arg10 : memref<!tpu.dma_semaphore, #tpu.memory_space<semaphore_mem>>) src(%dma_wait3A_636 : memref<100000x2048xf32, #tpu.memory_space<hbm>>) dst(%dma_wait3A_631 : memref<4x2048xf32, #tpu.memory_space<vmem>>)
      %dma_wait3A_637 = arith.constant 1 : i32
      %dma_wait3A_638 = arith.constant 1 : i32
      %dma_wait3A_639 = arith.constant 1 : i32
      %dma_wait3A_640 = arith.constant 0 : i32
      %dma_wait3A_641 = arith.constant 0 : i32
      %dma_wait3A_642 = tpu.memref_slice %arg7[%dma_wait3A_638, %dma_wait3A_639, %dma_wait3A_640, %dma_wait3A_641] : memref<3x4x4x2048xf32, #tpu.memory_space<vmem>> -> memref<1x1x4x2048xf32, #tpu.memory_space<vmem>>
      %dma_wait3A_643 = tpu.memref_squeeze %dma_wait3A_642 : memref<1x1x4x2048xf32, #tpu.memory_space<vmem>> -> memref<4x2048xf32, #tpu.memory_space<vmem>>
      %dma_wait3A_644 = tpu.memref_slice %arg6[%dma_wait3A_637, %mul3A_617] : memref<4x64xi32, #tpu.memory_space<vmem>> -> memref<1x4xi32, #tpu.memory_space<vmem>>
      %dma_wait3A_645 = tpu.memref_squeeze %dma_wait3A_644 : memref<1x4xi32, #tpu.memory_space<vmem>> -> memref<4xi32, #tpu.memory_space<vmem>>
      %dma_wait3A_646 = arith.constant 0 : i32
      %dma_wait3A_647 = arith.constant 0 : i32
      %dma_wait3A_648 = tpu.memref_slice %arg3[%dma_wait3A_646, %dma_wait3A_647] : memref<100000x2048xf32, #tpu.memory_space<hbm>> -> memref<100000x2048xf32, #tpu.memory_space<hbm>>
      tpu.wait_indirect_dma semaphore(%arg10 : memref<!tpu.dma_semaphore, #tpu.memory_space<semaphore_mem>>) src(%dma_wait3A_648 : memref<100000x2048xf32, #tpu.memory_space<hbm>>) dst(%dma_wait3A_643 : memref<4x2048xf32, #tpu.memory_space<vmem>>)
      %dma_wait3A_649 = arith.constant 2 : i32
      %dma_wait3A_650 = arith.constant 1 : i32
      %dma_wait3A_651 = arith.constant 2 : i32
      %dma_wait3A_652 = arith.constant 0 : i32
      %dma_wait3A_653 = arith.constant 0 : i32
      %dma_wait3A_654 = tpu.memref_slice %arg7[%dma_wait3A_650, %dma_wait3A_651, %dma_wait3A_652, %dma_wait3A_653] : memref<3x4x4x2048xf32, #tpu.memory_space<vmem>> -> memref<1x1x4x2048xf32, #tpu.memory_space<vmem>>
      %dma_wait3A_655 = tpu.memref_squeeze %dma_wait3A_654 : memref<1x1x4x2048xf32, #tpu.memory_space<vmem>> -> memref<4x2048xf32, #tpu.memory_space<vmem>>
      %dma_wait3A_656 = tpu.memref_slice %arg6[%dma_wait3A_649, %mul3A_619] : memref<4x64xi32, #tpu.memory_space<vmem>> -> memref<1x4xi32, #tpu.memory_space<vmem>>
      %dma_wait3A_657 = tpu.memref_squeeze %dma_wait3A_656 : memref<1x4xi32, #tpu.memory_space<vmem>> -> memref<4xi32, #tpu.memory_space<vmem>>
      %dma_wait3A_658 = arith.constant 0 : i32
      %dma_wait3A_659 = arith.constant 0 : i32
      %dma_wait3A_660 = tpu.memref_slice %arg3[%dma_wait3A_658, %dma_wait3A_659] : memref<100000x2048xf32, #tpu.memory_space<hbm>> -> memref<100000x2048xf32, #tpu.memory_space<hbm>>
      tpu.wait_indirect_dma semaphore(%arg10 : memref<!tpu.dma_semaphore, #tpu.memory_space<semaphore_mem>>) src(%dma_wait3A_660 : memref<100000x2048xf32, #tpu.memory_space<hbm>>) dst(%dma_wait3A_655 : memref<4x2048xf32, #tpu.memory_space<vmem>>)
      %dma_wait3A_661 = arith.constant 3 : i32
      %dma_wait3A_662 = arith.constant 1 : i32
      %dma_wait3A_663 = arith.constant 3 : i32
      %dma_wait3A_664 = arith.constant 0 : i32
      %dma_wait3A_665 = arith.constant 0 : i32
      %dma_wait3A_666 = tpu.memref_slice %arg7[%dma_wait3A_662, %dma_wait3A_663, %dma_wait3A_664, %dma_wait3A_665] : memref<3x4x4x2048xf32, #tpu.memory_space<vmem>> -> memref<1x1x4x2048xf32, #tpu.memory_space<vmem>>
      %dma_wait3A_667 = tpu.memref_squeeze %dma_wait3A_666 : memref<1x1x4x2048xf32, #tpu.memory_space<vmem>> -> memref<4x2048xf32, #tpu.memory_space<vmem>>
      %dma_wait3A_668 = tpu.memref_slice %arg6[%dma_wait3A_661, %mul3A_621] : memref<4x64xi32, #tpu.memory_space<vmem>> -> memref<1x4xi32, #tpu.memory_space<vmem>>
      %dma_wait3A_669 = tpu.memref_squeeze %dma_wait3A_668 : memref<1x4xi32, #tpu.memory_space<vmem>> -> memref<4xi32, #tpu.memory_space<vmem>>
      %dma_wait3A_670 = arith.constant 0 : i32
      %dma_wait3A_671 = arith.constant 0 : i32
      %dma_wait3A_672 = tpu.memref_slice %arg3[%dma_wait3A_670, %dma_wait3A_671] : memref<100000x2048xf32, #tpu.memory_space<hbm>> -> memref<100000x2048xf32, #tpu.memory_space<hbm>>
      tpu.wait_indirect_dma semaphore(%arg10 : memref<!tpu.dma_semaphore, #tpu.memory_space<semaphore_mem>>) src(%dma_wait3A_672 : memref<100000x2048xf32, #tpu.memory_space<hbm>>) dst(%dma_wait3A_667 : memref<4x2048xf32, #tpu.memory_space<vmem>>)
      %dma_wait3A_673 = arith.constant 1 : i32
      %dma_wait3A_674 = arith.constant 0 : i32
      %dma_wait3A_675 = arith.constant 0 : i32
      %dma_wait3A_676 = tpu.memref_slice %arg8[%dma_wait3A_673, %dma_wait3A_674, %dma_wait3A_675] : memref<3x4x2048xf32, #tpu.memory_space<vmem>> -> memref<1x4x2048xf32, #tpu.memory_space<vmem>>
      %dma_wait3A_677 = tpu.memref_squeeze %dma_wait3A_676 : memref<1x4x2048xf32, #tpu.memory_space<vmem>> -> memref<4x2048xf32, #tpu.memory_space<vmem>>
      %dma_wait3A_678 = arith.constant 0 : i32
      %dma_wait3A_679 = tpu.memref_slice %arg4[%add3A_624, %dma_wait3A_678] : memref<2048x2048xf32, #tpu.memory_space<hbm>> -> memref<4x2048xf32, #tpu.memory_space<hbm>>
      %dma_wait3A_680 = arith.constant 0 : i32
      %dma_wait3A_681 = arith.constant 0 : i32
      %dma_wait3A_682 = tpu.memref_slice %arg8[%dma_wait3A_673, %dma_wait3A_680, %dma_wait3A_681] : memref<3x4x2048xf32, #tpu.memory_space<vmem>> -> memref<1x4x2048xf32, #tpu.memory_space<vmem>>
      %dma_wait3A_683 = tpu.memref_squeeze %dma_wait3A_682 : memref<1x4x2048xf32, #tpu.memory_space<vmem>> -> memref<4x2048xf32, #tpu.memory_space<vmem>>
      %dma_wait3A_684 = arith.constant 0 : i32
      %dma_wait3A_685 = tpu.memref_slice %arg4[%add3A_624, %dma_wait3A_684] : memref<2048x2048xf32, #tpu.memory_space<hbm>> -> memref<4x2048xf32, #tpu.memory_space<hbm>>
      tpu.wait_dma2 semaphore(%arg10 : memref<!tpu.dma_semaphore, #tpu.memory_space<semaphore_mem>>) src(%dma_wait3A_685 : memref<4x2048xf32, #tpu.memory_space<hbm>>) dst(%dma_wait3A_683 : memref<4x2048xf32, #tpu.memory_space<vmem>>)
      %scan3A_686 = arith.constant 0 : i32
      %scan3A_687 = arith.constant 0 : i32
      %scan3A_688 = arith.constant 128 : i32
      %scan3A_689 = arith.addi %scan3A_687, %scan3A_688 : i32
      %scan3A_690 = arith.constant 1 : i32
      %scan3A_691 = scf.for %scan3A_936 = %scan3A_687 to %scan3A_689 step %scan3A_690 iter_args(%scan3A_937 = %scan3A_686) -> (i32)  : i32 {
        %mul3A_938 = arith.constant 16 : i32
        %mul3A_939 = arith.muli %scan3A_936, %mul3A_938 : i32
        %get3A = arith.constant 1 : i32
        %get3A_940 = arith.constant 0 : i32
        %get3A_941 = arith.index_cast %get3A : i32 to index
        %get3A_942 = arith.index_cast %get3A_940 : i32 to index
        %get3A_943 = arith.index_cast %mul3A_939 : i32 to index
        %get3A_944 = tpu.vector_load %arg8[%get3A_941, %get3A_942, %get3A_943] {strides = array<i32>} : memref<3x4x2048xf32, #tpu.memory_space<vmem>>, vector<1x1x16xf32>,
        %get3A_945 = vector.shape_cast %get3A_944 : vector<1x1x16xf32> to vector<16xf32>
        %get3A_946 = arith.constant 1 : i32
        %get3A_947 = arith.constant 0 : i32
        %get3A_948 = arith.constant 0 : i32
        %get3A_949 = arith.index_cast %get3A_946 : i32 to index
        %get3A_950 = arith.index_cast %get3A_947 : i32 to index
        %get3A_951 = arith.index_cast %get3A_948 : i32 to index
        %get3A_952 = arith.index_cast %mul3A_939 : i32 to index
        %get3A_953 = tpu.vector_load %arg7[%get3A_949, %get3A_950, %get3A_951, %get3A_952] {strides = array<i32>} : memref<3x4x4x2048xf32, #tpu.memory_space<vmem>>, vector<1x1x1x16xf32>,
        %get3A_954 = vector.shape_cast %get3A_953 : vector<1x1x1x16xf32> to vector<16xf32>
        %mul3A_955 = arith.mulf %get3A_954, %get3A_945 : vector<16xf32>
        %swap3A = arith.constant 1 : i32
        %swap3A_956 = arith.constant 0 : i32
        %swap3A_957 = arith.constant 0 : i32
        %swap3A_958 = arith.index_cast %swap3A : i32 to index
        %swap3A_959 = arith.index_cast %swap3A_956 : i32 to index
        %swap3A_960 = arith.index_cast %swap3A_957 : i32 to index
        %swap3A_961 = arith.index_cast %mul3A_939 : i32 to index
        %swap3A_962 = tpu.vector_load %arg7[%swap3A_958, %swap3A_959, %swap3A_960, %swap3A_961] {strides = array<i32>} : memref<3x4x4x2048xf32, #tpu.memory_space<vmem>>, vector<1x1x1x16xf32>,
        %swap3A_963 = vector.shape_cast %swap3A_962 : vector<1x1x1x16xf32> to vector<16xf32>
        %swap3A_964 = vector.shape_cast %mul3A_955 : vector<16xf32> to vector<1x1x1x16xf32>
        tpu.vector_store %arg7[%swap3A_958, %swap3A_959, %swap3A_960, %swap3A_961], %swap3A_964 {strides = array<i32>} : memref<3x4x4x2048xf32, #tpu.memory_space<vmem>>, vector<1x1x1x16xf32>,
        %get3A_965 = arith.constant 1 : i32
        %get3A_966 = arith.constant 1 : i32
        %get3A_967 = arith.constant 0 : i32
        %get3A_968 = arith.index_cast %get3A_965 : i32 to index
        %get3A_969 = arith.index_cast %get3A_966 : i32 to index
        %get3A_970 = arith.index_cast %get3A_967 : i32 to index
        %get3A_971 = arith.index_cast %mul3A_939 : i32 to index
        %get3A_972 = tpu.vector_load %arg7[%get3A_968, %get3A_969, %get3A_970, %get3A_971] {strides = array<i32>} : memref<3x4x4x2048xf32, #tpu.memory_space<vmem>>, vector<1x1x1x16xf32>,
        %get3A_973 = vector.shape_cast %get3A_972 : vector<1x1x1x16xf32> to vector<16xf32>
        %mul3A_974 = arith.mulf %get3A_973, %get3A_945 : vector<16xf32>
        %swap3A_975 = arith.constant 1 : i32
        %swap3A_976 = arith.constant 1 : i32
        %swap3A_977 = arith.constant 0 : i32
        %swap3A_978 = arith.index_cast %swap3A_975 : i32 to index
        %swap3A_979 = arith.index_cast %swap3A_976 : i32 to index
        %swap3A_980 = arith.index_cast %swap3A_977 : i32 to index
        %swap3A_981 = arith.index_cast %mul3A_939 : i32 to index
        %swap3A_982 = tpu.vector_load %arg7[%swap3A_978, %swap3A_979, %swap3A_980, %swap3A_981] {strides = array<i32>} : memref<3x4x4x2048xf32, #tpu.memory_space<vmem>>, vector<1x1x1x16xf32>,
        %swap3A_983 = vector.shape_cast %swap3A_982 : vector<1x1x1x16xf32> to vector<16xf32>
        %swap3A_984 = vector.shape_cast %mul3A_974 : vector<16xf32> to vector<1x1x1x16xf32>
        tpu.vector_store %arg7[%swap3A_978, %swap3A_979, %swap3A_980, %swap3A_981], %swap3A_984 {strides = array<i32>} : memref<3x4x4x2048xf32, #tpu.memory_space<vmem>>, vector<1x1x1x16xf32>,
        %get3A_985 = arith.constant 1 : i32
        %get3A_986 = arith.constant 2 : i32
        %get3A_987 = arith.constant 0 : i32
        %get3A_988 = arith.index_cast %get3A_985 : i32 to index
        %get3A_989 = arith.index_cast %get3A_986 : i32 to index
        %get3A_990 = arith.index_cast %get3A_987 : i32 to index
        %get3A_991 = arith.index_cast %mul3A_939 : i32 to index
        %get3A_992 = tpu.vector_load %arg7[%get3A_988, %get3A_989, %get3A_990, %get3A_991] {strides = array<i32>} : memref<3x4x4x2048xf32, #tpu.memory_space<vmem>>, vector<1x1x1x16xf32>,
        %get3A_993 = vector.shape_cast %get3A_992 : vector<1x1x1x16xf32> to vector<16xf32>
        %mul3A_994 = arith.mulf %get3A_993, %get3A_945 : vector<16xf32>
        %swap3A_995 = arith.constant 1 : i32
        %swap3A_996 = arith.constant 2 : i32
        %swap3A_997 = arith.constant 0 : i32
        %swap3A_998 = arith.index_cast %swap3A_995 : i32 to index
        %swap3A_999 = arith.index_cast %swap3A_996 : i32 to index
        %swap3A_1000 = arith.index_cast %swap3A_997 : i32 to index
        %swap3A_1001 = arith.index_cast %mul3A_939 : i32 to index
        %swap3A_1002 = tpu.vector_load %arg7[%swap3A_998, %swap3A_999, %swap3A_1000, %swap3A_1001] {strides = array<i32>} : memref<3x4x4x2048xf32, #tpu.memory_space<vmem>>, vector<1x1x1x16xf32>,
        %swap3A_1003 = vector.shape_cast %swap3A_1002 : vector<1x1x1x16xf32> to vector<16xf32>
        %swap3A_1004 = vector.shape_cast %mul3A_994 : vector<16xf32> to vector<1x1x1x16xf32>
        tpu.vector_store %arg7[%swap3A_998, %swap3A_999, %swap3A_1000, %swap3A_1001], %swap3A_1004 {strides = array<i32>} : memref<3x4x4x2048xf32, #tpu.memory_space<vmem>>, vector<1x1x1x16xf32>,
        %get3A_1005 = arith.constant 1 : i32
        %get3A_1006 = arith.constant 3 : i32
        %get3A_1007 = arith.constant 0 : i32
        %get3A_1008 = arith.index_cast %get3A_1005 : i32 to index
        %get3A_1009 = arith.index_cast %get3A_1006 : i32 to index
        %get3A_1010 = arith.index_cast %get3A_1007 : i32 to index
        %get3A_1011 = arith.index_cast %mul3A_939 : i32 to index
        %get3A_1012 = tpu.vector_load %arg7[%get3A_1008, %get3A_1009, %get3A_1010, %get3A_1011] {strides = array<i32>} : memref<3x4x4x2048xf32, #tpu.memory_space<vmem>>, vector<1x1x1x16xf32>,
        %get3A_1013 = vector.shape_cast %get3A_1012 : vector<1x1x1x16xf32> to vector<16xf32>
        %mul3A_1014 = arith.mulf %get3A_1013, %get3A_945 : vector<16xf32>
        %swap3A_1015 = arith.constant 1 : i32
        %swap3A_1016 = arith.constant 3 : i32
        %swap3A_1017 = arith.constant 0 : i32
        %swap3A_1018 = arith.index_cast %swap3A_1015 : i32 to index
        %swap3A_1019 = arith.index_cast %swap3A_1016 : i32 to index
        %swap3A_1020 = arith.index_cast %swap3A_1017 : i32 to index
        %swap3A_1021 = arith.index_cast %mul3A_939 : i32 to index
        %swap3A_1022 = tpu.vector_load %arg7[%swap3A_1018, %swap3A_1019, %swap3A_1020, %swap3A_1021] {strides = array<i32>} : memref<3x4x4x2048xf32, #tpu.memory_space<vmem>>, vector<1x1x1x16xf32>,
        %swap3A_1023 = vector.shape_cast %swap3A_1022 : vector<1x1x1x16xf32> to vector<16xf32>
        %swap3A_1024 = vector.shape_cast %mul3A_1014 : vector<16xf32> to vector<1x1x1x16xf32>
        tpu.vector_store %arg7[%swap3A_1018, %swap3A_1019, %swap3A_1020, %swap3A_1021], %swap3A_1024 {strides = array<i32>} : memref<3x4x4x2048xf32, #tpu.memory_space<vmem>>, vector<1x1x1x16xf32>,
        %get3A_1025 = arith.constant 1 : i32
        %get3A_1026 = arith.constant 1 : i32
        %get3A_1027 = arith.index_cast %get3A_1025 : i32 to index
        %get3A_1028 = arith.index_cast %get3A_1026 : i32 to index
        %get3A_1029 = arith.index_cast %mul3A_939 : i32 to index
        %get3A_1030 = tpu.vector_load %arg8[%get3A_1027, %get3A_1028, %get3A_1029] {strides = array<i32>} : memref<3x4x2048xf32, #tpu.memory_space<vmem>>, vector<1x1x16xf32>,
        %get3A_1031 = vector.shape_cast %get3A_1030 : vector<1x1x16xf32> to vector<16xf32>
        %get3A_1032 = arith.constant 1 : i32
        %get3A_1033 = arith.constant 0 : i32
        %get3A_1034 = arith.constant 1 : i32
        %get3A_1035 = arith.index_cast %get3A_1032 : i32 to index
        %get3A_1036 = arith.index_cast %get3A_1033 : i32 to index
        %get3A_1037 = arith.index_cast %get3A_1034 : i32 to index
        %get3A_1038 = arith.index_cast %mul3A_939 : i32 to index
        %get3A_1039 = tpu.vector_load %arg7[%get3A_1035, %get3A_1036, %get3A_1037, %get3A_1038] {strides = array<i32>} : memref<3x4x4x2048xf32, #tpu.memory_space<vmem>>, vector<1x1x1x16xf32>,
        %get3A_1040 = vector.shape_cast %get3A_1039 : vector<1x1x1x16xf32> to vector<16xf32>
        %mul3A_1041 = arith.mulf %get3A_1040, %get3A_1031 : vector<16xf32>
        %swap3A_1042 = arith.constant 1 : i32
        %swap3A_1043 = arith.constant 0 : i32
        %swap3A_1044 = arith.constant 1 : i32
        %swap3A_1045 = arith.index_cast %swap3A_1042 : i32 to index
        %swap3A_1046 = arith.index_cast %swap3A_1043 : i32 to index
        %swap3A_1047 = arith.index_cast %swap3A_1044 : i32 to index
        %swap3A_1048 = arith.index_cast %mul3A_939 : i32 to index
        %swap3A_1049 = tpu.vector_load %arg7[%swap3A_1045, %swap3A_1046, %swap3A_1047, %swap3A_1048] {strides = array<i32>} : memref<3x4x4x2048xf32, #tpu.memory_space<vmem>>, vector<1x1x1x16xf32>,
        %swap3A_1050 = vector.shape_cast %swap3A_1049 : vector<1x1x1x16xf32> to vector<16xf32>
        %swap3A_1051 = vector.shape_cast %mul3A_1041 : vector<16xf32> to vector<1x1x1x16xf32>
        tpu.vector_store %arg7[%swap3A_1045, %swap3A_1046, %swap3A_1047, %swap3A_1048], %swap3A_1051 {strides = array<i32>} : memref<3x4x4x2048xf32, #tpu.memory_space<vmem>>, vector<1x1x1x16xf32>,
        %get3A_1052 = arith.constant 1 : i32
        %get3A_1053 = arith.constant 1 : i32
        %get3A_1054 = arith.constant 1 : i32
        %get3A_1055 = arith.index_cast %get3A_1052 : i32 to index
        %get3A_1056 = arith.index_cast %get3A_1053 : i32 to index
        %get3A_1057 = arith.index_cast %get3A_1054 : i32 to index
        %get3A_1058 = arith.index_cast %mul3A_939 : i32 to index
        %get3A_1059 = tpu.vector_load %arg7[%get3A_1055, %get3A_1056, %get3A_1057, %get3A_1058] {strides = array<i32>} : memref<3x4x4x2048xf32, #tpu.memory_space<vmem>>, vector<1x1x1x16xf32>,
        %get3A_1060 = vector.shape_cast %get3A_1059 : vector<1x1x1x16xf32> to vector<16xf32>
        %mul3A_1061 = arith.mulf %get3A_1060, %get3A_1031 : vector<16xf32>
        %swap3A_1062 = arith.constant 1 : i32
        %swap3A_1063 = arith.constant 1 : i32
        %swap3A_1064 = arith.constant 1 : i32
        %swap3A_1065 = arith.index_cast %swap3A_1062 : i32 to index
        %swap3A_1066 = arith.index_cast %swap3A_1063 : i32 to index
        %swap3A_1067 = arith.index_cast %swap3A_1064 : i32 to index
        %swap3A_1068 = arith.index_cast %mul3A_939 : i32 to index
        %swap3A_1069 = tpu.vector_load %arg7[%swap3A_1065, %swap3A_1066, %swap3A_1067, %swap3A_1068] {strides = array<i32>} : memref<3x4x4x2048xf32, #tpu.memory_space<vmem>>, vector<1x1x1x16xf32>,
        %swap3A_1070 = vector.shape_cast %swap3A_1069 : vector<1x1x1x16xf32> to vector<16xf32>
        %swap3A_1071 = vector.shape_cast %mul3A_1061 : vector<16xf32> to vector<1x1x1x16xf32>
        tpu.vector_store %arg7[%swap3A_1065, %swap3A_1066, %swap3A_1067, %swap3A_1068], %swap3A_1071 {strides = array<i32>} : memref<3x4x4x2048xf32, #tpu.memory_space<vmem>>, vector<1x1x1x16xf32>,
        %get3A_1072 = arith.constant 1 : i32
        %get3A_1073 = arith.constant 2 : i32
        %get3A_1074 = arith.constant 1 : i32
        %get3A_1075 = arith.index_cast %get3A_1072 : i32 to index
        %get3A_1076 = arith.index_cast %get3A_1073 : i32 to index
        %get3A_1077 = arith.index_cast %get3A_1074 : i32 to index
        %get3A_1078 = arith.index_cast %mul3A_939 : i32 to index
        %get3A_1079 = tpu.vector_load %arg7[%get3A_1075, %get3A_1076, %get3A_1077, %get3A_1078] {strides = array<i32>} : memref<3x4x4x2048xf32, #tpu.memory_space<vmem>>, vector<1x1x1x16xf32>,
        %get3A_1080 = vector.shape_cast %get3A_1079 : vector<1x1x1x16xf32> to vector<16xf32>
        %mul3A_1081 = arith.mulf %get3A_1080, %get3A_1031 : vector<16xf32>
        %swap3A_1082 = arith.constant 1 : i32
        %swap3A_1083 = arith.constant 2 : i32
        %swap3A_1084 = arith.constant 1 : i32
        %swap3A_1085 = arith.index_cast %swap3A_1082 : i32 to index
        %swap3A_1086 = arith.index_cast %swap3A_1083 : i32 to index
        %swap3A_1087 = arith.index_cast %swap3A_1084 : i32 to index
        %swap3A_1088 = arith.index_cast %mul3A_939 : i32 to index
        %swap3A_1089 = tpu.vector_load %arg7[%swap3A_1085, %swap3A_1086, %swap3A_1087, %swap3A_1088] {strides = array<i32>} : memref<3x4x4x2048xf32, #tpu.memory_space<vmem>>, vector<1x1x1x16xf32>,
        %swap3A_1090 = vector.shape_cast %swap3A_1089 : vector<1x1x1x16xf32> to vector<16xf32>
        %swap3A_1091 = vector.shape_cast %mul3A_1081 : vector<16xf32> to vector<1x1x1x16xf32>
        tpu.vector_store %arg7[%swap3A_1085, %swap3A_1086, %swap3A_1087, %swap3A_1088], %swap3A_1091 {strides = array<i32>} : memref<3x4x4x2048xf32, #tpu.memory_space<vmem>>, vector<1x1x1x16xf32>,
        %get3A_1092 = arith.constant 1 : i32
        %get3A_1093 = arith.constant 3 : i32
        %get3A_1094 = arith.constant 1 : i32
        %get3A_1095 = arith.index_cast %get3A_1092 : i32 to index
        %get3A_1096 = arith.index_cast %get3A_1093 : i32 to index
        %get3A_1097 = arith.index_cast %get3A_1094 : i32 to index
        %get3A_1098 = arith.index_cast %mul3A_939 : i32 to index
        %get3A_1099 = tpu.vector_load %arg7[%get3A_1095, %get3A_1096, %get3A_1097, %get3A_1098] {strides = array<i32>} : memref<3x4x4x2048xf32, #tpu.memory_space<vmem>>, vector<1x1x1x16xf32>,
        %get3A_1100 = vector.shape_cast %get3A_1099 : vector<1x1x1x16xf32> to vector<16xf32>
        %mul3A_1101 = arith.mulf %get3A_1100, %get3A_1031 : vector<16xf32>
        %swap3A_1102 = arith.constant 1 : i32
        %swap3A_1103 = arith.constant 3 : i32
        %swap3A_1104 = arith.constant 1 : i32
        %swap3A_1105 = arith.index_cast %swap3A_1102 : i32 to index
        %swap3A_1106 = arith.index_cast %swap3A_1103 : i32 to index
        %swap3A_1107 = arith.index_cast %swap3A_1104 : i32 to index
        %swap3A_1108 = arith.index_cast %mul3A_939 : i32 to index
        %swap3A_1109 = tpu.vector_load %arg7[%swap3A_1105, %swap3A_1106, %swap3A_1107, %swap3A_1108] {strides = array<i32>} : memref<3x4x4x2048xf32, #tpu.memory_space<vmem>>, vector<1x1x1x16xf32>,
        %swap3A_1110 = vector.shape_cast %swap3A_1109 : vector<1x1x1x16xf32> to vector<16xf32>
        %swap3A_1111 = vector.shape_cast %mul3A_1101 : vector<16xf32> to vector<1x1x1x16xf32>
        tpu.vector_store %arg7[%swap3A_1105, %swap3A_1106, %swap3A_1107, %swap3A_1108], %swap3A_1111 {strides = array<i32>} : memref<3x4x4x2048xf32, #tpu.memory_space<vmem>>, vector<1x1x1x16xf32>,
        %get3A_1112 = arith.constant 1 : i32
        %get3A_1113 = arith.constant 2 : i32
        %get3A_1114 = arith.index_cast %get3A_1112 : i32 to index
        %get3A_1115 = arith.index_cast %get3A_1113 : i32 to index
        %get3A_1116 = arith.index_cast %mul3A_939 : i32 to index
        %get3A_1117 = tpu.vector_load %arg8[%get3A_1114, %get3A_1115, %get3A_1116] {strides = array<i32>} : memref<3x4x2048xf32, #tpu.memory_space<vmem>>, vector<1x1x16xf32>,
        %get3A_1118 = vector.shape_cast %get3A_1117 : vector<1x1x16xf32> to vector<16xf32>
        %get3A_1119 = arith.constant 1 : i32
        %get3A_1120 = arith.constant 0 : i32
        %get3A_1121 = arith.constant 2 : i32
        %get3A_1122 = arith.index_cast %get3A_1119 : i32 to index
        %get3A_1123 = arith.index_cast %get3A_1120 : i32 to index
        %get3A_1124 = arith.index_cast %get3A_1121 : i32 to index
        %get3A_1125 = arith.index_cast %mul3A_939 : i32 to index
        %get3A_1126 = tpu.vector_load %arg7[%get3A_1122, %get3A_1123, %get3A_1124, %get3A_1125] {strides = array<i32>} : memref<3x4x4x2048xf32, #tpu.memory_space<vmem>>, vector<1x1x1x16xf32>,
        %get3A_1127 = vector.shape_cast %get3A_1126 : vector<1x1x1x16xf32> to vector<16xf32>
        %mul3A_1128 = arith.mulf %get3A_1127, %get3A_1118 : vector<16xf32>
        %swap3A_1129 = arith.constant 1 : i32
        %swap3A_1130 = arith.constant 0 : i32
        %swap3A_1131 = arith.constant 2 : i32
        %swap3A_1132 = arith.index_cast %swap3A_1129 : i32 to index
        %swap3A_1133 = arith.index_cast %swap3A_1130 : i32 to index
        %swap3A_1134 = arith.index_cast %swap3A_1131 : i32 to index
        %swap3A_1135 = arith.index_cast %mul3A_939 : i32 to index
        %swap3A_1136 = tpu.vector_load %arg7[%swap3A_1132, %swap3A_1133, %swap3A_1134, %swap3A_1135] {strides = array<i32>} : memref<3x4x4x2048xf32, #tpu.memory_space<vmem>>, vector<1x1x1x16xf32>,
        %swap3A_1137 = vector.shape_cast %swap3A_1136 : vector<1x1x1x16xf32> to vector<16xf32>
        %swap3A_1138 = vector.shape_cast %mul3A_1128 : vector<16xf32> to vector<1x1x1x16xf32>
        tpu.vector_store %arg7[%swap3A_1132, %swap3A_1133, %swap3A_1134, %swap3A_1135], %swap3A_1138 {strides = array<i32>} : memref<3x4x4x2048xf32, #tpu.memory_space<vmem>>, vector<1x1x1x16xf32>,
        %get3A_1139 = arith.constant 1 : i32
        %get3A_1140 = arith.constant 1 : i32
        %get3A_1141 = arith.constant 2 : i32
        %get3A_1142 = arith.index_cast %get3A_1139 : i32 to index
        %get3A_1143 = arith.index_cast %get3A_1140 : i32 to index
        %get3A_1144 = arith.index_cast %get3A_1141 : i32 to index
        %get3A_1145 = arith.index_cast %mul3A_939 : i32 to index
        %get3A_1146 = tpu.vector_load %arg7[%get3A_1142, %get3A_1143, %get3A_1144, %get3A_1145] {strides = array<i32>} : memref<3x4x4x2048xf32, #tpu.memory_space<vmem>>, vector<1x1x1x16xf32>,
        %get3A_1147 = vector.shape_cast %get3A_1146 : vector<1x1x1x16xf32> to vector<16xf32>
        %mul3A_1148 = arith.mulf %get3A_1147, %get3A_1118 : vector<16xf32>
        %swap3A_1149 = arith.constant 1 : i32
        %swap3A_1150 = arith.constant 1 : i32
        %swap3A_1151 = arith.constant 2 : i32
        %swap3A_1152 = arith.index_cast %swap3A_1149 : i32 to index
        %swap3A_1153 = arith.index_cast %swap3A_1150 : i32 to index
        %swap3A_1154 = arith.index_cast %swap3A_1151 : i32 to index
        %swap3A_1155 = arith.index_cast %mul3A_939 : i32 to index
        %swap3A_1156 = tpu.vector_load %arg7[%swap3A_1152, %swap3A_1153, %swap3A_1154, %swap3A_1155] {strides = array<i32>} : memref<3x4x4x2048xf32, #tpu.memory_space<vmem>>, vector<1x1x1x16xf32>,
        %swap3A_1157 = vector.shape_cast %swap3A_1156 : vector<1x1x1x16xf32> to vector<16xf32>
        %swap3A_1158 = vector.shape_cast %mul3A_1148 : vector<16xf32> to vector<1x1x1x16xf32>
        tpu.vector_store %arg7[%swap3A_1152, %swap3A_1153, %swap3A_1154, %swap3A_1155], %swap3A_1158 {strides = array<i32>} : memref<3x4x4x2048xf32, #tpu.memory_space<vmem>>, vector<1x1x1x16xf32>,
        %get3A_1159 = arith.constant 1 : i32
        %get3A_1160 = arith.constant 2 : i32
        %get3A_1161 = arith.constant 2 : i32
        %get3A_1162 = arith.index_cast %get3A_1159 : i32 to index
        %get3A_1163 = arith.index_cast %get3A_1160 : i32 to index
        %get3A_1164 = arith.index_cast %get3A_1161 : i32 to index
        %get3A_1165 = arith.index_cast %mul3A_939 : i32 to index
        %get3A_1166 = tpu.vector_load %arg7[%get3A_1162, %get3A_1163, %get3A_1164, %get3A_1165] {strides = array<i32>} : memref<3x4x4x2048xf32, #tpu.memory_space<vmem>>, vector<1x1x1x16xf32>,
        %get3A_1167 = vector.shape_cast %get3A_1166 : vector<1x1x1x16xf32> to vector<16xf32>
        %mul3A_1168 = arith.mulf %get3A_1167, %get3A_1118 : vector<16xf32>
        %swap3A_1169 = arith.constant 1 : i32
        %swap3A_1170 = arith.constant 2 : i32
        %swap3A_1171 = arith.constant 2 : i32
        %swap3A_1172 = arith.index_cast %swap3A_1169 : i32 to index
        %swap3A_1173 = arith.index_cast %swap3A_1170 : i32 to index
        %swap3A_1174 = arith.index_cast %swap3A_1171 : i32 to index
        %swap3A_1175 = arith.index_cast %mul3A_939 : i32 to index
        %swap3A_1176 = tpu.vector_load %arg7[%swap3A_1172, %swap3A_1173, %swap3A_1174, %swap3A_1175] {strides = array<i32>} : memref<3x4x4x2048xf32, #tpu.memory_space<vmem>>, vector<1x1x1x16xf32>,
        %swap3A_1177 = vector.shape_cast %swap3A_1176 : vector<1x1x1x16xf32> to vector<16xf32>
        %swap3A_1178 = vector.shape_cast %mul3A_1168 : vector<16xf32> to vector<1x1x1x16xf32>
        tpu.vector_store %arg7[%swap3A_1172, %swap3A_1173, %swap3A_1174, %swap3A_1175], %swap3A_1178 {strides = array<i32>} : memref<3x4x4x2048xf32, #tpu.memory_space<vmem>>, vector<1x1x1x16xf32>,
        %get3A_1179 = arith.constant 1 : i32
        %get3A_1180 = arith.constant 3 : i32
        %get3A_1181 = arith.constant 2 : i32
        %get3A_1182 = arith.index_cast %get3A_1179 : i32 to index
        %get3A_1183 = arith.index_cast %get3A_1180 : i32 to index
        %get3A_1184 = arith.index_cast %get3A_1181 : i32 to index
        %get3A_1185 = arith.index_cast %mul3A_939 : i32 to index
        %get3A_1186 = tpu.vector_load %arg7[%get3A_1182, %get3A_1183, %get3A_1184, %get3A_1185] {strides = array<i32>} : memref<3x4x4x2048xf32, #tpu.memory_space<vmem>>, vector<1x1x1x16xf32>,
        %get3A_1187 = vector.shape_cast %get3A_1186 : vector<1x1x1x16xf32> to vector<16xf32>
        %mul3A_1188 = arith.mulf %get3A_1187, %get3A_1118 : vector<16xf32>
        %swap3A_1189 = arith.constant 1 : i32
        %swap3A_1190 = arith.constant 3 : i32
        %swap3A_1191 = arith.constant 2 : i32
        %swap3A_1192 = arith.index_cast %swap3A_1189 : i32 to index
        %swap3A_1193 = arith.index_cast %swap3A_1190 : i32 to index
        %swap3A_1194 = arith.index_cast %swap3A_1191 : i32 to index
        %swap3A_1195 = arith.index_cast %mul3A_939 : i32 to index
        %swap3A_1196 = tpu.vector_load %arg7[%swap3A_1192, %swap3A_1193, %swap3A_1194, %swap3A_1195] {strides = array<i32>} : memref<3x4x4x2048xf32, #tpu.memory_space<vmem>>, vector<1x1x1x16xf32>,
        %swap3A_1197 = vector.shape_cast %swap3A_1196 : vector<1x1x1x16xf32> to vector<16xf32>
        %swap3A_1198 = vector.shape_cast %mul3A_1188 : vector<16xf32> to vector<1x1x1x16xf32>
        tpu.vector_store %arg7[%swap3A_1192, %swap3A_1193, %swap3A_1194, %swap3A_1195], %swap3A_1198 {strides = array<i32>} : memref<3x4x4x2048xf32, #tpu.memory_space<vmem>>, vector<1x1x1x16xf32>,
        %get3A_1199 = arith.constant 1 : i32
        %get3A_1200 = arith.constant 3 : i32
        %get3A_1201 = arith.index_cast %get3A_1199 : i32 to index
        %get3A_1202 = arith.index_cast %get3A_1200 : i32 to index
        %get3A_1203 = arith.index_cast %mul3A_939 : i32 to index
        %get3A_1204 = tpu.vector_load %arg8[%get3A_1201, %get3A_1202, %get3A_1203] {strides = array<i32>} : memref<3x4x2048xf32, #tpu.memory_space<vmem>>, vector<1x1x16xf32>,
        %get3A_1205 = vector.shape_cast %get3A_1204 : vector<1x1x16xf32> to vector<16xf32>
        %get3A_1206 = arith.constant 1 : i32
        %get3A_1207 = arith.constant 0 : i32
        %get3A_1208 = arith.constant 3 : i32
        %get3A_1209 = arith.index_cast %get3A_1206 : i32 to index
        %get3A_1210 = arith.index_cast %get3A_1207 : i32 to index
        %get3A_1211 = arith.index_cast %get3A_1208 : i32 to index
        %get3A_1212 = arith.index_cast %mul3A_939 : i32 to index
        %get3A_1213 = tpu.vector_load %arg7[%get3A_1209, %get3A_1210, %get3A_1211, %get3A_1212] {strides = array<i32>} : memref<3x4x4x2048xf32, #tpu.memory_space<vmem>>, vector<1x1x1x16xf32>,
        %get3A_1214 = vector.shape_cast %get3A_1213 : vector<1x1x1x16xf32> to vector<16xf32>
        %mul3A_1215 = arith.mulf %get3A_1214, %get3A_1205 : vector<16xf32>
        %swap3A_1216 = arith.constant 1 : i32
        %swap3A_1217 = arith.constant 0 : i32
        %swap3A_1218 = arith.constant 3 : i32
        %swap3A_1219 = arith.index_cast %swap3A_1216 : i32 to index
        %swap3A_1220 = arith.index_cast %swap3A_1217 : i32 to index
        %swap3A_1221 = arith.index_cast %swap3A_1218 : i32 to index
        %swap3A_1222 = arith.index_cast %mul3A_939 : i32 to index
        %swap3A_1223 = tpu.vector_load %arg7[%swap3A_1219, %swap3A_1220, %swap3A_1221, %swap3A_1222] {strides = array<i32>} : memref<3x4x4x2048xf32, #tpu.memory_space<vmem>>, vector<1x1x1x16xf32>,
        %swap3A_1224 = vector.shape_cast %swap3A_1223 : vector<1x1x1x16xf32> to vector<16xf32>
        %swap3A_1225 = vector.shape_cast %mul3A_1215 : vector<16xf32> to vector<1x1x1x16xf32>
        tpu.vector_store %arg7[%swap3A_1219, %swap3A_1220, %swap3A_1221, %swap3A_1222], %swap3A_1225 {strides = array<i32>} : memref<3x4x4x2048xf32, #tpu.memory_space<vmem>>, vector<1x1x1x16xf32>,
        %get3A_1226 = arith.constant 1 : i32
        %get3A_1227 = arith.constant 1 : i32
        %get3A_1228 = arith.constant 3 : i32
        %get3A_1229 = arith.index_cast %get3A_1226 : i32 to index
        %get3A_1230 = arith.index_cast %get3A_1227 : i32 to index
        %get3A_1231 = arith.index_cast %get3A_1228 : i32 to index
        %get3A_1232 = arith.index_cast %mul3A_939 : i32 to index
        %get3A_1233 = tpu.vector_load %arg7[%get3A_1229, %get3A_1230, %get3A_1231, %get3A_1232] {strides = array<i32>} : memref<3x4x4x2048xf32, #tpu.memory_space<vmem>>, vector<1x1x1x16xf32>,
        %get3A_1234 = vector.shape_cast %get3A_1233 : vector<1x1x1x16xf32> to vector<16xf32>
        %mul3A_1235 = arith.mulf %get3A_1234, %get3A_1205 : vector<16xf32>
        %swap3A_1236 = arith.constant 1 : i32
        %swap3A_1237 = arith.constant 1 : i32
        %swap3A_1238 = arith.constant 3 : i32
        %swap3A_1239 = arith.index_cast %swap3A_1236 : i32 to index
        %swap3A_1240 = arith.index_cast %swap3A_1237 : i32 to index
        %swap3A_1241 = arith.index_cast %swap3A_1238 : i32 to index
        %swap3A_1242 = arith.index_cast %mul3A_939 : i32 to index
        %swap3A_1243 = tpu.vector_load %arg7[%swap3A_1239, %swap3A_1240, %swap3A_1241, %swap3A_1242] {strides = array<i32>} : memref<3x4x4x2048xf32, #tpu.memory_space<vmem>>, vector<1x1x1x16xf32>,
        %swap3A_1244 = vector.shape_cast %swap3A_1243 : vector<1x1x1x16xf32> to vector<16xf32>
        %swap3A_1245 = vector.shape_cast %mul3A_1235 : vector<16xf32> to vector<1x1x1x16xf32>
        tpu.vector_store %arg7[%swap3A_1239, %swap3A_1240, %swap3A_1241, %swap3A_1242], %swap3A_1245 {strides = array<i32>} : memref<3x4x4x2048xf32, #tpu.memory_space<vmem>>, vector<1x1x1x16xf32>,
        %get3A_1246 = arith.constant 1 : i32
        %get3A_1247 = arith.constant 2 : i32
        %get3A_1248 = arith.constant 3 : i32
        %get3A_1249 = arith.index_cast %get3A_1246 : i32 to index
        %get3A_1250 = arith.index_cast %get3A_1247 : i32 to index
        %get3A_1251 = arith.index_cast %get3A_1248 : i32 to index
        %get3A_1252 = arith.index_cast %mul3A_939 : i32 to index
        %get3A_1253 = tpu.vector_load %arg7[%get3A_1249, %get3A_1250, %get3A_1251, %get3A_1252] {strides = array<i32>} : memref<3x4x4x2048xf32, #tpu.memory_space<vmem>>, vector<1x1x1x16xf32>,
        %get3A_1254 = vector.shape_cast %get3A_1253 : vector<1x1x1x16xf32> to vector<16xf32>
        %mul3A_1255 = arith.mulf %get3A_1254, %get3A_1205 : vector<16xf32>
        %swap3A_1256 = arith.constant 1 : i32
        %swap3A_1257 = arith.constant 2 : i32
        %swap3A_1258 = arith.constant 3 : i32
        %swap3A_1259 = arith.index_cast %swap3A_1256 : i32 to index
        %swap3A_1260 = arith.index_cast %swap3A_1257 : i32 to index
        %swap3A_1261 = arith.index_cast %swap3A_1258 : i32 to index
        %swap3A_1262 = arith.index_cast %mul3A_939 : i32 to index
        %swap3A_1263 = tpu.vector_load %arg7[%swap3A_1259, %swap3A_1260, %swap3A_1261, %swap3A_1262] {strides = array<i32>} : memref<3x4x4x2048xf32, #tpu.memory_space<vmem>>, vector<1x1x1x16xf32>,
        %swap3A_1264 = vector.shape_cast %swap3A_1263 : vector<1x1x1x16xf32> to vector<16xf32>
        %swap3A_1265 = vector.shape_cast %mul3A_1255 : vector<16xf32> to vector<1x1x1x16xf32>
        tpu.vector_store %arg7[%swap3A_1259, %swap3A_1260, %swap3A_1261, %swap3A_1262], %swap3A_1265 {strides = array<i32>} : memref<3x4x4x2048xf32, #tpu.memory_space<vmem>>, vector<1x1x1x16xf32>,
        %get3A_1266 = arith.constant 1 : i32
        %get3A_1267 = arith.constant 3 : i32
        %get3A_1268 = arith.constant 3 : i32
        %get3A_1269 = arith.index_cast %get3A_1266 : i32 to index
        %get3A_1270 = arith.index_cast %get3A_1267 : i32 to index
        %get3A_1271 = arith.index_cast %get3A_1268 : i32 to index
        %get3A_1272 = arith.index_cast %mul3A_939 : i32 to index
        %get3A_1273 = tpu.vector_load %arg7[%get3A_1269, %get3A_1270, %get3A_1271, %get3A_1272] {strides = array<i32>} : memref<3x4x4x2048xf32, #tpu.memory_space<vmem>>, vector<1x1x1x16xf32>,
        %get3A_1274 = vector.shape_cast %get3A_1273 : vector<1x1x1x16xf32> to vector<16xf32>
        %mul3A_1275 = arith.mulf %get3A_1274, %get3A_1205 : vector<16xf32>
        %swap3A_1276 = arith.constant 1 : i32
        %swap3A_1277 = arith.constant 3 : i32
        %swap3A_1278 = arith.constant 3 : i32
        %swap3A_1279 = arith.index_cast %swap3A_1276 : i32 to index
        %swap3A_1280 = arith.index_cast %swap3A_1277 : i32 to index
        %swap3A_1281 = arith.index_cast %swap3A_1278 : i32 to index
        %swap3A_1282 = arith.index_cast %mul3A_939 : i32 to index
        %swap3A_1283 = tpu.vector_load %arg7[%swap3A_1279, %swap3A_1280, %swap3A_1281, %swap3A_1282] {strides = array<i32>} : memref<3x4x4x2048xf32, #tpu.memory_space<vmem>>, vector<1x1x1x16xf32>,
        %swap3A_1284 = vector.shape_cast %swap3A_1283 : vector<1x1x1x16xf32> to vector<16xf32>
        %swap3A_1285 = vector.shape_cast %mul3A_1275 : vector<16xf32> to vector<1x1x1x16xf32>
        tpu.vector_store %arg7[%swap3A_1279, %swap3A_1280, %swap3A_1281, %swap3A_1282], %swap3A_1285 {strides = array<i32>} : memref<3x4x4x2048xf32, #tpu.memory_space<vmem>>, vector<1x1x1x16xf32>,
        %scan3A_1286 = arith.constant 0 : i32
        scf.yield %scan3A_1286 : i32
      }
      %scan3A_692 = arith.constant 128 : i32
      %add3A_693 = arith.constant 0 : i32
      %add3A_694 = arith.addi %add3A_693, %mul3A_2 : i32
      %mul3A_695 = arith.constant 4 : i32
      %mul3A_696 = arith.muli %add3A_606, %mul3A_695 : i32
      %add3A_697 = arith.addi %add3A_694, %mul3A_696 : i32
      %add3A_698 = arith.constant 2048 : i32
      %add3A_699 = arith.addi %add3A_698, %mul3A_2 : i32
      %mul3A_700 = arith.constant 4 : i32
      %mul3A_701 = arith.muli %add3A_606, %mul3A_700 : i32
      %add3A_702 = arith.addi %add3A_699, %mul3A_701 : i32
      %add3A_703 = arith.constant 4096 : i32
      %add3A_704 = arith.addi %add3A_703, %mul3A_2 : i32
      %mul3A_705 = arith.constant 4 : i32
      %mul3A_706 = arith.muli %add3A_606, %mul3A_705 : i32
      %add3A_707 = arith.addi %add3A_704, %mul3A_706 : i32
      %add3A_708 = arith.constant 6144 : i32
      %add3A_709 = arith.addi %add3A_708, %mul3A_2 : i32
      %mul3A_710 = arith.constant 4 : i32
      %mul3A_711 = arith.muli %add3A_606, %mul3A_710 : i32
      %add3A_712 = arith.addi %add3A_709, %mul3A_711 : i32
      %dma_start3A_713 = arith.constant 1 : i32
      %dma_start3A_714 = arith.constant 0 : i32
      %dma_start3A_715 = arith.constant 0 : i32
      %dma_start3A_716 = arith.constant 0 : i32
      %dma_start3A_717 = tpu.memref_slice %arg7[%dma_start3A_713, %dma_start3A_714, %dma_start3A_715, %dma_start3A_716] : memref<3x4x4x2048xf32, #tpu.memory_space<vmem>> -> memref<1x1x4x2048xf32, #tpu.memory_space<vmem>>
      %dma_start3A_718 = tpu.memref_squeeze %dma_start3A_717 : memref<1x1x4x2048xf32, #tpu.memory_space<vmem>> -> memref<4x2048xf32, #tpu.memory_space<vmem>>
      %dma_start3A_719 = arith.constant 0 : i32
      %dma_start3A_720 = tpu.memref_slice %arg5[%add3A_697, %dma_start3A_719] : memref<8192x2048xf32, #tpu.memory_space<hbm>> -> memref<4x2048xf32, #tpu.memory_space<hbm>>
      %dma_start3A_721 = arith.constant 0 : i32
      %dma_start3A_722 = tpu.memref_slice %arg5[%add3A_697, %dma_start3A_721] : memref<8192x2048xf32, #tpu.memory_space<hbm>> -> memref<4x2048xf32, #tpu.memory_space<hbm>>
      %dma_start3A_723 = arith.constant 0 : i32
      %dma_start3A_724 = arith.constant 0 : i32
      %dma_start3A_725 = tpu.memref_slice %arg7[%dma_start3A_713, %dma_start3A_714, %dma_start3A_723, %dma_start3A_724] : memref<3x4x4x2048xf32, #tpu.memory_space<vmem>> -> memref<1x1x4x2048xf32, #tpu.memory_space<vmem>>
      %dma_start3A_726 = tpu.memref_squeeze %dma_start3A_725 : memref<1x1x4x2048xf32, #tpu.memory_space<vmem>> -> memref<4x2048xf32, #tpu.memory_space<vmem>>
      tpu.enqueue_dma source(%dma_start3A_726 : memref<4x2048xf32, #tpu.memory_space<vmem>>) target(%dma_start3A_722 : memref<4x2048xf32, #tpu.memory_space<hbm>>) target_semaphore(%arg13 : memref<!tpu.dma_semaphore, #tpu.memory_space<semaphore_mem>>)
      %dma_start3A_727 = arith.constant 1 : i32
      %dma_start3A_728 = arith.constant 1 : i32
      %dma_start3A_729 = arith.constant 0 : i32
      %dma_start3A_730 = arith.constant 0 : i32
      %dma_start3A_731 = tpu.memref_slice %arg7[%dma_start3A_727, %dma_start3A_728, %dma_start3A_729, %dma_start3A_730] : memref<3x4x4x2048xf32, #tpu.memory_space<vmem>> -> memref<1x1x4x2048xf32, #tpu.memory_space<vmem>>
      %dma_start3A_732 = tpu.memref_squeeze %dma_start3A_731 : memref<1x1x4x2048xf32, #tpu.memory_space<vmem>> -> memref<4x2048xf32, #tpu.memory_space<vmem>>
      %dma_start3A_733 = arith.constant 0 : i32
      %dma_start3A_734 = tpu.memref_slice %arg5[%add3A_702, %dma_start3A_733] : memref<8192x2048xf32, #tpu.memory_space<hbm>> -> memref<4x2048xf32, #tpu.memory_space<hbm>>
      %dma_start3A_735 = arith.constant 0 : i32
      %dma_start3A_736 = tpu.memref_slice %arg5[%add3A_702, %dma_start3A_735] : memref<8192x2048xf32, #tpu.memory_space<hbm>> -> memref<4x2048xf32, #tpu.memory_space<hbm>>
      %dma_start3A_737 = arith.constant 0 : i32
      %dma_start3A_738 = arith.constant 0 : i32
      %dma_start3A_739 = tpu.memref_slice %arg7[%dma_start3A_727, %dma_start3A_728, %dma_start3A_737, %dma_start3A_738] : memref<3x4x4x2048xf32, #tpu.memory_space<vmem>> -> memref<1x1x4x2048xf32, #tpu.memory_space<vmem>>
      %dma_start3A_740 = tpu.memref_squeeze %dma_start3A_739 : memref<1x1x4x2048xf32, #tpu.memory_space<vmem>> -> memref<4x2048xf32, #tpu.memory_space<vmem>>
      tpu.enqueue_dma source(%dma_start3A_740 : memref<4x2048xf32, #tpu.memory_space<vmem>>) target(%dma_start3A_736 : memref<4x2048xf32, #tpu.memory_space<hbm>>) target_semaphore(%arg13 : memref<!tpu.dma_semaphore, #tpu.memory_space<semaphore_mem>>)
      %dma_start3A_741 = arith.constant 1 : i32
      %dma_start3A_742 = arith.constant 2 : i32
      %dma_start3A_743 = arith.constant 0 : i32
      %dma_start3A_744 = arith.constant 0 : i32
      %dma_start3A_745 = tpu.memref_slice %arg7[%dma_start3A_741, %dma_start3A_742, %dma_start3A_743, %dma_start3A_744] : memref<3x4x4x2048xf32, #tpu.memory_space<vmem>> -> memref<1x1x4x2048xf32, #tpu.memory_space<vmem>>
      %dma_start3A_746 = tpu.memref_squeeze %dma_start3A_745 : memref<1x1x4x2048xf32, #tpu.memory_space<vmem>> -> memref<4x2048xf32, #tpu.memory_space<vmem>>
      %dma_start3A_747 = arith.constant 0 : i32
      %dma_start3A_748 = tpu.memref_slice %arg5[%add3A_707, %dma_start3A_747] : memref<8192x2048xf32, #tpu.memory_space<hbm>> -> memref<4x2048xf32, #tpu.memory_space<hbm>>
      %dma_start3A_749 = arith.constant 0 : i32
      %dma_start3A_750 = tpu.memref_slice %arg5[%add3A_707, %dma_start3A_749] : memref<8192x2048xf32, #tpu.memory_space<hbm>> -> memref<4x2048xf32, #tpu.memory_space<hbm>>
      %dma_start3A_751 = arith.constant 0 : i32
      %dma_start3A_752 = arith.constant 0 : i32
      %dma_start3A_753 = tpu.memref_slice %arg7[%dma_start3A_741, %dma_start3A_742, %dma_start3A_751, %dma_start3A_752] : memref<3x4x4x2048xf32, #tpu.memory_space<vmem>> -> memref<1x1x4x2048xf32, #tpu.memory_space<vmem>>
      %dma_start3A_754 = tpu.memref_squeeze %dma_start3A_753 : memref<1x1x4x2048xf32, #tpu.memory_space<vmem>> -> memref<4x2048xf32, #tpu.memory_space<vmem>>
      tpu.enqueue_dma source(%dma_start3A_754 : memref<4x2048xf32, #tpu.memory_space<vmem>>) target(%dma_start3A_750 : memref<4x2048xf32, #tpu.memory_space<hbm>>) target_semaphore(%arg13 : memref<!tpu.dma_semaphore, #tpu.memory_space<semaphore_mem>>)
      %dma_start3A_755 = arith.constant 1 : i32
      %dma_start3A_756 = arith.constant 3 : i32
      %dma_start3A_757 = arith.constant 0 : i32
      %dma_start3A_758 = arith.constant 0 : i32
      %dma_start3A_759 = tpu.memref_slice %arg7[%dma_start3A_755, %dma_start3A_756, %dma_start3A_757, %dma_start3A_758] : memref<3x4x4x2048xf32, #tpu.memory_space<vmem>> -> memref<1x1x4x2048xf32, #tpu.memory_space<vmem>>
      %dma_start3A_760 = tpu.memref_squeeze %dma_start3A_759 : memref<1x1x4x2048xf32, #tpu.memory_space<vmem>> -> memref<4x2048xf32, #tpu.memory_space<vmem>>
      %dma_start3A_761 = arith.constant 0 : i32
      %dma_start3A_762 = tpu.memref_slice %arg5[%add3A_712, %dma_start3A_761] : memref<8192x2048xf32, #tpu.memory_space<hbm>> -> memref<4x2048xf32, #tpu.memory_space<hbm>>
      %dma_start3A_763 = arith.constant 0 : i32
      %dma_start3A_764 = tpu.memref_slice %arg5[%add3A_712, %dma_start3A_763] : memref<8192x2048xf32, #tpu.memory_space<hbm>> -> memref<4x2048xf32, #tpu.memory_space<hbm>>
      %dma_start3A_765 = arith.constant 0 : i32
      %dma_start3A_766 = arith.constant 0 : i32
      %dma_start3A_767 = tpu.memref_slice %arg7[%dma_start3A_755, %dma_start3A_756, %dma_start3A_765, %dma_start3A_766] : memref<3x4x4x2048xf32, #tpu.memory_space<vmem>> -> memref<1x1x4x2048xf32, #tpu.memory_space<vmem>>
      %dma_start3A_768 = tpu.memref_squeeze %dma_start3A_767 : memref<1x1x4x2048xf32, #tpu.memory_space<vmem>> -> memref<4x2048xf32, #tpu.memory_space<vmem>>
      tpu.enqueue_dma source(%dma_start3A_768 : memref<4x2048xf32, #tpu.memory_space<vmem>>) target(%dma_start3A_764 : memref<4x2048xf32, #tpu.memory_space<hbm>>) target_semaphore(%arg13 : memref<!tpu.dma_semaphore, #tpu.memory_space<semaphore_mem>>)
      %mul3A_769 = arith.constant 3 : i32
      %mul3A_770 = arith.muli %mul3A_769, %scan3A_438 : i32
      %add3A_771 = arith.constant 2 : i32
      %add3A_772 = arith.addi %mul3A_770, %add3A_771 : i32
      %add3A_773 = arith.constant 1 : i32
      %add3A_774 = arith.addi %add3A_772, %add3A_773 : i32
      %lt3A_775 = arith.constant 16 : i32
      %lt3A_776 = arith.cmpi slt, %add3A_774, %lt3A_775 : i32
      %convert_element_type3A_777 = arith.extui %lt3A_776 : i1 to i32
      %cond3A_778 = arith.constant 0 : i32
      %cond3A_779 = arith.cmpi ne, %convert_element_type3A_777, %cond3A_778 : i32
      scf.if %cond3A_779 {
        %ge3A = arith.constant 2 : i32
        %ge3A_936 = arith.cmpi sge, %add3A_772, %ge3A : i32
        %convert_element_type3A_937 = arith.extui %ge3A_936 : i1 to i32
        %cond3A_938 = arith.constant 0 : i32
        %cond3A_939 = arith.cmpi ne, %convert_element_type3A_937, %cond3A_938 : i32
        scf.if %cond3A_939 {
          %sub3A = arith.constant 2 : i32
          %sub3A_1014 = arith.subi %add3A_772, %sub3A : i32
          %add3A_1015 = arith.constant 0 : i32
          %add3A_1016 = arith.addi %add3A_1015, %mul3A_2 : i32
          %mul3A_1017 = arith.constant 4 : i32
          %mul3A_1018 = arith.muli %sub3A_1014, %mul3A_1017 : i32
          %add3A_1019 = arith.addi %add3A_1016, %mul3A_1018 : i32
          %add3A_1020 = arith.constant 2048 : i32
          %add3A_1021 = arith.addi %add3A_1020, %mul3A_2 : i32
          %mul3A_1022 = arith.constant 4 : i32
          %mul3A_1023 = arith.muli %sub3A_1014, %mul3A_1022 : i32
          %add3A_1024 = arith.addi %add3A_1021, %mul3A_1023 : i32
          %add3A_1025 = arith.constant 4096 : i32
          %add3A_1026 = arith.addi %add3A_1025, %mul3A_2 : i32
          %mul3A_1027 = arith.constant 4 : i32
          %mul3A_1028 = arith.muli %sub3A_1014, %mul3A_1027 : i32
          %add3A_1029 = arith.addi %add3A_1026, %mul3A_1028 : i32
          %add3A_1030 = arith.constant 6144 : i32
          %add3A_1031 = arith.addi %add3A_1030, %mul3A_2 : i32
          %mul3A_1032 = arith.constant 4 : i32
          %mul3A_1033 = arith.muli %sub3A_1014, %mul3A_1032 : i32
          %add3A_1034 = arith.addi %add3A_1031, %mul3A_1033 : i32
          %dma_wait3A_1035 = arith.constant 0 : i32
          %dma_wait3A_1036 = arith.constant 0 : i32
          %dma_wait3A_1037 = arith.constant 0 : i32
          %dma_wait3A_1038 = arith.constant 0 : i32
          %dma_wait3A_1039 = tpu.memref_slice %arg7[%dma_wait3A_1035, %dma_wait3A_1036, %dma_wait3A_1037, %dma_wait3A_1038] : memref<3x4x4x2048xf32, #tpu.memory_space<vmem>> -> memref<1x1x4x2048xf32, #tpu.memory_space<vmem>>
          %dma_wait3A_1040 = tpu.memref_squeeze %dma_wait3A_1039 : memref<1x1x4x2048xf32, #tpu.memory_space<vmem>> -> memref<4x2048xf32, #tpu.memory_space<vmem>>
          %dma_wait3A_1041 = arith.constant 0 : i32
          %dma_wait3A_1042 = tpu.memref_slice %arg5[%add3A_1019, %dma_wait3A_1041] : memref<8192x2048xf32, #tpu.memory_space<hbm>> -> memref<4x2048xf32, #tpu.memory_space<hbm>>
          %dma_wait3A_1043 = arith.constant 0 : i32
          %dma_wait3A_1044 = tpu.memref_slice %arg5[%add3A_1019, %dma_wait3A_1043] : memref<8192x2048xf32, #tpu.memory_space<hbm>> -> memref<4x2048xf32, #tpu.memory_space<hbm>>
          %dma_wait3A_1045 = arith.constant 0 : i32
          %dma_wait3A_1046 = arith.constant 0 : i32
          %dma_wait3A_1047 = tpu.memref_slice %arg7[%dma_wait3A_1035, %dma_wait3A_1036, %dma_wait3A_1045, %dma_wait3A_1046] : memref<3x4x4x2048xf32, #tpu.memory_space<vmem>> -> memref<1x1x4x2048xf32, #tpu.memory_space<vmem>>
          %dma_wait3A_1048 = tpu.memref_squeeze %dma_wait3A_1047 : memref<1x1x4x2048xf32, #tpu.memory_space<vmem>> -> memref<4x2048xf32, #tpu.memory_space<vmem>>
          tpu.wait_dma2 semaphore(%arg12 : memref<!tpu.dma_semaphore, #tpu.memory_space<semaphore_mem>>) src(%dma_wait3A_1048 : memref<4x2048xf32, #tpu.memory_space<vmem>>) dst(%dma_wait3A_1044 : memref<4x2048xf32, #tpu.memory_space<hbm>>)
          %dma_wait3A_1049 = arith.constant 0 : i32
          %dma_wait3A_1050 = arith.constant 1 : i32
          %dma_wait3A_1051 = arith.constant 0 : i32
          %dma_wait3A_1052 = arith.constant 0 : i32
          %dma_wait3A_1053 = tpu.memref_slice %arg7[%dma_wait3A_1049, %dma_wait3A_1050, %dma_wait3A_1051, %dma_wait3A_1052] : memref<3x4x4x2048xf32, #tpu.memory_space<vmem>> -> memref<1x1x4x2048xf32, #tpu.memory_space<vmem>>
          %dma_wait3A_1054 = tpu.memref_squeeze %dma_wait3A_1053 : memref<1x1x4x2048xf32, #tpu.memory_space<vmem>> -> memref<4x2048xf32, #tpu.memory_space<vmem>>
          %dma_wait3A_1055 = arith.constant 0 : i32
          %dma_wait3A_1056 = tpu.memref_slice %arg5[%add3A_1024, %dma_wait3A_1055] : memref<8192x2048xf32, #tpu.memory_space<hbm>> -> memref<4x2048xf32, #tpu.memory_space<hbm>>
          %dma_wait3A_1057 = arith.constant 0 : i32
          %dma_wait3A_1058 = tpu.memref_slice %arg5[%add3A_1024, %dma_wait3A_1057] : memref<8192x2048xf32, #tpu.memory_space<hbm>> -> memref<4x2048xf32, #tpu.memory_space<hbm>>
          %dma_wait3A_1059 = arith.constant 0 : i32
          %dma_wait3A_1060 = arith.constant 0 : i32
          %dma_wait3A_1061 = tpu.memref_slice %arg7[%dma_wait3A_1049, %dma_wait3A_1050, %dma_wait3A_1059, %dma_wait3A_1060] : memref<3x4x4x2048xf32, #tpu.memory_space<vmem>> -> memref<1x1x4x2048xf32, #tpu.memory_space<vmem>>
          %dma_wait3A_1062 = tpu.memref_squeeze %dma_wait3A_1061 : memref<1x1x4x2048xf32, #tpu.memory_space<vmem>> -> memref<4x2048xf32, #tpu.memory_space<vmem>>
          tpu.wait_dma2 semaphore(%arg12 : memref<!tpu.dma_semaphore, #tpu.memory_space<semaphore_mem>>) src(%dma_wait3A_1062 : memref<4x2048xf32, #tpu.memory_space<vmem>>) dst(%dma_wait3A_1058 : memref<4x2048xf32, #tpu.memory_space<hbm>>)
          %dma_wait3A_1063 = arith.constant 0 : i32
          %dma_wait3A_1064 = arith.constant 2 : i32
          %dma_wait3A_1065 = arith.constant 0 : i32
          %dma_wait3A_1066 = arith.constant 0 : i32
          %dma_wait3A_1067 = tpu.memref_slice %arg7[%dma_wait3A_1063, %dma_wait3A_1064, %dma_wait3A_1065, %dma_wait3A_1066] : memref<3x4x4x2048xf32, #tpu.memory_space<vmem>> -> memref<1x1x4x2048xf32, #tpu.memory_space<vmem>>
          %dma_wait3A_1068 = tpu.memref_squeeze %dma_wait3A_1067 : memref<1x1x4x2048xf32, #tpu.memory_space<vmem>> -> memref<4x2048xf32, #tpu.memory_space<vmem>>
          %dma_wait3A_1069 = arith.constant 0 : i32
          %dma_wait3A_1070 = tpu.memref_slice %arg5[%add3A_1029, %dma_wait3A_1069] : memref<8192x2048xf32, #tpu.memory_space<hbm>> -> memref<4x2048xf32, #tpu.memory_space<hbm>>
          %dma_wait3A_1071 = arith.constant 0 : i32
          %dma_wait3A_1072 = tpu.memref_slice %arg5[%add3A_1029, %dma_wait3A_1071] : memref<8192x2048xf32, #tpu.memory_space<hbm>> -> memref<4x2048xf32, #tpu.memory_space<hbm>>
          %dma_wait3A_1073 = arith.constant 0 : i32
          %dma_wait3A_1074 = arith.constant 0 : i32
          %dma_wait3A_1075 = tpu.memref_slice %arg7[%dma_wait3A_1063, %dma_wait3A_1064, %dma_wait3A_1073, %dma_wait3A_1074] : memref<3x4x4x2048xf32, #tpu.memory_space<vmem>> -> memref<1x1x4x2048xf32, #tpu.memory_space<vmem>>
          %dma_wait3A_1076 = tpu.memref_squeeze %dma_wait3A_1075 : memref<1x1x4x2048xf32, #tpu.memory_space<vmem>> -> memref<4x2048xf32, #tpu.memory_space<vmem>>
          tpu.wait_dma2 semaphore(%arg12 : memref<!tpu.dma_semaphore, #tpu.memory_space<semaphore_mem>>) src(%dma_wait3A_1076 : memref<4x2048xf32, #tpu.memory_space<vmem>>) dst(%dma_wait3A_1072 : memref<4x2048xf32, #tpu.memory_space<hbm>>)
          %dma_wait3A_1077 = arith.constant 0 : i32
          %dma_wait3A_1078 = arith.constant 3 : i32
          %dma_wait3A_1079 = arith.constant 0 : i32
          %dma_wait3A_1080 = arith.constant 0 : i32
          %dma_wait3A_1081 = tpu.memref_slice %arg7[%dma_wait3A_1077, %dma_wait3A_1078, %dma_wait3A_1079, %dma_wait3A_1080] : memref<3x4x4x2048xf32, #tpu.memory_space<vmem>> -> memref<1x1x4x2048xf32, #tpu.memory_space<vmem>>
          %dma_wait3A_1082 = tpu.memref_squeeze %dma_wait3A_1081 : memref<1x1x4x2048xf32, #tpu.memory_space<vmem>> -> memref<4x2048xf32, #tpu.memory_space<vmem>>
          %dma_wait3A_1083 = arith.constant 0 : i32
          %dma_wait3A_1084 = tpu.memref_slice %arg5[%add3A_1034, %dma_wait3A_1083] : memref<8192x2048xf32, #tpu.memory_space<hbm>> -> memref<4x2048xf32, #tpu.memory_space<hbm>>
          %dma_wait3A_1085 = arith.constant 0 : i32
          %dma_wait3A_1086 = tpu.memref_slice %arg5[%add3A_1034, %dma_wait3A_1085] : memref<8192x2048xf32, #tpu.memory_space<hbm>> -> memref<4x2048xf32, #tpu.memory_space<hbm>>
          %dma_wait3A_1087 = arith.constant 0 : i32
          %dma_wait3A_1088 = arith.constant 0 : i32
          %dma_wait3A_1089 = tpu.memref_slice %arg7[%dma_wait3A_1077, %dma_wait3A_1078, %dma_wait3A_1087, %dma_wait3A_1088] : memref<3x4x4x2048xf32, #tpu.memory_space<vmem>> -> memref<1x1x4x2048xf32, #tpu.memory_space<vmem>>
          %dma_wait3A_1090 = tpu.memref_squeeze %dma_wait3A_1089 : memref<1x1x4x2048xf32, #tpu.memory_space<vmem>> -> memref<4x2048xf32, #tpu.memory_space<vmem>>
          tpu.wait_dma2 semaphore(%arg12 : memref<!tpu.dma_semaphore, #tpu.memory_space<semaphore_mem>>) src(%dma_wait3A_1090 : memref<4x2048xf32, #tpu.memory_space<vmem>>) dst(%dma_wait3A_1086 : memref<4x2048xf32, #tpu.memory_space<hbm>>)
        } else {
        }
        %add3A_940 = arith.constant 1 : i32
        %add3A_941 = arith.addi %add3A_772, %add3A_940 : i32
        %mul3A_942 = arith.constant 4 : i32
        %mul3A_943 = arith.muli %add3A_941, %mul3A_942 : i32
        %mul3A_944 = arith.constant 4 : i32
        %mul3A_945 = arith.muli %add3A_941, %mul3A_944 : i32
        %mul3A_946 = arith.constant 4 : i32
        %mul3A_947 = arith.muli %add3A_941, %mul3A_946 : i32
        %mul3A_948 = arith.constant 4 : i32
        %mul3A_949 = arith.muli %add3A_941, %mul3A_948 : i32
        %mul3A_950 = arith.constant 4 : i32
        %mul3A_951 = arith.muli %add3A_941, %mul3A_950 : i32
        %add3A_952 = arith.addi %mul3A_2, %mul3A_951 : i32
        %dma_start3A_953 = arith.constant 0 : i32
        %dma_start3A_954 = arith.constant 0 : i32
        %dma_start3A_955 = arith.constant 0 : i32
        %dma_start3A_956 = arith.constant 0 : i32
        %dma_start3A_957 = arith.constant 0 : i32
        %dma_start3A_958 = tpu.memref_slice %arg7[%dma_start3A_954, %dma_start3A_955, %dma_start3A_956, %dma_start3A_957] : memref<3x4x4x2048xf32, #tpu.memory_space<vmem>> -> memref<1x1x4x2048xf32, #tpu.memory_space<vmem>>
        %dma_start3A_959 = tpu.memref_squeeze %dma_start3A_958 : memref<1x1x4x2048xf32, #tpu.memory_space<vmem>> -> memref<4x2048xf32, #tpu.memory_space<vmem>>
        %dma_start3A_960 = tpu.memref_slice %arg6[%dma_start3A_953, %mul3A_943] : memref<4x64xi32, #tpu.memory_space<vmem>> -> memref<1x4xi32, #tpu.memory_space<vmem>>
        %dma_start3A_961 = tpu.memref_squeeze %dma_start3A_960 : memref<1x4xi32, #tpu.memory_space<vmem>> -> memref<4xi32, #tpu.memory_space<vmem>>
        %dma_start3A_962 = arith.constant 0 : i32
        %dma_start3A_963 = arith.constant 0 : i32
        %dma_start3A_964 = tpu.memref_slice %arg3[%dma_start3A_962, %dma_start3A_963] : memref<100000x2048xf32, #tpu.memory_space<hbm>> -> memref<100000x2048xf32, #tpu.memory_space<hbm>>
        tpu.enqueue_indirect_dma source(%dma_start3A_964 : memref<100000x2048xf32, #tpu.memory_space<hbm>>) target(%dma_start3A_959 : memref<4x2048xf32, #tpu.memory_space<vmem>>) offsets(%dma_start3A_961 : memref<4xi32, #tpu.memory_space<vmem>>) semaphore(%arg9 : memref<!tpu.dma_semaphore, #tpu.memory_space<semaphore_mem>>)
        %dma_start3A_965 = arith.constant 1 : i32
        %dma_start3A_966 = arith.constant 0 : i32
        %dma_start3A_967 = arith.constant 1 : i32
        %dma_start3A_968 = arith.constant 0 : i32
        %dma_start3A_969 = arith.constant 0 : i32
        %dma_start3A_970 = tpu.memref_slice %arg7[%dma_start3A_966, %dma_start3A_967, %dma_start3A_968, %dma_start3A_969] : memref<3x4x4x2048xf32, #tpu.memory_space<vmem>> -> memref<1x1x4x2048xf32, #tpu.memory_space<vmem>>
        %dma_start3A_971 = tpu.memref_squeeze %dma_start3A_970 : memref<1x1x4x2048xf32, #tpu.memory_space<vmem>> -> memref<4x2048xf32, #tpu.memory_space<vmem>>
        %dma_start3A_972 = tpu.memref_slice %arg6[%dma_start3A_965, %mul3A_945] : memref<4x64xi32, #tpu.memory_space<vmem>> -> memref<1x4xi32, #tpu.memory_space<vmem>>
        %dma_start3A_973 = tpu.memref_squeeze %dma_start3A_972 : memref<1x4xi32, #tpu.memory_space<vmem>> -> memref<4xi32, #tpu.memory_space<vmem>>
        %dma_start3A_974 = arith.constant 0 : i32
        %dma_start3A_975 = arith.constant 0 : i32
        %dma_start3A_976 = tpu.memref_slice %arg3[%dma_start3A_974, %dma_start3A_975] : memref<100000x2048xf32, #tpu.memory_space<hbm>> -> memref<100000x2048xf32, #tpu.memory_space<hbm>>
        tpu.enqueue_indirect_dma source(%dma_start3A_976 : memref<100000x2048xf32, #tpu.memory_space<hbm>>) target(%dma_start3A_971 : memref<4x2048xf32, #tpu.memory_space<vmem>>) offsets(%dma_start3A_973 : memref<4xi32, #tpu.memory_space<vmem>>) semaphore(%arg9 : memref<!tpu.dma_semaphore, #tpu.memory_space<semaphore_mem>>)
        %dma_start3A_977 = arith.constant 2 : i32
        %dma_start3A_978 = arith.constant 0 : i32
        %dma_start3A_979 = arith.constant 2 : i32
        %dma_start3A_980 = arith.constant 0 : i32
        %dma_start3A_981 = arith.constant 0 : i32
        %dma_start3A_982 = tpu.memref_slice %arg7[%dma_start3A_978, %dma_start3A_979, %dma_start3A_980, %dma_start3A_981] : memref<3x4x4x2048xf32, #tpu.memory_space<vmem>> -> memref<1x1x4x2048xf32, #tpu.memory_space<vmem>>
        %dma_start3A_983 = tpu.memref_squeeze %dma_start3A_982 : memref<1x1x4x2048xf32, #tpu.memory_space<vmem>> -> memref<4x2048xf32, #tpu.memory_space<vmem>>
        %dma_start3A_984 = tpu.memref_slice %arg6[%dma_start3A_977, %mul3A_947] : memref<4x64xi32, #tpu.memory_space<vmem>> -> memref<1x4xi32, #tpu.memory_space<vmem>>
        %dma_start3A_985 = tpu.memref_squeeze %dma_start3A_984 : memref<1x4xi32, #tpu.memory_space<vmem>> -> memref<4xi32, #tpu.memory_space<vmem>>
        %dma_start3A_986 = arith.constant 0 : i32
        %dma_start3A_987 = arith.constant 0 : i32
        %dma_start3A_988 = tpu.memref_slice %arg3[%dma_start3A_986, %dma_start3A_987] : memref<100000x2048xf32, #tpu.memory_space<hbm>> -> memref<100000x2048xf32, #tpu.memory_space<hbm>>
        tpu.enqueue_indirect_dma source(%dma_start3A_988 : memref<100000x2048xf32, #tpu.memory_space<hbm>>) target(%dma_start3A_983 : memref<4x2048xf32, #tpu.memory_space<vmem>>) offsets(%dma_start3A_985 : memref<4xi32, #tpu.memory_space<vmem>>) semaphore(%arg9 : memref<!tpu.dma_semaphore, #tpu.memory_space<semaphore_mem>>)
        %dma_start3A_989 = arith.constant 3 : i32
        %dma_start3A_990 = arith.constant 0 : i32
        %dma_start3A_991 = arith.constant 3 : i32
        %dma_start3A_992 = arith.constant 0 : i32
        %dma_start3A_993 = arith.constant 0 : i32
        %dma_start3A_994 = tpu.memref_slice %arg7[%dma_start3A_990, %dma_start3A_991, %dma_start3A_992, %dma_start3A_993] : memref<3x4x4x2048xf32, #tpu.memory_space<vmem>> -> memref<1x1x4x2048xf32, #tpu.memory_space<vmem>>
        %dma_start3A_995 = tpu.memref_squeeze %dma_start3A_994 : memref<1x1x4x2048xf32, #tpu.memory_space<vmem>> -> memref<4x2048xf32, #tpu.memory_space<vmem>>
        %dma_start3A_996 = tpu.memref_slice %arg6[%dma_start3A_989, %mul3A_949] : memref<4x64xi32, #tpu.memory_space<vmem>> -> memref<1x4xi32, #tpu.memory_space<vmem>>
        %dma_start3A_997 = tpu.memref_squeeze %dma_start3A_996 : memref<1x4xi32, #tpu.memory_space<vmem>> -> memref<4xi32, #tpu.memory_space<vmem>>
        %dma_start3A_998 = arith.constant 0 : i32
        %dma_start3A_999 = arith.constant 0 : i32
        %dma_start3A_1000 = tpu.memref_slice %arg3[%dma_start3A_998, %dma_start3A_999] : memref<100000x2048xf32, #tpu.memory_space<hbm>> -> memref<100000x2048xf32, #tpu.memory_space<hbm>>
        tpu.enqueue_indirect_dma source(%dma_start3A_1000 : memref<100000x2048xf32, #tpu.memory_space<hbm>>) target(%dma_start3A_995 : memref<4x2048xf32, #tpu.memory_space<vmem>>) offsets(%dma_start3A_997 : memref<4xi32, #tpu.memory_space<vmem>>) semaphore(%arg9 : memref<!tpu.dma_semaphore, #tpu.memory_space<semaphore_mem>>)
        %dma_start3A_1001 = arith.constant 0 : i32
        %dma_start3A_1002 = arith.constant 0 : i32
        %dma_start3A_1003 = arith.constant 0 : i32
        %dma_start3A_1004 = tpu.memref_slice %arg8[%dma_start3A_1001, %dma_start3A_1002, %dma_start3A_1003] : memref<3x4x2048xf32, #tpu.memory_space<vmem>> -> memref<1x4x2048xf32, #tpu.memory_space<vmem>>
        %dma_start3A_1005 = tpu.memref_squeeze %dma_start3A_1004 : memref<1x4x2048xf32, #tpu.memory_space<vmem>> -> memref<4x2048xf32, #tpu.memory_space<vmem>>
        %dma_start3A_1006 = arith.constant 0 : i32
        %dma_start3A_1007 = tpu.memref_slice %arg4[%add3A_952, %dma_start3A_1006] : memref<2048x2048xf32, #tpu.memory_space<hbm>> -> memref<4x2048xf32, #tpu.memory_space<hbm>>
        %dma_start3A_1008 = arith.constant 0 : i32
        %dma_start3A_1009 = arith.constant 0 : i32
        %dma_start3A_1010 = tpu.memref_slice %arg8[%dma_start3A_1001, %dma_start3A_1008, %dma_start3A_1009] : memref<3x4x2048xf32, #tpu.memory_space<vmem>> -> memref<1x4x2048xf32, #tpu.memory_space<vmem>>
        %dma_start3A_1011 = tpu.memref_squeeze %dma_start3A_1010 : memref<1x4x2048xf32, #tpu.memory_space<vmem>> -> memref<4x2048xf32, #tpu.memory_space<vmem>>
        %dma_start3A_1012 = arith.constant 0 : i32
        %dma_start3A_1013 = tpu.memref_slice %arg4[%add3A_952, %dma_start3A_1012] : memref<2048x2048xf32, #tpu.memory_space<hbm>> -> memref<4x2048xf32, #tpu.memory_space<hbm>>
        tpu.enqueue_dma source(%dma_start3A_1013 : memref<4x2048xf32, #tpu.memory_space<hbm>>) target(%dma_start3A_1011 : memref<4x2048xf32, #tpu.memory_space<vmem>>) target_semaphore(%arg9 : memref<!tpu.dma_semaphore, #tpu.memory_space<semaphore_mem>>)
      } else {
      }
      %mul3A_780 = arith.constant 4 : i32
      %mul3A_781 = arith.muli %add3A_772, %mul3A_780 : i32
      %mul3A_782 = arith.constant 4 : i32
      %mul3A_783 = arith.muli %add3A_772, %mul3A_782 : i32
      %mul3A_784 = arith.constant 4 : i32
      %mul3A_785 = arith.muli %add3A_772, %mul3A_784 : i32
      %mul3A_786 = arith.constant 4 : i32
      %mul3A_787 = arith.muli %add3A_772, %mul3A_786 : i32
      %mul3A_788 = arith.constant 4 : i32
      %mul3A_789 = arith.muli %add3A_772, %mul3A_788 : i32
      %add3A_790 = arith.addi %mul3A_2, %mul3A_789 : i32
      %dma_wait3A_791 = arith.constant 0 : i32
      %dma_wait3A_792 = arith.constant 2 : i32
      %dma_wait3A_793 = arith.constant 0 : i32
      %dma_wait3A_794 = arith.constant 0 : i32
      %dma_wait3A_795 = arith.constant 0 : i32
      %dma_wait3A_796 = tpu.memref_slice %arg7[%dma_wait3A_792, %dma_wait3A_793, %dma_wait3A_794, %dma_wait3A_795] : memref<3x4x4x2048xf32, #tpu.memory_space<vmem>> -> memref<1x1x4x2048xf32, #tpu.memory_space<vmem>>
      %dma_wait3A_797 = tpu.memref_squeeze %dma_wait3A_796 : memref<1x1x4x2048xf32, #tpu.memory_space<vmem>> -> memref<4x2048xf32, #tpu.memory_space<vmem>>
      %dma_wait3A_798 = tpu.memref_slice %arg6[%dma_wait3A_791, %mul3A_781] : memref<4x64xi32, #tpu.memory_space<vmem>> -> memref<1x4xi32, #tpu.memory_space<vmem>>
      %dma_wait3A_799 = tpu.memref_squeeze %dma_wait3A_798 : memref<1x4xi32, #tpu.memory_space<vmem>> -> memref<4xi32, #tpu.memory_space<vmem>>
      %dma_wait3A_800 = arith.constant 0 : i32
      %dma_wait3A_801 = arith.constant 0 : i32
      %dma_wait3A_802 = tpu.memref_slice %arg3[%dma_wait3A_800, %dma_wait3A_801] : memref<100000x2048xf32, #tpu.memory_space<hbm>> -> memref<100000x2048xf32, #tpu.memory_space<hbm>>
      tpu.wait_indirect_dma semaphore(%arg11 : memref<!tpu.dma_semaphore, #tpu.memory_space<semaphore_mem>>) src(%dma_wait3A_802 : memref<100000x2048xf32, #tpu.memory_space<hbm>>) dst(%dma_wait3A_797 : memref<4x2048xf32, #tpu.memory_space<vmem>>)
      %dma_wait3A_803 = arith.constant 1 : i32
      %dma_wait3A_804 = arith.constant 2 : i32
      %dma_wait3A_805 = arith.constant 1 : i32
      %dma_wait3A_806 = arith.constant 0 : i32
      %dma_wait3A_807 = arith.constant 0 : i32
      %dma_wait3A_808 = tpu.memref_slice %arg7[%dma_wait3A_804, %dma_wait3A_805, %dma_wait3A_806, %dma_wait3A_807] : memref<3x4x4x2048xf32, #tpu.memory_space<vmem>> -> memref<1x1x4x2048xf32, #tpu.memory_space<vmem>>
      %dma_wait3A_809 = tpu.memref_squeeze %dma_wait3A_808 : memref<1x1x4x2048xf32, #tpu.memory_space<vmem>> -> memref<4x2048xf32, #tpu.memory_space<vmem>>
      %dma_wait3A_810 = tpu.memref_slice %arg6[%dma_wait3A_803, %mul3A_783] : memref<4x64xi32, #tpu.memory_space<vmem>> -> memref<1x4xi32, #tpu.memory_space<vmem>>
      %dma_wait3A_811 = tpu.memref_squeeze %dma_wait3A_810 : memref<1x4xi32, #tpu.memory_space<vmem>> -> memref<4xi32, #tpu.memory_space<vmem>>
      %dma_wait3A_812 = arith.constant 0 : i32
      %dma_wait3A_813 = arith.constant 0 : i32
      %dma_wait3A_814 = tpu.memref_slice %arg3[%dma_wait3A_812, %dma_wait3A_813] : memref<100000x2048xf32, #tpu.memory_space<hbm>> -> memref<100000x2048xf32, #tpu.memory_space<hbm>>
      tpu.wait_indirect_dma semaphore(%arg11 : memref<!tpu.dma_semaphore, #tpu.memory_space<semaphore_mem>>) src(%dma_wait3A_814 : memref<100000x2048xf32, #tpu.memory_space<hbm>>) dst(%dma_wait3A_809 : memref<4x2048xf32, #tpu.memory_space<vmem>>)
      %dma_wait3A_815 = arith.constant 2 : i32
      %dma_wait3A_816 = arith.constant 2 : i32
      %dma_wait3A_817 = arith.constant 2 : i32
      %dma_wait3A_818 = arith.constant 0 : i32
      %dma_wait3A_819 = arith.constant 0 : i32
      %dma_wait3A_820 = tpu.memref_slice %arg7[%dma_wait3A_816, %dma_wait3A_817, %dma_wait3A_818, %dma_wait3A_819] : memref<3x4x4x2048xf32, #tpu.memory_space<vmem>> -> memref<1x1x4x2048xf32, #tpu.memory_space<vmem>>
      %dma_wait3A_821 = tpu.memref_squeeze %dma_wait3A_820 : memref<1x1x4x2048xf32, #tpu.memory_space<vmem>> -> memref<4x2048xf32, #tpu.memory_space<vmem>>
      %dma_wait3A_822 = tpu.memref_slice %arg6[%dma_wait3A_815, %mul3A_785] : memref<4x64xi32, #tpu.memory_space<vmem>> -> memref<1x4xi32, #tpu.memory_space<vmem>>
      %dma_wait3A_823 = tpu.memref_squeeze %dma_wait3A_822 : memref<1x4xi32, #tpu.memory_space<vmem>> -> memref<4xi32, #tpu.memory_space<vmem>>
      %dma_wait3A_824 = arith.constant 0 : i32
      %dma_wait3A_825 = arith.constant 0 : i32
      %dma_wait3A_826 = tpu.memref_slice %arg3[%dma_wait3A_824, %dma_wait3A_825] : memref<100000x2048xf32, #tpu.memory_space<hbm>> -> memref<100000x2048xf32, #tpu.memory_space<hbm>>
      tpu.wait_indirect_dma semaphore(%arg11 : memref<!tpu.dma_semaphore, #tpu.memory_space<semaphore_mem>>) src(%dma_wait3A_826 : memref<100000x2048xf32, #tpu.memory_space<hbm>>) dst(%dma_wait3A_821 : memref<4x2048xf32, #tpu.memory_space<vmem>>)
      %dma_wait3A_827 = arith.constant 3 : i32
      %dma_wait3A_828 = arith.constant 2 : i32
      %dma_wait3A_829 = arith.constant 3 : i32
      %dma_wait3A_830 = arith.constant 0 : i32
      %dma_wait3A_831 = arith.constant 0 : i32
      %dma_wait3A_832 = tpu.memref_slice %arg7[%dma_wait3A_828, %dma_wait3A_829, %dma_wait3A_830, %dma_wait3A_831] : memref<3x4x4x2048xf32, #tpu.memory_space<vmem>> -> memref<1x1x4x2048xf32, #tpu.memory_space<vmem>>
      %dma_wait3A_833 = tpu.memref_squeeze %dma_wait3A_832 : memref<1x1x4x2048xf32, #tpu.memory_space<vmem>> -> memref<4x2048xf32, #tpu.memory_space<vmem>>
      %dma_wait3A_834 = tpu.memref_slice %arg6[%dma_wait3A_827, %mul3A_787] : memref<4x64xi32, #tpu.memory_space<vmem>> -> memref<1x4xi32, #tpu.memory_space<vmem>>
      %dma_wait3A_835 = tpu.memref_squeeze %dma_wait3A_834 : memref<1x4xi32, #tpu.memory_space<vmem>> -> memref<4xi32, #tpu.memory_space<vmem>>
      %dma_wait3A_836 = arith.constant 0 : i32
      %dma_wait3A_837 = arith.constant 0 : i32
      %dma_wait3A_838 = tpu.memref_slice %arg3[%dma_wait3A_836, %dma_wait3A_837] : memref<100000x2048xf32, #tpu.memory_space<hbm>> -> memref<100000x2048xf32, #tpu.memory_space<hbm>>
      tpu.wait_indirect_dma semaphore(%arg11 : memref<!tpu.dma_semaphore, #tpu.memory_space<semaphore_mem>>) src(%dma_wait3A_838 : memref<100000x2048xf32, #tpu.memory_space<hbm>>) dst(%dma_wait3A_833 : memref<4x2048xf32, #tpu.memory_space<vmem>>)
      %dma_wait3A_839 = arith.constant 2 : i32
      %dma_wait3A_840 = arith.constant 0 : i32
      %dma_wait3A_841 = arith.constant 0 : i32
      %dma_wait3A_842 = tpu.memref_slice %arg8[%dma_wait3A_839, %dma_wait3A_840, %dma_wait3A_841] : memref<3x4x2048xf32, #tpu.memory_space<vmem>> -> memref<1x4x2048xf32, #tpu.memory_space<vmem>>
      %dma_wait3A_843 = tpu.memref_squeeze %dma_wait3A_842 : memref<1x4x2048xf32, #tpu.memory_space<vmem>> -> memref<4x2048xf32, #tpu.memory_space<vmem>>
      %dma_wait3A_844 = arith.constant 0 : i32
      %dma_wait3A_845 = tpu.memref_slice %arg4[%add3A_790, %dma_wait3A_844] : memref<2048x2048xf32, #tpu.memory_space<hbm>> -> memref<4x2048xf32, #tpu.memory_space<hbm>>
      %dma_wait3A_846 = arith.constant 0 : i32
      %dma_wait3A_847 = arith.constant 0 : i32
      %dma_wait3A_848 = tpu.memref_slice %arg8[%dma_wait3A_839, %dma_wait3A_846, %dma_wait3A_847] : memref<3x4x2048xf32, #tpu.memory_space<vmem>> -> memref<1x4x2048xf32, #tpu.memory_space<vmem>>
      %dma_wait3A_849 = tpu.memref_squeeze %dma_wait3A_848 : memref<1x4x2048xf32, #tpu.memory_space<vmem>> -> memref<4x2048xf32, #tpu.memory_space<vmem>>
      %dma_wait3A_850 = arith.constant 0 : i32
      %dma_wait3A_851 = tpu.memref_slice %arg4[%add3A_790, %dma_wait3A_850] : memref<2048x2048xf32, #tpu.memory_space<hbm>> -> memref<4x2048xf32, #tpu.memory_space<hbm>>
      tpu.wait_dma2 semaphore(%arg11 : memref<!tpu.dma_semaphore, #tpu.memory_space<semaphore_mem>>) src(%dma_wait3A_851 : memref<4x2048xf32, #tpu.memory_space<hbm>>) dst(%dma_wait3A_849 : memref<4x2048xf32, #tpu.memory_space<vmem>>)
      %scan3A_852 = arith.constant 0 : i32
      %scan3A_853 = arith.constant 0 : i32
      %scan3A_854 = arith.constant 128 : i32
      %scan3A_855 = arith.addi %scan3A_853, %scan3A_854 : i32
      %scan3A_856 = arith.constant 1 : i32
      %scan3A_857 = scf.for %scan3A_936 = %scan3A_853 to %scan3A_855 step %scan3A_856 iter_args(%scan3A_937 = %scan3A_852) -> (i32)  : i32 {
        %mul3A_938 = arith.constant 16 : i32
        %mul3A_939 = arith.muli %scan3A_936, %mul3A_938 : i32
        %get3A = arith.constant 2 : i32
        %get3A_940 = arith.constant 0 : i32
        %get3A_941 = arith.index_cast %get3A : i32 to index
        %get3A_942 = arith.index_cast %get3A_940 : i32 to index
        %get3A_943 = arith.index_cast %mul3A_939 : i32 to index
        %get3A_944 = tpu.vector_load %arg8[%get3A_941, %get3A_942, %get3A_943] {strides = array<i32>} : memref<3x4x2048xf32, #tpu.memory_space<vmem>>, vector<1x1x16xf32>,
        %get3A_945 = vector.shape_cast %get3A_944 : vector<1x1x16xf32> to vector<16xf32>
        %get3A_946 = arith.constant 2 : i32
        %get3A_947 = arith.constant 0 : i32
        %get3A_948 = arith.constant 0 : i32
        %get3A_949 = arith.index_cast %get3A_946 : i32 to index
        %get3A_950 = arith.index_cast %get3A_947 : i32 to index
        %get3A_951 = arith.index_cast %get3A_948 : i32 to index
        %get3A_952 = arith.index_cast %mul3A_939 : i32 to index
        %get3A_953 = tpu.vector_load %arg7[%get3A_949, %get3A_950, %get3A_951, %get3A_952] {strides = array<i32>} : memref<3x4x4x2048xf32, #tpu.memory_space<vmem>>, vector<1x1x1x16xf32>,
        %get3A_954 = vector.shape_cast %get3A_953 : vector<1x1x1x16xf32> to vector<16xf32>
        %mul3A_955 = arith.mulf %get3A_954, %get3A_945 : vector<16xf32>
        %swap3A = arith.constant 2 : i32
        %swap3A_956 = arith.constant 0 : i32
        %swap3A_957 = arith.constant 0 : i32
        %swap3A_958 = arith.index_cast %swap3A : i32 to index
        %swap3A_959 = arith.index_cast %swap3A_956 : i32 to index
        %swap3A_960 = arith.index_cast %swap3A_957 : i32 to index
        %swap3A_961 = arith.index_cast %mul3A_939 : i32 to index
        %swap3A_962 = tpu.vector_load %arg7[%swap3A_958, %swap3A_959, %swap3A_960, %swap3A_961] {strides = array<i32>} : memref<3x4x4x2048xf32, #tpu.memory_space<vmem>>, vector<1x1x1x16xf32>,
        %swap3A_963 = vector.shape_cast %swap3A_962 : vector<1x1x1x16xf32> to vector<16xf32>
        %swap3A_964 = vector.shape_cast %mul3A_955 : vector<16xf32> to vector<1x1x1x16xf32>
        tpu.vector_store %arg7[%swap3A_958, %swap3A_959, %swap3A_960, %swap3A_961], %swap3A_964 {strides = array<i32>} : memref<3x4x4x2048xf32, #tpu.memory_space<vmem>>, vector<1x1x1x16xf32>,
        %get3A_965 = arith.constant 2 : i32
        %get3A_966 = arith.constant 1 : i32
        %get3A_967 = arith.constant 0 : i32
        %get3A_968 = arith.index_cast %get3A_965 : i32 to index
        %get3A_969 = arith.index_cast %get3A_966 : i32 to index
        %get3A_970 = arith.index_cast %get3A_967 : i32 to index
        %get3A_971 = arith.index_cast %mul3A_939 : i32 to index
        %get3A_972 = tpu.vector_load %arg7[%get3A_968, %get3A_969, %get3A_970, %get3A_971] {strides = array<i32>} : memref<3x4x4x2048xf32, #tpu.memory_space<vmem>>, vector<1x1x1x16xf32>,
        %get3A_973 = vector.shape_cast %get3A_972 : vector<1x1x1x16xf32> to vector<16xf32>
        %mul3A_974 = arith.mulf %get3A_973, %get3A_945 : vector<16xf32>
        %swap3A_975 = arith.constant 2 : i32
        %swap3A_976 = arith.constant 1 : i32
        %swap3A_977 = arith.constant 0 : i32
        %swap3A_978 = arith.index_cast %swap3A_975 : i32 to index
        %swap3A_979 = arith.index_cast %swap3A_976 : i32 to index
        %swap3A_980 = arith.index_cast %swap3A_977 : i32 to index
        %swap3A_981 = arith.index_cast %mul3A_939 : i32 to index
        %swap3A_982 = tpu.vector_load %arg7[%swap3A_978, %swap3A_979, %swap3A_980, %swap3A_981] {strides = array<i32>} : memref<3x4x4x2048xf32, #tpu.memory_space<vmem>>, vector<1x1x1x16xf32>,
        %swap3A_983 = vector.shape_cast %swap3A_982 : vector<1x1x1x16xf32> to vector<16xf32>
        %swap3A_984 = vector.shape_cast %mul3A_974 : vector<16xf32> to vector<1x1x1x16xf32>
        tpu.vector_store %arg7[%swap3A_978, %swap3A_979, %swap3A_980, %swap3A_981], %swap3A_984 {strides = array<i32>} : memref<3x4x4x2048xf32, #tpu.memory_space<vmem>>, vector<1x1x1x16xf32>,
        %get3A_985 = arith.constant 2 : i32
        %get3A_986 = arith.constant 2 : i32
        %get3A_987 = arith.constant 0 : i32
        %get3A_988 = arith.index_cast %get3A_985 : i32 to index
        %get3A_989 = arith.index_cast %get3A_986 : i32 to index
        %get3A_990 = arith.index_cast %get3A_987 : i32 to index
        %get3A_991 = arith.index_cast %mul3A_939 : i32 to index
        %get3A_992 = tpu.vector_load %arg7[%get3A_988, %get3A_989, %get3A_990, %get3A_991] {strides = array<i32>} : memref<3x4x4x2048xf32, #tpu.memory_space<vmem>>, vector<1x1x1x16xf32>,
        %get3A_993 = vector.shape_cast %get3A_992 : vector<1x1x1x16xf32> to vector<16xf32>
        %mul3A_994 = arith.mulf %get3A_993, %get3A_945 : vector<16xf32>
        %swap3A_995 = arith.constant 2 : i32
        %swap3A_996 = arith.constant 2 : i32
        %swap3A_997 = arith.constant 0 : i32
        %swap3A_998 = arith.index_cast %swap3A_995 : i32 to index
        %swap3A_999 = arith.index_cast %swap3A_996 : i32 to index
        %swap3A_1000 = arith.index_cast %swap3A_997 : i32 to index
        %swap3A_1001 = arith.index_cast %mul3A_939 : i32 to index
        %swap3A_1002 = tpu.vector_load %arg7[%swap3A_998, %swap3A_999, %swap3A_1000, %swap3A_1001] {strides = array<i32>} : memref<3x4x4x2048xf32, #tpu.memory_space<vmem>>, vector<1x1x1x16xf32>,
        %swap3A_1003 = vector.shape_cast %swap3A_1002 : vector<1x1x1x16xf32> to vector<16xf32>
        %swap3A_1004 = vector.shape_cast %mul3A_994 : vector<16xf32> to vector<1x1x1x16xf32>
        tpu.vector_store %arg7[%swap3A_998, %swap3A_999, %swap3A_1000, %swap3A_1001], %swap3A_1004 {strides = array<i32>} : memref<3x4x4x2048xf32, #tpu.memory_space<vmem>>, vector<1x1x1x16xf32>,
        %get3A_1005 = arith.constant 2 : i32
        %get3A_1006 = arith.constant 3 : i32
        %get3A_1007 = arith.constant 0 : i32
        %get3A_1008 = arith.index_cast %get3A_1005 : i32 to index
        %get3A_1009 = arith.index_cast %get3A_1006 : i32 to index
        %get3A_1010 = arith.index_cast %get3A_1007 : i32 to index
        %get3A_1011 = arith.index_cast %mul3A_939 : i32 to index
        %get3A_1012 = tpu.vector_load %arg7[%get3A_1008, %get3A_1009, %get3A_1010, %get3A_1011] {strides = array<i32>} : memref<3x4x4x2048xf32, #tpu.memory_space<vmem>>, vector<1x1x1x16xf32>,
        %get3A_1013 = vector.shape_cast %get3A_1012 : vector<1x1x1x16xf32> to vector<16xf32>
        %mul3A_1014 = arith.mulf %get3A_1013, %get3A_945 : vector<16xf32>
        %swap3A_1015 = arith.constant 2 : i32
        %swap3A_1016 = arith.constant 3 : i32
        %swap3A_1017 = arith.constant 0 : i32
        %swap3A_1018 = arith.index_cast %swap3A_1015 : i32 to index
        %swap3A_1019 = arith.index_cast %swap3A_1016 : i32 to index
        %swap3A_1020 = arith.index_cast %swap3A_1017 : i32 to index
        %swap3A_1021 = arith.index_cast %mul3A_939 : i32 to index
        %swap3A_1022 = tpu.vector_load %arg7[%swap3A_1018, %swap3A_1019, %swap3A_1020, %swap3A_1021] {strides = array<i32>} : memref<3x4x4x2048xf32, #tpu.memory_space<vmem>>, vector<1x1x1x16xf32>,
        %swap3A_1023 = vector.shape_cast %swap3A_1022 : vector<1x1x1x16xf32> to vector<16xf32>
        %swap3A_1024 = vector.shape_cast %mul3A_1014 : vector<16xf32> to vector<1x1x1x16xf32>
        tpu.vector_store %arg7[%swap3A_1018, %swap3A_1019, %swap3A_1020, %swap3A_1021], %swap3A_1024 {strides = array<i32>} : memref<3x4x4x2048xf32, #tpu.memory_space<vmem>>, vector<1x1x1x16xf32>,
        %get3A_1025 = arith.constant 2 : i32
        %get3A_1026 = arith.constant 1 : i32
        %get3A_1027 = arith.index_cast %get3A_1025 : i32 to index
        %get3A_1028 = arith.index_cast %get3A_1026 : i32 to index
        %get3A_1029 = arith.index_cast %mul3A_939 : i32 to index
        %get3A_1030 = tpu.vector_load %arg8[%get3A_1027, %get3A_1028, %get3A_1029] {strides = array<i32>} : memref<3x4x2048xf32, #tpu.memory_space<vmem>>, vector<1x1x16xf32>,
        %get3A_1031 = vector.shape_cast %get3A_1030 : vector<1x1x16xf32> to vector<16xf32>
        %get3A_1032 = arith.constant 2 : i32
        %get3A_1033 = arith.constant 0 : i32
        %get3A_1034 = arith.constant 1 : i32
        %get3A_1035 = arith.index_cast %get3A_1032 : i32 to index
        %get3A_1036 = arith.index_cast %get3A_1033 : i32 to index
        %get3A_1037 = arith.index_cast %get3A_1034 : i32 to index
        %get3A_1038 = arith.index_cast %mul3A_939 : i32 to index
        %get3A_1039 = tpu.vector_load %arg7[%get3A_1035, %get3A_1036, %get3A_1037, %get3A_1038] {strides = array<i32>} : memref<3x4x4x2048xf32, #tpu.memory_space<vmem>>, vector<1x1x1x16xf32>,
        %get3A_1040 = vector.shape_cast %get3A_1039 : vector<1x1x1x16xf32> to vector<16xf32>
        %mul3A_1041 = arith.mulf %get3A_1040, %get3A_1031 : vector<16xf32>
        %swap3A_1042 = arith.constant 2 : i32
        %swap3A_1043 = arith.constant 0 : i32
        %swap3A_1044 = arith.constant 1 : i32
        %swap3A_1045 = arith.index_cast %swap3A_1042 : i32 to index
        %swap3A_1046 = arith.index_cast %swap3A_1043 : i32 to index
        %swap3A_1047 = arith.index_cast %swap3A_1044 : i32 to index
        %swap3A_1048 = arith.index_cast %mul3A_939 : i32 to index
        %swap3A_1049 = tpu.vector_load %arg7[%swap3A_1045, %swap3A_1046, %swap3A_1047, %swap3A_1048] {strides = array<i32>} : memref<3x4x4x2048xf32, #tpu.memory_space<vmem>>, vector<1x1x1x16xf32>,
        %swap3A_1050 = vector.shape_cast %swap3A_1049 : vector<1x1x1x16xf32> to vector<16xf32>
        %swap3A_1051 = vector.shape_cast %mul3A_1041 : vector<16xf32> to vector<1x1x1x16xf32>
        tpu.vector_store %arg7[%swap3A_1045, %swap3A_1046, %swap3A_1047, %swap3A_1048], %swap3A_1051 {strides = array<i32>} : memref<3x4x4x2048xf32, #tpu.memory_space<vmem>>, vector<1x1x1x16xf32>,
        %get3A_1052 = arith.constant 2 : i32
        %get3A_1053 = arith.constant 1 : i32
        %get3A_1054 = arith.constant 1 : i32
        %get3A_1055 = arith.index_cast %get3A_1052 : i32 to index
        %get3A_1056 = arith.index_cast %get3A_1053 : i32 to index
        %get3A_1057 = arith.index_cast %get3A_1054 : i32 to index
        %get3A_1058 = arith.index_cast %mul3A_939 : i32 to index
        %get3A_1059 = tpu.vector_load %arg7[%get3A_1055, %get3A_1056, %get3A_1057, %get3A_1058] {strides = array<i32>} : memref<3x4x4x2048xf32, #tpu.memory_space<vmem>>, vector<1x1x1x16xf32>,
        %get3A_1060 = vector.shape_cast %get3A_1059 : vector<1x1x1x16xf32> to vector<16xf32>
        %mul3A_1061 = arith.mulf %get3A_1060, %get3A_1031 : vector<16xf32>
        %swap3A_1062 = arith.constant 2 : i32
        %swap3A_1063 = arith.constant 1 : i32
        %swap3A_1064 = arith.constant 1 : i32
        %swap3A_1065 = arith.index_cast %swap3A_1062 : i32 to index
        %swap3A_1066 = arith.index_cast %swap3A_1063 : i32 to index
        %swap3A_1067 = arith.index_cast %swap3A_1064 : i32 to index
        %swap3A_1068 = arith.index_cast %mul3A_939 : i32 to index
        %swap3A_1069 = tpu.vector_load %arg7[%swap3A_1065, %swap3A_1066, %swap3A_1067, %swap3A_1068] {strides = array<i32>} : memref<3x4x4x2048xf32, #tpu.memory_space<vmem>>, vector<1x1x1x16xf32>,
        %swap3A_1070 = vector.shape_cast %swap3A_1069 : vector<1x1x1x16xf32> to vector<16xf32>
        %swap3A_1071 = vector.shape_cast %mul3A_1061 : vector<16xf32> to vector<1x1x1x16xf32>
        tpu.vector_store %arg7[%swap3A_1065, %swap3A_1066, %swap3A_1067, %swap3A_1068], %swap3A_1071 {strides = array<i32>} : memref<3x4x4x2048xf32, #tpu.memory_space<vmem>>, vector<1x1x1x16xf32>,
        %get3A_1072 = arith.constant 2 : i32
        %get3A_1073 = arith.constant 2 : i32
        %get3A_1074 = arith.constant 1 : i32
        %get3A_1075 = arith.index_cast %get3A_1072 : i32 to index
        %get3A_1076 = arith.index_cast %get3A_1073 : i32 to index
        %get3A_1077 = arith.index_cast %get3A_1074 : i32 to index
        %get3A_1078 = arith.index_cast %mul3A_939 : i32 to index
        %get3A_1079 = tpu.vector_load %arg7[%get3A_1075, %get3A_1076, %get3A_1077, %get3A_1078] {strides = array<i32>} : memref<3x4x4x2048xf32, #tpu.memory_space<vmem>>, vector<1x1x1x16xf32>,
        %get3A_1080 = vector.shape_cast %get3A_1079 : vector<1x1x1x16xf32> to vector<16xf32>
        %mul3A_1081 = arith.mulf %get3A_1080, %get3A_1031 : vector<16xf32>
        %swap3A_1082 = arith.constant 2 : i32
        %swap3A_1083 = arith.constant 2 : i32
        %swap3A_1084 = arith.constant 1 : i32
        %swap3A_1085 = arith.index_cast %swap3A_1082 : i32 to index
        %swap3A_1086 = arith.index_cast %swap3A_1083 : i32 to index
        %swap3A_1087 = arith.index_cast %swap3A_1084 : i32 to index
        %swap3A_1088 = arith.index_cast %mul3A_939 : i32 to index
        %swap3A_1089 = tpu.vector_load %arg7[%swap3A_1085, %swap3A_1086, %swap3A_1087, %swap3A_1088] {strides = array<i32>} : memref<3x4x4x2048xf32, #tpu.memory_space<vmem>>, vector<1x1x1x16xf32>,
        %swap3A_1090 = vector.shape_cast %swap3A_1089 : vector<1x1x1x16xf32> to vector<16xf32>
        %swap3A_1091 = vector.shape_cast %mul3A_1081 : vector<16xf32> to vector<1x1x1x16xf32>
        tpu.vector_store %arg7[%swap3A_1085, %swap3A_1086, %swap3A_1087, %swap3A_1088], %swap3A_1091 {strides = array<i32>} : memref<3x4x4x2048xf32, #tpu.memory_space<vmem>>, vector<1x1x1x16xf32>,
        %get3A_1092 = arith.constant 2 : i32
        %get3A_1093 = arith.constant 3 : i32
        %get3A_1094 = arith.constant 1 : i32
        %get3A_1095 = arith.index_cast %get3A_1092 : i32 to index
        %get3A_1096 = arith.index_cast %get3A_1093 : i32 to index
        %get3A_1097 = arith.index_cast %get3A_1094 : i32 to index
        %get3A_1098 = arith.index_cast %mul3A_939 : i32 to index
        %get3A_1099 = tpu.vector_load %arg7[%get3A_1095, %get3A_1096, %get3A_1097, %get3A_1098] {strides = array<i32>} : memref<3x4x4x2048xf32, #tpu.memory_space<vmem>>, vector<1x1x1x16xf32>,
        %get3A_1100 = vector.shape_cast %get3A_1099 : vector<1x1x1x16xf32> to vector<16xf32>
        %mul3A_1101 = arith.mulf %get3A_1100, %get3A_1031 : vector<16xf32>
        %swap3A_1102 = arith.constant 2 : i32
        %swap3A_1103 = arith.constant 3 : i32
        %swap3A_1104 = arith.constant 1 : i32
        %swap3A_1105 = arith.index_cast %swap3A_1102 : i32 to index
        %swap3A_1106 = arith.index_cast %swap3A_1103 : i32 to index
        %swap3A_1107 = arith.index_cast %swap3A_1104 : i32 to index
        %swap3A_1108 = arith.index_cast %mul3A_939 : i32 to index
        %swap3A_1109 = tpu.vector_load %arg7[%swap3A_1105, %swap3A_1106, %swap3A_1107, %swap3A_1108] {strides = array<i32>} : memref<3x4x4x2048xf32, #tpu.memory_space<vmem>>, vector<1x1x1x16xf32>,
        %swap3A_1110 = vector.shape_cast %swap3A_1109 : vector<1x1x1x16xf32> to vector<16xf32>
        %swap3A_1111 = vector.shape_cast %mul3A_1101 : vector<16xf32> to vector<1x1x1x16xf32>
        tpu.vector_store %arg7[%swap3A_1105, %swap3A_1106, %swap3A_1107, %swap3A_1108], %swap3A_1111 {strides = array<i32>} : memref<3x4x4x2048xf32, #tpu.memory_space<vmem>>, vector<1x1x1x16xf32>,
        %get3A_1112 = arith.constant 2 : i32
        %get3A_1113 = arith.constant 2 : i32
        %get3A_1114 = arith.index_cast %get3A_1112 : i32 to index
        %get3A_1115 = arith.index_cast %get3A_1113 : i32 to index
        %get3A_1116 = arith.index_cast %mul3A_939 : i32 to index
        %get3A_1117 = tpu.vector_load %arg8[%get3A_1114, %get3A_1115, %get3A_1116] {strides = array<i32>} : memref<3x4x2048xf32, #tpu.memory_space<vmem>>, vector<1x1x16xf32>,
        %get3A_1118 = vector.shape_cast %get3A_1117 : vector<1x1x16xf32> to vector<16xf32>
        %get3A_1119 = arith.constant 2 : i32
        %get3A_1120 = arith.constant 0 : i32
        %get3A_1121 = arith.constant 2 : i32
        %get3A_1122 = arith.index_cast %get3A_1119 : i32 to index
        %get3A_1123 = arith.index_cast %get3A_1120 : i32 to index
        %get3A_1124 = arith.index_cast %get3A_1121 : i32 to index
        %get3A_1125 = arith.index_cast %mul3A_939 : i32 to index
        %get3A_1126 = tpu.vector_load %arg7[%get3A_1122, %get3A_1123, %get3A_1124, %get3A_1125] {strides = array<i32>} : memref<3x4x4x2048xf32, #tpu.memory_space<vmem>>, vector<1x1x1x16xf32>,
        %get3A_1127 = vector.shape_cast %get3A_1126 : vector<1x1x1x16xf32> to vector<16xf32>
        %mul3A_1128 = arith.mulf %get3A_1127, %get3A_1118 : vector<16xf32>
        %swap3A_1129 = arith.constant 2 : i32
        %swap3A_1130 = arith.constant 0 : i32
        %swap3A_1131 = arith.constant 2 : i32
        %swap3A_1132 = arith.index_cast %swap3A_1129 : i32 to index
        %swap3A_1133 = arith.index_cast %swap3A_1130 : i32 to index
        %swap3A_1134 = arith.index_cast %swap3A_1131 : i32 to index
        %swap3A_1135 = arith.index_cast %mul3A_939 : i32 to index
        %swap3A_1136 = tpu.vector_load %arg7[%swap3A_1132, %swap3A_1133, %swap3A_1134, %swap3A_1135] {strides = array<i32>} : memref<3x4x4x2048xf32, #tpu.memory_space<vmem>>, vector<1x1x1x16xf32>,
        %swap3A_1137 = vector.shape_cast %swap3A_1136 : vector<1x1x1x16xf32> to vector<16xf32>
        %swap3A_1138 = vector.shape_cast %mul3A_1128 : vector<16xf32> to vector<1x1x1x16xf32>
        tpu.vector_store %arg7[%swap3A_1132, %swap3A_1133, %swap3A_1134, %swap3A_1135], %swap3A_1138 {strides = array<i32>} : memref<3x4x4x2048xf32, #tpu.memory_space<vmem>>, vector<1x1x1x16xf32>,
        %get3A_1139 = arith.constant 2 : i32
        %get3A_1140 = arith.constant 1 : i32
        %get3A_1141 = arith.constant 2 : i32
        %get3A_1142 = arith.index_cast %get3A_1139 : i32 to index
        %get3A_1143 = arith.index_cast %get3A_1140 : i32 to index
        %get3A_1144 = arith.index_cast %get3A_1141 : i32 to index
        %get3A_1145 = arith.index_cast %mul3A_939 : i32 to index
        %get3A_1146 = tpu.vector_load %arg7[%get3A_1142, %get3A_1143, %get3A_1144, %get3A_1145] {strides = array<i32>} : memref<3x4x4x2048xf32, #tpu.memory_space<vmem>>, vector<1x1x1x16xf32>,
        %get3A_1147 = vector.shape_cast %get3A_1146 : vector<1x1x1x16xf32> to vector<16xf32>
        %mul3A_1148 = arith.mulf %get3A_1147, %get3A_1118 : vector<16xf32>
        %swap3A_1149 = arith.constant 2 : i32
        %swap3A_1150 = arith.constant 1 : i32
        %swap3A_1151 = arith.constant 2 : i32
        %swap3A_1152 = arith.index_cast %swap3A_1149 : i32 to index
        %swap3A_1153 = arith.index_cast %swap3A_1150 : i32 to index
        %swap3A_1154 = arith.index_cast %swap3A_1151 : i32 to index
        %swap3A_1155 = arith.index_cast %mul3A_939 : i32 to index
        %swap3A_1156 = tpu.vector_load %arg7[%swap3A_1152, %swap3A_1153, %swap3A_1154, %swap3A_1155] {strides = array<i32>} : memref<3x4x4x2048xf32, #tpu.memory_space<vmem>>, vector<1x1x1x16xf32>,
        %swap3A_1157 = vector.shape_cast %swap3A_1156 : vector<1x1x1x16xf32> to vector<16xf32>
        %swap3A_1158 = vector.shape_cast %mul3A_1148 : vector<16xf32> to vector<1x1x1x16xf32>
        tpu.vector_store %arg7[%swap3A_1152, %swap3A_1153, %swap3A_1154, %swap3A_1155], %swap3A_1158 {strides = array<i32>} : memref<3x4x4x2048xf32, #tpu.memory_space<vmem>>, vector<1x1x1x16xf32>,
        %get3A_1159 = arith.constant 2 : i32
        %get3A_1160 = arith.constant 2 : i32
        %get3A_1161 = arith.constant 2 : i32
        %get3A_1162 = arith.index_cast %get3A_1159 : i32 to index
        %get3A_1163 = arith.index_cast %get3A_1160 : i32 to index
        %get3A_1164 = arith.index_cast %get3A_1161 : i32 to index
        %get3A_1165 = arith.index_cast %mul3A_939 : i32 to index
        %get3A_1166 = tpu.vector_load %arg7[%get3A_1162, %get3A_1163, %get3A_1164, %get3A_1165] {strides = array<i32>} : memref<3x4x4x2048xf32, #tpu.memory_space<vmem>>, vector<1x1x1x16xf32>,
        %get3A_1167 = vector.shape_cast %get3A_1166 : vector<1x1x1x16xf32> to vector<16xf32>
        %mul3A_1168 = arith.mulf %get3A_1167, %get3A_1118 : vector<16xf32>
        %swap3A_1169 = arith.constant 2 : i32
        %swap3A_1170 = arith.constant 2 : i32
        %swap3A_1171 = arith.constant 2 : i32
        %swap3A_1172 = arith.index_cast %swap3A_1169 : i32 to index
        %swap3A_1173 = arith.index_cast %swap3A_1170 : i32 to index
        %swap3A_1174 = arith.index_cast %swap3A_1171 : i32 to index
        %swap3A_1175 = arith.index_cast %mul3A_939 : i32 to index
        %swap3A_1176 = tpu.vector_load %arg7[%swap3A_1172, %swap3A_1173, %swap3A_1174, %swap3A_1175] {strides = array<i32>} : memref<3x4x4x2048xf32, #tpu.memory_space<vmem>>, vector<1x1x1x16xf32>,
        %swap3A_1177 = vector.shape_cast %swap3A_1176 : vector<1x1x1x16xf32> to vector<16xf32>
        %swap3A_1178 = vector.shape_cast %mul3A_1168 : vector<16xf32> to vector<1x1x1x16xf32>
        tpu.vector_store %arg7[%swap3A_1172, %swap3A_1173, %swap3A_1174, %swap3A_1175], %swap3A_1178 {strides = array<i32>} : memref<3x4x4x2048xf32, #tpu.memory_space<vmem>>, vector<1x1x1x16xf32>,
        %get3A_1179 = arith.constant 2 : i32
        %get3A_1180 = arith.constant 3 : i32
        %get3A_1181 = arith.constant 2 : i32
        %get3A_1182 = arith.index_cast %get3A_1179 : i32 to index
        %get3A_1183 = arith.index_cast %get3A_1180 : i32 to index
        %get3A_1184 = arith.index_cast %get3A_1181 : i32 to index
        %get3A_1185 = arith.index_cast %mul3A_939 : i32 to index
        %get3A_1186 = tpu.vector_load %arg7[%get3A_1182, %get3A_1183, %get3A_1184, %get3A_1185] {strides = array<i32>} : memref<3x4x4x2048xf32, #tpu.memory_space<vmem>>, vector<1x1x1x16xf32>,
        %get3A_1187 = vector.shape_cast %get3A_1186 : vector<1x1x1x16xf32> to vector<16xf32>
        %mul3A_1188 = arith.mulf %get3A_1187, %get3A_1118 : vector<16xf32>
        %swap3A_1189 = arith.constant 2 : i32
        %swap3A_1190 = arith.constant 3 : i32
        %swap3A_1191 = arith.constant 2 : i32
        %swap3A_1192 = arith.index_cast %swap3A_1189 : i32 to index
        %swap3A_1193 = arith.index_cast %swap3A_1190 : i32 to index
        %swap3A_1194 = arith.index_cast %swap3A_1191 : i32 to index
        %swap3A_1195 = arith.index_cast %mul3A_939 : i32 to index
        %swap3A_1196 = tpu.vector_load %arg7[%swap3A_1192, %swap3A_1193, %swap3A_1194, %swap3A_1195] {strides = array<i32>} : memref<3x4x4x2048xf32, #tpu.memory_space<vmem>>, vector<1x1x1x16xf32>,
        %swap3A_1197 = vector.shape_cast %swap3A_1196 : vector<1x1x1x16xf32> to vector<16xf32>
        %swap3A_1198 = vector.shape_cast %mul3A_1188 : vector<16xf32> to vector<1x1x1x16xf32>
        tpu.vector_store %arg7[%swap3A_1192, %swap3A_1193, %swap3A_1194, %swap3A_1195], %swap3A_1198 {strides = array<i32>} : memref<3x4x4x2048xf32, #tpu.memory_space<vmem>>, vector<1x1x1x16xf32>,
        %get3A_1199 = arith.constant 2 : i32
        %get3A_1200 = arith.constant 3 : i32
        %get3A_1201 = arith.index_cast %get3A_1199 : i32 to index
        %get3A_1202 = arith.index_cast %get3A_1200 : i32 to index
        %get3A_1203 = arith.index_cast %mul3A_939 : i32 to index
        %get3A_1204 = tpu.vector_load %arg8[%get3A_1201, %get3A_1202, %get3A_1203] {strides = array<i32>} : memref<3x4x2048xf32, #tpu.memory_space<vmem>>, vector<1x1x16xf32>,
        %get3A_1205 = vector.shape_cast %get3A_1204 : vector<1x1x16xf32> to vector<16xf32>
        %get3A_1206 = arith.constant 2 : i32
        %get3A_1207 = arith.constant 0 : i32
        %get3A_1208 = arith.constant 3 : i32
        %get3A_1209 = arith.index_cast %get3A_1206 : i32 to index
        %get3A_1210 = arith.index_cast %get3A_1207 : i32 to index
        %get3A_1211 = arith.index_cast %get3A_1208 : i32 to index
        %get3A_1212 = arith.index_cast %mul3A_939 : i32 to index
        %get3A_1213 = tpu.vector_load %arg7[%get3A_1209, %get3A_1210, %get3A_1211, %get3A_1212] {strides = array<i32>} : memref<3x4x4x2048xf32, #tpu.memory_space<vmem>>, vector<1x1x1x16xf32>,
        %get3A_1214 = vector.shape_cast %get3A_1213 : vector<1x1x1x16xf32> to vector<16xf32>
        %mul3A_1215 = arith.mulf %get3A_1214, %get3A_1205 : vector<16xf32>
        %swap3A_1216 = arith.constant 2 : i32
        %swap3A_1217 = arith.constant 0 : i32
        %swap3A_1218 = arith.constant 3 : i32
        %swap3A_1219 = arith.index_cast %swap3A_1216 : i32 to index
        %swap3A_1220 = arith.index_cast %swap3A_1217 : i32 to index
        %swap3A_1221 = arith.index_cast %swap3A_1218 : i32 to index
        %swap3A_1222 = arith.index_cast %mul3A_939 : i32 to index
        %swap3A_1223 = tpu.vector_load %arg7[%swap3A_1219, %swap3A_1220, %swap3A_1221, %swap3A_1222] {strides = array<i32>} : memref<3x4x4x2048xf32, #tpu.memory_space<vmem>>, vector<1x1x1x16xf32>,
        %swap3A_1224 = vector.shape_cast %swap3A_1223 : vector<1x1x1x16xf32> to vector<16xf32>
        %swap3A_1225 = vector.shape_cast %mul3A_1215 : vector<16xf32> to vector<1x1x1x16xf32>
        tpu.vector_store %arg7[%swap3A_1219, %swap3A_1220, %swap3A_1221, %swap3A_1222], %swap3A_1225 {strides = array<i32>} : memref<3x4x4x2048xf32, #tpu.memory_space<vmem>>, vector<1x1x1x16xf32>,
        %get3A_1226 = arith.constant 2 : i32
        %get3A_1227 = arith.constant 1 : i32
        %get3A_1228 = arith.constant 3 : i32
        %get3A_1229 = arith.index_cast %get3A_1226 : i32 to index
        %get3A_1230 = arith.index_cast %get3A_1227 : i32 to index
        %get3A_1231 = arith.index_cast %get3A_1228 : i32 to index
        %get3A_1232 = arith.index_cast %mul3A_939 : i32 to index
        %get3A_1233 = tpu.vector_load %arg7[%get3A_1229, %get3A_1230, %get3A_1231, %get3A_1232] {strides = array<i32>} : memref<3x4x4x2048xf32, #tpu.memory_space<vmem>>, vector<1x1x1x16xf32>,
        %get3A_1234 = vector.shape_cast %get3A_1233 : vector<1x1x1x16xf32> to vector<16xf32>
        %mul3A_1235 = arith.mulf %get3A_1234, %get3A_1205 : vector<16xf32>
        %swap3A_1236 = arith.constant 2 : i32
        %swap3A_1237 = arith.constant 1 : i32
        %swap3A_1238 = arith.constant 3 : i32
        %swap3A_1239 = arith.index_cast %swap3A_1236 : i32 to index
        %swap3A_1240 = arith.index_cast %swap3A_1237 : i32 to index
        %swap3A_1241 = arith.index_cast %swap3A_1238 : i32 to index
        %swap3A_1242 = arith.index_cast %mul3A_939 : i32 to index
        %swap3A_1243 = tpu.vector_load %arg7[%swap3A_1239, %swap3A_1240, %swap3A_1241, %swap3A_1242] {strides = array<i32>} : memref<3x4x4x2048xf32, #tpu.memory_space<vmem>>, vector<1x1x1x16xf32>,
        %swap3A_1244 = vector.shape_cast %swap3A_1243 : vector<1x1x1x16xf32> to vector<16xf32>
        %swap3A_1245 = vector.shape_cast %mul3A_1235 : vector<16xf32> to vector<1x1x1x16xf32>
        tpu.vector_store %arg7[%swap3A_1239, %swap3A_1240, %swap3A_1241, %swap3A_1242], %swap3A_1245 {strides = array<i32>} : memref<3x4x4x2048xf32, #tpu.memory_space<vmem>>, vector<1x1x1x16xf32>,
        %get3A_1246 = arith.constant 2 : i32
        %get3A_1247 = arith.constant 2 : i32
        %get3A_1248 = arith.constant 3 : i32
        %get3A_1249 = arith.index_cast %get3A_1246 : i32 to index
        %get3A_1250 = arith.index_cast %get3A_1247 : i32 to index
        %get3A_1251 = arith.index_cast %get3A_1248 : i32 to index
        %get3A_1252 = arith.index_cast %mul3A_939 : i32 to index
        %get3A_1253 = tpu.vector_load %arg7[%get3A_1249, %get3A_1250, %get3A_1251, %get3A_1252] {strides = array<i32>} : memref<3x4x4x2048xf32, #tpu.memory_space<vmem>>, vector<1x1x1x16xf32>,
        %get3A_1254 = vector.shape_cast %get3A_1253 : vector<1x1x1x16xf32> to vector<16xf32>
        %mul3A_1255 = arith.mulf %get3A_1254, %get3A_1205 : vector<16xf32>
        %swap3A_1256 = arith.constant 2 : i32
        %swap3A_1257 = arith.constant 2 : i32
        %swap3A_1258 = arith.constant 3 : i32
        %swap3A_1259 = arith.index_cast %swap3A_1256 : i32 to index
        %swap3A_1260 = arith.index_cast %swap3A_1257 : i32 to index
        %swap3A_1261 = arith.index_cast %swap3A_1258 : i32 to index
        %swap3A_1262 = arith.index_cast %mul3A_939 : i32 to index
        %swap3A_1263 = tpu.vector_load %arg7[%swap3A_1259, %swap3A_1260, %swap3A_1261, %swap3A_1262] {strides = array<i32>} : memref<3x4x4x2048xf32, #tpu.memory_space<vmem>>, vector<1x1x1x16xf32>,
        %swap3A_1264 = vector.shape_cast %swap3A_1263 : vector<1x1x1x16xf32> to vector<16xf32>
        %swap3A_1265 = vector.shape_cast %mul3A_1255 : vector<16xf32> to vector<1x1x1x16xf32>
        tpu.vector_store %arg7[%swap3A_1259, %swap3A_1260, %swap3A_1261, %swap3A_1262], %swap3A_1265 {strides = array<i32>} : memref<3x4x4x2048xf32, #tpu.memory_space<vmem>>, vector<1x1x1x16xf32>,
        %get3A_1266 = arith.constant 2 : i32
        %get3A_1267 = arith.constant 3 : i32
        %get3A_1268 = arith.constant 3 : i32
        %get3A_1269 = arith.index_cast %get3A_1266 : i32 to index
        %get3A_1270 = arith.index_cast %get3A_1267 : i32 to index
        %get3A_1271 = arith.index_cast %get3A_1268 : i32 to index
        %get3A_1272 = arith.index_cast %mul3A_939 : i32 to index
        %get3A_1273 = tpu.vector_load %arg7[%get3A_1269, %get3A_1270, %get3A_1271, %get3A_1272] {strides = array<i32>} : memref<3x4x4x2048xf32, #tpu.memory_space<vmem>>, vector<1x1x1x16xf32>,
        %get3A_1274 = vector.shape_cast %get3A_1273 : vector<1x1x1x16xf32> to vector<16xf32>
        %mul3A_1275 = arith.mulf %get3A_1274, %get3A_1205 : vector<16xf32>
        %swap3A_1276 = arith.constant 2 : i32
        %swap3A_1277 = arith.constant 3 : i32
        %swap3A_1278 = arith.constant 3 : i32
        %swap3A_1279 = arith.index_cast %swap3A_1276 : i32 to index
        %swap3A_1280 = arith.index_cast %swap3A_1277 : i32 to index
        %swap3A_1281 = arith.index_cast %swap3A_1278 : i32 to index
        %swap3A_1282 = arith.index_cast %mul3A_939 : i32 to index
        %swap3A_1283 = tpu.vector_load %arg7[%swap3A_1279, %swap3A_1280, %swap3A_1281, %swap3A_1282] {strides = array<i32>} : memref<3x4x4x2048xf32, #tpu.memory_space<vmem>>, vector<1x1x1x16xf32>,
        %swap3A_1284 = vector.shape_cast %swap3A_1283 : vector<1x1x1x16xf32> to vector<16xf32>
        %swap3A_1285 = vector.shape_cast %mul3A_1275 : vector<16xf32> to vector<1x1x1x16xf32>
        tpu.vector_store %arg7[%swap3A_1279, %swap3A_1280, %swap3A_1281, %swap3A_1282], %swap3A_1285 {strides = array<i32>} : memref<3x4x4x2048xf32, #tpu.memory_space<vmem>>, vector<1x1x1x16xf32>,
        %scan3A_1286 = arith.constant 0 : i32
        scf.yield %scan3A_1286 : i32
      }
      %scan3A_858 = arith.constant 128 : i32
      %add3A_859 = arith.constant 0 : i32
      %add3A_860 = arith.addi %add3A_859, %mul3A_2 : i32
      %mul3A_861 = arith.constant 4 : i32
      %mul3A_862 = arith.muli %add3A_772, %mul3A_861 : i32
      %add3A_863 = arith.addi %add3A_860, %mul3A_862 : i32
      %add3A_864 = arith.constant 2048 : i32
      %add3A_865 = arith.addi %add3A_864, %mul3A_2 : i32
      %mul3A_866 = arith.constant 4 : i32
      %mul3A_867 = arith.muli %add3A_772, %mul3A_866 : i32
      %add3A_868 = arith.addi %add3A_865, %mul3A_867 : i32
      %add3A_869 = arith.constant 4096 : i32
      %add3A_870 = arith.addi %add3A_869, %mul3A_2 : i32
      %mul3A_871 = arith.constant 4 : i32
      %mul3A_872 = arith.muli %add3A_772, %mul3A_871 : i32
      %add3A_873 = arith.addi %add3A_870, %mul3A_872 : i32
      %add3A_874 = arith.constant 6144 : i32
      %add3A_875 = arith.addi %add3A_874, %mul3A_2 : i32
      %mul3A_876 = arith.constant 4 : i32
      %mul3A_877 = arith.muli %add3A_772, %mul3A_876 : i32
      %add3A_878 = arith.addi %add3A_875, %mul3A_877 : i32
      %dma_start3A_879 = arith.constant 2 : i32
      %dma_start3A_880 = arith.constant 0 : i32
      %dma_start3A_881 = arith.constant 0 : i32
      %dma_start3A_882 = arith.constant 0 : i32
      %dma_start3A_883 = tpu.memref_slice %arg7[%dma_start3A_879, %dma_start3A_880, %dma_start3A_881, %dma_start3A_882] : memref<3x4x4x2048xf32, #tpu.memory_space<vmem>> -> memref<1x1x4x2048xf32, #tpu.memory_space<vmem>>
      %dma_start3A_884 = tpu.memref_squeeze %dma_start3A_883 : memref<1x1x4x2048xf32, #tpu.memory_space<vmem>> -> memref<4x2048xf32, #tpu.memory_space<vmem>>
      %dma_start3A_885 = arith.constant 0 : i32
      %dma_start3A_886 = tpu.memref_slice %arg5[%add3A_863, %dma_start3A_885] : memref<8192x2048xf32, #tpu.memory_space<hbm>> -> memref<4x2048xf32, #tpu.memory_space<hbm>>
      %dma_start3A_887 = arith.constant 0 : i32
      %dma_start3A_888 = tpu.memref_slice %arg5[%add3A_863, %dma_start3A_887] : memref<8192x2048xf32, #tpu.memory_space<hbm>> -> memref<4x2048xf32, #tpu.memory_space<hbm>>
      %dma_start3A_889 = arith.constant 0 : i32
      %dma_start3A_890 = arith.constant 0 : i32
      %dma_start3A_891 = tpu.memref_slice %arg7[%dma_start3A_879, %dma_start3A_880, %dma_start3A_889, %dma_start3A_890] : memref<3x4x4x2048xf32, #tpu.memory_space<vmem>> -> memref<1x1x4x2048xf32, #tpu.memory_space<vmem>>
      %dma_start3A_892 = tpu.memref_squeeze %dma_start3A_891 : memref<1x1x4x2048xf32, #tpu.memory_space<vmem>> -> memref<4x2048xf32, #tpu.memory_space<vmem>>
      tpu.enqueue_dma source(%dma_start3A_892 : memref<4x2048xf32, #tpu.memory_space<vmem>>) target(%dma_start3A_888 : memref<4x2048xf32, #tpu.memory_space<hbm>>) target_semaphore(%arg14 : memref<!tpu.dma_semaphore, #tpu.memory_space<semaphore_mem>>)
      %dma_start3A_893 = arith.constant 2 : i32
      %dma_start3A_894 = arith.constant 1 : i32
      %dma_start3A_895 = arith.constant 0 : i32
      %dma_start3A_896 = arith.constant 0 : i32
      %dma_start3A_897 = tpu.memref_slice %arg7[%dma_start3A_893, %dma_start3A_894, %dma_start3A_895, %dma_start3A_896] : memref<3x4x4x2048xf32, #tpu.memory_space<vmem>> -> memref<1x1x4x2048xf32, #tpu.memory_space<vmem>>
      %dma_start3A_898 = tpu.memref_squeeze %dma_start3A_897 : memref<1x1x4x2048xf32, #tpu.memory_space<vmem>> -> memref<4x2048xf32, #tpu.memory_space<vmem>>
      %dma_start3A_899 = arith.constant 0 : i32
      %dma_start3A_900 = tpu.memref_slice %arg5[%add3A_868, %dma_start3A_899] : memref<8192x2048xf32, #tpu.memory_space<hbm>> -> memref<4x2048xf32, #tpu.memory_space<hbm>>
      %dma_start3A_901 = arith.constant 0 : i32
      %dma_start3A_902 = tpu.memref_slice %arg5[%add3A_868, %dma_start3A_901] : memref<8192x2048xf32, #tpu.memory_space<hbm>> -> memref<4x2048xf32, #tpu.memory_space<hbm>>
      %dma_start3A_903 = arith.constant 0 : i32
      %dma_start3A_904 = arith.constant 0 : i32
      %dma_start3A_905 = tpu.memref_slice %arg7[%dma_start3A_893, %dma_start3A_894, %dma_start3A_903, %dma_start3A_904] : memref<3x4x4x2048xf32, #tpu.memory_space<vmem>> -> memref<1x1x4x2048xf32, #tpu.memory_space<vmem>>
      %dma_start3A_906 = tpu.memref_squeeze %dma_start3A_905 : memref<1x1x4x2048xf32, #tpu.memory_space<vmem>> -> memref<4x2048xf32, #tpu.memory_space<vmem>>
      tpu.enqueue_dma source(%dma_start3A_906 : memref<4x2048xf32, #tpu.memory_space<vmem>>) target(%dma_start3A_902 : memref<4x2048xf32, #tpu.memory_space<hbm>>) target_semaphore(%arg14 : memref<!tpu.dma_semaphore, #tpu.memory_space<semaphore_mem>>)
      %dma_start3A_907 = arith.constant 2 : i32
      %dma_start3A_908 = arith.constant 2 : i32
      %dma_start3A_909 = arith.constant 0 : i32
      %dma_start3A_910 = arith.constant 0 : i32
      %dma_start3A_911 = tpu.memref_slice %arg7[%dma_start3A_907, %dma_start3A_908, %dma_start3A_909, %dma_start3A_910] : memref<3x4x4x2048xf32, #tpu.memory_space<vmem>> -> memref<1x1x4x2048xf32, #tpu.memory_space<vmem>>
      %dma_start3A_912 = tpu.memref_squeeze %dma_start3A_911 : memref<1x1x4x2048xf32, #tpu.memory_space<vmem>> -> memref<4x2048xf32, #tpu.memory_space<vmem>>
      %dma_start3A_913 = arith.constant 0 : i32
      %dma_start3A_914 = tpu.memref_slice %arg5[%add3A_873, %dma_start3A_913] : memref<8192x2048xf32, #tpu.memory_space<hbm>> -> memref<4x2048xf32, #tpu.memory_space<hbm>>
      %dma_start3A_915 = arith.constant 0 : i32
      %dma_start3A_916 = tpu.memref_slice %arg5[%add3A_873, %dma_start3A_915] : memref<8192x2048xf32, #tpu.memory_space<hbm>> -> memref<4x2048xf32, #tpu.memory_space<hbm>>
      %dma_start3A_917 = arith.constant 0 : i32
      %dma_start3A_918 = arith.constant 0 : i32
      %dma_start3A_919 = tpu.memref_slice %arg7[%dma_start3A_907, %dma_start3A_908, %dma_start3A_917, %dma_start3A_918] : memref<3x4x4x2048xf32, #tpu.memory_space<vmem>> -> memref<1x1x4x2048xf32, #tpu.memory_space<vmem>>
      %dma_start3A_920 = tpu.memref_squeeze %dma_start3A_919 : memref<1x1x4x2048xf32, #tpu.memory_space<vmem>> -> memref<4x2048xf32, #tpu.memory_space<vmem>>
      tpu.enqueue_dma source(%dma_start3A_920 : memref<4x2048xf32, #tpu.memory_space<vmem>>) target(%dma_start3A_916 : memref<4x2048xf32, #tpu.memory_space<hbm>>) target_semaphore(%arg14 : memref<!tpu.dma_semaphore, #tpu.memory_space<semaphore_mem>>)
      %dma_start3A_921 = arith.constant 2 : i32
      %dma_start3A_922 = arith.constant 3 : i32
      %dma_start3A_923 = arith.constant 0 : i32
      %dma_start3A_924 = arith.constant 0 : i32
      %dma_start3A_925 = tpu.memref_slice %arg7[%dma_start3A_921, %dma_start3A_922, %dma_start3A_923, %dma_start3A_924] : memref<3x4x4x2048xf32, #tpu.memory_space<vmem>> -> memref<1x1x4x2048xf32, #tpu.memory_space<vmem>>
      %dma_start3A_926 = tpu.memref_squeeze %dma_start3A_925 : memref<1x1x4x2048xf32, #tpu.memory_space<vmem>> -> memref<4x2048xf32, #tpu.memory_space<vmem>>
      %dma_start3A_927 = arith.constant 0 : i32
      %dma_start3A_928 = tpu.memref_slice %arg5[%add3A_878, %dma_start3A_927] : memref<8192x2048xf32, #tpu.memory_space<hbm>> -> memref<4x2048xf32, #tpu.memory_space<hbm>>
      %dma_start3A_929 = arith.constant 0 : i32
      %dma_start3A_930 = tpu.memref_slice %arg5[%add3A_878, %dma_start3A_929] : memref<8192x2048xf32, #tpu.memory_space<hbm>> -> memref<4x2048xf32, #tpu.memory_space<hbm>>
      %dma_start3A_931 = arith.constant 0 : i32
      %dma_start3A_932 = arith.constant 0 : i32
      %dma_start3A_933 = tpu.memref_slice %arg7[%dma_start3A_921, %dma_start3A_922, %dma_start3A_931, %dma_start3A_932] : memref<3x4x4x2048xf32, #tpu.memory_space<vmem>> -> memref<1x1x4x2048xf32, #tpu.memory_space<vmem>>
      %dma_start3A_934 = tpu.memref_squeeze %dma_start3A_933 : memref<1x1x4x2048xf32, #tpu.memory_space<vmem>> -> memref<4x2048xf32, #tpu.memory_space<vmem>>
      tpu.enqueue_dma source(%dma_start3A_934 : memref<4x2048xf32, #tpu.memory_space<vmem>>) target(%dma_start3A_930 : memref<4x2048xf32, #tpu.memory_space<hbm>>) target_semaphore(%arg14 : memref<!tpu.dma_semaphore, #tpu.memory_space<semaphore_mem>>)
      %scan3A_935 = arith.constant 0 : i32
      scf.yield %scan3A_935 : i32
    }
    %scan3A_76 = arith.constant 5 : i32
    %add3A_77 = arith.constant 60 : i32
    %add3A_78 = arith.addi %mul3A_2, %add3A_77 : i32
    %dma_wait3A = arith.constant 0 : i32
    %dma_wait3A_79 = arith.constant 0 : i32
    %dma_wait3A_80 = arith.constant 0 : i32
    %dma_wait3A_81 = arith.constant 0 : i32
    %dma_wait3A_82 = arith.constant 0 : i32
    %dma_wait3A_83 = tpu.memref_slice %arg7[%dma_wait3A_79, %dma_wait3A_80, %dma_wait3A_81, %dma_wait3A_82] : memref<3x4x4x2048xf32, #tpu.memory_space<vmem>> -> memref<1x1x4x2048xf32, #tpu.memory_space<vmem>>
    %dma_wait3A_84 = tpu.memref_squeeze %dma_wait3A_83 : memref<1x1x4x2048xf32, #tpu.memory_space<vmem>> -> memref<4x2048xf32, #tpu.memory_space<vmem>>
    %dma_wait3A_85 = arith.constant 60 : i32
    %dma_wait3A_86 = tpu.memref_slice %arg6[%dma_wait3A, %dma_wait3A_85] : memref<4x64xi32, #tpu.memory_space<vmem>> -> memref<1x4xi32, #tpu.memory_space<vmem>>
    %dma_wait3A_87 = tpu.memref_squeeze %dma_wait3A_86 : memref<1x4xi32, #tpu.memory_space<vmem>> -> memref<4xi32, #tpu.memory_space<vmem>>
    %dma_wait3A_88 = arith.constant 0 : i32
    %dma_wait3A_89 = arith.constant 0 : i32
    %dma_wait3A_90 = tpu.memref_slice %arg3[%dma_wait3A_88, %dma_wait3A_89] : memref<100000x2048xf32, #tpu.memory_space<hbm>> -> memref<100000x2048xf32, #tpu.memory_space<hbm>>
    tpu.wait_indirect_dma semaphore(%arg9 : memref<!tpu.dma_semaphore, #tpu.memory_space<semaphore_mem>>) src(%dma_wait3A_90 : memref<100000x2048xf32, #tpu.memory_space<hbm>>) dst(%dma_wait3A_84 : memref<4x2048xf32, #tpu.memory_space<vmem>>)
    %dma_wait3A_91 = arith.constant 1 : i32
    %dma_wait3A_92 = arith.constant 0 : i32
    %dma_wait3A_93 = arith.constant 1 : i32
    %dma_wait3A_94 = arith.constant 0 : i32
    %dma_wait3A_95 = arith.constant 0 : i32
    %dma_wait3A_96 = tpu.memref_slice %arg7[%dma_wait3A_92, %dma_wait3A_93, %dma_wait3A_94, %dma_wait3A_95] : memref<3x4x4x2048xf32, #tpu.memory_space<vmem>> -> memref<1x1x4x2048xf32, #tpu.memory_space<vmem>>
    %dma_wait3A_97 = tpu.memref_squeeze %dma_wait3A_96 : memref<1x1x4x2048xf32, #tpu.memory_space<vmem>> -> memref<4x2048xf32, #tpu.memory_space<vmem>>
    %dma_wait3A_98 = arith.constant 60 : i32
    %dma_wait3A_99 = tpu.memref_slice %arg6[%dma_wait3A_91, %dma_wait3A_98] : memref<4x64xi32, #tpu.memory_space<vmem>> -> memref<1x4xi32, #tpu.memory_space<vmem>>
    %dma_wait3A_100 = tpu.memref_squeeze %dma_wait3A_99 : memref<1x4xi32, #tpu.memory_space<vmem>> -> memref<4xi32, #tpu.memory_space<vmem>>
    %dma_wait3A_101 = arith.constant 0 : i32
    %dma_wait3A_102 = arith.constant 0 : i32
    %dma_wait3A_103 = tpu.memref_slice %arg3[%dma_wait3A_101, %dma_wait3A_102] : memref<100000x2048xf32, #tpu.memory_space<hbm>> -> memref<100000x2048xf32, #tpu.memory_space<hbm>>
    tpu.wait_indirect_dma semaphore(%arg9 : memref<!tpu.dma_semaphore, #tpu.memory_space<semaphore_mem>>) src(%dma_wait3A_103 : memref<100000x2048xf32, #tpu.memory_space<hbm>>) dst(%dma_wait3A_97 : memref<4x2048xf32, #tpu.memory_space<vmem>>)
    %dma_wait3A_104 = arith.constant 2 : i32
    %dma_wait3A_105 = arith.constant 0 : i32
    %dma_wait3A_106 = arith.constant 2 : i32
    %dma_wait3A_107 = arith.constant 0 : i32
    %dma_wait3A_108 = arith.constant 0 : i32
    %dma_wait3A_109 = tpu.memref_slice %arg7[%dma_wait3A_105, %dma_wait3A_106, %dma_wait3A_107, %dma_wait3A_108] : memref<3x4x4x2048xf32, #tpu.memory_space<vmem>> -> memref<1x1x4x2048xf32, #tpu.memory_space<vmem>>
    %dma_wait3A_110 = tpu.memref_squeeze %dma_wait3A_109 : memref<1x1x4x2048xf32, #tpu.memory_space<vmem>> -> memref<4x2048xf32, #tpu.memory_space<vmem>>
    %dma_wait3A_111 = arith.constant 60 : i32
    %dma_wait3A_112 = tpu.memref_slice %arg6[%dma_wait3A_104, %dma_wait3A_111] : memref<4x64xi32, #tpu.memory_space<vmem>> -> memref<1x4xi32, #tpu.memory_space<vmem>>
    %dma_wait3A_113 = tpu.memref_squeeze %dma_wait3A_112 : memref<1x4xi32, #tpu.memory_space<vmem>> -> memref<4xi32, #tpu.memory_space<vmem>>
    %dma_wait3A_114 = arith.constant 0 : i32
    %dma_wait3A_115 = arith.constant 0 : i32
    %dma_wait3A_116 = tpu.memref_slice %arg3[%dma_wait3A_114, %dma_wait3A_115] : memref<100000x2048xf32, #tpu.memory_space<hbm>> -> memref<100000x2048xf32, #tpu.memory_space<hbm>>
    tpu.wait_indirect_dma semaphore(%arg9 : memref<!tpu.dma_semaphore, #tpu.memory_space<semaphore_mem>>) src(%dma_wait3A_116 : memref<100000x2048xf32, #tpu.memory_space<hbm>>) dst(%dma_wait3A_110 : memref<4x2048xf32, #tpu.memory_space<vmem>>)
    %dma_wait3A_117 = arith.constant 3 : i32
    %dma_wait3A_118 = arith.constant 0 : i32
    %dma_wait3A_119 = arith.constant 3 : i32
    %dma_wait3A_120 = arith.constant 0 : i32
    %dma_wait3A_121 = arith.constant 0 : i32
    %dma_wait3A_122 = tpu.memref_slice %arg7[%dma_wait3A_118, %dma_wait3A_119, %dma_wait3A_120, %dma_wait3A_121] : memref<3x4x4x2048xf32, #tpu.memory_space<vmem>> -> memref<1x1x4x2048xf32, #tpu.memory_space<vmem>>
    %dma_wait3A_123 = tpu.memref_squeeze %dma_wait3A_122 : memref<1x1x4x2048xf32, #tpu.memory_space<vmem>> -> memref<4x2048xf32, #tpu.memory_space<vmem>>
    %dma_wait3A_124 = arith.constant 60 : i32
    %dma_wait3A_125 = tpu.memref_slice %arg6[%dma_wait3A_117, %dma_wait3A_124] : memref<4x64xi32, #tpu.memory_space<vmem>> -> memref<1x4xi32, #tpu.memory_space<vmem>>
    %dma_wait3A_126 = tpu.memref_squeeze %dma_wait3A_125 : memref<1x4xi32, #tpu.memory_space<vmem>> -> memref<4xi32, #tpu.memory_space<vmem>>
    %dma_wait3A_127 = arith.constant 0 : i32
    %dma_wait3A_128 = arith.constant 0 : i32
    %dma_wait3A_129 = tpu.memref_slice %arg3[%dma_wait3A_127, %dma_wait3A_128] : memref<100000x2048xf32, #tpu.memory_space<hbm>> -> memref<100000x2048xf32, #tpu.memory_space<hbm>>
    tpu.wait_indirect_dma semaphore(%arg9 : memref<!tpu.dma_semaphore, #tpu.memory_space<semaphore_mem>>) src(%dma_wait3A_129 : memref<100000x2048xf32, #tpu.memory_space<hbm>>) dst(%dma_wait3A_123 : memref<4x2048xf32, #tpu.memory_space<vmem>>)
    %dma_wait3A_130 = arith.constant 0 : i32
    %dma_wait3A_131 = arith.constant 0 : i32
    %dma_wait3A_132 = arith.constant 0 : i32
    %dma_wait3A_133 = tpu.memref_slice %arg8[%dma_wait3A_130, %dma_wait3A_131, %dma_wait3A_132] : memref<3x4x2048xf32, #tpu.memory_space<vmem>> -> memref<1x4x2048xf32, #tpu.memory_space<vmem>>
    %dma_wait3A_134 = tpu.memref_squeeze %dma_wait3A_133 : memref<1x4x2048xf32, #tpu.memory_space<vmem>> -> memref<4x2048xf32, #tpu.memory_space<vmem>>
    %dma_wait3A_135 = arith.constant 0 : i32
    %dma_wait3A_136 = tpu.memref_slice %arg4[%add3A_78, %dma_wait3A_135] : memref<2048x2048xf32, #tpu.memory_space<hbm>> -> memref<4x2048xf32, #tpu.memory_space<hbm>>
    %dma_wait3A_137 = arith.constant 0 : i32
    %dma_wait3A_138 = arith.constant 0 : i32
    %dma_wait3A_139 = tpu.memref_slice %arg8[%dma_wait3A_130, %dma_wait3A_137, %dma_wait3A_138] : memref<3x4x2048xf32, #tpu.memory_space<vmem>> -> memref<1x4x2048xf32, #tpu.memory_space<vmem>>
    %dma_wait3A_140 = tpu.memref_squeeze %dma_wait3A_139 : memref<1x4x2048xf32, #tpu.memory_space<vmem>> -> memref<4x2048xf32, #tpu.memory_space<vmem>>
    %dma_wait3A_141 = arith.constant 0 : i32
    %dma_wait3A_142 = tpu.memref_slice %arg4[%add3A_78, %dma_wait3A_141] : memref<2048x2048xf32, #tpu.memory_space<hbm>> -> memref<4x2048xf32, #tpu.memory_space<hbm>>
    tpu.wait_dma2 semaphore(%arg9 : memref<!tpu.dma_semaphore, #tpu.memory_space<semaphore_mem>>) src(%dma_wait3A_142 : memref<4x2048xf32, #tpu.memory_space<hbm>>) dst(%dma_wait3A_140 : memref<4x2048xf32, #tpu.memory_space<vmem>>)
    %scan3A_143 = arith.constant 0 : i32
    %scan3A_144 = arith.constant 0 : i32
    %scan3A_145 = arith.constant 128 : i32
    %scan3A_146 = arith.addi %scan3A_144, %scan3A_145 : i32
    %scan3A_147 = arith.constant 1 : i32
    %scan3A_148 = scf.for %scan3A_438 = %scan3A_144 to %scan3A_146 step %scan3A_147 iter_args(%scan3A_439 = %scan3A_143) -> (i32)  : i32 {
      %mul3A_440 = arith.constant 16 : i32
      %mul3A_441 = arith.muli %scan3A_438, %mul3A_440 : i32
      %get3A = arith.constant 0 : i32
      %get3A_442 = arith.constant 0 : i32
      %get3A_443 = arith.index_cast %get3A : i32 to index
      %get3A_444 = arith.index_cast %get3A_442 : i32 to index
      %get3A_445 = arith.index_cast %mul3A_441 : i32 to index
      %get3A_446 = tpu.vector_load %arg8[%get3A_443, %get3A_444, %get3A_445] {strides = array<i32>} : memref<3x4x2048xf32, #tpu.memory_space<vmem>>, vector<1x1x16xf32>,
      %get3A_447 = vector.shape_cast %get3A_446 : vector<1x1x16xf32> to vector<16xf32>
      %get3A_448 = arith.constant 0 : i32
      %get3A_449 = arith.constant 0 : i32
      %get3A_450 = arith.constant 0 : i32
      %get3A_451 = arith.index_cast %get3A_448 : i32 to index
      %get3A_452 = arith.index_cast %get3A_449 : i32 to index
      %get3A_453 = arith.index_cast %get3A_450 : i32 to index
      %get3A_454 = arith.index_cast %mul3A_441 : i32 to index
      %get3A_455 = tpu.vector_load %arg7[%get3A_451, %get3A_452, %get3A_453, %get3A_454] {strides = array<i32>} : memref<3x4x4x2048xf32, #tpu.memory_space<vmem>>, vector<1x1x1x16xf32>,
      %get3A_456 = vector.shape_cast %get3A_455 : vector<1x1x1x16xf32> to vector<16xf32>
      %mul3A_457 = arith.mulf %get3A_456, %get3A_447 : vector<16xf32>
      %swap3A = arith.constant 0 : i32
      %swap3A_458 = arith.constant 0 : i32
      %swap3A_459 = arith.constant 0 : i32
      %swap3A_460 = arith.index_cast %swap3A : i32 to index
      %swap3A_461 = arith.index_cast %swap3A_458 : i32 to index
      %swap3A_462 = arith.index_cast %swap3A_459 : i32 to index
      %swap3A_463 = arith.index_cast %mul3A_441 : i32 to index
      %swap3A_464 = tpu.vector_load %arg7[%swap3A_460, %swap3A_461, %swap3A_462, %swap3A_463] {strides = array<i32>} : memref<3x4x4x2048xf32, #tpu.memory_space<vmem>>, vector<1x1x1x16xf32>,
      %swap3A_465 = vector.shape_cast %swap3A_464 : vector<1x1x1x16xf32> to vector<16xf32>
      %swap3A_466 = vector.shape_cast %mul3A_457 : vector<16xf32> to vector<1x1x1x16xf32>
      tpu.vector_store %arg7[%swap3A_460, %swap3A_461, %swap3A_462, %swap3A_463], %swap3A_466 {strides = array<i32>} : memref<3x4x4x2048xf32, #tpu.memory_space<vmem>>, vector<1x1x1x16xf32>,
      %get3A_467 = arith.constant 0 : i32
      %get3A_468 = arith.constant 1 : i32
      %get3A_469 = arith.constant 0 : i32
      %get3A_470 = arith.index_cast %get3A_467 : i32 to index
      %get3A_471 = arith.index_cast %get3A_468 : i32 to index
      %get3A_472 = arith.index_cast %get3A_469 : i32 to index
      %get3A_473 = arith.index_cast %mul3A_441 : i32 to index
      %get3A_474 = tpu.vector_load %arg7[%get3A_470, %get3A_471, %get3A_472, %get3A_473] {strides = array<i32>} : memref<3x4x4x2048xf32, #tpu.memory_space<vmem>>, vector<1x1x1x16xf32>,
      %get3A_475 = vector.shape_cast %get3A_474 : vector<1x1x1x16xf32> to vector<16xf32>
      %mul3A_476 = arith.mulf %get3A_475, %get3A_447 : vector<16xf32>
      %swap3A_477 = arith.constant 0 : i32
      %swap3A_478 = arith.constant 1 : i32
      %swap3A_479 = arith.constant 0 : i32
      %swap3A_480 = arith.index_cast %swap3A_477 : i32 to index
      %swap3A_481 = arith.index_cast %swap3A_478 : i32 to index
      %swap3A_482 = arith.index_cast %swap3A_479 : i32 to index
      %swap3A_483 = arith.index_cast %mul3A_441 : i32 to index
      %swap3A_484 = tpu.vector_load %arg7[%swap3A_480, %swap3A_481, %swap3A_482, %swap3A_483] {strides = array<i32>} : memref<3x4x4x2048xf32, #tpu.memory_space<vmem>>, vector<1x1x1x16xf32>,
      %swap3A_485 = vector.shape_cast %swap3A_484 : vector<1x1x1x16xf32> to vector<16xf32>
      %swap3A_486 = vector.shape_cast %mul3A_476 : vector<16xf32> to vector<1x1x1x16xf32>
      tpu.vector_store %arg7[%swap3A_480, %swap3A_481, %swap3A_482, %swap3A_483], %swap3A_486 {strides = array<i32>} : memref<3x4x4x2048xf32, #tpu.memory_space<vmem>>, vector<1x1x1x16xf32>,
      %get3A_487 = arith.constant 0 : i32
      %get3A_488 = arith.constant 2 : i32
      %get3A_489 = arith.constant 0 : i32
      %get3A_490 = arith.index_cast %get3A_487 : i32 to index
      %get3A_491 = arith.index_cast %get3A_488 : i32 to index
      %get3A_492 = arith.index_cast %get3A_489 : i32 to index
      %get3A_493 = arith.index_cast %mul3A_441 : i32 to index
      %get3A_494 = tpu.vector_load %arg7[%get3A_490, %get3A_491, %get3A_492, %get3A_493] {strides = array<i32>} : memref<3x4x4x2048xf32, #tpu.memory_space<vmem>>, vector<1x1x1x16xf32>,
      %get3A_495 = vector.shape_cast %get3A_494 : vector<1x1x1x16xf32> to vector<16xf32>
      %mul3A_496 = arith.mulf %get3A_495, %get3A_447 : vector<16xf32>
      %swap3A_497 = arith.constant 0 : i32
      %swap3A_498 = arith.constant 2 : i32
      %swap3A_499 = arith.constant 0 : i32
      %swap3A_500 = arith.index_cast %swap3A_497 : i32 to index
      %swap3A_501 = arith.index_cast %swap3A_498 : i32 to index
      %swap3A_502 = arith.index_cast %swap3A_499 : i32 to index
      %swap3A_503 = arith.index_cast %mul3A_441 : i32 to index
      %swap3A_504 = tpu.vector_load %arg7[%swap3A_500, %swap3A_501, %swap3A_502, %swap3A_503] {strides = array<i32>} : memref<3x4x4x2048xf32, #tpu.memory_space<vmem>>, vector<1x1x1x16xf32>,
      %swap3A_505 = vector.shape_cast %swap3A_504 : vector<1x1x1x16xf32> to vector<16xf32>
      %swap3A_506 = vector.shape_cast %mul3A_496 : vector<16xf32> to vector<1x1x1x16xf32>
      tpu.vector_store %arg7[%swap3A_500, %swap3A_501, %swap3A_502, %swap3A_503], %swap3A_506 {strides = array<i32>} : memref<3x4x4x2048xf32, #tpu.memory_space<vmem>>, vector<1x1x1x16xf32>,
      %get3A_507 = arith.constant 0 : i32
      %get3A_508 = arith.constant 3 : i32
      %get3A_509 = arith.constant 0 : i32
      %get3A_510 = arith.index_cast %get3A_507 : i32 to index
      %get3A_511 = arith.index_cast %get3A_508 : i32 to index
      %get3A_512 = arith.index_cast %get3A_509 : i32 to index
      %get3A_513 = arith.index_cast %mul3A_441 : i32 to index
      %get3A_514 = tpu.vector_load %arg7[%get3A_510, %get3A_511, %get3A_512, %get3A_513] {strides = array<i32>} : memref<3x4x4x2048xf32, #tpu.memory_space<vmem>>, vector<1x1x1x16xf32>,
      %get3A_515 = vector.shape_cast %get3A_514 : vector<1x1x1x16xf32> to vector<16xf32>
      %mul3A_516 = arith.mulf %get3A_515, %get3A_447 : vector<16xf32>
      %swap3A_517 = arith.constant 0 : i32
      %swap3A_518 = arith.constant 3 : i32
      %swap3A_519 = arith.constant 0 : i32
      %swap3A_520 = arith.index_cast %swap3A_517 : i32 to index
      %swap3A_521 = arith.index_cast %swap3A_518 : i32 to index
      %swap3A_522 = arith.index_cast %swap3A_519 : i32 to index
      %swap3A_523 = arith.index_cast %mul3A_441 : i32 to index
      %swap3A_524 = tpu.vector_load %arg7[%swap3A_520, %swap3A_521, %swap3A_522, %swap3A_523] {strides = array<i32>} : memref<3x4x4x2048xf32, #tpu.memory_space<vmem>>, vector<1x1x1x16xf32>,
      %swap3A_525 = vector.shape_cast %swap3A_524 : vector<1x1x1x16xf32> to vector<16xf32>
      %swap3A_526 = vector.shape_cast %mul3A_516 : vector<16xf32> to vector<1x1x1x16xf32>
      tpu.vector_store %arg7[%swap3A_520, %swap3A_521, %swap3A_522, %swap3A_523], %swap3A_526 {strides = array<i32>} : memref<3x4x4x2048xf32, #tpu.memory_space<vmem>>, vector<1x1x1x16xf32>,
      %get3A_527 = arith.constant 0 : i32
      %get3A_528 = arith.constant 1 : i32
      %get3A_529 = arith.index_cast %get3A_527 : i32 to index
      %get3A_530 = arith.index_cast %get3A_528 : i32 to index
      %get3A_531 = arith.index_cast %mul3A_441 : i32 to index
      %get3A_532 = tpu.vector_load %arg8[%get3A_529, %get3A_530, %get3A_531] {strides = array<i32>} : memref<3x4x2048xf32, #tpu.memory_space<vmem>>, vector<1x1x16xf32>,
      %get3A_533 = vector.shape_cast %get3A_532 : vector<1x1x16xf32> to vector<16xf32>
      %get3A_534 = arith.constant 0 : i32
      %get3A_535 = arith.constant 0 : i32
      %get3A_536 = arith.constant 1 : i32
      %get3A_537 = arith.index_cast %get3A_534 : i32 to index
      %get3A_538 = arith.index_cast %get3A_535 : i32 to index
      %get3A_539 = arith.index_cast %get3A_536 : i32 to index
      %get3A_540 = arith.index_cast %mul3A_441 : i32 to index
      %get3A_541 = tpu.vector_load %arg7[%get3A_537, %get3A_538, %get3A_539, %get3A_540] {strides = array<i32>} : memref<3x4x4x2048xf32, #tpu.memory_space<vmem>>, vector<1x1x1x16xf32>,
      %get3A_542 = vector.shape_cast %get3A_541 : vector<1x1x1x16xf32> to vector<16xf32>
      %mul3A_543 = arith.mulf %get3A_542, %get3A_533 : vector<16xf32>
      %swap3A_544 = arith.constant 0 : i32
      %swap3A_545 = arith.constant 0 : i32
      %swap3A_546 = arith.constant 1 : i32
      %swap3A_547 = arith.index_cast %swap3A_544 : i32 to index
      %swap3A_548 = arith.index_cast %swap3A_545 : i32 to index
      %swap3A_549 = arith.index_cast %swap3A_546 : i32 to index
      %swap3A_550 = arith.index_cast %mul3A_441 : i32 to index
      %swap3A_551 = tpu.vector_load %arg7[%swap3A_547, %swap3A_548, %swap3A_549, %swap3A_550] {strides = array<i32>} : memref<3x4x4x2048xf32, #tpu.memory_space<vmem>>, vector<1x1x1x16xf32>,
      %swap3A_552 = vector.shape_cast %swap3A_551 : vector<1x1x1x16xf32> to vector<16xf32>
      %swap3A_553 = vector.shape_cast %mul3A_543 : vector<16xf32> to vector<1x1x1x16xf32>
      tpu.vector_store %arg7[%swap3A_547, %swap3A_548, %swap3A_549, %swap3A_550], %swap3A_553 {strides = array<i32>} : memref<3x4x4x2048xf32, #tpu.memory_space<vmem>>, vector<1x1x1x16xf32>,
      %get3A_554 = arith.constant 0 : i32
      %get3A_555 = arith.constant 1 : i32
      %get3A_556 = arith.constant 1 : i32
      %get3A_557 = arith.index_cast %get3A_554 : i32 to index
      %get3A_558 = arith.index_cast %get3A_555 : i32 to index
      %get3A_559 = arith.index_cast %get3A_556 : i32 to index
      %get3A_560 = arith.index_cast %mul3A_441 : i32 to index
      %get3A_561 = tpu.vector_load %arg7[%get3A_557, %get3A_558, %get3A_559, %get3A_560] {strides = array<i32>} : memref<3x4x4x2048xf32, #tpu.memory_space<vmem>>, vector<1x1x1x16xf32>,
      %get3A_562 = vector.shape_cast %get3A_561 : vector<1x1x1x16xf32> to vector<16xf32>
      %mul3A_563 = arith.mulf %get3A_562, %get3A_533 : vector<16xf32>
      %swap3A_564 = arith.constant 0 : i32
      %swap3A_565 = arith.constant 1 : i32
      %swap3A_566 = arith.constant 1 : i32
      %swap3A_567 = arith.index_cast %swap3A_564 : i32 to index
      %swap3A_568 = arith.index_cast %swap3A_565 : i32 to index
      %swap3A_569 = arith.index_cast %swap3A_566 : i32 to index
      %swap3A_570 = arith.index_cast %mul3A_441 : i32 to index
      %swap3A_571 = tpu.vector_load %arg7[%swap3A_567, %swap3A_568, %swap3A_569, %swap3A_570] {strides = array<i32>} : memref<3x4x4x2048xf32, #tpu.memory_space<vmem>>, vector<1x1x1x16xf32>,
      %swap3A_572 = vector.shape_cast %swap3A_571 : vector<1x1x1x16xf32> to vector<16xf32>
      %swap3A_573 = vector.shape_cast %mul3A_563 : vector<16xf32> to vector<1x1x1x16xf32>
      tpu.vector_store %arg7[%swap3A_567, %swap3A_568, %swap3A_569, %swap3A_570], %swap3A_573 {strides = array<i32>} : memref<3x4x4x2048xf32, #tpu.memory_space<vmem>>, vector<1x1x1x16xf32>,
      %get3A_574 = arith.constant 0 : i32
      %get3A_575 = arith.constant 2 : i32
      %get3A_576 = arith.constant 1 : i32
      %get3A_577 = arith.index_cast %get3A_574 : i32 to index
      %get3A_578 = arith.index_cast %get3A_575 : i32 to index
      %get3A_579 = arith.index_cast %get3A_576 : i32 to index
      %get3A_580 = arith.index_cast %mul3A_441 : i32 to index
      %get3A_581 = tpu.vector_load %arg7[%get3A_577, %get3A_578, %get3A_579, %get3A_580] {strides = array<i32>} : memref<3x4x4x2048xf32, #tpu.memory_space<vmem>>, vector<1x1x1x16xf32>,
      %get3A_582 = vector.shape_cast %get3A_581 : vector<1x1x1x16xf32> to vector<16xf32>
      %mul3A_583 = arith.mulf %get3A_582, %get3A_533 : vector<16xf32>
      %swap3A_584 = arith.constant 0 : i32
      %swap3A_585 = arith.constant 2 : i32
      %swap3A_586 = arith.constant 1 : i32
      %swap3A_587 = arith.index_cast %swap3A_584 : i32 to index
      %swap3A_588 = arith.index_cast %swap3A_585 : i32 to index
      %swap3A_589 = arith.index_cast %swap3A_586 : i32 to index
      %swap3A_590 = arith.index_cast %mul3A_441 : i32 to index
      %swap3A_591 = tpu.vector_load %arg7[%swap3A_587, %swap3A_588, %swap3A_589, %swap3A_590] {strides = array<i32>} : memref<3x4x4x2048xf32, #tpu.memory_space<vmem>>, vector<1x1x1x16xf32>,
      %swap3A_592 = vector.shape_cast %swap3A_591 : vector<1x1x1x16xf32> to vector<16xf32>
      %swap3A_593 = vector.shape_cast %mul3A_583 : vector<16xf32> to vector<1x1x1x16xf32>
      tpu.vector_store %arg7[%swap3A_587, %swap3A_588, %swap3A_589, %swap3A_590], %swap3A_593 {strides = array<i32>} : memref<3x4x4x2048xf32, #tpu.memory_space<vmem>>, vector<1x1x1x16xf32>,
      %get3A_594 = arith.constant 0 : i32
      %get3A_595 = arith.constant 3 : i32
      %get3A_596 = arith.constant 1 : i32
      %get3A_597 = arith.index_cast %get3A_594 : i32 to index
      %get3A_598 = arith.index_cast %get3A_595 : i32 to index
      %get3A_599 = arith.index_cast %get3A_596 : i32 to index
      %get3A_600 = arith.index_cast %mul3A_441 : i32 to index
      %get3A_601 = tpu.vector_load %arg7[%get3A_597, %get3A_598, %get3A_599, %get3A_600] {strides = array<i32>} : memref<3x4x4x2048xf32, #tpu.memory_space<vmem>>, vector<1x1x1x16xf32>,
      %get3A_602 = vector.shape_cast %get3A_601 : vector<1x1x1x16xf32> to vector<16xf32>
      %mul3A_603 = arith.mulf %get3A_602, %get3A_533 : vector<16xf32>
      %swap3A_604 = arith.constant 0 : i32
      %swap3A_605 = arith.constant 3 : i32
      %swap3A_606 = arith.constant 1 : i32
      %swap3A_607 = arith.index_cast %swap3A_604 : i32 to index
      %swap3A_608 = arith.index_cast %swap3A_605 : i32 to index
      %swap3A_609 = arith.index_cast %swap3A_606 : i32 to index
      %swap3A_610 = arith.index_cast %mul3A_441 : i32 to index
      %swap3A_611 = tpu.vector_load %arg7[%swap3A_607, %swap3A_608, %swap3A_609, %swap3A_610] {strides = array<i32>} : memref<3x4x4x2048xf32, #tpu.memory_space<vmem>>, vector<1x1x1x16xf32>,
      %swap3A_612 = vector.shape_cast %swap3A_611 : vector<1x1x1x16xf32> to vector<16xf32>
      %swap3A_613 = vector.shape_cast %mul3A_603 : vector<16xf32> to vector<1x1x1x16xf32>
      tpu.vector_store %arg7[%swap3A_607, %swap3A_608, %swap3A_609, %swap3A_610], %swap3A_613 {strides = array<i32>} : memref<3x4x4x2048xf32, #tpu.memory_space<vmem>>, vector<1x1x1x16xf32>,
      %get3A_614 = arith.constant 0 : i32
      %get3A_615 = arith.constant 2 : i32
      %get3A_616 = arith.index_cast %get3A_614 : i32 to index
      %get3A_617 = arith.index_cast %get3A_615 : i32 to index
      %get3A_618 = arith.index_cast %mul3A_441 : i32 to index
      %get3A_619 = tpu.vector_load %arg8[%get3A_616, %get3A_617, %get3A_618] {strides = array<i32>} : memref<3x4x2048xf32, #tpu.memory_space<vmem>>, vector<1x1x16xf32>,
      %get3A_620 = vector.shape_cast %get3A_619 : vector<1x1x16xf32> to vector<16xf32>
      %get3A_621 = arith.constant 0 : i32
      %get3A_622 = arith.constant 0 : i32
      %get3A_623 = arith.constant 2 : i32
      %get3A_624 = arith.index_cast %get3A_621 : i32 to index
      %get3A_625 = arith.index_cast %get3A_622 : i32 to index
      %get3A_626 = arith.index_cast %get3A_623 : i32 to index
      %get3A_627 = arith.index_cast %mul3A_441 : i32 to index
      %get3A_628 = tpu.vector_load %arg7[%get3A_624, %get3A_625, %get3A_626, %get3A_627] {strides = array<i32>} : memref<3x4x4x2048xf32, #tpu.memory_space<vmem>>, vector<1x1x1x16xf32>,
      %get3A_629 = vector.shape_cast %get3A_628 : vector<1x1x1x16xf32> to vector<16xf32>
      %mul3A_630 = arith.mulf %get3A_629, %get3A_620 : vector<16xf32>
      %swap3A_631 = arith.constant 0 : i32
      %swap3A_632 = arith.constant 0 : i32
      %swap3A_633 = arith.constant 2 : i32
      %swap3A_634 = arith.index_cast %swap3A_631 : i32 to index
      %swap3A_635 = arith.index_cast %swap3A_632 : i32 to index
      %swap3A_636 = arith.index_cast %swap3A_633 : i32 to index
      %swap3A_637 = arith.index_cast %mul3A_441 : i32 to index
      %swap3A_638 = tpu.vector_load %arg7[%swap3A_634, %swap3A_635, %swap3A_636, %swap3A_637] {strides = array<i32>} : memref<3x4x4x2048xf32, #tpu.memory_space<vmem>>, vector<1x1x1x16xf32>,
      %swap3A_639 = vector.shape_cast %swap3A_638 : vector<1x1x1x16xf32> to vector<16xf32>
      %swap3A_640 = vector.shape_cast %mul3A_630 : vector<16xf32> to vector<1x1x1x16xf32>
      tpu.vector_store %arg7[%swap3A_634, %swap3A_635, %swap3A_636, %swap3A_637], %swap3A_640 {strides = array<i32>} : memref<3x4x4x2048xf32, #tpu.memory_space<vmem>>, vector<1x1x1x16xf32>,
      %get3A_641 = arith.constant 0 : i32
      %get3A_642 = arith.constant 1 : i32
      %get3A_643 = arith.constant 2 : i32
      %get3A_644 = arith.index_cast %get3A_641 : i32 to index
      %get3A_645 = arith.index_cast %get3A_642 : i32 to index
      %get3A_646 = arith.index_cast %get3A_643 : i32 to index
      %get3A_647 = arith.index_cast %mul3A_441 : i32 to index
      %get3A_648 = tpu.vector_load %arg7[%get3A_644, %get3A_645, %get3A_646, %get3A_647] {strides = array<i32>} : memref<3x4x4x2048xf32, #tpu.memory_space<vmem>>, vector<1x1x1x16xf32>,
      %get3A_649 = vector.shape_cast %get3A_648 : vector<1x1x1x16xf32> to vector<16xf32>
      %mul3A_650 = arith.mulf %get3A_649, %get3A_620 : vector<16xf32>
      %swap3A_651 = arith.constant 0 : i32
      %swap3A_652 = arith.constant 1 : i32
      %swap3A_653 = arith.constant 2 : i32
      %swap3A_654 = arith.index_cast %swap3A_651 : i32 to index
      %swap3A_655 = arith.index_cast %swap3A_652 : i32 to index
      %swap3A_656 = arith.index_cast %swap3A_653 : i32 to index
      %swap3A_657 = arith.index_cast %mul3A_441 : i32 to index
      %swap3A_658 = tpu.vector_load %arg7[%swap3A_654, %swap3A_655, %swap3A_656, %swap3A_657] {strides = array<i32>} : memref<3x4x4x2048xf32, #tpu.memory_space<vmem>>, vector<1x1x1x16xf32>,
      %swap3A_659 = vector.shape_cast %swap3A_658 : vector<1x1x1x16xf32> to vector<16xf32>
      %swap3A_660 = vector.shape_cast %mul3A_650 : vector<16xf32> to vector<1x1x1x16xf32>
      tpu.vector_store %arg7[%swap3A_654, %swap3A_655, %swap3A_656, %swap3A_657], %swap3A_660 {strides = array<i32>} : memref<3x4x4x2048xf32, #tpu.memory_space<vmem>>, vector<1x1x1x16xf32>,
      %get3A_661 = arith.constant 0 : i32
      %get3A_662 = arith.constant 2 : i32
      %get3A_663 = arith.constant 2 : i32
      %get3A_664 = arith.index_cast %get3A_661 : i32 to index
      %get3A_665 = arith.index_cast %get3A_662 : i32 to index
      %get3A_666 = arith.index_cast %get3A_663 : i32 to index
      %get3A_667 = arith.index_cast %mul3A_441 : i32 to index
      %get3A_668 = tpu.vector_load %arg7[%get3A_664, %get3A_665, %get3A_666, %get3A_667] {strides = array<i32>} : memref<3x4x4x2048xf32, #tpu.memory_space<vmem>>, vector<1x1x1x16xf32>,
      %get3A_669 = vector.shape_cast %get3A_668 : vector<1x1x1x16xf32> to vector<16xf32>
      %mul3A_670 = arith.mulf %get3A_669, %get3A_620 : vector<16xf32>
      %swap3A_671 = arith.constant 0 : i32
      %swap3A_672 = arith.constant 2 : i32
      %swap3A_673 = arith.constant 2 : i32
      %swap3A_674 = arith.index_cast %swap3A_671 : i32 to index
      %swap3A_675 = arith.index_cast %swap3A_672 : i32 to index
      %swap3A_676 = arith.index_cast %swap3A_673 : i32 to index
      %swap3A_677 = arith.index_cast %mul3A_441 : i32 to index
      %swap3A_678 = tpu.vector_load %arg7[%swap3A_674, %swap3A_675, %swap3A_676, %swap3A_677] {strides = array<i32>} : memref<3x4x4x2048xf32, #tpu.memory_space<vmem>>, vector<1x1x1x16xf32>,
      %swap3A_679 = vector.shape_cast %swap3A_678 : vector<1x1x1x16xf32> to vector<16xf32>
      %swap3A_680 = vector.shape_cast %mul3A_670 : vector<16xf32> to vector<1x1x1x16xf32>
      tpu.vector_store %arg7[%swap3A_674, %swap3A_675, %swap3A_676, %swap3A_677], %swap3A_680 {strides = array<i32>} : memref<3x4x4x2048xf32, #tpu.memory_space<vmem>>, vector<1x1x1x16xf32>,
      %get3A_681 = arith.constant 0 : i32
      %get3A_682 = arith.constant 3 : i32
      %get3A_683 = arith.constant 2 : i32
      %get3A_684 = arith.index_cast %get3A_681 : i32 to index
      %get3A_685 = arith.index_cast %get3A_682 : i32 to index
      %get3A_686 = arith.index_cast %get3A_683 : i32 to index
      %get3A_687 = arith.index_cast %mul3A_441 : i32 to index
      %get3A_688 = tpu.vector_load %arg7[%get3A_684, %get3A_685, %get3A_686, %get3A_687] {strides = array<i32>} : memref<3x4x4x2048xf32, #tpu.memory_space<vmem>>, vector<1x1x1x16xf32>,
      %get3A_689 = vector.shape_cast %get3A_688 : vector<1x1x1x16xf32> to vector<16xf32>
      %mul3A_690 = arith.mulf %get3A_689, %get3A_620 : vector<16xf32>
      %swap3A_691 = arith.constant 0 : i32
      %swap3A_692 = arith.constant 3 : i32
      %swap3A_693 = arith.constant 2 : i32
      %swap3A_694 = arith.index_cast %swap3A_691 : i32 to index
      %swap3A_695 = arith.index_cast %swap3A_692 : i32 to index
      %swap3A_696 = arith.index_cast %swap3A_693 : i32 to index
      %swap3A_697 = arith.index_cast %mul3A_441 : i32 to index
      %swap3A_698 = tpu.vector_load %arg7[%swap3A_694, %swap3A_695, %swap3A_696, %swap3A_697] {strides = array<i32>} : memref<3x4x4x2048xf32, #tpu.memory_space<vmem>>, vector<1x1x1x16xf32>,
      %swap3A_699 = vector.shape_cast %swap3A_698 : vector<1x1x1x16xf32> to vector<16xf32>
      %swap3A_700 = vector.shape_cast %mul3A_690 : vector<16xf32> to vector<1x1x1x16xf32>
      tpu.vector_store %arg7[%swap3A_694, %swap3A_695, %swap3A_696, %swap3A_697], %swap3A_700 {strides = array<i32>} : memref<3x4x4x2048xf32, #tpu.memory_space<vmem>>, vector<1x1x1x16xf32>,
      %get3A_701 = arith.constant 0 : i32
      %get3A_702 = arith.constant 3 : i32
      %get3A_703 = arith.index_cast %get3A_701 : i32 to index
      %get3A_704 = arith.index_cast %get3A_702 : i32 to index
      %get3A_705 = arith.index_cast %mul3A_441 : i32 to index
      %get3A_706 = tpu.vector_load %arg8[%get3A_703, %get3A_704, %get3A_705] {strides = array<i32>} : memref<3x4x2048xf32, #tpu.memory_space<vmem>>, vector<1x1x16xf32>,
      %get3A_707 = vector.shape_cast %get3A_706 : vector<1x1x16xf32> to vector<16xf32>
      %get3A_708 = arith.constant 0 : i32
      %get3A_709 = arith.constant 0 : i32
      %get3A_710 = arith.constant 3 : i32
      %get3A_711 = arith.index_cast %get3A_708 : i32 to index
      %get3A_712 = arith.index_cast %get3A_709 : i32 to index
      %get3A_713 = arith.index_cast %get3A_710 : i32 to index
      %get3A_714 = arith.index_cast %mul3A_441 : i32 to index
      %get3A_715 = tpu.vector_load %arg7[%get3A_711, %get3A_712, %get3A_713, %get3A_714] {strides = array<i32>} : memref<3x4x4x2048xf32, #tpu.memory_space<vmem>>, vector<1x1x1x16xf32>,
      %get3A_716 = vector.shape_cast %get3A_715 : vector<1x1x1x16xf32> to vector<16xf32>
      %mul3A_717 = arith.mulf %get3A_716, %get3A_707 : vector<16xf32>
      %swap3A_718 = arith.constant 0 : i32
      %swap3A_719 = arith.constant 0 : i32
      %swap3A_720 = arith.constant 3 : i32
      %swap3A_721 = arith.index_cast %swap3A_718 : i32 to index
      %swap3A_722 = arith.index_cast %swap3A_719 : i32 to index
      %swap3A_723 = arith.index_cast %swap3A_720 : i32 to index
      %swap3A_724 = arith.index_cast %mul3A_441 : i32 to index
      %swap3A_725 = tpu.vector_load %arg7[%swap3A_721, %swap3A_722, %swap3A_723, %swap3A_724] {strides = array<i32>} : memref<3x4x4x2048xf32, #tpu.memory_space<vmem>>, vector<1x1x1x16xf32>,
      %swap3A_726 = vector.shape_cast %swap3A_725 : vector<1x1x1x16xf32> to vector<16xf32>
      %swap3A_727 = vector.shape_cast %mul3A_717 : vector<16xf32> to vector<1x1x1x16xf32>
      tpu.vector_store %arg7[%swap3A_721, %swap3A_722, %swap3A_723, %swap3A_724], %swap3A_727 {strides = array<i32>} : memref<3x4x4x2048xf32, #tpu.memory_space<vmem>>, vector<1x1x1x16xf32>,
      %get3A_728 = arith.constant 0 : i32
      %get3A_729 = arith.constant 1 : i32
      %get3A_730 = arith.constant 3 : i32
      %get3A_731 = arith.index_cast %get3A_728 : i32 to index
      %get3A_732 = arith.index_cast %get3A_729 : i32 to index
      %get3A_733 = arith.index_cast %get3A_730 : i32 to index
      %get3A_734 = arith.index_cast %mul3A_441 : i32 to index
      %get3A_735 = tpu.vector_load %arg7[%get3A_731, %get3A_732, %get3A_733, %get3A_734] {strides = array<i32>} : memref<3x4x4x2048xf32, #tpu.memory_space<vmem>>, vector<1x1x1x16xf32>,
      %get3A_736 = vector.shape_cast %get3A_735 : vector<1x1x1x16xf32> to vector<16xf32>
      %mul3A_737 = arith.mulf %get3A_736, %get3A_707 : vector<16xf32>
      %swap3A_738 = arith.constant 0 : i32
      %swap3A_739 = arith.constant 1 : i32
      %swap3A_740 = arith.constant 3 : i32
      %swap3A_741 = arith.index_cast %swap3A_738 : i32 to index
      %swap3A_742 = arith.index_cast %swap3A_739 : i32 to index
      %swap3A_743 = arith.index_cast %swap3A_740 : i32 to index
      %swap3A_744 = arith.index_cast %mul3A_441 : i32 to index
      %swap3A_745 = tpu.vector_load %arg7[%swap3A_741, %swap3A_742, %swap3A_743, %swap3A_744] {strides = array<i32>} : memref<3x4x4x2048xf32, #tpu.memory_space<vmem>>, vector<1x1x1x16xf32>,
      %swap3A_746 = vector.shape_cast %swap3A_745 : vector<1x1x1x16xf32> to vector<16xf32>
      %swap3A_747 = vector.shape_cast %mul3A_737 : vector<16xf32> to vector<1x1x1x16xf32>
      tpu.vector_store %arg7[%swap3A_741, %swap3A_742, %swap3A_743, %swap3A_744], %swap3A_747 {strides = array<i32>} : memref<3x4x4x2048xf32, #tpu.memory_space<vmem>>, vector<1x1x1x16xf32>,
      %get3A_748 = arith.constant 0 : i32
      %get3A_749 = arith.constant 2 : i32
      %get3A_750 = arith.constant 3 : i32
      %get3A_751 = arith.index_cast %get3A_748 : i32 to index
      %get3A_752 = arith.index_cast %get3A_749 : i32 to index
      %get3A_753 = arith.index_cast %get3A_750 : i32 to index
      %get3A_754 = arith.index_cast %mul3A_441 : i32 to index
      %get3A_755 = tpu.vector_load %arg7[%get3A_751, %get3A_752, %get3A_753, %get3A_754] {strides = array<i32>} : memref<3x4x4x2048xf32, #tpu.memory_space<vmem>>, vector<1x1x1x16xf32>,
      %get3A_756 = vector.shape_cast %get3A_755 : vector<1x1x1x16xf32> to vector<16xf32>
      %mul3A_757 = arith.mulf %get3A_756, %get3A_707 : vector<16xf32>
      %swap3A_758 = arith.constant 0 : i32
      %swap3A_759 = arith.constant 2 : i32
      %swap3A_760 = arith.constant 3 : i32
      %swap3A_761 = arith.index_cast %swap3A_758 : i32 to index
      %swap3A_762 = arith.index_cast %swap3A_759 : i32 to index
      %swap3A_763 = arith.index_cast %swap3A_760 : i32 to index
      %swap3A_764 = arith.index_cast %mul3A_441 : i32 to index
      %swap3A_765 = tpu.vector_load %arg7[%swap3A_761, %swap3A_762, %swap3A_763, %swap3A_764] {strides = array<i32>} : memref<3x4x4x2048xf32, #tpu.memory_space<vmem>>, vector<1x1x1x16xf32>,
      %swap3A_766 = vector.shape_cast %swap3A_765 : vector<1x1x1x16xf32> to vector<16xf32>
      %swap3A_767 = vector.shape_cast %mul3A_757 : vector<16xf32> to vector<1x1x1x16xf32>
      tpu.vector_store %arg7[%swap3A_761, %swap3A_762, %swap3A_763, %swap3A_764], %swap3A_767 {strides = array<i32>} : memref<3x4x4x2048xf32, #tpu.memory_space<vmem>>, vector<1x1x1x16xf32>,
      %get3A_768 = arith.constant 0 : i32
      %get3A_769 = arith.constant 3 : i32
      %get3A_770 = arith.constant 3 : i32
      %get3A_771 = arith.index_cast %get3A_768 : i32 to index
      %get3A_772 = arith.index_cast %get3A_769 : i32 to index
      %get3A_773 = arith.index_cast %get3A_770 : i32 to index
      %get3A_774 = arith.index_cast %mul3A_441 : i32 to index
      %get3A_775 = tpu.vector_load %arg7[%get3A_771, %get3A_772, %get3A_773, %get3A_774] {strides = array<i32>} : memref<3x4x4x2048xf32, #tpu.memory_space<vmem>>, vector<1x1x1x16xf32>,
      %get3A_776 = vector.shape_cast %get3A_775 : vector<1x1x1x16xf32> to vector<16xf32>
      %mul3A_777 = arith.mulf %get3A_776, %get3A_707 : vector<16xf32>
      %swap3A_778 = arith.constant 0 : i32
      %swap3A_779 = arith.constant 3 : i32
      %swap3A_780 = arith.constant 3 : i32
      %swap3A_781 = arith.index_cast %swap3A_778 : i32 to index
      %swap3A_782 = arith.index_cast %swap3A_779 : i32 to index
      %swap3A_783 = arith.index_cast %swap3A_780 : i32 to index
      %swap3A_784 = arith.index_cast %mul3A_441 : i32 to index
      %swap3A_785 = tpu.vector_load %arg7[%swap3A_781, %swap3A_782, %swap3A_783, %swap3A_784] {strides = array<i32>} : memref<3x4x4x2048xf32, #tpu.memory_space<vmem>>, vector<1x1x1x16xf32>,
      %swap3A_786 = vector.shape_cast %swap3A_785 : vector<1x1x1x16xf32> to vector<16xf32>
      %swap3A_787 = vector.shape_cast %mul3A_777 : vector<16xf32> to vector<1x1x1x16xf32>
      tpu.vector_store %arg7[%swap3A_781, %swap3A_782, %swap3A_783, %swap3A_784], %swap3A_787 {strides = array<i32>} : memref<3x4x4x2048xf32, #tpu.memory_space<vmem>>, vector<1x1x1x16xf32>,
      %scan3A_788 = arith.constant 0 : i32
      scf.yield %scan3A_788 : i32
    }
    %scan3A_149 = arith.constant 128 : i32
    %add3A_150 = arith.constant 0 : i32
    %add3A_151 = arith.addi %add3A_150, %mul3A_2 : i32
    %add3A_152 = arith.constant 60 : i32
    %add3A_153 = arith.addi %add3A_151, %add3A_152 : i32
    %add3A_154 = arith.constant 2048 : i32
    %add3A_155 = arith.addi %add3A_154, %mul3A_2 : i32
    %add3A_156 = arith.constant 60 : i32
    %add3A_157 = arith.addi %add3A_155, %add3A_156 : i32
    %add3A_158 = arith.constant 4096 : i32
    %add3A_159 = arith.addi %add3A_158, %mul3A_2 : i32
    %add3A_160 = arith.constant 60 : i32
    %add3A_161 = arith.addi %add3A_159, %add3A_160 : i32
    %add3A_162 = arith.constant 6144 : i32
    %add3A_163 = arith.addi %add3A_162, %mul3A_2 : i32
    %add3A_164 = arith.constant 60 : i32
    %add3A_165 = arith.addi %add3A_163, %add3A_164 : i32
    %dma_start3A_166 = arith.constant 0 : i32
    %dma_start3A_167 = arith.constant 0 : i32
    %dma_start3A_168 = arith.constant 0 : i32
    %dma_start3A_169 = arith.constant 0 : i32
    %dma_start3A_170 = tpu.memref_slice %arg7[%dma_start3A_166, %dma_start3A_167, %dma_start3A_168, %dma_start3A_169] : memref<3x4x4x2048xf32, #tpu.memory_space<vmem>> -> memref<1x1x4x2048xf32, #tpu.memory_space<vmem>>
    %dma_start3A_171 = tpu.memref_squeeze %dma_start3A_170 : memref<1x1x4x2048xf32, #tpu.memory_space<vmem>> -> memref<4x2048xf32, #tpu.memory_space<vmem>>
    %dma_start3A_172 = arith.constant 0 : i32
    %dma_start3A_173 = tpu.memref_slice %arg5[%add3A_153, %dma_start3A_172] : memref<8192x2048xf32, #tpu.memory_space<hbm>> -> memref<4x2048xf32, #tpu.memory_space<hbm>>
    %dma_start3A_174 = arith.constant 0 : i32
    %dma_start3A_175 = tpu.memref_slice %arg5[%add3A_153, %dma_start3A_174] : memref<8192x2048xf32, #tpu.memory_space<hbm>> -> memref<4x2048xf32, #tpu.memory_space<hbm>>
    %dma_start3A_176 = arith.constant 0 : i32
    %dma_start3A_177 = arith.constant 0 : i32
    %dma_start3A_178 = tpu.memref_slice %arg7[%dma_start3A_166, %dma_start3A_167, %dma_start3A_176, %dma_start3A_177] : memref<3x4x4x2048xf32, #tpu.memory_space<vmem>> -> memref<1x1x4x2048xf32, #tpu.memory_space<vmem>>
    %dma_start3A_179 = tpu.memref_squeeze %dma_start3A_178 : memref<1x1x4x2048xf32, #tpu.memory_space<vmem>> -> memref<4x2048xf32, #tpu.memory_space<vmem>>
    tpu.enqueue_dma source(%dma_start3A_179 : memref<4x2048xf32, #tpu.memory_space<vmem>>) target(%dma_start3A_175 : memref<4x2048xf32, #tpu.memory_space<hbm>>) target_semaphore(%arg12 : memref<!tpu.dma_semaphore, #tpu.memory_space<semaphore_mem>>)
    %dma_start3A_180 = arith.constant 0 : i32
    %dma_start3A_181 = arith.constant 1 : i32
    %dma_start3A_182 = arith.constant 0 : i32
    %dma_start3A_183 = arith.constant 0 : i32
    %dma_start3A_184 = tpu.memref_slice %arg7[%dma_start3A_180, %dma_start3A_181, %dma_start3A_182, %dma_start3A_183] : memref<3x4x4x2048xf32, #tpu.memory_space<vmem>> -> memref<1x1x4x2048xf32, #tpu.memory_space<vmem>>
    %dma_start3A_185 = tpu.memref_squeeze %dma_start3A_184 : memref<1x1x4x2048xf32, #tpu.memory_space<vmem>> -> memref<4x2048xf32, #tpu.memory_space<vmem>>
    %dma_start3A_186 = arith.constant 0 : i32
    %dma_start3A_187 = tpu.memref_slice %arg5[%add3A_157, %dma_start3A_186] : memref<8192x2048xf32, #tpu.memory_space<hbm>> -> memref<4x2048xf32, #tpu.memory_space<hbm>>
    %dma_start3A_188 = arith.constant 0 : i32
    %dma_start3A_189 = tpu.memref_slice %arg5[%add3A_157, %dma_start3A_188] : memref<8192x2048xf32, #tpu.memory_space<hbm>> -> memref<4x2048xf32, #tpu.memory_space<hbm>>
    %dma_start3A_190 = arith.constant 0 : i32
    %dma_start3A_191 = arith.constant 0 : i32
    %dma_start3A_192 = tpu.memref_slice %arg7[%dma_start3A_180, %dma_start3A_181, %dma_start3A_190, %dma_start3A_191] : memref<3x4x4x2048xf32, #tpu.memory_space<vmem>> -> memref<1x1x4x2048xf32, #tpu.memory_space<vmem>>
    %dma_start3A_193 = tpu.memref_squeeze %dma_start3A_192 : memref<1x1x4x2048xf32, #tpu.memory_space<vmem>> -> memref<4x2048xf32, #tpu.memory_space<vmem>>
    tpu.enqueue_dma source(%dma_start3A_193 : memref<4x2048xf32, #tpu.memory_space<vmem>>) target(%dma_start3A_189 : memref<4x2048xf32, #tpu.memory_space<hbm>>) target_semaphore(%arg12 : memref<!tpu.dma_semaphore, #tpu.memory_space<semaphore_mem>>)
    %dma_start3A_194 = arith.constant 0 : i32
    %dma_start3A_195 = arith.constant 2 : i32
    %dma_start3A_196 = arith.constant 0 : i32
    %dma_start3A_197 = arith.constant 0 : i32
    %dma_start3A_198 = tpu.memref_slice %arg7[%dma_start3A_194, %dma_start3A_195, %dma_start3A_196, %dma_start3A_197] : memref<3x4x4x2048xf32, #tpu.memory_space<vmem>> -> memref<1x1x4x2048xf32, #tpu.memory_space<vmem>>
    %dma_start3A_199 = tpu.memref_squeeze %dma_start3A_198 : memref<1x1x4x2048xf32, #tpu.memory_space<vmem>> -> memref<4x2048xf32, #tpu.memory_space<vmem>>
    %dma_start3A_200 = arith.constant 0 : i32
    %dma_start3A_201 = tpu.memref_slice %arg5[%add3A_161, %dma_start3A_200] : memref<8192x2048xf32, #tpu.memory_space<hbm>> -> memref<4x2048xf32, #tpu.memory_space<hbm>>
    %dma_start3A_202 = arith.constant 0 : i32
    %dma_start3A_203 = tpu.memref_slice %arg5[%add3A_161, %dma_start3A_202] : memref<8192x2048xf32, #tpu.memory_space<hbm>> -> memref<4x2048xf32, #tpu.memory_space<hbm>>
    %dma_start3A_204 = arith.constant 0 : i32
    %dma_start3A_205 = arith.constant 0 : i32
    %dma_start3A_206 = tpu.memref_slice %arg7[%dma_start3A_194, %dma_start3A_195, %dma_start3A_204, %dma_start3A_205] : memref<3x4x4x2048xf32, #tpu.memory_space<vmem>> -> memref<1x1x4x2048xf32, #tpu.memory_space<vmem>>
    %dma_start3A_207 = tpu.memref_squeeze %dma_start3A_206 : memref<1x1x4x2048xf32, #tpu.memory_space<vmem>> -> memref<4x2048xf32, #tpu.memory_space<vmem>>
    tpu.enqueue_dma source(%dma_start3A_207 : memref<4x2048xf32, #tpu.memory_space<vmem>>) target(%dma_start3A_203 : memref<4x2048xf32, #tpu.memory_space<hbm>>) target_semaphore(%arg12 : memref<!tpu.dma_semaphore, #tpu.memory_space<semaphore_mem>>)
    %dma_start3A_208 = arith.constant 0 : i32
    %dma_start3A_209 = arith.constant 3 : i32
    %dma_start3A_210 = arith.constant 0 : i32
    %dma_start3A_211 = arith.constant 0 : i32
    %dma_start3A_212 = tpu.memref_slice %arg7[%dma_start3A_208, %dma_start3A_209, %dma_start3A_210, %dma_start3A_211] : memref<3x4x4x2048xf32, #tpu.memory_space<vmem>> -> memref<1x1x4x2048xf32, #tpu.memory_space<vmem>>
    %dma_start3A_213 = tpu.memref_squeeze %dma_start3A_212 : memref<1x1x4x2048xf32, #tpu.memory_space<vmem>> -> memref<4x2048xf32, #tpu.memory_space<vmem>>
    %dma_start3A_214 = arith.constant 0 : i32
    %dma_start3A_215 = tpu.memref_slice %arg5[%add3A_165, %dma_start3A_214] : memref<8192x2048xf32, #tpu.memory_space<hbm>> -> memref<4x2048xf32, #tpu.memory_space<hbm>>
    %dma_start3A_216 = arith.constant 0 : i32
    %dma_start3A_217 = tpu.memref_slice %arg5[%add3A_165, %dma_start3A_216] : memref<8192x2048xf32, #tpu.memory_space<hbm>> -> memref<4x2048xf32, #tpu.memory_space<hbm>>
    %dma_start3A_218 = arith.constant 0 : i32
    %dma_start3A_219 = arith.constant 0 : i32
    %dma_start3A_220 = tpu.memref_slice %arg7[%dma_start3A_208, %dma_start3A_209, %dma_start3A_218, %dma_start3A_219] : memref<3x4x4x2048xf32, #tpu.memory_space<vmem>> -> memref<1x1x4x2048xf32, #tpu.memory_space<vmem>>
    %dma_start3A_221 = tpu.memref_squeeze %dma_start3A_220 : memref<1x1x4x2048xf32, #tpu.memory_space<vmem>> -> memref<4x2048xf32, #tpu.memory_space<vmem>>
    tpu.enqueue_dma source(%dma_start3A_221 : memref<4x2048xf32, #tpu.memory_space<vmem>>) target(%dma_start3A_217 : memref<4x2048xf32, #tpu.memory_space<hbm>>) target_semaphore(%arg12 : memref<!tpu.dma_semaphore, #tpu.memory_space<semaphore_mem>>)
    %add3A_222 = arith.constant 0 : i32
    %add3A_223 = arith.addi %add3A_222, %mul3A_2 : i32
    %add3A_224 = arith.constant 52 : i32
    %add3A_225 = arith.addi %add3A_223, %add3A_224 : i32
    %add3A_226 = arith.constant 2048 : i32
    %add3A_227 = arith.addi %add3A_226, %mul3A_2 : i32
    %add3A_228 = arith.constant 52 : i32
    %add3A_229 = arith.addi %add3A_227, %add3A_228 : i32
    %add3A_230 = arith.constant 4096 : i32
    %add3A_231 = arith.addi %add3A_230, %mul3A_2 : i32
    %add3A_232 = arith.constant 52 : i32
    %add3A_233 = arith.addi %add3A_231, %add3A_232 : i32
    %add3A_234 = arith.constant 6144 : i32
    %add3A_235 = arith.addi %add3A_234, %mul3A_2 : i32
    %add3A_236 = arith.constant 52 : i32
    %add3A_237 = arith.addi %add3A_235, %add3A_236 : i32
    %dma_wait3A_238 = arith.constant 1 : i32
    %dma_wait3A_239 = arith.constant 0 : i32
    %dma_wait3A_240 = arith.constant 0 : i32
    %dma_wait3A_241 = arith.constant 0 : i32
    %dma_wait3A_242 = tpu.memref_slice %arg7[%dma_wait3A_238, %dma_wait3A_239, %dma_wait3A_240, %dma_wait3A_241] : memref<3x4x4x2048xf32, #tpu.memory_space<vmem>> -> memref<1x1x4x2048xf32, #tpu.memory_space<vmem>>
    %dma_wait3A_243 = tpu.memref_squeeze %dma_wait3A_242 : memref<1x1x4x2048xf32, #tpu.memory_space<vmem>> -> memref<4x2048xf32, #tpu.memory_space<vmem>>
    %dma_wait3A_244 = arith.constant 0 : i32
    %dma_wait3A_245 = tpu.memref_slice %arg5[%add3A_225, %dma_wait3A_244] : memref<8192x2048xf32, #tpu.memory_space<hbm>> -> memref<4x2048xf32, #tpu.memory_space<hbm>>
    %dma_wait3A_246 = arith.constant 0 : i32
    %dma_wait3A_247 = tpu.memref_slice %arg5[%add3A_225, %dma_wait3A_246] : memref<8192x2048xf32, #tpu.memory_space<hbm>> -> memref<4x2048xf32, #tpu.memory_space<hbm>>
    %dma_wait3A_248 = arith.constant 0 : i32
    %dma_wait3A_249 = arith.constant 0 : i32
    %dma_wait3A_250 = tpu.memref_slice %arg7[%dma_wait3A_238, %dma_wait3A_239, %dma_wait3A_248, %dma_wait3A_249] : memref<3x4x4x2048xf32, #tpu.memory_space<vmem>> -> memref<1x1x4x2048xf32, #tpu.memory_space<vmem>>
    %dma_wait3A_251 = tpu.memref_squeeze %dma_wait3A_250 : memref<1x1x4x2048xf32, #tpu.memory_space<vmem>> -> memref<4x2048xf32, #tpu.memory_space<vmem>>
    tpu.wait_dma2 semaphore(%arg13 : memref<!tpu.dma_semaphore, #tpu.memory_space<semaphore_mem>>) src(%dma_wait3A_251 : memref<4x2048xf32, #tpu.memory_space<vmem>>) dst(%dma_wait3A_247 : memref<4x2048xf32, #tpu.memory_space<hbm>>)
    %dma_wait3A_252 = arith.constant 1 : i32
    %dma_wait3A_253 = arith.constant 1 : i32
    %dma_wait3A_254 = arith.constant 0 : i32
    %dma_wait3A_255 = arith.constant 0 : i32
    %dma_wait3A_256 = tpu.memref_slice %arg7[%dma_wait3A_252, %dma_wait3A_253, %dma_wait3A_254, %dma_wait3A_255] : memref<3x4x4x2048xf32, #tpu.memory_space<vmem>> -> memref<1x1x4x2048xf32, #tpu.memory_space<vmem>>
    %dma_wait3A_257 = tpu.memref_squeeze %dma_wait3A_256 : memref<1x1x4x2048xf32, #tpu.memory_space<vmem>> -> memref<4x2048xf32, #tpu.memory_space<vmem>>
    %dma_wait3A_258 = arith.constant 0 : i32
    %dma_wait3A_259 = tpu.memref_slice %arg5[%add3A_229, %dma_wait3A_258] : memref<8192x2048xf32, #tpu.memory_space<hbm>> -> memref<4x2048xf32, #tpu.memory_space<hbm>>
    %dma_wait3A_260 = arith.constant 0 : i32
    %dma_wait3A_261 = tpu.memref_slice %arg5[%add3A_229, %dma_wait3A_260] : memref<8192x2048xf32, #tpu.memory_space<hbm>> -> memref<4x2048xf32, #tpu.memory_space<hbm>>
    %dma_wait3A_262 = arith.constant 0 : i32
    %dma_wait3A_263 = arith.constant 0 : i32
    %dma_wait3A_264 = tpu.memref_slice %arg7[%dma_wait3A_252, %dma_wait3A_253, %dma_wait3A_262, %dma_wait3A_263] : memref<3x4x4x2048xf32, #tpu.memory_space<vmem>> -> memref<1x1x4x2048xf32, #tpu.memory_space<vmem>>
    %dma_wait3A_265 = tpu.memref_squeeze %dma_wait3A_264 : memref<1x1x4x2048xf32, #tpu.memory_space<vmem>> -> memref<4x2048xf32, #tpu.memory_space<vmem>>
    tpu.wait_dma2 semaphore(%arg13 : memref<!tpu.dma_semaphore, #tpu.memory_space<semaphore_mem>>) src(%dma_wait3A_265 : memref<4x2048xf32, #tpu.memory_space<vmem>>) dst(%dma_wait3A_261 : memref<4x2048xf32, #tpu.memory_space<hbm>>)
    %dma_wait3A_266 = arith.constant 1 : i32
    %dma_wait3A_267 = arith.constant 2 : i32
    %dma_wait3A_268 = arith.constant 0 : i32
    %dma_wait3A_269 = arith.constant 0 : i32
    %dma_wait3A_270 = tpu.memref_slice %arg7[%dma_wait3A_266, %dma_wait3A_267, %dma_wait3A_268, %dma_wait3A_269] : memref<3x4x4x2048xf32, #tpu.memory_space<vmem>> -> memref<1x1x4x2048xf32, #tpu.memory_space<vmem>>
    %dma_wait3A_271 = tpu.memref_squeeze %dma_wait3A_270 : memref<1x1x4x2048xf32, #tpu.memory_space<vmem>> -> memref<4x2048xf32, #tpu.memory_space<vmem>>
    %dma_wait3A_272 = arith.constant 0 : i32
    %dma_wait3A_273 = tpu.memref_slice %arg5[%add3A_233, %dma_wait3A_272] : memref<8192x2048xf32, #tpu.memory_space<hbm>> -> memref<4x2048xf32, #tpu.memory_space<hbm>>
    %dma_wait3A_274 = arith.constant 0 : i32
    %dma_wait3A_275 = tpu.memref_slice %arg5[%add3A_233, %dma_wait3A_274] : memref<8192x2048xf32, #tpu.memory_space<hbm>> -> memref<4x2048xf32, #tpu.memory_space<hbm>>
    %dma_wait3A_276 = arith.constant 0 : i32
    %dma_wait3A_277 = arith.constant 0 : i32
    %dma_wait3A_278 = tpu.memref_slice %arg7[%dma_wait3A_266, %dma_wait3A_267, %dma_wait3A_276, %dma_wait3A_277] : memref<3x4x4x2048xf32, #tpu.memory_space<vmem>> -> memref<1x1x4x2048xf32, #tpu.memory_space<vmem>>
    %dma_wait3A_279 = tpu.memref_squeeze %dma_wait3A_278 : memref<1x1x4x2048xf32, #tpu.memory_space<vmem>> -> memref<4x2048xf32, #tpu.memory_space<vmem>>
    tpu.wait_dma2 semaphore(%arg13 : memref<!tpu.dma_semaphore, #tpu.memory_space<semaphore_mem>>) src(%dma_wait3A_279 : memref<4x2048xf32, #tpu.memory_space<vmem>>) dst(%dma_wait3A_275 : memref<4x2048xf32, #tpu.memory_space<hbm>>)
    %dma_wait3A_280 = arith.constant 1 : i32
    %dma_wait3A_281 = arith.constant 3 : i32
    %dma_wait3A_282 = arith.constant 0 : i32
    %dma_wait3A_283 = arith.constant 0 : i32
    %dma_wait3A_284 = tpu.memref_slice %arg7[%dma_wait3A_280, %dma_wait3A_281, %dma_wait3A_282, %dma_wait3A_283] : memref<3x4x4x2048xf32, #tpu.memory_space<vmem>> -> memref<1x1x4x2048xf32, #tpu.memory_space<vmem>>
    %dma_wait3A_285 = tpu.memref_squeeze %dma_wait3A_284 : memref<1x1x4x2048xf32, #tpu.memory_space<vmem>> -> memref<4x2048xf32, #tpu.memory_space<vmem>>
    %dma_wait3A_286 = arith.constant 0 : i32
    %dma_wait3A_287 = tpu.memref_slice %arg5[%add3A_237, %dma_wait3A_286] : memref<8192x2048xf32, #tpu.memory_space<hbm>> -> memref<4x2048xf32, #tpu.memory_space<hbm>>
    %dma_wait3A_288 = arith.constant 0 : i32
    %dma_wait3A_289 = tpu.memref_slice %arg5[%add3A_237, %dma_wait3A_288] : memref<8192x2048xf32, #tpu.memory_space<hbm>> -> memref<4x2048xf32, #tpu.memory_space<hbm>>
    %dma_wait3A_290 = arith.constant 0 : i32
    %dma_wait3A_291 = arith.constant 0 : i32
    %dma_wait3A_292 = tpu.memref_slice %arg7[%dma_wait3A_280, %dma_wait3A_281, %dma_wait3A_290, %dma_wait3A_291] : memref<3x4x4x2048xf32, #tpu.memory_space<vmem>> -> memref<1x1x4x2048xf32, #tpu.memory_space<vmem>>
    %dma_wait3A_293 = tpu.memref_squeeze %dma_wait3A_292 : memref<1x1x4x2048xf32, #tpu.memory_space<vmem>> -> memref<4x2048xf32, #tpu.memory_space<vmem>>
    tpu.wait_dma2 semaphore(%arg13 : memref<!tpu.dma_semaphore, #tpu.memory_space<semaphore_mem>>) src(%dma_wait3A_293 : memref<4x2048xf32, #tpu.memory_space<vmem>>) dst(%dma_wait3A_289 : memref<4x2048xf32, #tpu.memory_space<hbm>>)
    %add3A_294 = arith.constant 0 : i32
    %add3A_295 = arith.addi %add3A_294, %mul3A_2 : i32
    %add3A_296 = arith.constant 56 : i32
    %add3A_297 = arith.addi %add3A_295, %add3A_296 : i32
    %add3A_298 = arith.constant 2048 : i32
    %add3A_299 = arith.addi %add3A_298, %mul3A_2 : i32
    %add3A_300 = arith.constant 56 : i32
    %add3A_301 = arith.addi %add3A_299, %add3A_300 : i32
    %add3A_302 = arith.constant 4096 : i32
    %add3A_303 = arith.addi %add3A_302, %mul3A_2 : i32
    %add3A_304 = arith.constant 56 : i32
    %add3A_305 = arith.addi %add3A_303, %add3A_304 : i32
    %add3A_306 = arith.constant 6144 : i32
    %add3A_307 = arith.addi %add3A_306, %mul3A_2 : i32
    %add3A_308 = arith.constant 56 : i32
    %add3A_309 = arith.addi %add3A_307, %add3A_308 : i32
    %dma_wait3A_310 = arith.constant 2 : i32
    %dma_wait3A_311 = arith.constant 0 : i32
    %dma_wait3A_312 = arith.constant 0 : i32
    %dma_wait3A_313 = arith.constant 0 : i32
    %dma_wait3A_314 = tpu.memref_slice %arg7[%dma_wait3A_310, %dma_wait3A_311, %dma_wait3A_312, %dma_wait3A_313] : memref<3x4x4x2048xf32, #tpu.memory_space<vmem>> -> memref<1x1x4x2048xf32, #tpu.memory_space<vmem>>
    %dma_wait3A_315 = tpu.memref_squeeze %dma_wait3A_314 : memref<1x1x4x2048xf32, #tpu.memory_space<vmem>> -> memref<4x2048xf32, #tpu.memory_space<vmem>>
    %dma_wait3A_316 = arith.constant 0 : i32
    %dma_wait3A_317 = tpu.memref_slice %arg5[%add3A_297, %dma_wait3A_316] : memref<8192x2048xf32, #tpu.memory_space<hbm>> -> memref<4x2048xf32, #tpu.memory_space<hbm>>
    %dma_wait3A_318 = arith.constant 0 : i32
    %dma_wait3A_319 = tpu.memref_slice %arg5[%add3A_297, %dma_wait3A_318] : memref<8192x2048xf32, #tpu.memory_space<hbm>> -> memref<4x2048xf32, #tpu.memory_space<hbm>>
    %dma_wait3A_320 = arith.constant 0 : i32
    %dma_wait3A_321 = arith.constant 0 : i32
    %dma_wait3A_322 = tpu.memref_slice %arg7[%dma_wait3A_310, %dma_wait3A_311, %dma_wait3A_320, %dma_wait3A_321] : memref<3x4x4x2048xf32, #tpu.memory_space<vmem>> -> memref<1x1x4x2048xf32, #tpu.memory_space<vmem>>
    %dma_wait3A_323 = tpu.memref_squeeze %dma_wait3A_322 : memref<1x1x4x2048xf32, #tpu.memory_space<vmem>> -> memref<4x2048xf32, #tpu.memory_space<vmem>>
    tpu.wait_dma2 semaphore(%arg14 : memref<!tpu.dma_semaphore, #tpu.memory_space<semaphore_mem>>) src(%dma_wait3A_323 : memref<4x2048xf32, #tpu.memory_space<vmem>>) dst(%dma_wait3A_319 : memref<4x2048xf32, #tpu.memory_space<hbm>>)
    %dma_wait3A_324 = arith.constant 2 : i32
    %dma_wait3A_325 = arith.constant 1 : i32
    %dma_wait3A_326 = arith.constant 0 : i32
    %dma_wait3A_327 = arith.constant 0 : i32
    %dma_wait3A_328 = tpu.memref_slice %arg7[%dma_wait3A_324, %dma_wait3A_325, %dma_wait3A_326, %dma_wait3A_327] : memref<3x4x4x2048xf32, #tpu.memory_space<vmem>> -> memref<1x1x4x2048xf32, #tpu.memory_space<vmem>>
    %dma_wait3A_329 = tpu.memref_squeeze %dma_wait3A_328 : memref<1x1x4x2048xf32, #tpu.memory_space<vmem>> -> memref<4x2048xf32, #tpu.memory_space<vmem>>
    %dma_wait3A_330 = arith.constant 0 : i32
    %dma_wait3A_331 = tpu.memref_slice %arg5[%add3A_301, %dma_wait3A_330] : memref<8192x2048xf32, #tpu.memory_space<hbm>> -> memref<4x2048xf32, #tpu.memory_space<hbm>>
    %dma_wait3A_332 = arith.constant 0 : i32
    %dma_wait3A_333 = tpu.memref_slice %arg5[%add3A_301, %dma_wait3A_332] : memref<8192x2048xf32, #tpu.memory_space<hbm>> -> memref<4x2048xf32, #tpu.memory_space<hbm>>
    %dma_wait3A_334 = arith.constant 0 : i32
    %dma_wait3A_335 = arith.constant 0 : i32
    %dma_wait3A_336 = tpu.memref_slice %arg7[%dma_wait3A_324, %dma_wait3A_325, %dma_wait3A_334, %dma_wait3A_335] : memref<3x4x4x2048xf32, #tpu.memory_space<vmem>> -> memref<1x1x4x2048xf32, #tpu.memory_space<vmem>>
    %dma_wait3A_337 = tpu.memref_squeeze %dma_wait3A_336 : memref<1x1x4x2048xf32, #tpu.memory_space<vmem>> -> memref<4x2048xf32, #tpu.memory_space<vmem>>
    tpu.wait_dma2 semaphore(%arg14 : memref<!tpu.dma_semaphore, #tpu.memory_space<semaphore_mem>>) src(%dma_wait3A_337 : memref<4x2048xf32, #tpu.memory_space<vmem>>) dst(%dma_wait3A_333 : memref<4x2048xf32, #tpu.memory_space<hbm>>)
    %dma_wait3A_338 = arith.constant 2 : i32
    %dma_wait3A_339 = arith.constant 2 : i32
    %dma_wait3A_340 = arith.constant 0 : i32
    %dma_wait3A_341 = arith.constant 0 : i32
    %dma_wait3A_342 = tpu.memref_slice %arg7[%dma_wait3A_338, %dma_wait3A_339, %dma_wait3A_340, %dma_wait3A_341] : memref<3x4x4x2048xf32, #tpu.memory_space<vmem>> -> memref<1x1x4x2048xf32, #tpu.memory_space<vmem>>
    %dma_wait3A_343 = tpu.memref_squeeze %dma_wait3A_342 : memref<1x1x4x2048xf32, #tpu.memory_space<vmem>> -> memref<4x2048xf32, #tpu.memory_space<vmem>>
    %dma_wait3A_344 = arith.constant 0 : i32
    %dma_wait3A_345 = tpu.memref_slice %arg5[%add3A_305, %dma_wait3A_344] : memref<8192x2048xf32, #tpu.memory_space<hbm>> -> memref<4x2048xf32, #tpu.memory_space<hbm>>
    %dma_wait3A_346 = arith.constant 0 : i32
    %dma_wait3A_347 = tpu.memref_slice %arg5[%add3A_305, %dma_wait3A_346] : memref<8192x2048xf32, #tpu.memory_space<hbm>> -> memref<4x2048xf32, #tpu.memory_space<hbm>>
    %dma_wait3A_348 = arith.constant 0 : i32
    %dma_wait3A_349 = arith.constant 0 : i32
    %dma_wait3A_350 = tpu.memref_slice %arg7[%dma_wait3A_338, %dma_wait3A_339, %dma_wait3A_348, %dma_wait3A_349] : memref<3x4x4x2048xf32, #tpu.memory_space<vmem>> -> memref<1x1x4x2048xf32, #tpu.memory_space<vmem>>
    %dma_wait3A_351 = tpu.memref_squeeze %dma_wait3A_350 : memref<1x1x4x2048xf32, #tpu.memory_space<vmem>> -> memref<4x2048xf32, #tpu.memory_space<vmem>>
    tpu.wait_dma2 semaphore(%arg14 : memref<!tpu.dma_semaphore, #tpu.memory_space<semaphore_mem>>) src(%dma_wait3A_351 : memref<4x2048xf32, #tpu.memory_space<vmem>>) dst(%dma_wait3A_347 : memref<4x2048xf32, #tpu.memory_space<hbm>>)
    %dma_wait3A_352 = arith.constant 2 : i32
    %dma_wait3A_353 = arith.constant 3 : i32
    %dma_wait3A_354 = arith.constant 0 : i32
    %dma_wait3A_355 = arith.constant 0 : i32
    %dma_wait3A_356 = tpu.memref_slice %arg7[%dma_wait3A_352, %dma_wait3A_353, %dma_wait3A_354, %dma_wait3A_355] : memref<3x4x4x2048xf32, #tpu.memory_space<vmem>> -> memref<1x1x4x2048xf32, #tpu.memory_space<vmem>>
    %dma_wait3A_357 = tpu.memref_squeeze %dma_wait3A_356 : memref<1x1x4x2048xf32, #tpu.memory_space<vmem>> -> memref<4x2048xf32, #tpu.memory_space<vmem>>
    %dma_wait3A_358 = arith.constant 0 : i32
    %dma_wait3A_359 = tpu.memref_slice %arg5[%add3A_309, %dma_wait3A_358] : memref<8192x2048xf32, #tpu.memory_space<hbm>> -> memref<4x2048xf32, #tpu.memory_space<hbm>>
    %dma_wait3A_360 = arith.constant 0 : i32
    %dma_wait3A_361 = tpu.memref_slice %arg5[%add3A_309, %dma_wait3A_360] : memref<8192x2048xf32, #tpu.memory_space<hbm>> -> memref<4x2048xf32, #tpu.memory_space<hbm>>
    %dma_wait3A_362 = arith.constant 0 : i32
    %dma_wait3A_363 = arith.constant 0 : i32
    %dma_wait3A_364 = tpu.memref_slice %arg7[%dma_wait3A_352, %dma_wait3A_353, %dma_wait3A_362, %dma_wait3A_363] : memref<3x4x4x2048xf32, #tpu.memory_space<vmem>> -> memref<1x1x4x2048xf32, #tpu.memory_space<vmem>>
    %dma_wait3A_365 = tpu.memref_squeeze %dma_wait3A_364 : memref<1x1x4x2048xf32, #tpu.memory_space<vmem>> -> memref<4x2048xf32, #tpu.memory_space<vmem>>
    tpu.wait_dma2 semaphore(%arg14 : memref<!tpu.dma_semaphore, #tpu.memory_space<semaphore_mem>>) src(%dma_wait3A_365 : memref<4x2048xf32, #tpu.memory_space<vmem>>) dst(%dma_wait3A_361 : memref<4x2048xf32, #tpu.memory_space<hbm>>)
    %add3A_366 = arith.constant 0 : i32
    %add3A_367 = arith.addi %add3A_366, %mul3A_2 : i32
    %add3A_368 = arith.constant 60 : i32
    %add3A_369 = arith.addi %add3A_367, %add3A_368 : i32
    %add3A_370 = arith.constant 2048 : i32
    %add3A_371 = arith.addi %add3A_370, %mul3A_2 : i32
    %add3A_372 = arith.constant 60 : i32
    %add3A_373 = arith.addi %add3A_371, %add3A_372 : i32
    %add3A_374 = arith.constant 4096 : i32
    %add3A_375 = arith.addi %add3A_374, %mul3A_2 : i32
    %add3A_376 = arith.constant 60 : i32
    %add3A_377 = arith.addi %add3A_375, %add3A_376 : i32
    %add3A_378 = arith.constant 6144 : i32
    %add3A_379 = arith.addi %add3A_378, %mul3A_2 : i32
    %add3A_380 = arith.constant 60 : i32
    %add3A_381 = arith.addi %add3A_379, %add3A_380 : i32
    %dma_wait3A_382 = arith.constant 0 : i32
    %dma_wait3A_383 = arith.constant 0 : i32
    %dma_wait3A_384 = arith.constant 0 : i32
    %dma_wait3A_385 = arith.constant 0 : i32
    %dma_wait3A_386 = tpu.memref_slice %arg7[%dma_wait3A_382, %dma_wait3A_383, %dma_wait3A_384, %dma_wait3A_385] : memref<3x4x4x2048xf32, #tpu.memory_space<vmem>> -> memref<1x1x4x2048xf32, #tpu.memory_space<vmem>>
    %dma_wait3A_387 = tpu.memref_squeeze %dma_wait3A_386 : memref<1x1x4x2048xf32, #tpu.memory_space<vmem>> -> memref<4x2048xf32, #tpu.memory_space<vmem>>
    %dma_wait3A_388 = arith.constant 0 : i32
    %dma_wait3A_389 = tpu.memref_slice %arg5[%add3A_369, %dma_wait3A_388] : memref<8192x2048xf32, #tpu.memory_space<hbm>> -> memref<4x2048xf32, #tpu.memory_space<hbm>>
    %dma_wait3A_390 = arith.constant 0 : i32
    %dma_wait3A_391 = tpu.memref_slice %arg5[%add3A_369, %dma_wait3A_390] : memref<8192x2048xf32, #tpu.memory_space<hbm>> -> memref<4x2048xf32, #tpu.memory_space<hbm>>
    %dma_wait3A_392 = arith.constant 0 : i32
    %dma_wait3A_393 = arith.constant 0 : i32
    %dma_wait3A_394 = tpu.memref_slice %arg7[%dma_wait3A_382, %dma_wait3A_383, %dma_wait3A_392, %dma_wait3A_393] : memref<3x4x4x2048xf32, #tpu.memory_space<vmem>> -> memref<1x1x4x2048xf32, #tpu.memory_space<vmem>>
    %dma_wait3A_395 = tpu.memref_squeeze %dma_wait3A_394 : memref<1x1x4x2048xf32, #tpu.memory_space<vmem>> -> memref<4x2048xf32, #tpu.memory_space<vmem>>
    tpu.wait_dma2 semaphore(%arg12 : memref<!tpu.dma_semaphore, #tpu.memory_space<semaphore_mem>>) src(%dma_wait3A_395 : memref<4x2048xf32, #tpu.memory_space<vmem>>) dst(%dma_wait3A_391 : memref<4x2048xf32, #tpu.memory_space<hbm>>)
    %dma_wait3A_396 = arith.constant 0 : i32
    %dma_wait3A_397 = arith.constant 1 : i32
    %dma_wait3A_398 = arith.constant 0 : i32
    %dma_wait3A_399 = arith.constant 0 : i32
    %dma_wait3A_400 = tpu.memref_slice %arg7[%dma_wait3A_396, %dma_wait3A_397, %dma_wait3A_398, %dma_wait3A_399] : memref<3x4x4x2048xf32, #tpu.memory_space<vmem>> -> memref<1x1x4x2048xf32, #tpu.memory_space<vmem>>
    %dma_wait3A_401 = tpu.memref_squeeze %dma_wait3A_400 : memref<1x1x4x2048xf32, #tpu.memory_space<vmem>> -> memref<4x2048xf32, #tpu.memory_space<vmem>>
    %dma_wait3A_402 = arith.constant 0 : i32
    %dma_wait3A_403 = tpu.memref_slice %arg5[%add3A_373, %dma_wait3A_402] : memref<8192x2048xf32, #tpu.memory_space<hbm>> -> memref<4x2048xf32, #tpu.memory_space<hbm>>
    %dma_wait3A_404 = arith.constant 0 : i32
    %dma_wait3A_405 = tpu.memref_slice %arg5[%add3A_373, %dma_wait3A_404] : memref<8192x2048xf32, #tpu.memory_space<hbm>> -> memref<4x2048xf32, #tpu.memory_space<hbm>>
    %dma_wait3A_406 = arith.constant 0 : i32
    %dma_wait3A_407 = arith.constant 0 : i32
    %dma_wait3A_408 = tpu.memref_slice %arg7[%dma_wait3A_396, %dma_wait3A_397, %dma_wait3A_406, %dma_wait3A_407] : memref<3x4x4x2048xf32, #tpu.memory_space<vmem>> -> memref<1x1x4x2048xf32, #tpu.memory_space<vmem>>
    %dma_wait3A_409 = tpu.memref_squeeze %dma_wait3A_408 : memref<1x1x4x2048xf32, #tpu.memory_space<vmem>> -> memref<4x2048xf32, #tpu.memory_space<vmem>>
    tpu.wait_dma2 semaphore(%arg12 : memref<!tpu.dma_semaphore, #tpu.memory_space<semaphore_mem>>) src(%dma_wait3A_409 : memref<4x2048xf32, #tpu.memory_space<vmem>>) dst(%dma_wait3A_405 : memref<4x2048xf32, #tpu.memory_space<hbm>>)
    %dma_wait3A_410 = arith.constant 0 : i32
    %dma_wait3A_411 = arith.constant 2 : i32
    %dma_wait3A_412 = arith.constant 0 : i32
    %dma_wait3A_413 = arith.constant 0 : i32
    %dma_wait3A_414 = tpu.memref_slice %arg7[%dma_wait3A_410, %dma_wait3A_411, %dma_wait3A_412, %dma_wait3A_413] : memref<3x4x4x2048xf32, #tpu.memory_space<vmem>> -> memref<1x1x4x2048xf32, #tpu.memory_space<vmem>>
    %dma_wait3A_415 = tpu.memref_squeeze %dma_wait3A_414 : memref<1x1x4x2048xf32, #tpu.memory_space<vmem>> -> memref<4x2048xf32, #tpu.memory_space<vmem>>
    %dma_wait3A_416 = arith.constant 0 : i32
    %dma_wait3A_417 = tpu.memref_slice %arg5[%add3A_377, %dma_wait3A_416] : memref<8192x2048xf32, #tpu.memory_space<hbm>> -> memref<4x2048xf32, #tpu.memory_space<hbm>>
    %dma_wait3A_418 = arith.constant 0 : i32
    %dma_wait3A_419 = tpu.memref_slice %arg5[%add3A_377, %dma_wait3A_418] : memref<8192x2048xf32, #tpu.memory_space<hbm>> -> memref<4x2048xf32, #tpu.memory_space<hbm>>
    %dma_wait3A_420 = arith.constant 0 : i32
    %dma_wait3A_421 = arith.constant 0 : i32
    %dma_wait3A_422 = tpu.memref_slice %arg7[%dma_wait3A_410, %dma_wait3A_411, %dma_wait3A_420, %dma_wait3A_421] : memref<3x4x4x2048xf32, #tpu.memory_space<vmem>> -> memref<1x1x4x2048xf32, #tpu.memory_space<vmem>>
    %dma_wait3A_423 = tpu.memref_squeeze %dma_wait3A_422 : memref<1x1x4x2048xf32, #tpu.memory_space<vmem>> -> memref<4x2048xf32, #tpu.memory_space<vmem>>
    tpu.wait_dma2 semaphore(%arg12 : memref<!tpu.dma_semaphore, #tpu.memory_space<semaphore_mem>>) src(%dma_wait3A_423 : memref<4x2048xf32, #tpu.memory_space<vmem>>) dst(%dma_wait3A_419 : memref<4x2048xf32, #tpu.memory_space<hbm>>)
    %dma_wait3A_424 = arith.constant 0 : i32
    %dma_wait3A_425 = arith.constant 3 : i32
    %dma_wait3A_426 = arith.constant 0 : i32
    %dma_wait3A_427 = arith.constant 0 : i32
    %dma_wait3A_428 = tpu.memref_slice %arg7[%dma_wait3A_424, %dma_wait3A_425, %dma_wait3A_426, %dma_wait3A_427] : memref<3x4x4x2048xf32, #tpu.memory_space<vmem>> -> memref<1x1x4x2048xf32, #tpu.memory_space<vmem>>
    %dma_wait3A_429 = tpu.memref_squeeze %dma_wait3A_428 : memref<1x1x4x2048xf32, #tpu.memory_space<vmem>> -> memref<4x2048xf32, #tpu.memory_space<vmem>>
    %dma_wait3A_430 = arith.constant 0 : i32
    %dma_wait3A_431 = tpu.memref_slice %arg5[%add3A_381, %dma_wait3A_430] : memref<8192x2048xf32, #tpu.memory_space<hbm>> -> memref<4x2048xf32, #tpu.memory_space<hbm>>
    %dma_wait3A_432 = arith.constant 0 : i32
    %dma_wait3A_433 = tpu.memref_slice %arg5[%add3A_381, %dma_wait3A_432] : memref<8192x2048xf32, #tpu.memory_space<hbm>> -> memref<4x2048xf32, #tpu.memory_space<hbm>>
    %dma_wait3A_434 = arith.constant 0 : i32
    %dma_wait3A_435 = arith.constant 0 : i32
    %dma_wait3A_436 = tpu.memref_slice %arg7[%dma_wait3A_424, %dma_wait3A_425, %dma_wait3A_434, %dma_wait3A_435] : memref<3x4x4x2048xf32, #tpu.memory_space<vmem>> -> memref<1x1x4x2048xf32, #tpu.memory_space<vmem>>
    %dma_wait3A_437 = tpu.memref_squeeze %dma_wait3A_436 : memref<1x1x4x2048xf32, #tpu.memory_space<vmem>> -> memref<4x2048xf32, #tpu.memory_space<vmem>>
    tpu.wait_dma2 semaphore(%arg12 : memref<!tpu.dma_semaphore, #tpu.memory_space<semaphore_mem>>) src(%dma_wait3A_437 : memref<4x2048xf32, #tpu.memory_space<vmem>>) dst(%dma_wait3A_433 : memref<4x2048xf32, #tpu.memory_space<hbm>>)
    return
  }
}

</mosaic_0001>

<sc_bundles>
// kernel: kernel.3.cloned.1.call-start
scs
__scs_entry_jumppad:
0x0: {  	(pc) =	sbr.rel $0x88, $3  }
0x1: {  	(tag) =	ssettag $0x0;
	lr =	simm.s32 $0x1  }
0x2: {  	[smem:$0x3F9F] =	sst lr;
	_ =	strace $0xD0000000  }
0x3: {  	_ = 	snop  }
0x4: {  	_ = 	snop  }
0x5: {  	_ = 	snop  }
0x6: {  	_ = 	snop  }
0x7: {  	_ = 	snop  }
__scs_overlays_trampoline_lowered:
0x8: {  	[smem:$0x3FAE] =	sst s0  }
0x9: {  	[smem:$0x3FAF] =	sst s1  }
0xa: {  	[smem:$0x3FB0] =	sst s2  }
0xb: {  	[smem:$0x3FB1] =	sst s3  }
0xc: {  	[smem:$0x3FB2] =	sst s4  }
0xd: {  	[smem:$0x3FB3] =	sst s5  }
0xe: {  	[smem:$0x3FB4] =	sst s6  }
0xf: {  	[smem:$0x3FB5] =	sst s7  }
0x10: {  	[smem:$0x3FB6] =	sst s8  }
0x11: {  	[smem:$0x3FB7] =	sst s9;
	s0 =	simm.s32 @!p0 $0x0  }
0x12: {  	s1 =	sld [smem:$0x3F9D];
	s0 =	simm.s32 @p0 $0x1  }
0x13: {  	[smem:$0x3FB8] =	sst s0;
	s0 =	simm.s32 @!p1 $0x0  }
0x14: {  	s2 =	sld [smem:$0x3F9C];
	s0 =	simm.s32 @p1 $0x1  }
0x15: {  	[smem:$0x3FB9] =	sst s0;
	s0 =	simm.s32 @!p2 $0x0  }
0x16: {  	s3 =	sld [smem:$0x3FDB];
	s0 =	simm.s32 @p2 $0x1  }
0x17: {  	s4 =	simm.s32 $0x1BF5;
	[smem:$0x3FBB] =	sst s0  }
0x18: {  	s0 =	sld [smem:$0x3F9E];
	_ =	swait.ge [sflag:s4], $0x0  }
0x19: {  	s7 =	sld [smem:$0x3F9F]  }
0x1a: {  	s8 =	sadd.s32 $0xFFFFE003, lr  }
0x1b: {  	s9 =	sadd.s32 $0xFFFFFEF7, lr;
	s5 =	simm.s32 $0xFFFFFFFF;
	p2 =	slt.u32 s8, $0xFFFFF086  }
0x1c: {  	p1 =	slt.u32 s9, $0xF7A;
	s5 =	simm.s32 @!p2 $0x0  }
0x1d: {  	s5 =	simm.s32 @p1 $0x1;
	p0 =	seq.s32 s7, s2  }
0x1e: {  	s7 =	smul.u32 @!p0 $0xF7A, s2;
	p2 =	seq.s32 @!p0 s5, $0x0  }
0x1f: {  	s9 =	smul.u32 $0xF7A, s1;
	s8 =	simm.s32 @!p0 $0x1BF5;
	p2 =	por !p2, p0  }
0x20: {  	[sflag:s8] =	ssyncset.s32 @!p0 $0xFFFFF086;
	s6 =	sadd.s32 @!p0 s3, s7;
	s7 =	simm.s32 @!p0 $0x108  }
0x21: {  	s3 =	sadd.s32 s3, s9;
	s6 =	sadd.s32 @!p0 $0x88, s6;
	s7 =	simm.s32 @p2 $0x1082  }
0x22: {  	[simem:s7], [sflag:s8] =	dma.local @!p0 [hbm:s6], $0xF7A  }
0x23: {  	s9 =	sor.u32 $0xD0000000, s2;
	s6 =	simm.s32 $0x108;
	_ =	swait.ge @!p0 [sflag:s8], $0x0  }
0x24: {  	s3 =	sadd.s32 $0x88, s3;
	s6 =	simm.s32 @!p1 $0x1082;
	[sflag:s4] =	ssyncset.s32 $0xFFFFF086  }
0x25: {  	[simem:s6], [sflag:s4] =	dma.local [hbm:s3], $0xF7A  }
0x26: {  	[smem:$0x3F9F] =	sst s1;
	(tag) =	ssettag s2;
	_ =	strace s9  }
0x27: {  	s1 =	sld [smem:$0x3FAF]  }
0x28: {  	s2 =	sld [smem:$0x3FB0]  }
0x29: {  	s4 =	sld [smem:$0x3FB2]  }
0x2a: {  	p0 =	seq.s32 s5, $0x0;
	s5 =	sld [smem:$0x3FB3]  }
0x2b: {  	s6 =	sld [smem:$0x3FB4]  }
0x2c: {  	s7 =	sld [smem:$0x3FB5]  }
0x2d: {  	s3 =	simm.s32 $0x108;
	s8 =	sld [smem:$0x3FB6]  }
0x2e: {  	s3 =	simm.s32 @!p0 $0x1082;
	s9 =	sld [smem:$0x3FB7]  }
0x2f: {  	lr =	sadd.s32 s0, s3;
	s0 =	sld [smem:$0x3FAE]  }
0x30: {  	s3 =	sld [smem:$0x3FB1]  }
0x31: {  	[smem:$0x3FBA] =	sst s10  }
0x32: {  	s10 =	sld [smem:$0x3FB8];
	_ =	sdelay $0x3  }
0x33: {  	p0 =	seq.s32 s10, $0x1;
	s10 =	sld [smem:$0x3FBA];
	_ =	sdelay $0x3  }
0x34: {  	[smem:$0x3FBA] =	sst s10  }
0x35: {  	s10 =	sld [smem:$0x3FB9];
	_ =	sdelay $0x3  }
0x36: {  	p1 =	seq.s32 s10, $0x1;
	s10 =	sld [smem:$0x3FBA];
	_ =	sdelay $0x3  }
0x37: {  	[smem:$0x3FBA] =	sst s10  }
0x38: {  	s10 =	sld [smem:$0x3FBB]  }
0x39: {  	_ = 	snop;
	(pc) =	sbr.ind lr, $3  }
0x3a: {  	_ = 	snop  }
0x3b: {  	_ = 	snop  }
0x3c: {  	p2 =	seq.s32 s10, $0x1;
	s10 =	sld [smem:$0x3FBA]  }
0x3d: {  	_ =	shalt  }
0x3e: {  	_ =	shalt  }
0x3f: {  	_ =	shalt  }
0x40: {  	_ =	shalt  }
0x41: {  	_ =	shalt  }
0x42: {  	_ =	shalt  }
0x43: {  	_ =	shalt  }
0x44: {  	_ =	shalt  }
0x45: {  	_ =	shalt  }
0x46: {  	_ =	shalt  }
0x47: {  	_ =	shalt  }
0x48: {  	_ =	shalt  }
0x49: {  	_ =	shalt  }
0x4a: {  	_ =	shalt  }
0x4b: {  	_ =	shalt  }
0x4c: {  	_ =	shalt  }
0x4d: {  	_ =	shalt  }
0x4e: {  	_ =	shalt  }
0x4f: {  	_ =	shalt  }
0x50: {  	_ =	shalt  }
0x51: {  	_ =	shalt  }
0x52: {  	_ =	shalt  }
0x53: {  	_ =	shalt  }
0x54: {  	_ =	shalt  }
0x55: {  	_ =	shalt  }
0x56: {  	_ =	shalt  }
0x57: {  	_ =	shalt  }
0x58: {  	_ =	shalt  }
0x59: {  	_ =	shalt  }
0x5a: {  	_ =	shalt  }
0x5b: {  	_ =	shalt  }
0x5c: {  	_ =	shalt  }
0x5d: {  	_ =	shalt  }
0x5e: {  	_ =	shalt  }
0x5f: {  	_ =	shalt  }
0x60: {  	_ =	shalt  }
0x61: {  	_ =	shalt  }
0x62: {  	_ =	shalt  }
0x63: {  	_ =	shalt  }
0x64: {  	_ =	shalt  }
0x65: {  	_ =	shalt  }
0x66: {  	_ =	shalt  }
0x67: {  	_ =	shalt  }
0x68: {  	_ =	shalt  }
0x69: {  	_ =	shalt  }
0x6a: {  	_ =	shalt  }
0x6b: {  	_ =	shalt  }
0x6c: {  	_ =	shalt  }
0x6d: {  	_ =	shalt  }
0x6e: {  	_ =	shalt  }
0x6f: {  	_ =	shalt  }
0x70: {  	_ =	shalt  }
0x71: {  	_ =	shalt  }
0x72: {  	_ =	shalt  }
0x73: {  	_ =	shalt  }
0x74: {  	_ =	shalt  }
0x75: {  	_ =	shalt  }
0x76: {  	_ =	shalt  }
0x77: {  	_ =	shalt  }
0x78: {  	_ =	shalt  }
0x79: {  	_ =	shalt  }
0x7a: {  	_ =	shalt  }
0x7b: {  	_ =	shalt  }
0x7c: {  	_ =	shalt  }
0x7d: {  	_ =	shalt  }
0x7e: {  	_ =	shalt  }
0x7f: {  	_ =	shalt  }
0x80: {  	_ =	shalt  }
0x81: {  	_ =	shalt  }
0x82: {  	_ =	shalt  }
0x83: {  	_ =	shalt  }
0x84: {  	_ =	shalt  }
0x85: {  	_ =	shalt  }
0x86: {  	_ =	shalt  }
0x87: {  	_ =	shalt  }
.Lfunc_end0:
.L_simem_size_0:
called_computation_lowered:
.L_overlay_start_0:
0x88: {  	s2 =	sld [smem:$0x3FD9]  }
0x89: {  	s3 =	sld [smem:$0x3FFE];
	_ =	sdelay $0x1  }
0x8a: {  	s1 =	srdreg.scid  }
0x8b: {  	s0 =	sand.u32 $0x1, s1  }
0x8c: {  	s17 =	sshll.u32 s0, $0xA;
	s2 =	sadd.s32 s3, s2  }
0x8d: {  	s2 =	sadd.s32 s2, s17  }
0x8e: {  	[smem:$0x3FC6] =	sst s2  }
0x8f: {  	_ = 	snop  }
0x90: {  	s2 =	sld [smem:$0x3FC8]  }
0x91: {  	s18 =	sld [smem:$0x3FD0];
	(tm) =	ssettm $0x1  }
0x92: {  	s4 =	sld [smem:$0x3FFB];
	_ =	sdelay $0x3  }
0x93: {  	_ =	strace s4  }
0x94: {  	s4 =	sld [smem:$0x3FFC];
	_ =	sdelay $0x3  }
0x95: {  	_ =	strace s4  }
0x96: {  	s4 =	sld [smem:$0x3FFD];
	_ =	sdelay $0x3  }
0x97: {  	_ =	strace s4  }
0x98: {  	_ =	strace $0x8FFFFFFF  }
0x99: {  	s19 =	sld [smem:$0x3FDB];
	_ =	sdelay $0x1  }
0x9a: {  	s5 =	simm.s32 $_scs_section_size  }
0x9b: {  	s6 =	simm.s32 $_size__tile_overlayer_lowered;
	s7 =	simm.s32 $_tile_overlayer_lowered  }
0x9c: {  	s22 =	simm.s32 $0x1BFF;
	s21 =	sshll.u32 s7, $0x1;
	s4 =	sadd.s32 s5, s19  }
0x9d: {  	s8 =	simm.s32 $0x0;
	s20 =	sshll.u32 s6, $0x1;
	s6 =	sadd.s32 s21, s4  }
0x9e: {  	[timem:s8], [sflag:s22] =	dma.local [hbm:s6], s20  }
0x9f: {  	_ =	swait.ge [sflag:s22], s20  }
0xa0: {  	s5 =	ssub.s32 $0x0, s20;
	[sflag:s22] =	ssyncset.done $0x0  }
0xa1: {  	[sflag:s22] =	ssyncadd.s32 s5;
	_ =	sdelay $0x1  }
0xa2: {  	s23 =	simm.s32 $0x1B8B  }
0xa3: {  	_ =	swait.ge [sflag:s23], $0x1  }
0xa4: {  	[sflag:s23] =	ssyncset.done $0x0  }
0xa5: {  	s25 =	simm.s32 $0x1B8E;
	s24 =	sld [smem:$0x3FFE];
	[sflag:s23] =	ssyncadd.s32 $0xFFFFFFFF  }
0xa6: {  	s26 =	simm.s32 $execute0_lowered;
	[smem:$0x3FD2] =	sst s25  }
0xa7: {  	s6 =	sshll.u32 s26, $0x1;
	_ =	strace $0x80000046;
	[dreg:$0x1] =	wrdreg $0xFFFFFFFF  }
0xa8: {  	s28 =	simm.s32 $_size_execute0_lowered;
	s4 =	sadd.s32 s4, s6;
	[dreg:$0x0] =	wrdreg $0x0  }
0xa9: {  	s6 =	sshll.u32 s28, $0x1;
	[dreg:$0x2] =	wrdreg s4  }
0xaa: {  	[dreg:$0x3] =	wrdreg s6  }
0xab: {  	[dreg:$0x4] =	wrdreg $0xC0  }
0xac: {  	_ =	task [dreg:s8], $0x5FFFF  }
0xad: {  	[dreg:$0x1] =	wrdreg $0xFFFFFFFF  }
0xae: {  	[dreg:$0x0] =	wrdreg $0x60  }
0xaf: {  	[dreg:$0x2] =	wrdreg s24  }
0xb0: {  	[dreg:$0x3] =	wrdreg s2  }
0xb1: {  	[dreg:$0x4] =	wrdreg s18  }
0xb2: {  	[dreg:$0x5] =	wrdreg $0x9  }
0xb3: {  	_ =	task.clear_ibuf [dreg:s8], $0x6FFFF;
	_ =	strace $0x90000046  }
0xb4: {  	s29 =	simm.s32 $0x9;
	_ =	strace $0x80000048  }
0xb5: {  	_ =	swait.ge [sflag:s29], $0x1  }
0xb6: {  	[sflag:s29] =	ssyncadd.s32 $0xFFFFFFFF  }
0xb7: {  	_ =	strace $0x90000048  }
0xb8: {  	_ =	sfence  }
0xb9: {  	s30 =	sld [smem:$0x0];
	_ =	sdelay $0x2  }
0xba: {  	s31 =	sshll.u32 s1, $0xD;
	s1 =	sshrl.u32 s1, $0x2  }
0xbb: {  	s3 =	sand.u32 $0x4000, s31;
	s1 =	sadd.s32 s1, s30  }
0xbc: {  	s0 =	sor.u32 s3, s0;
	s1 =	sshll.u32 s1, $0x11  }
0xbd: {  	s0 =	sor.u32 s1, s0  }
0xbe: {  	s0 =	sadd.s32 $0x8F2B, s0  }
0xbf: {  	[sflag:s0] =	ssyncadd.remote.s32 $0x1  }
0xc0: {  	_ =	sfence.sel $0xFFFF  }
0xc1: {  	[dreg:$0x0] =	wrdreg $0xFFFFFFFF;
	(pc) =	sbr.abs _section_cstart, $3  }
0xc2: {  	[dreg:$0x1] =	wrdreg $0xFFFFFFFF  }
0xc3: {  	_ =	task.clear_ibuf [dreg:s8], $0x2FFFF;
	_ =	strace $0x9FFFFFFF  }
0xc4: {  	(tm) =	ssettm $0x7FFFFFFF  }
0xc5: {  	_ =	shalt  }
tec
execute0_lowered:
.L_overlay_start_1:
0x0: {  	(tag) =	ssettag $0x1  }
0x1: {  	s0 =	rddreg [dreg:$0x0]  }
0x2: {  	s1 =	rddreg [dreg:$0x1]  }
0x3: {  	s2 =	rddreg [dreg:$0x2];
	s3 =	srdreg.scid  }
0x4: {  	s4 =	simm.s32 $0x0;
	s8 =	stileid.u32;
	s28 =	simm.s32 $0x2200  }
0x5: {  	s30 =	simm.s32 $0x4200;
	s17 =	simm.s32 $0x400;
	s31 =	simm.s32 $0xA200  }
0x6: {  	s16 =	simm.s32 $0x4;
	s29 =	simm.s32 $0x3;
	s3 =	sand.u32 $0x1, s3  }
0x7: {  	[smem:$0x7FF] =	sst s4;
	s5 =	sadd.s32 $0xC00, s0;
	s6 =	sshll.u32 s8, $0x1  }
0x8: {  	s8 =	sshll.u32 s8, $0x7;
	s9 =	sadd.s32 $0x400, s1;
	s10 =	sadd.s32 $0x600, s1  }
0x9: {  	s21 =	sshll.u32 s3, $0x6;
	_ =	strace $0x80000047;
	s22 =	ssub.s32 $0x2, s3  }
0xa: {  	s3 =	sor.u32 s3, s6;
	s4 =	sadd.s32 s21, s0;
	s7 =	sshrl.u32 s22, $0x1  }
0xb: {  	s6 =	sshll.u32 s3, $0x6;
	s3 =	sshll.u32 s3, $0xE;
	s21 =	simm.s32 $0x200  }
0xc: {  	s0 =	ssub.s32 s22, s7;
	s4 =	sadd.s32 s8, s4;
	s23 =	sadd.s32 s5, s3  }
0xd: {  	s3 =	sadd.s32 s3, s2;
	s4 =	sadd.s32 $0x400, s4;
	[dreg:$0x5] =	wrdreg s23  }
0xe: {  	s8 =	sadd.s32 $0x200, s1;
	s24 =	sadd.s32 $0x3840, s3;
	[dreg:$0x4] =	wrdreg s4  }
0xf: {  	s12 =	sor.u32 $0x800, s6;
	s25 =	sadd.s32 $0x83840, s3;
	[dreg:$0x6] =	wrdreg s24  }
0x10: {  	s13 =	sor.u32 $0x1000, s6;
	s26 =	sadd.s32 $0x103840, s3;
	[dreg:$0x7] =	wrdreg s25  }
0x11: {  	s14 =	sor.u32 $0x1800, s6;
	s3 =	sadd.s32 $0x183840, s3;
	[dreg:$0x8] =	wrdreg s26  }
0x12: {  	v0 =	vlaneseq.u32;
	s7 =	simm.s32 $0x6200;
	s0 =	smax.u32 s0, $0x1;
	[dreg:$0x9] =	wrdreg s3  }
0x13: {  	v1 =	vshrl.u32 v0, $0x2;
	s23 =	simm.s32 $0x1;
	[dreg:$0xa] =	wrdreg s0;
	s25 =	simm.s32 $0x8200  }
0x14: {  	vm0 =	vmmov $0xffff;
	v0 =	vand.u32 $0x3, v0;
	v1 =	vmul.u32 $0x8, v1;
	s4 =	simm.s32 $0x16200;
	s26 =	simm.s32 $0x2;
	s3 =	simm.s32 $0x0  }
.LBB2_1:
0x15: {  	[dreg:$0xb] =	wrdreg s3  }
0x16: {  	s0 =	simm.s32 $0x0;
	s22 =	rddreg [dreg:$0x4];
	s24 =	simm.s32 $0x7  }
0x17: {  	[tilespmem:s0], [sflag:$0x7] =	stream.linear.gather [hbm4b:s22+s0], $0x200, $0x38;
	[tilespmem:$0x1E200] =	vst v63  }
0x18: {  	_ =	swait.ge [sflag:s24], $0x200  }
0x19: {  	[sflag:s24] =	ssyncset.done $0x0  }
0x1a: {  	[sflag:s24] =	ssyncadd.s32 $0xFFFFFE00  }
0x1b: {  	v2 =	vld.msk [tilespmem:$0x0], $0xf;
	_ =	sdelay $0x4  }
0x1c: {  	v3 =	vshll.u32 v2, $0x4  }
0x1d: {  	v2 =	vand.u32 $0x7, v2;
	v3 =	vand.u32 $0xFFFFFF80, v3  }
0x1e: {  	v2 =	vor.u32 v2, v3  }
0x1f: {  	v2 =	vperm.xlane v2, v0;
	_ =	sdelay $0x1  }
0x20: {  	v2 =	vadd.s32 v1, v2;
	_ =	sdelay $0x4  }
0x21: {  	[tilespmem:s21], [sflag:$0x1] =	stream.indirect_vreg.gather [hbm4b:s1+s0], $0x80, v2, vm0, $0xb8;
	[tilespmem:$0x1E200] =	vst v63  }
0x22: {  	s11 =	simm.s32 $0xA00  }
0x23: {  	[tilespmem:s11], [sflag:$0x1] =	stream.indirect_vreg.gather [hbm4b:s8+s0], $0x80, v2, vm0, $0xb8;
	[tilespmem:$0x1E200] =	vst v63  }
0x24: {  	s15 =	simm.s32 $0x1200  }
0x25: {  	[tilespmem:s15], [sflag:$0x1] =	stream.indirect_vreg.gather [hbm4b:s9+s0], $0x80, v2, vm0, $0xb8;
	[tilespmem:$0x1E200] =	vst v63  }
0x26: {  	s18 =	simm.s32 $0x1A00  }
0x27: {  	[tilespmem:s18], [sflag:$0x1] =	stream.indirect_vreg.gather [hbm4b:s10+s0], $0x80, v2, vm0, $0xb8;
	[tilespmem:$0x1E200] =	vst v63  }
0x28: {  	v2 =	vld.msk [tilespmem:$0x80], $0xf;
	_ =	sdelay $0x4  }
0x29: {  	v3 =	vshll.u32 v2, $0x4  }
0x2a: {  	v2 =	vand.u32 $0x7, v2;
	v3 =	vand.u32 $0xFFFFFF80, v3  }
0x2b: {  	v2 =	vor.u32 v2, v3  }
0x2c: {  	v2 =	vperm.xlane v2, v0;
	_ =	sdelay $0x1  }
0x2d: {  	v2 =	vadd.s32 v1, v2;
	_ =	sdelay $0x4  }
0x2e: {  	[tilespmem:s28], [sflag:$0x1] =	stream.indirect_vreg.gather [hbm4b:s1+s0], $0x80, v2, vm0, $0xb8;
	[tilespmem:$0x1E200] =	vst v63  }
0x2f: {  	s19 =	simm.s32 $0x2A00  }
0x30: {  	[tilespmem:s19], [sflag:$0x1] =	stream.indirect_vreg.gather [hbm4b:s8+s0], $0x80, v2, vm0, $0xb8;
	[tilespmem:$0x1E200] =	vst v63  }
0x31: {  	s20 =	simm.s32 $0x3200  }
0x32: {  	[tilespmem:s20], [sflag:$0x1] =	stream.indirect_vreg.gather [hbm4b:s9+s0], $0x80, v2, vm0, $0xb8;
	[tilespmem:$0x1E200] =	vst v63  }
0x33: {  	s22 =	simm.s32 $0x3A00  }
0x34: {  	[tilespmem:s22], [sflag:$0x1] =	stream.indirect_vreg.gather [hbm4b:s10+s0], $0x80, v2, vm0, $0xb8;
	[tilespmem:$0x1E200] =	vst v63  }
0x35: {  	v2 =	vld.msk [tilespmem:$0x100], $0xf;
	_ =	sdelay $0x4  }
0x36: {  	v3 =	vshll.u32 v2, $0x4  }
0x37: {  	v2 =	vand.u32 $0x7, v2;
	v3 =	vand.u32 $0xFFFFFF80, v3  }
0x38: {  	v2 =	vor.u32 v2, v3  }
0x39: {  	v2 =	vperm.xlane v2, v0;
	_ =	sdelay $0x1  }
0x3a: {  	v2 =	vadd.s32 v1, v2;
	_ =	sdelay $0x4  }
0x3b: {  	[tilespmem:s30], [sflag:$0x1] =	stream.indirect_vreg.gather [hbm4b:s1+s0], $0x80, v2, vm0, $0xb8;
	[tilespmem:$0x1E200] =	vst v63  }
0x3c: {  	s24 =	simm.s32 $0x4A00  }
0x3d: {  	[tilespmem:s24], [sflag:$0x1] =	stream.indirect_vreg.gather [hbm4b:s8+s0], $0x80, v2, vm0, $0xb8;
	[tilespmem:$0x1E200] =	vst v63  }
0x3e: {  	s11 =	simm.s32 $0x5200  }
0x3f: {  	[tilespmem:s11], [sflag:$0x1] =	stream.indirect_vreg.gather [hbm4b:s9+s0], $0x80, v2, vm0, $0xb8;
	[tilespmem:$0x1E200] =	vst v63  }
0x40: {  	s15 =	simm.s32 $0x5A00  }
0x41: {  	[tilespmem:s15], [sflag:$0x1] =	stream.indirect_vreg.gather [hbm4b:s10+s0], $0x80, v2, vm0, $0xb8;
	[tilespmem:$0x1E200] =	vst v63  }
0x42: {  	v2 =	vld.msk [tilespmem:$0x180], $0xf;
	_ =	sdelay $0x4  }
0x43: {  	v3 =	vshll.u32 v2, $0x4  }
0x44: {  	v2 =	vand.u32 $0x7, v2;
	v3 =	vand.u32 $0xFFFFFF80, v3  }
0x45: {  	v2 =	vor.u32 v2, v3  }
0x46: {  	v2 =	vperm.xlane v2, v0;
	_ =	sdelay $0x1  }
0x47: {  	v2 =	vadd.s32 v1, v2;
	_ =	sdelay $0x4  }
0x48: {  	[tilespmem:s7], [sflag:$0x1] =	stream.indirect_vreg.gather [hbm4b:s1+s0], $0x80, v2, vm0, $0xb8;
	[tilespmem:$0x1E200] =	vst v63  }
0x49: {  	s18 =	simm.s32 $0x6A00  }
0x4a: {  	[tilespmem:s18], [sflag:$0x1] =	stream.indirect_vreg.gather [hbm4b:s8+s0], $0x80, v2, vm0, $0xb8;
	[tilespmem:$0x1E200] =	vst v63  }
0x4b: {  	s19 =	simm.s32 $0x7200  }
0x4c: {  	[tilespmem:s19], [sflag:$0x1] =	stream.indirect_vreg.gather [hbm4b:s9+s0], $0x80, v2, vm0, $0xb8;
	[tilespmem:$0x1E200] =	vst v63  }
0x4d: {  	s20 =	simm.s32 $0x7A00  }
0x4e: {  	[tilespmem:s20], [sflag:$0x1] =	stream.indirect_vreg.gather [hbm4b:s10+s0], $0x80, v2, vm0, $0xb8;
	[tilespmem:$0x1E200] =	vst v63  }
0x4f: {  	s22 =	rddreg [dreg:$0x5];
	s24 =	simm.s32 $0x18200;
	s18 =	simm.s32 $0x0  }
0x50: {  	[tilespmem:s24], [sflag:$0x1] =	stream.strided.gather [hbm4b:s22+s21], $0x2000, s17, s21, $0x38;
	[tilespmem:$0x1E200] =	vst v63  }
.LBB2_2:
0x51: {  	p0 =	seq.s32 s18, $0x0  }
0x52: {  	s3 =	simm.s32 @!p0 $0x5  }
0x53: {  	_ =	swait.ge @!p0 [sflag:s3], $0x2000  }
0x54: {  	[sflag:s3] =	ssyncset.done @!p0 $0x0  }
0x55: {  	[sflag:s3] =	ssyncadd.s32 @!p0 $0xFFFFE000  }
0x56: {  	_ =	swait.ge @!p0 [sflag:s3], $0x2000  }
0x57: {  	[sflag:s3] =	ssyncset.done @!p0 $0x0  }
0x58: {  	[sflag:s3] =	ssyncadd.s32 @!p0 $0xFFFFE000  }
0x59: {  	_ =	swait.ge @!p0 [sflag:s3], $0x2000  }
0x5a: {  	[sflag:s3] =	ssyncset.done @!p0 $0x0  }
0x5b: {  	s0 =	smul.u32 $0x3, s18;
	[sflag:s3] =	ssyncadd.s32 @!p0 $0xFFFFE000  }
0x5c: {  	_ =	swait.ge @!p0 [sflag:s3], $0x2000  }
0x5d: {  	s19 =	sadd.s32 $0x1, s0;
	[sflag:s3] =	ssyncset.done @!p0 $0x0  }
0x5e: {  	s15 =	sshll.u32 s19, $0x2;
	[sflag:s3] =	ssyncadd.s32 @!p0 $0xFFFFE000  }
0x5f: {  	v2 =	vld.msk [tilespmem:s15+$0x0], $0xf;
	_ =	sdelay $0x4  }
0x60: {  	v3 =	vshll.u32 v2, $0x4  }
0x61: {  	v2 =	vand.u32 $0x7, v2;
	v3 =	vand.u32 $0xFFFFFF80, v3  }
0x62: {  	v2 =	vor.u32 v2, v3  }
0x63: {  	v2 =	vperm.xlane v2, v0;
	_ =	sdelay $0x1  }
0x64: {  	v2 =	vadd.s32 v1, v2;
	_ =	sdelay $0x3  }
0x65: {  	s11 =	simm.s32 $0x0  }
0x66: {  	[tilespmem:s25], [sflag:$0x2] =	stream.indirect_vreg.gather [hbm4b:s1+s11], $0x80, v2, vm0, $0xb8;
	[tilespmem:$0x1E200] =	vst v63  }
0x67: {  	s20 =	simm.s32 $0x8A00  }
0x68: {  	[tilespmem:s20], [sflag:$0x2] =	stream.indirect_vreg.gather [hbm4b:s8+s11], $0x80, v2, vm0, $0xb8;
	[tilespmem:$0x1E200] =	vst v63  }
0x69: {  	s22 =	simm.s32 $0x9200;
	s24 =	sand.u32 $0x80, s15  }
0x6a: {  	[tilespmem:s22], [sflag:$0x2] =	stream.indirect_vreg.gather [hbm4b:s9+s11], $0x80, v2, vm0, $0xb8;
	[tilespmem:$0x1E200] =	vst v63  }
0x6b: {  	s3 =	sadd.s32 s15, s24;
	s20 =	simm.s32 $0x9A00  }
0x6c: {  	[tilespmem:s20], [sflag:$0x2] =	stream.indirect_vreg.gather [hbm4b:s10+s11], $0x80, v2, vm0, $0xb8;
	[tilespmem:$0x1E200] =	vst v63  }
0x6d: {  	v2 =	vld.msk [tilespmem:s3+$0x80], $0xf;
	_ =	sdelay $0x4  }
0x6e: {  	v3 =	vshll.u32 v2, $0x4  }
0x6f: {  	v2 =	vand.u32 $0x7, v2;
	v3 =	vand.u32 $0xFFFFFF80, v3  }
0x70: {  	v2 =	vor.u32 v2, v3  }
0x71: {  	v2 =	vperm.xlane v2, v0;
	_ =	sdelay $0x1  }
0x72: {  	v2 =	vadd.s32 v1, v2;
	_ =	sdelay $0x4  }
0x73: {  	[tilespmem:s31], [sflag:$0x2] =	stream.indirect_vreg.gather [hbm4b:s1+s11], $0x80, v2, vm0, $0xb8;
	[tilespmem:$0x1E200] =	vst v63  }
0x74: {  	s25 =	simm.s32 $0xAA00  }
0x75: {  	[tilespmem:s25], [sflag:$0x2] =	stream.indirect_vreg.gather [hbm4b:s8+s11], $0x80, v2, vm0, $0xb8;
	[tilespmem:$0x1E200] =	vst v63  }
0x76: {  	s31 =	simm.s32 $0xB200  }
0x77: {  	[tilespmem:s31], [sflag:$0x2] =	stream.indirect_vreg.gather [hbm4b:s9+s11], $0x80, v2, vm0, $0xb8;
	[tilespmem:$0x1E200] =	vst v63  }
0x78: {  	s22 =	simm.s32 $0xBA00  }
0x79: {  	[tilespmem:s22], [sflag:$0x2] =	stream.indirect_vreg.gather [hbm4b:s10+s11], $0x80, v2, vm0, $0xb8;
	[tilespmem:$0x1E200] =	vst v63  }
0x7a: {  	v2 =	vld.msk [tilespmem:s3+$0x100], $0xf;
	_ =	sdelay $0x4  }
0x7b: {  	v3 =	vshll.u32 v2, $0x4  }
0x7c: {  	v2 =	vand.u32 $0x7, v2;
	v3 =	vand.u32 $0xFFFFFF80, v3  }
0x7d: {  	v2 =	vor.u32 v2, v3  }
0x7e: {  	v2 =	vperm.xlane v2, v0;
	_ =	sdelay $0x1  }
0x7f: {  	v2 =	vadd.s32 v1, v2;
	_ =	sdelay $0x3  }
0x80: {  	s24 =	simm.s32 $0xC200  }
0x81: {  	[tilespmem:s24], [sflag:$0x2] =	stream.indirect_vreg.gather [hbm4b:s1+s11], $0x80, v2, vm0, $0xb8;
	[tilespmem:$0x1E200] =	vst v63  }
0x82: {  	s25 =	simm.s32 $0xCA00  }
0x83: {  	[tilespmem:s25], [sflag:$0x2] =	stream.indirect_vreg.gather [hbm4b:s8+s11], $0x80, v2, vm0, $0xb8;
	[tilespmem:$0x1E200] =	vst v63  }
0x84: {  	s31 =	simm.s32 $0xD200  }
0x85: {  	[tilespmem:s31], [sflag:$0x2] =	stream.indirect_vreg.gather [hbm4b:s9+s11], $0x80, v2, vm0, $0xb8;
	[tilespmem:$0x1E200] =	vst v63  }
0x86: {  	s22 =	simm.s32 $0xDA00  }
0x87: {  	[tilespmem:s22], [sflag:$0x2] =	stream.indirect_vreg.gather [hbm4b:s10+s11], $0x80, v2, vm0, $0xb8;
	[tilespmem:$0x1E200] =	vst v63  }
0x88: {  	v2 =	vld.msk [tilespmem:s3+$0x180], $0xf;
	_ =	sdelay $0x4  }
0x89: {  	v3 =	vshll.u32 v2, $0x4  }
0x8a: {  	v2 =	vand.u32 $0x7, v2;
	v3 =	vand.u32 $0xFFFFFF80, v3  }
0x8b: {  	v2 =	vor.u32 v2, v3  }
0x8c: {  	v2 =	vperm.xlane v2, v0;
	_ =	sdelay $0x1  }
0x8d: {  	v2 =	vadd.s32 v1, v2;
	_ =	sdelay $0x3  }
0x8e: {  	s24 =	simm.s32 $0xE200  }
0x8f: {  	[tilespmem:s24], [sflag:$0x2] =	stream.indirect_vreg.gather [hbm4b:s1+s11], $0x80, v2, vm0, $0xb8;
	[tilespmem:$0x1E200] =	vst v63  }
0x90: {  	s25 =	simm.s32 $0xEA00;
	s22 =	sadd.s32 s6, s15  }
0x91: {  	[tilespmem:s25], [sflag:$0x2] =	stream.indirect_vreg.gather [hbm4b:s8+s11], $0x80, v2, vm0, $0xb8;
	[tilespmem:$0x1E200] =	vst v63  }
0x92: {  	s19 =	sshll.u32 s19, $0x6;
	s31 =	simm.s32 $0xF200;
	s3 =	sshll.u32 s22, $0x8  }
0x93: {  	[tilespmem:s31], [sflag:$0x2] =	stream.indirect_vreg.gather [hbm4b:s9+s11], $0x80, v2, vm0, $0xb8;
	[tilespmem:$0x1E200] =	vst v63  }
0x94: {  	s20 =	simm.s32 $0xFA00;
	s24 =	sand.u32 $0xFFFF800, s3;
	s3 =	sand.u32 $0x40, s19  }
0x95: {  	[tilespmem:s20], [sflag:$0x2] =	stream.indirect_vreg.gather [hbm4b:s10+s11], $0x80, v2, vm0, $0xb8;
	[tilespmem:$0x1E200] =	vst v63  }
0x96: {  	s20 =	sor.u32 s3, s24  }
0x97: {  	s22 =	simm.s32 $0x1A200;
	s25 =	sadd.s32 s5, s20  }
0x98: {  	[tilespmem:s22], [sflag:$0x2] =	stream.strided.gather [hbm4b:s25+s21], $0x2000, s17, s21, $0x38;
	[tilespmem:$0x1E200] =	vst v63  }
0x99: {  	_ =	swait.ge [sflag:s23], $0x2000  }
0x9a: {  	[sflag:s23] =	ssyncset.done $0x0  }
0x9b: {  	[sflag:s23] =	ssyncadd.s32 $0xFFFFE000  }
0x9c: {  	_ =	swait.ge [sflag:s23], $0x2000  }
0x9d: {  	[sflag:s23] =	ssyncset.done $0x0  }
0x9e: {  	[sflag:s23] =	ssyncadd.s32 $0xFFFFE000  }
0x9f: {  	_ =	swait.ge [sflag:s23], $0x2000  }
0xa0: {  	[sflag:s23] =	ssyncset.done $0x0  }
0xa1: {  	[sflag:s23] =	ssyncadd.s32 $0xFFFFE000  }
0xa2: {  	_ =	swait.ge [sflag:s23], $0x2000  }
0xa3: {  	[sflag:s23] =	ssyncset.done $0x0  }
0xa4: {  	[sflag:s23] =	ssyncadd.s32 $0xFFFFE000  }
0xa5: {  	_ =	swait.ge [sflag:s23], $0x2000  }
0xa6: {  	s31 =	sand.u32 $0x70, s11;
	s11 =	sand.u32 $0x1E00, s11;
	[sflag:s23] =	ssyncset.done $0x0  }
0xa7: {  	s19 =	sor.u32 s31, s11;
	[sflag:s23] =	ssyncadd.s32 $0xFFFFE000  }
0xa8: {  	v4 =	vld [tilespmem:s19+$0x18200]  }
0xa9: {  	v8 =	vld [tilespmem:s19+$0x18280]  }
0xaa: {  	v3 =	vld [tilespmem:s19+$0x18300]  }
0xab: {  	v5 =	vld [tilespmem:s19+$0x200]  }
0xac: {  	v6 =	vld [tilespmem:s19+$0x2200]  }
0xad: {  	v7 =	vld [tilespmem:s19+$0x4200]  }
0xae: {  	v9 =	vld [tilespmem:s19+$0x6200]  }
0xaf: {  	v10 =	vld [tilespmem:s19+$0x2280]  }
0xb0: {  	v12 =	vld [tilespmem:s19+$0x280]  }
0xb1: {  	v11 =	vld [tilespmem:s19+$0x4280];
	v5 =	vmul.f32 v5, v4  }
0xb2: {  	v2 =	vld [tilespmem:s19+$0x18380];
	v6 =	vmul.f32 v6, v4  }
0xb3: {  	v13 =	vld [tilespmem:s19+$0x6280];
	[tilespmem:s19+$0x200] =	vst v5;
	v5 =	vmul.f32 v7, v4  }
0xb4: {  	v14 =	vld [tilespmem:s19+$0x300];
	[tilespmem:s19+$0x2200] =	vst v6;
	v4 =	vmul.f32 v9, v4  }
0xb5: {  	v7 =	vmul.f32 v12, v8;
	[tilespmem:s19+$0x4200] =	vst v5;
	v5 =	vld [tilespmem:s19+$0x2300]  }
0xb6: {  	v6 =	vld [tilespmem:s19+$0x4300];
	v9 =	vmul.f32 v10, v8;
	v10 =	vmul.f32 v11, v8;
	[tilespmem:s19+$0x6200] =	vst v4  }
0xb7: {  	[tilespmem:s19+$0x280] =	vst v7;
	v4 =	vld [tilespmem:s19+$0x6300]  }
0xb8: {  	v7 =	vld [tilespmem:s19+$0x380];
	[tilespmem:s19+$0x4280] =	vst v10;
	v10 =	vmul.f32 v13, v8  }
0xb9: {  	s11 =	simm.s32 $0x40;
	s22 =	simm.s32 $0x10;
	[tilespmem:s19+$0x2280] =	vst v9;
	v9 =	vmul.f32 v14, v3;
	v8 =	vld [tilespmem:s19+$0x2380]  }
.LBB2_3:
0xba: {  	s24 =	sand.u32 $0x70, s22;
	s25 =	sand.u32 $0x1E00, s11;
	p1 =	sne.s32 s22, $0x7F0;
	[tilespmem:s19+$0x6280] =	vst v10;
	v5 =	vmul.f32 v5, v3;
	v10 =	vld [tilespmem:s19+$0x4380]  }
0xbb: {  	s24 =	sor.u32 s24, s25;
	[tilespmem:s19+$0x300] =	vst v9;
	v6 =	vmul.f32 v6, v3;
	v9 =	vld [tilespmem:s19+$0x6380]  }
0xbc: {  	v11 =	vld [tilespmem:s24+$0x18200];
	[tilespmem:s19+$0x2300] =	vst v5;
	v4 =	vmul.f32 v4, v3  }
0xbd: {  	v12 =	vld [tilespmem:s24+$0x18280];
	[tilespmem:s19+$0x4300] =	vst v6;
	v5 =	vmul.f32 v7, v2  }
0xbe: {  	v3 =	vld [tilespmem:s24+$0x18300];
	[tilespmem:s19+$0x6300] =	vst v4;
	v4 =	vmul.f32 v8, v2  }
0xbf: {  	v6 =	vld [tilespmem:s24+$0x18380];
	[tilespmem:s19+$0x380] =	vst v5;
	v5 =	vmul.f32 v10, v2  }
0xc0: {  	v7 =	vld [tilespmem:s24+$0x200];
	[tilespmem:s19+$0x2380] =	vst v4;
	v2 =	vmul.f32 v9, v2  }
0xc1: {  	v4 =	vld [tilespmem:s24+$0x2200];
	[tilespmem:s19+$0x4380] =	vst v5  }
0xc2: {  	v5 =	vld [tilespmem:s24+$0x4200];
	[tilespmem:s19+$0x6380] =	vst v2;
	s19 =	smov.u32 s24  }
0xc3: {  	v8 =	vld [tilespmem:s19+$0x6200]  }
0xc4: {  	v9 =	vld [tilespmem:s19+$0x280];
	v2 =	vmov v6  }
0xc5: {  	v6 =	vmul.f32 v7, v11;
	v7 =	vld [tilespmem:s19+$0x2280]  }
0xc6: {  	v4 =	vmul.f32 v4, v11;
	v10 =	vld [tilespmem:s19+$0x4280]  }
0xc7: {  	[tilespmem:s19+$0x200] =	vst v6;
	v5 =	vmul.f32 v5, v11;
	v13 =	vld [tilespmem:s19+$0x6280]  }
0xc8: {  	[tilespmem:s19+$0x2200] =	vst v4;
	v4 =	vmul.f32 v8, v11;
	v8 =	vld [tilespmem:s19+$0x300]  }
.Ltmp0:
0xc9: {  	[tilespmem:s19+$0x4200] =	vst v5;
	v9 =	vmul.f32 v9, v12;
	v5 =	vld [tilespmem:s19+$0x2300];
	(pc) =	sbr.rel @p1 .LBB2_3-.Ltmp0, $4  }
0xca: {  	[tilespmem:s19+$0x6200] =	vst v4;
	v7 =	vmul.f32 v7, v12;
	v6 =	vld [tilespmem:s19+$0x4300]  }
0xcb: {  	[tilespmem:s19+$0x280] =	vst v9;
	v9 =	vmul.f32 v10, v12;
	v4 =	vld [tilespmem:s19+$0x6300]  }
0xcc: {  	[tilespmem:s19+$0x2280] =	vst v7;
	v10 =	vmul.f32 v13, v12;
	v7 =	vld [tilespmem:s19+$0x380]  }
0xcd: {  	s11 =	sadd.s32 $0x40, s11;
	s22 =	sadd.s32 $0x10, s22;
	[tilespmem:s19+$0x4280] =	vst v9;
	v9 =	vmul.f32 v8, v3;
	v8 =	vld [tilespmem:s19+$0x2380]  }
0xce: {  	[tilespmem:s19+$0x6280] =	vst v10;
	v10 =	vld [tilespmem:s19+$0x4380];
	v5 =	vmul.f32 v5, v3  }
0xcf: {  	[tilespmem:s19+$0x300] =	vst v9;
	v6 =	vmul.f32 v6, v3;
	v9 =	vld [tilespmem:s19+$0x6380]  }
0xd0: {  	s24 =	smul.u32 $0xC, s18;
	[tilespmem:s19+$0x2300] =	vst v5;
	v3 =	vmul.f32 v4, v3  }
0xd1: {  	[tilespmem:s19+$0x4300] =	vst v6;
	v4 =	vmul.f32 v7, v2  }
0xd2: {  	s22 =	sshll.u32 s18, $0x6;
	s11 =	sadd.s32 s6, s24;
	[tilespmem:s19+$0x6300] =	vst v3;
	v3 =	vmul.f32 v8, v2  }
0xd3: {  	s22 =	sand.u32 $0x40, s22;
	s11 =	sshll.u32 s11, $0x8;
	[tilespmem:s19+$0x380] =	vst v4;
	v4 =	vmul.f32 v10, v2  }
0xd4: {  	s25 =	sand.u32 $0xFFFF800, s11;
	s11 =	sadd.s32 s2, s22;
	[tilespmem:s19+$0x2380] =	vst v3;
	v2 =	vmul.f32 v9, v2  }
0xd5: {  	s31 =	sadd.s32 s25, s11;
	s25 =	sadd.s32 s12, s24;
	[tilespmem:s19+$0x4380] =	vst v4  }
0xd6: {  	[tilespmem:s19+$0x6380] =	vst v2;
	s19 =	sshll.u32 s25, $0x8  }
0xd7: {  	[hbm4b:s31+s21] =	stream.strided.scatter [tilespmem:s21], [sflag:$0x4], $0x2000, s17, s21, $0x38;
	[tilespmem:$0x1E200] =	vst v63  }
0xd8: {  	s19 =	sand.u32 $0xFFFF800, s19;
	s31 =	sadd.s32 s13, s24  }
0xd9: {  	s19 =	sadd.s32 s19, s11;
	s25 =	sshll.u32 s31, $0x8  }
0xda: {  	[hbm4b:s19+s21] =	stream.strided.scatter [tilespmem:s28], [sflag:$0x4], $0x2000, s17, s21, $0x38;
	[tilespmem:$0x1E200] =	vst v63  }
0xdb: {  	s19 =	sand.u32 $0xFFFF800, s25  }
0xdc: {  	s31 =	sadd.s32 s14, s24;
	s19 =	sadd.s32 s19, s11  }
0xdd: {  	[hbm4b:s19+s21] =	stream.strided.scatter [tilespmem:s30], [sflag:$0x4], $0x2000, s17, s21, $0x38;
	[tilespmem:$0x1E200] =	vst v63  }
0xde: {  	s30 =	sshll.u32 s31, $0x8  }
0xdf: {  	s19 =	sand.u32 $0xFFFF800, s30  }
0xe0: {  	s19 =	sadd.s32 s19, s11  }
0xe1: {  	[hbm4b:s19+s21] =	stream.strided.scatter [tilespmem:s7], [sflag:$0x4], $0x2000, s17, s21, $0x38;
	[tilespmem:$0x1E200] =	vst v63  }
0xe2: {  	s19 =	simm.s32 @!p0 $0x6  }
0xe3: {  	_ =	swait.ge @!p0 [sflag:s19], $0x2000  }
0xe4: {  	[sflag:s19] =	ssyncset.done @!p0 $0x0  }
0xe5: {  	[sflag:s19] =	ssyncadd.s32 @!p0 $0xFFFFE000  }
0xe6: {  	_ =	swait.ge @!p0 [sflag:s19], $0x2000  }
0xe7: {  	[sflag:s19] =	ssyncset.done @!p0 $0x0  }
0xe8: {  	[sflag:s19] =	ssyncadd.s32 @!p0 $0xFFFFE000  }
0xe9: {  	_ =	swait.ge @!p0 [sflag:s19], $0x2000  }
0xea: {  	[sflag:s19] =	ssyncset.done @!p0 $0x0  }
0xeb: {  	[sflag:s19] =	ssyncadd.s32 @!p0 $0xFFFFE000  }
0xec: {  	_ =	swait.ge @!p0 [sflag:s19], $0x2000  }
0xed: {  	[sflag:s19] =	ssyncset.done @!p0 $0x0  }
0xee: {  	[sflag:s19] =	ssyncadd.s32 @!p0 $0xFFFFE000  }
0xef: {  	v2 =	vld.msk [tilespmem:s24+$0x8], $0xf;
	_ =	sdelay $0x4  }
0xf0: {  	v3 =	vshll.u32 v2, $0x4  }
0xf1: {  	v2 =	vand.u32 $0x7, v2;
	v3 =	vand.u32 $0xFFFFFF80, v3  }
0xf2: {  	v2 =	vor.u32 v2, v3  }
0xf3: {  	v2 =	vperm.xlane v2, v0;
	_ =	sdelay $0x1  }
0xf4: {  	v2 =	vadd.s32 v1, v2;
	_ =	sdelay $0x3  }
0xf5: {  	s25 =	simm.s32 $0x0;
	s31 =	simm.s32 $0x10200  }
0xf6: {  	[tilespmem:s31], [sflag:$0x3] =	stream.indirect_vreg.gather [hbm4b:s1+s25], $0x80, v2, vm0, $0xb8;
	[tilespmem:$0x1E200] =	vst v63  }
0xf7: {  	s30 =	simm.s32 $0x10A00;
	s19 =	sadd.s32 $0x8, s24  }
0xf8: {  	[tilespmem:s30], [sflag:$0x3] =	stream.indirect_vreg.gather [hbm4b:s8+s25], $0x80, v2, vm0, $0xb8;
	[tilespmem:$0x1E200] =	vst v63  }
0xf9: {  	s31 =	simm.s32 $0x11200;
	s30 =	sand.u32 $0x80, s19  }
0xfa: {  	[tilespmem:s31], [sflag:$0x3] =	stream.indirect_vreg.gather [hbm4b:s9+s25], $0x80, v2, vm0, $0xb8;
	[tilespmem:$0x1E200] =	vst v63  }
0xfb: {  	s28 =	simm.s32 $0x11A00;
	s24 =	sadd.s32 s19, s30  }
0xfc: {  	[tilespmem:s28], [sflag:$0x3] =	stream.indirect_vreg.gather [hbm4b:s10+s25], $0x80, v2, vm0, $0xb8;
	[tilespmem:$0x1E200] =	vst v63  }
0xfd: {  	v2 =	vld.msk [tilespmem:s24+$0x80], $0xf;
	_ =	sdelay $0x4  }
0xfe: {  	v3 =	vshll.u32 v2, $0x4  }
0xff: {  	v2 =	vand.u32 $0x7, v2;
	v3 =	vand.u32 $0xFFFFFF80, v3  }
0x100: {  	v2 =	vor.u32 v2, v3  }
0x101: {  	v2 =	vperm.xlane v2, v0;
	_ =	sdelay $0x1  }
0x102: {  	v2 =	vadd.s32 v1, v2;
	_ =	sdelay $0x3  }
0x103: {  	s28 =	simm.s32 $0x12200  }
0x104: {  	[tilespmem:s28], [sflag:$0x3] =	stream.indirect_vreg.gather [hbm4b:s1+s25], $0x80, v2, vm0, $0xb8;
	[tilespmem:$0x1E200] =	vst v63  }
0x105: {  	s28 =	simm.s32 $0x12A00  }
0x106: {  	[tilespmem:s28], [sflag:$0x3] =	stream.indirect_vreg.gather [hbm4b:s8+s25], $0x80, v2, vm0, $0xb8;
	[tilespmem:$0x1E200] =	vst v63  }
0x107: {  	s28 =	simm.s32 $0x13200  }
0x108: {  	[tilespmem:s28], [sflag:$0x3] =	stream.indirect_vreg.gather [hbm4b:s9+s25], $0x80, v2, vm0, $0xb8;
	[tilespmem:$0x1E200] =	vst v63  }
0x109: {  	s28 =	simm.s32 $0x13A00  }
0x10a: {  	[tilespmem:s28], [sflag:$0x3] =	stream.indirect_vreg.gather [hbm4b:s10+s25], $0x80, v2, vm0, $0xb8;
	[tilespmem:$0x1E200] =	vst v63  }
0x10b: {  	v2 =	vld.msk [tilespmem:s24+$0x100], $0xf;
	_ =	sdelay $0x4  }
0x10c: {  	v3 =	vshll.u32 v2, $0x4  }
0x10d: {  	v2 =	vand.u32 $0x7, v2;
	v3 =	vand.u32 $0xFFFFFF80, v3  }
0x10e: {  	v2 =	vor.u32 v2, v3  }
0x10f: {  	v2 =	vperm.xlane v2, v0;
	_ =	sdelay $0x1  }
0x110: {  	v2 =	vadd.s32 v1, v2;
	_ =	sdelay $0x3  }
0x111: {  	s28 =	simm.s32 $0x14200  }
0x112: {  	[tilespmem:s28], [sflag:$0x3] =	stream.indirect_vreg.gather [hbm4b:s1+s25], $0x80, v2, vm0, $0xb8;
	[tilespmem:$0x1E200] =	vst v63  }
0x113: {  	s28 =	simm.s32 $0x14A00  }
0x114: {  	[tilespmem:s28], [sflag:$0x3] =	stream.indirect_vreg.gather [hbm4b:s8+s25], $0x80, v2, vm0, $0xb8;
	[tilespmem:$0x1E200] =	vst v63  }
0x115: {  	s28 =	simm.s32 $0x15200  }
0x116: {  	[tilespmem:s28], [sflag:$0x3] =	stream.indirect_vreg.gather [hbm4b:s9+s25], $0x80, v2, vm0, $0xb8;
	[tilespmem:$0x1E200] =	vst v63  }
0x117: {  	s28 =	simm.s32 $0x15A00  }
0x118: {  	[tilespmem:s28], [sflag:$0x3] =	stream.indirect_vreg.gather [hbm4b:s10+s25], $0x80, v2, vm0, $0xb8;
	[tilespmem:$0x1E200] =	vst v63  }
0x119: {  	v2 =	vld.msk [tilespmem:s24+$0x180], $0xf;
	_ =	sdelay $0x4  }
0x11a: {  	v3 =	vshll.u32 v2, $0x4  }
0x11b: {  	v2 =	vand.u32 $0x7, v2;
	v3 =	vand.u32 $0xFFFFFF80, v3  }
0x11c: {  	v2 =	vor.u32 v2, v3  }
0x11d: {  	v2 =	vperm.xlane v2, v0;
	_ =	sdelay $0x1  }
0x11e: {  	v2 =	vadd.s32 v1, v2;
	_ =	sdelay $0x4  }
0x11f: {  	[tilespmem:s4], [sflag:$0x3] =	stream.indirect_vreg.gather [hbm4b:s1+s25], $0x80, v2, vm0, $0xb8;
	[tilespmem:$0x1E200] =	vst v63  }
0x120: {  	s31 =	simm.s32 $0x16A00  }
0x121: {  	[tilespmem:s31], [sflag:$0x3] =	stream.indirect_vreg.gather [hbm4b:s8+s25], $0x80, v2, vm0, $0xb8;
	[tilespmem:$0x1E200] =	vst v63  }
0x122: {  	s30 =	simm.s32 $0x17200  }
0x123: {  	[tilespmem:s30], [sflag:$0x3] =	stream.indirect_vreg.gather [hbm4b:s9+s25], $0x80, v2, vm0, $0xb8;
	[tilespmem:$0x1E200] =	vst v63  }
0x124: {  	s30 =	sadd.s32 s6, s19  }
0x125: {  	s31 =	simm.s32 $0x17A00;
	s24 =	sshll.u32 s30, $0x8  }
0x126: {  	[tilespmem:s31], [sflag:$0x3] =	stream.indirect_vreg.gather [hbm4b:s10+s25], $0x80, v2, vm0, $0xb8;
	[tilespmem:$0x1E200] =	vst v63  }
0x127: {  	s24 =	sand.u32 $0xFFFF800, s24  }
0x128: {  	s22 =	sor.u32 s22, s24  }
0x129: {  	s28 =	simm.s32 $0x1C200;
	s24 =	sadd.s32 s5, s22  }
0x12a: {  	[tilespmem:s28], [sflag:$0x3] =	stream.strided.gather [hbm4b:s24+s21], $0x2000, s17, s21, $0x38;
	[tilespmem:$0x1E200] =	vst v63  }
0x12b: {  	_ =	swait.ge [sflag:s26], $0x2000  }
0x12c: {  	[sflag:s26] =	ssyncset.done $0x0  }
0x12d: {  	[sflag:s26] =	ssyncadd.s32 $0xFFFFE000  }
0x12e: {  	_ =	swait.ge [sflag:s26], $0x2000  }
0x12f: {  	[sflag:s26] =	ssyncset.done $0x0  }
0x130: {  	[sflag:s26] =	ssyncadd.s32 $0xFFFFE000  }
0x131: {  	_ =	swait.ge [sflag:s26], $0x2000  }
0x132: {  	[sflag:s26] =	ssyncset.done $0x0  }
0x133: {  	[sflag:s26] =	ssyncadd.s32 $0xFFFFE000  }
0x134: {  	_ =	swait.ge [sflag:s26], $0x2000  }
0x135: {  	[sflag:s26] =	ssyncset.done $0x0  }
0x136: {  	[sflag:s26] =	ssyncadd.s32 $0xFFFFE000  }
0x137: {  	_ =	swait.ge [sflag:s26], $0x2000  }
0x138: {  	s31 =	sand.u32 $0x70, s25;
	s25 =	sand.u32 $0x1E00, s25;
	[sflag:s26] =	ssyncset.done $0x0  }
0x139: {  	s24 =	sor.u32 s31, s25;
	[sflag:s26] =	ssyncadd.s32 $0xFFFFE000  }
0x13a: {  	v4 =	vld [tilespmem:s24+$0x1A200]  }
0x13b: {  	v8 =	vld [tilespmem:s24+$0x1A280]  }
0x13c: {  	v3 =	vld [tilespmem:s24+$0x1A300]  }
0x13d: {  	v2 =	vld [tilespmem:s24+$0x1A380]  }
0x13e: {  	v5 =	vld [tilespmem:s24+$0x8200]  }
0x13f: {  	v6 =	vld [tilespmem:s24+$0xA200]  }
0x140: {  	v7 =	vld [tilespmem:s24+$0xC200]  }
0x141: {  	v9 =	vld [tilespmem:s24+$0xE200]  }
0x142: {  	v10 =	vld [tilespmem:s24+$0x8280]  }
0x143: {  	v12 =	vld [tilespmem:s24+$0xC280];
	v5 =	vmul.f32 v5, v4  }
0x144: {  	v11 =	vld [tilespmem:s24+$0xA280];
	v6 =	vmul.f32 v6, v4  }
0x145: {  	v13 =	vld [tilespmem:s24+$0xE280];
	[tilespmem:s24+$0x8200] =	vst v5;
	v5 =	vmul.f32 v7, v4  }
0x146: {  	v14 =	vld [tilespmem:s24+$0x8300];
	[tilespmem:s24+$0xA200] =	vst v6;
	v4 =	vmul.f32 v9, v4  }
0x147: {  	v7 =	vmul.f32 v10, v8;
	[tilespmem:s24+$0xC200] =	vst v5;
	v5 =	vld [tilespmem:s24+$0xA300]  }
0x148: {  	v6 =	vld [tilespmem:s24+$0xC300];
	v10 =	vmul.f32 v12, v8;
	[tilespmem:s24+$0xE200] =	vst v4  }
0x149: {  	v9 =	vmul.f32 v11, v8;
	[tilespmem:s24+$0x8280] =	vst v7;
	v4 =	vld [tilespmem:s24+$0xE300]  }
0x14a: {  	v7 =	vld [tilespmem:s24+$0x8380];
	[tilespmem:s24+$0xC280] =	vst v10;
	v10 =	vmul.f32 v13, v8  }
0x14b: {  	s25 =	simm.s32 $0x40;
	s28 =	simm.s32 $0x10;
	[tilespmem:s24+$0xA280] =	vst v9;
	v9 =	vmul.f32 v14, v3;
	v8 =	vld [tilespmem:s24+$0xA380]  }
.LBB2_5:
0x14c: {  	s30 =	sand.u32 $0x70, s28;
	s31 =	sand.u32 $0x1E00, s25;
	p0 =	sne.s32 s28, $0x7F0;
	[tilespmem:s24+$0xE280] =	vst v10;
	v5 =	vmul.f32 v5, v3;
	v10 =	vld [tilespmem:s24+$0xC380]  }
0x14d: {  	s30 =	sor.u32 s30, s31;
	[tilespmem:s24+$0x8300] =	vst v9;
	v6 =	vmul.f32 v6, v3;
	v9 =	vld [tilespmem:s24+$0xE380]  }
0x14e: {  	v11 =	vld [tilespmem:s30+$0x1A200];
	[tilespmem:s24+$0xA300] =	vst v5;
	v4 =	vmul.f32 v4, v3  }
0x14f: {  	v12 =	vld [tilespmem:s30+$0x1A280];
	[tilespmem:s24+$0xC300] =	vst v6;
	v5 =	vmul.f32 v7, v2  }
0x150: {  	v3 =	vld [tilespmem:s30+$0x1A300];
	[tilespmem:s24+$0xE300] =	vst v4;
	v4 =	vmul.f32 v8, v2  }
0x151: {  	v6 =	vld [tilespmem:s30+$0x1A380];
	[tilespmem:s24+$0x8380] =	vst v5;
	v5 =	vmul.f32 v10, v2  }
0x152: {  	v7 =	vld [tilespmem:s30+$0x8200];
	[tilespmem:s24+$0xA380] =	vst v4;
	v2 =	vmul.f32 v9, v2  }
0x153: {  	v4 =	vld [tilespmem:s30+$0xA200];
	[tilespmem:s24+$0xC380] =	vst v5  }
0x154: {  	v5 =	vld [tilespmem:s30+$0xC200];
	[tilespmem:s24+$0xE380] =	vst v2;
	s24 =	smov.u32 s30  }
0x155: {  	v8 =	vld [tilespmem:s24+$0xE200]  }
0x156: {  	v9 =	vld [tilespmem:s24+$0x8280];
	v2 =	vmov v6  }
0x157: {  	v6 =	vmul.f32 v7, v11;
	v7 =	vld [tilespmem:s24+$0xA280]  }
0x158: {  	v4 =	vmul.f32 v4, v11;
	v10 =	vld [tilespmem:s24+$0xC280]  }
0x159: {  	[tilespmem:s24+$0x8200] =	vst v6;
	v5 =	vmul.f32 v5, v11;
	v13 =	vld [tilespmem:s24+$0xE280]  }
0x15a: {  	[tilespmem:s24+$0xA200] =	vst v4;
	v4 =	vmul.f32 v8, v11;
	v8 =	vld [tilespmem:s24+$0x8300]  }
.Ltmp1:
0x15b: {  	[tilespmem:s24+$0xC200] =	vst v5;
	v9 =	vmul.f32 v9, v12;
	v5 =	vld [tilespmem:s24+$0xA300];
	(pc) =	sbr.rel @p0 .LBB2_5-.Ltmp1, $4  }
0x15c: {  	[tilespmem:s24+$0xE200] =	vst v4;
	v7 =	vmul.f32 v7, v12;
	v6 =	vld [tilespmem:s24+$0xC300]  }
0x15d: {  	[tilespmem:s24+$0x8280] =	vst v9;
	v9 =	vmul.f32 v10, v12;
	v4 =	vld [tilespmem:s24+$0xE300]  }
0x15e: {  	[tilespmem:s24+$0xA280] =	vst v7;
	v10 =	vmul.f32 v13, v12;
	v7 =	vld [tilespmem:s24+$0x8380]  }
0x15f: {  	s25 =	sadd.s32 $0x40, s25;
	s28 =	sadd.s32 $0x10, s28;
	[tilespmem:s24+$0xC280] =	vst v9;
	v9 =	vmul.f32 v8, v3;
	v8 =	vld [tilespmem:s24+$0xA380]  }
0x160: {  	[tilespmem:s24+$0xE280] =	vst v10;
	v10 =	vld [tilespmem:s24+$0xC380];
	v5 =	vmul.f32 v5, v3  }
0x161: {  	[tilespmem:s24+$0x8300] =	vst v9;
	v6 =	vmul.f32 v6, v3;
	v9 =	vld [tilespmem:s24+$0xE380]  }
0x162: {  	[tilespmem:s24+$0xA300] =	vst v5;
	v3 =	vmul.f32 v4, v3  }
0x163: {  	[tilespmem:s24+$0xC300] =	vst v6;
	v4 =	vmul.f32 v7, v2  }
0x164: {  	[tilespmem:s24+$0xE300] =	vst v3;
	v3 =	vmul.f32 v8, v2  }
0x165: {  	[tilespmem:s24+$0x8380] =	vst v4;
	v4 =	vmul.f32 v10, v2  }
0x166: {  	[tilespmem:s24+$0xA380] =	vst v3;
	v2 =	vmul.f32 v9, v2  }
0x167: {  	[tilespmem:s24+$0xC380] =	vst v4  }
0x168: {  	s20 =	sadd.s32 s2, s20;
	s25 =	simm.s32 $0x8200;
	[tilespmem:s24+$0xE380] =	vst v2;
	s24 =	sadd.s32 s12, s15  }
0x169: {  	[hbm4b:s20+s21] =	stream.strided.scatter [tilespmem:s25], [sflag:$0x5], $0x2000, s17, s21, $0x38;
	[tilespmem:$0x1E200] =	vst v63  }
0x16a: {  	s20 =	sshll.u32 s24, $0x8  }
0x16b: {  	s3 =	sadd.s32 s2, s3;
	s20 =	sand.u32 $0xFFFF800, s20  }
0x16c: {  	s31 =	simm.s32 $0xA200;
	s24 =	sadd.s32 s13, s15;
	s20 =	sadd.s32 s20, s3  }
0x16d: {  	[hbm4b:s20+s21] =	stream.strided.scatter [tilespmem:s31], [sflag:$0x5], $0x2000, s17, s21, $0x38;
	[tilespmem:$0x1E200] =	vst v63  }
0x16e: {  	s15 =	sadd.s32 s14, s15;
	s20 =	sshll.u32 s24, $0x8  }
0x16f: {  	s15 =	sshll.u32 s15, $0x8;
	s20 =	sand.u32 $0xFFFF800, s20  }
0x170: {  	s15 =	sand.u32 $0xFFFF800, s15;
	s24 =	simm.s32 $0xC200;
	s20 =	sadd.s32 s20, s3  }
0x171: {  	[hbm4b:s20+s21] =	stream.strided.scatter [tilespmem:s24], [sflag:$0x5], $0x2000, s17, s21, $0x38;
	[tilespmem:$0x1E200] =	vst v63  }
0x172: {  	s3 =	sadd.s32 s15, s3;
	s20 =	simm.s32 $0xE200  }
0x173: {  	[hbm4b:s3+s21] =	stream.strided.scatter [tilespmem:s20], [sflag:$0x5], $0x2000, s17, s21, $0x38;
	[tilespmem:$0x1E200] =	vst v63  }
0x174: {  	_ =	swait.ge [sflag:s16], $0x2000  }
0x175: {  	[sflag:s16] =	ssyncset.done $0x0  }
0x176: {  	[sflag:s16] =	ssyncadd.s32 $0xFFFFE000  }
0x177: {  	_ =	swait.ge [sflag:s16], $0x2000  }
0x178: {  	[sflag:s16] =	ssyncset.done $0x0  }
0x179: {  	[sflag:s16] =	ssyncadd.s32 $0xFFFFE000  }
0x17a: {  	_ =	swait.ge [sflag:s16], $0x2000  }
0x17b: {  	[sflag:s16] =	ssyncset.done $0x0  }
0x17c: {  	[sflag:s16] =	ssyncadd.s32 $0xFFFFE000  }
0x17d: {  	_ =	swait.ge [sflag:s16], $0x2000  }
0x17e: {  	s3 =	sadd.s32 $0x3, s0;
	[sflag:s16] =	ssyncset.done $0x0  }
0x17f: {  	s15 =	sshll.u32 s3, $0x2;
	[sflag:s16] =	ssyncadd.s32 $0xFFFFE000  }
0x180: {  	v2 =	vld.msk [tilespmem:s15+$0x0], $0xf;
	_ =	sdelay $0x4  }
0x181: {  	v3 =	vshll.u32 v2, $0x4  }
0x182: {  	v2 =	vand.u32 $0x7, v2;
	v3 =	vand.u32 $0xFFFFFF80, v3  }
0x183: {  	v2 =	vor.u32 v2, v3  }
0x184: {  	v2 =	vperm.xlane v2, v0;
	_ =	sdelay $0x1  }
0x185: {  	v2 =	vadd.s32 v1, v2;
	_ =	sdelay $0x3  }
0x186: {  	s0 =	simm.s32 $0x0  }
0x187: {  	[tilespmem:s21], [sflag:$0x1] =	stream.indirect_vreg.gather [hbm4b:s1+s0], $0x80, v2, vm0, $0xb8;
	[tilespmem:$0x1E200] =	vst v63  }
0x188: {  	s24 =	simm.s32 $0xA00  }
0x189: {  	[tilespmem:s24], [sflag:$0x1] =	stream.indirect_vreg.gather [hbm4b:s8+s0], $0x80, v2, vm0, $0xb8;
	[tilespmem:$0x1E200] =	vst v63  }
0x18a: {  	s20 =	sand.u32 $0x80, s15;
	s24 =	simm.s32 $0x1200  }
0x18b: {  	[tilespmem:s24], [sflag:$0x1] =	stream.indirect_vreg.gather [hbm4b:s9+s0], $0x80, v2, vm0, $0xb8;
	[tilespmem:$0x1E200] =	vst v63  }
0x18c: {  	s20 =	sadd.s32 s15, s20;
	s24 =	simm.s32 $0x1A00  }
0x18d: {  	[tilespmem:s24], [sflag:$0x1] =	stream.indirect_vreg.gather [hbm4b:s10+s0], $0x80, v2, vm0, $0xb8;
	[tilespmem:$0x1E200] =	vst v63  }
0x18e: {  	v2 =	vld.msk [tilespmem:s20+$0x80], $0xf;
	_ =	sdelay $0x4  }
0x18f: {  	v3 =	vshll.u32 v2, $0x4  }
0x190: {  	v2 =	vand.u32 $0x7, v2;
	v3 =	vand.u32 $0xFFFFFF80, v3  }
0x191: {  	v2 =	vor.u32 v2, v3  }
0x192: {  	v2 =	vperm.xlane v2, v0;
	_ =	sdelay $0x1  }
0x193: {  	v2 =	vadd.s32 v1, v2;
	_ =	sdelay $0x3  }
0x194: {  	s28 =	simm.s32 $0x2200  }
0x195: {  	[tilespmem:s28], [sflag:$0x1] =	stream.indirect_vreg.gather [hbm4b:s1+s0], $0x80, v2, vm0, $0xb8;
	[tilespmem:$0x1E200] =	vst v63  }
0x196: {  	s24 =	simm.s32 $0x2A00  }
0x197: {  	[tilespmem:s24], [sflag:$0x1] =	stream.indirect_vreg.gather [hbm4b:s8+s0], $0x80, v2, vm0, $0xb8;
	[tilespmem:$0x1E200] =	vst v63  }
0x198: {  	s24 =	simm.s32 $0x3200  }
0x199: {  	[tilespmem:s24], [sflag:$0x1] =	stream.indirect_vreg.gather [hbm4b:s9+s0], $0x80, v2, vm0, $0xb8;
	[tilespmem:$0x1E200] =	vst v63  }
0x19a: {  	s24 =	simm.s32 $0x3A00  }
0x19b: {  	[tilespmem:s24], [sflag:$0x1] =	stream.indirect_vreg.gather [hbm4b:s10+s0], $0x80, v2, vm0, $0xb8;
	[tilespmem:$0x1E200] =	vst v63  }
0x19c: {  	v2 =	vld.msk [tilespmem:s20+$0x100], $0xf;
	_ =	sdelay $0x4  }
0x19d: {  	v3 =	vshll.u32 v2, $0x4  }
0x19e: {  	v2 =	vand.u32 $0x7, v2;
	v3 =	vand.u32 $0xFFFFFF80, v3  }
0x19f: {  	v2 =	vor.u32 v2, v3  }
0x1a0: {  	v2 =	vperm.xlane v2, v0;
	_ =	sdelay $0x1  }
0x1a1: {  	v2 =	vadd.s32 v1, v2;
	_ =	sdelay $0x3  }
0x1a2: {  	s30 =	simm.s32 $0x4200  }
0x1a3: {  	[tilespmem:s30], [sflag:$0x1] =	stream.indirect_vreg.gather [hbm4b:s1+s0], $0x80, v2, vm0, $0xb8;
	[tilespmem:$0x1E200] =	vst v63  }
0x1a4: {  	s24 =	simm.s32 $0x4A00  }
0x1a5: {  	[tilespmem:s24], [sflag:$0x1] =	stream.indirect_vreg.gather [hbm4b:s8+s0], $0x80, v2, vm0, $0xb8;
	[tilespmem:$0x1E200] =	vst v63  }
0x1a6: {  	s24 =	simm.s32 $0x5200  }
0x1a7: {  	[tilespmem:s24], [sflag:$0x1] =	stream.indirect_vreg.gather [hbm4b:s9+s0], $0x80, v2, vm0, $0xb8;
	[tilespmem:$0x1E200] =	vst v63  }
0x1a8: {  	s24 =	simm.s32 $0x5A00  }
0x1a9: {  	[tilespmem:s24], [sflag:$0x1] =	stream.indirect_vreg.gather [hbm4b:s10+s0], $0x80, v2, vm0, $0xb8;
	[tilespmem:$0x1E200] =	vst v63  }
0x1aa: {  	v2 =	vld.msk [tilespmem:s20+$0x180], $0xf;
	_ =	sdelay $0x4  }
0x1ab: {  	v3 =	vshll.u32 v2, $0x4  }
0x1ac: {  	v2 =	vand.u32 $0x7, v2;
	v3 =	vand.u32 $0xFFFFFF80, v3  }
0x1ad: {  	v2 =	vor.u32 v2, v3  }
0x1ae: {  	v2 =	vperm.xlane v2, v0;
	_ =	sdelay $0x1  }
0x1af: {  	v2 =	vadd.s32 v1, v2;
	_ =	sdelay $0x4  }
0x1b0: {  	[tilespmem:s7], [sflag:$0x1] =	stream.indirect_vreg.gather [hbm4b:s1+s0], $0x80, v2, vm0, $0xb8;
	[tilespmem:$0x1E200] =	vst v63  }
0x1b1: {  	s3 =	sshll.u32 s3, $0x6;
	s15 =	sadd.s32 s6, s15;
	s24 =	simm.s32 $0x6A00  }
0x1b2: {  	[tilespmem:s24], [sflag:$0x1] =	stream.indirect_vreg.gather [hbm4b:s8+s0], $0x80, v2, vm0, $0xb8;
	[tilespmem:$0x1E200] =	vst v63  }
0x1b3: {  	s3 =	sand.u32 $0x40, s3;
	s15 =	sshll.u32 s15, $0x8;
	s24 =	simm.s32 $0x7200  }
0x1b4: {  	[tilespmem:s24], [sflag:$0x1] =	stream.indirect_vreg.gather [hbm4b:s9+s0], $0x80, v2, vm0, $0xb8;
	[tilespmem:$0x1E200] =	vst v63  }
0x1b5: {  	s3 =	sadd.s32 s5, s3;
	s15 =	sand.u32 $0xFFFF800, s15;
	s24 =	simm.s32 $0x7A00  }
0x1b6: {  	[tilespmem:s24], [sflag:$0x1] =	stream.indirect_vreg.gather [hbm4b:s10+s0], $0x80, v2, vm0, $0xb8;
	[tilespmem:$0x1E200] =	vst v63  }
0x1b7: {  	s3 =	sadd.s32 s15, s3;
	s20 =	simm.s32 $0x18200  }
0x1b8: {  	[tilespmem:s20], [sflag:$0x1] =	stream.strided.gather [hbm4b:s3+s21], $0x2000, s17, s21, $0x38;
	[tilespmem:$0x1E200] =	vst v63  }
0x1b9: {  	_ =	swait.ge [sflag:s29], $0x2000  }
0x1ba: {  	[sflag:s29] =	ssyncset.done $0x0  }
0x1bb: {  	[sflag:s29] =	ssyncadd.s32 $0xFFFFE000  }
0x1bc: {  	_ =	swait.ge [sflag:s29], $0x2000  }
0x1bd: {  	[sflag:s29] =	ssyncset.done $0x0  }
0x1be: {  	[sflag:s29] =	ssyncadd.s32 $0xFFFFE000  }
0x1bf: {  	_ =	swait.ge [sflag:s29], $0x2000  }
0x1c0: {  	[sflag:s29] =	ssyncset.done $0x0  }
0x1c1: {  	[sflag:s29] =	ssyncadd.s32 $0xFFFFE000  }
0x1c2: {  	_ =	swait.ge [sflag:s29], $0x2000  }
0x1c3: {  	[sflag:s29] =	ssyncset.done $0x0  }
0x1c4: {  	[sflag:s29] =	ssyncadd.s32 $0xFFFFE000  }
0x1c5: {  	_ =	swait.ge [sflag:s29], $0x2000  }
0x1c6: {  	s24 =	sand.u32 $0x70, s0;
	s0 =	sand.u32 $0x1E00, s0;
	[sflag:s29] =	ssyncset.done $0x0  }
0x1c7: {  	s0 =	sor.u32 s24, s0;
	[sflag:s29] =	ssyncadd.s32 $0xFFFFE000  }
0x1c8: {  	v4 =	vld [tilespmem:s0+$0x1C200]  }
0x1c9: {  	v8 =	vld [tilespmem:s0+$0x1C280]  }
0x1ca: {  	v3 =	vld [tilespmem:s0+$0x1C300]  }
0x1cb: {  	v2 =	vld [tilespmem:s0+$0x1C380]  }
0x1cc: {  	v5 =	vld [tilespmem:s0+$0x10200]  }
0x1cd: {  	v6 =	vld [tilespmem:s0+$0x12200]  }
0x1ce: {  	v7 =	vld [tilespmem:s0+$0x14200]  }
0x1cf: {  	v9 =	vld [tilespmem:s0+$0x16200]  }
0x1d0: {  	v10 =	vld [tilespmem:s0+$0x10280]  }
0x1d1: {  	v12 =	vld [tilespmem:s0+$0x14280];
	v5 =	vmul.f32 v5, v4  }
0x1d2: {  	v11 =	vld [tilespmem:s0+$0x12280];
	v6 =	vmul.f32 v6, v4  }
0x1d3: {  	v13 =	vld [tilespmem:s0+$0x16280];
	[tilespmem:s0+$0x10200] =	vst v5;
	v5 =	vmul.f32 v7, v4  }
0x1d4: {  	v14 =	vld [tilespmem:s0+$0x10300];
	[tilespmem:s0+$0x12200] =	vst v6;
	v4 =	vmul.f32 v9, v4  }
0x1d5: {  	v7 =	vmul.f32 v10, v8;
	[tilespmem:s0+$0x14200] =	vst v5;
	v5 =	vld [tilespmem:s0+$0x12300]  }
0x1d6: {  	v6 =	vld [tilespmem:s0+$0x14300];
	v10 =	vmul.f32 v12, v8;
	[tilespmem:s0+$0x16200] =	vst v4  }
0x1d7: {  	v9 =	vmul.f32 v11, v8;
	[tilespmem:s0+$0x10280] =	vst v7;
	v4 =	vld [tilespmem:s0+$0x16300]  }
0x1d8: {  	v7 =	vld [tilespmem:s0+$0x10380];
	[tilespmem:s0+$0x14280] =	vst v10;
	v10 =	vmul.f32 v13, v8  }
0x1d9: {  	s15 =	simm.s32 $0x10;
	s3 =	simm.s32 $0x40;
	[tilespmem:s0+$0x12280] =	vst v9;
	v9 =	vmul.f32 v14, v3;
	v8 =	vld [tilespmem:s0+$0x12380]  }
.LBB2_7:
0x1da: {  	s20 =	sand.u32 $0x70, s15;
	s24 =	sand.u32 $0x1E00, s3;
	p0 =	sne.s32 s15, $0x7F0;
	[tilespmem:s0+$0x16280] =	vst v10;
	v5 =	vmul.f32 v5, v3;
	v10 =	vld [tilespmem:s0+$0x14380]  }
0x1db: {  	s20 =	sor.u32 s20, s24;
	[tilespmem:s0+$0x10300] =	vst v9;
	v6 =	vmul.f32 v6, v3;
	v9 =	vld [tilespmem:s0+$0x16380]  }
0x1dc: {  	v11 =	vld [tilespmem:s20+$0x1C200];
	[tilespmem:s0+$0x12300] =	vst v5;
	v4 =	vmul.f32 v4, v3  }
0x1dd: {  	v12 =	vld [tilespmem:s20+$0x1C280];
	[tilespmem:s0+$0x14300] =	vst v6;
	v5 =	vmul.f32 v7, v2  }
0x1de: {  	v3 =	vld [tilespmem:s20+$0x1C300];
	[tilespmem:s0+$0x16300] =	vst v4;
	v4 =	vmul.f32 v8, v2  }
0x1df: {  	v6 =	vld [tilespmem:s20+$0x1C380];
	[tilespmem:s0+$0x10380] =	vst v5;
	v5 =	vmul.f32 v10, v2  }
0x1e0: {  	v7 =	vld [tilespmem:s20+$0x10200];
	[tilespmem:s0+$0x12380] =	vst v4;
	v2 =	vmul.f32 v9, v2  }
0x1e1: {  	v4 =	vld [tilespmem:s20+$0x12200];
	[tilespmem:s0+$0x14380] =	vst v5  }
0x1e2: {  	v5 =	vld [tilespmem:s20+$0x14200];
	[tilespmem:s0+$0x16380] =	vst v2;
	s0 =	smov.u32 s20  }
0x1e3: {  	v8 =	vld [tilespmem:s0+$0x16200]  }
0x1e4: {  	v9 =	vld [tilespmem:s0+$0x10280];
	v2 =	vmov v6  }
0x1e5: {  	v6 =	vmul.f32 v7, v11;
	v7 =	vld [tilespmem:s0+$0x12280]  }
0x1e6: {  	v4 =	vmul.f32 v4, v11;
	v10 =	vld [tilespmem:s0+$0x14280]  }
0x1e7: {  	[tilespmem:s0+$0x10200] =	vst v6;
	v5 =	vmul.f32 v5, v11;
	v13 =	vld [tilespmem:s0+$0x16280]  }
0x1e8: {  	[tilespmem:s0+$0x12200] =	vst v4;
	v4 =	vmul.f32 v8, v11;
	v8 =	vld [tilespmem:s0+$0x10300]  }
.Ltmp2:
0x1e9: {  	[tilespmem:s0+$0x14200] =	vst v5;
	v9 =	vmul.f32 v9, v12;
	v5 =	vld [tilespmem:s0+$0x12300];
	(pc) =	sbr.rel @p0 .LBB2_7-.Ltmp2, $4  }
0x1ea: {  	[tilespmem:s0+$0x16200] =	vst v4;
	v7 =	vmul.f32 v7, v12;
	v6 =	vld [tilespmem:s0+$0x14300]  }
0x1eb: {  	[tilespmem:s0+$0x10280] =	vst v9;
	v9 =	vmul.f32 v10, v12;
	v4 =	vld [tilespmem:s0+$0x16300]  }
0x1ec: {  	[tilespmem:s0+$0x12280] =	vst v7;
	v10 =	vmul.f32 v13, v12;
	v7 =	vld [tilespmem:s0+$0x10380]  }
0x1ed: {  	s3 =	sadd.s32 $0x40, s3;
	s15 =	sadd.s32 $0x10, s15;
	[tilespmem:s0+$0x14280] =	vst v9;
	v9 =	vmul.f32 v8, v3;
	v8 =	vld [tilespmem:s0+$0x12380]  }
0x1ee: {  	[tilespmem:s0+$0x16280] =	vst v10;
	v60 =	vld [tilespmem:s0+$0x14380];
	v5 =	vmul.f32 v5, v3  }
0x1ef: {  	v61 =	vld [tilespmem:s0+$0x16380];
	[tilespmem:s0+$0x10300] =	vst v9;
	v6 =	vmul.f32 v6, v3  }
0x1f0: {  	[tilespmem:s0+$0x12300] =	vst v5;
	v3 =	vmul.f32 v4, v3  }
0x1f1: {  	[tilespmem:s0+$0x14300] =	vst v6;
	v62 =	vmul.f32 v7, v2  }
0x1f2: {  	[tilespmem:s0+$0x16300] =	vst v3;
	v3 =	vmul.f32 v8, v2  }
0x1f3: {  	[tilespmem:s0+$0x10380] =	vst v62;
	v63 =	vmul.f32 v60, v2  }
0x1f4: {  	v2 =	vmul.f32 v61, v2;
	[tilespmem:s0+$0x12380] =	vst v3  }
0x1f5: {  	s20 =	sadd.s32 s2, s22;
	s22 =	sadd.s32 s12, s19;
	[tilespmem:s0+$0x14380] =	vst v63  }
0x1f6: {  	s3 =	simm.s32 $0x10200;
	[tilespmem:s0+$0x16380] =	vst v2;
	s0 =	sshll.u32 s22, $0x8  }
0x1f7: {  	[hbm4b:s20+s21] =	stream.strided.scatter [tilespmem:s3], [sflag:$0x6], $0x2000, s17, s21, $0x38;
	[tilespmem:$0x1E200] =	vst v63  }
0x1f8: {  	s24 =	sadd.s32 s13, s19;
	s0 =	sand.u32 $0xFFFF800, s0  }
0x1f9: {  	s15 =	simm.s32 $0x12200;
	s18 =	sadd.s32 $0x1, s18;
	s0 =	sadd.s32 s0, s11  }
0x1fa: {  	[hbm4b:s0+s21] =	stream.strided.scatter [tilespmem:s15], [sflag:$0x6], $0x2000, s17, s21, $0x38;
	[tilespmem:$0x1E200] =	vst v63  }
0x1fb: {  	p0 =	sne.s32 s18, $0x5;
	s15 =	sshll.u32 s24, $0x8  }
0x1fc: {  	s22 =	simm.s32 $0x14200;
	s20 =	sadd.s32 s14, s19;
	s0 =	sand.u32 $0xFFFF800, s15  }
.Ltmp3:
0x1fd: {  	s24 =	sshll.u32 s20, $0x8;
	s0 =	sadd.s32 s0, s11;
	(pc) =	sbr.rel @p0 .LBB2_2-.Ltmp3, $4  }
0x1fe: {  	[hbm4b:s0+s21] =	stream.strided.scatter [tilespmem:s22], [sflag:$0x6], $0x2000, s17, s21, $0x38;
	[tilespmem:$0x1E200] =	vst v63  }
0x1ff: {  	s0 =	sand.u32 $0xFFFF800, s24  }
0x200: {  	s0 =	sadd.s32 s0, s11  }
0x201: {  	[hbm4b:s0+s21] =	stream.strided.scatter [tilespmem:s4], [sflag:$0x6], $0x2000, s17, s21, $0x38;
	[tilespmem:$0x1E200] =	vst v63  }
0x202: {  	_ =	swait.ge [sflag:s23], $0x2000  }
0x203: {  	[sflag:s23] =	ssyncset.done $0x0  }
0x204: {  	[sflag:s23] =	ssyncadd.s32 $0xFFFFE000  }
0x205: {  	_ =	swait.ge [sflag:s23], $0x2000  }
0x206: {  	[sflag:s23] =	ssyncset.done $0x0  }
0x207: {  	[sflag:s23] =	ssyncadd.s32 $0xFFFFE000  }
0x208: {  	_ =	swait.ge [sflag:s23], $0x2000  }
0x209: {  	[sflag:s23] =	ssyncset.done $0x0  }
0x20a: {  	[sflag:s23] =	ssyncadd.s32 $0xFFFFE000  }
0x20b: {  	_ =	swait.ge [sflag:s23], $0x2000  }
0x20c: {  	[sflag:s23] =	ssyncset.done $0x0  }
0x20d: {  	[sflag:s23] =	ssyncadd.s32 $0xFFFFE000  }
0x20e: {  	s0 =	simm.s32 $0x0;
	_ =	swait.ge [sflag:s23], $0x2000  }
0x20f: {  	s3 =	sand.u32 $0x70, s0;
	s0 =	sand.u32 $0x1E00, s0;
	[sflag:s23] =	ssyncset.done $0x0  }
0x210: {  	s0 =	sor.u32 s3, s0;
	[sflag:s23] =	ssyncadd.s32 $0xFFFFE000  }
0x211: {  	v4 =	vld [tilespmem:s0+$0x18200]  }
0x212: {  	v8 =	vld [tilespmem:s0+$0x18280]  }
0x213: {  	v3 =	vld [tilespmem:s0+$0x18300]  }
0x214: {  	v5 =	vld [tilespmem:s0+$0x200]  }
0x215: {  	v6 =	vld [tilespmem:s0+$0x2200]  }
0x216: {  	v7 =	vld [tilespmem:s0+$0x4200]  }
0x217: {  	v9 =	vld [tilespmem:s0+$0x6200]  }
0x218: {  	v10 =	vld [tilespmem:s0+$0x2280]  }
0x219: {  	v12 =	vld [tilespmem:s0+$0x280]  }
0x21a: {  	v11 =	vld [tilespmem:s0+$0x4280];
	v5 =	vmul.f32 v5, v4  }
0x21b: {  	v2 =	vld [tilespmem:s0+$0x18380];
	v6 =	vmul.f32 v6, v4  }
0x21c: {  	v13 =	vld [tilespmem:s0+$0x6280];
	[tilespmem:s0+$0x200] =	vst v5;
	v5 =	vmul.f32 v7, v4  }
0x21d: {  	v14 =	vld [tilespmem:s0+$0x300];
	[tilespmem:s0+$0x2200] =	vst v6;
	v4 =	vmul.f32 v9, v4  }
0x21e: {  	v7 =	vmul.f32 v12, v8;
	[tilespmem:s0+$0x4200] =	vst v5;
	v5 =	vld [tilespmem:s0+$0x2300]  }
0x21f: {  	v6 =	vld [tilespmem:s0+$0x4300];
	v9 =	vmul.f32 v10, v8;
	v10 =	vmul.f32 v11, v8;
	[tilespmem:s0+$0x6200] =	vst v4  }
0x220: {  	[tilespmem:s0+$0x280] =	vst v7;
	v4 =	vld [tilespmem:s0+$0x6300]  }
0x221: {  	v7 =	vld [tilespmem:s0+$0x380];
	[tilespmem:s0+$0x4280] =	vst v10;
	v10 =	vmul.f32 v13, v8  }
0x222: {  	s11 =	simm.s32 $0x10;
	s3 =	simm.s32 $0x40;
	[tilespmem:s0+$0x2280] =	vst v9;
	v9 =	vmul.f32 v14, v3;
	v8 =	vld [tilespmem:s0+$0x2380]  }
.LBB2_10:
0x223: {  	s15 =	sand.u32 $0x70, s11;
	s18 =	sand.u32 $0x1E00, s3;
	p0 =	sne.s32 s11, $0x7F0;
	[tilespmem:s0+$0x6280] =	vst v10;
	v5 =	vmul.f32 v5, v3;
	v10 =	vld [tilespmem:s0+$0x4380]  }
0x224: {  	s15 =	sor.u32 s15, s18;
	[tilespmem:s0+$0x300] =	vst v9;
	v6 =	vmul.f32 v6, v3;
	v9 =	vld [tilespmem:s0+$0x6380]  }
0x225: {  	v11 =	vld [tilespmem:s15+$0x18200];
	[tilespmem:s0+$0x2300] =	vst v5;
	v4 =	vmul.f32 v4, v3  }
0x226: {  	v12 =	vld [tilespmem:s15+$0x18280];
	[tilespmem:s0+$0x4300] =	vst v6;
	v5 =	vmul.f32 v7, v2  }
0x227: {  	v3 =	vld [tilespmem:s15+$0x18300];
	[tilespmem:s0+$0x6300] =	vst v4;
	v4 =	vmul.f32 v8, v2  }
0x228: {  	v6 =	vld [tilespmem:s15+$0x18380];
	[tilespmem:s0+$0x380] =	vst v5;
	v5 =	vmul.f32 v10, v2  }
0x229: {  	v7 =	vld [tilespmem:s15+$0x200];
	[tilespmem:s0+$0x2380] =	vst v4;
	v2 =	vmul.f32 v9, v2  }
0x22a: {  	v4 =	vld [tilespmem:s15+$0x2200];
	[tilespmem:s0+$0x4380] =	vst v5  }
0x22b: {  	v5 =	vld [tilespmem:s15+$0x4200];
	[tilespmem:s0+$0x6380] =	vst v2;
	s0 =	smov.u32 s15  }
0x22c: {  	v8 =	vld [tilespmem:s0+$0x6200]  }
0x22d: {  	v9 =	vld [tilespmem:s0+$0x280];
	v2 =	vmov v6  }
0x22e: {  	v6 =	vmul.f32 v7, v11;
	v7 =	vld [tilespmem:s0+$0x2280]  }
0x22f: {  	v4 =	vmul.f32 v4, v11;
	v10 =	vld [tilespmem:s0+$0x4280]  }
0x230: {  	[tilespmem:s0+$0x200] =	vst v6;
	v5 =	vmul.f32 v5, v11;
	v13 =	vld [tilespmem:s0+$0x6280]  }
0x231: {  	[tilespmem:s0+$0x2200] =	vst v4;
	v4 =	vmul.f32 v8, v11;
	v8 =	vld [tilespmem:s0+$0x300]  }
.Ltmp4:
0x232: {  	[tilespmem:s0+$0x4200] =	vst v5;
	v9 =	vmul.f32 v9, v12;
	v5 =	vld [tilespmem:s0+$0x2300];
	(pc) =	sbr.rel @p0 .LBB2_10-.Ltmp4, $4  }
0x233: {  	[tilespmem:s0+$0x6200] =	vst v4;
	v7 =	vmul.f32 v7, v12;
	v6 =	vld [tilespmem:s0+$0x4300]  }
0x234: {  	[tilespmem:s0+$0x280] =	vst v9;
	v9 =	vmul.f32 v10, v12;
	v4 =	vld [tilespmem:s0+$0x6300]  }
0x235: {  	[tilespmem:s0+$0x2280] =	vst v7;
	v10 =	vmul.f32 v13, v12;
	v7 =	vld [tilespmem:s0+$0x380]  }
0x236: {  	s3 =	sadd.s32 $0x40, s3;
	s11 =	sadd.s32 $0x10, s11;
	[tilespmem:s0+$0x4280] =	vst v9;
	v9 =	vmul.f32 v8, v3;
	v8 =	vld [tilespmem:s0+$0x2380]  }
0x237: {  	[tilespmem:s0+$0x6280] =	vst v10;
	v60 =	vld [tilespmem:s0+$0x4380];
	v5 =	vmul.f32 v5, v3  }
0x238: {  	v61 =	vld [tilespmem:s0+$0x6380];
	[tilespmem:s0+$0x300] =	vst v9;
	v6 =	vmul.f32 v6, v3  }
0x239: {  	[tilespmem:s0+$0x2300] =	vst v5;
	v3 =	vmul.f32 v4, v3  }
0x23a: {  	[tilespmem:s0+$0x4300] =	vst v6;
	v62 =	vmul.f32 v7, v2  }
0x23b: {  	[tilespmem:s0+$0x6300] =	vst v3;
	v3 =	vmul.f32 v8, v2  }
0x23c: {  	[tilespmem:s0+$0x380] =	vst v62;
	v63 =	vmul.f32 v60, v2  }
0x23d: {  	v2 =	vmul.f32 v61, v2;
	[tilespmem:s0+$0x2380] =	vst v3  }
0x23e: {  	[tilespmem:s0+$0x4380] =	vst v63  }
0x23f: {  	s11 =	rddreg [dreg:$0x6];
	[tilespmem:s0+$0x6380] =	vst v2  }
0x240: {  	[hbm4b:s11+s21] =	stream.strided.scatter [tilespmem:s21], [sflag:$0x4], $0x2000, s17, s21, $0x38;
	[tilespmem:$0x1E200] =	vst v63  }
0x241: {  	s15 =	rddreg [dreg:$0x7]  }
0x242: {  	[hbm4b:s15+s21] =	stream.strided.scatter [tilespmem:s28], [sflag:$0x4], $0x2000, s17, s21, $0x38;
	[tilespmem:$0x1E200] =	vst v63  }
0x243: {  	s18 =	rddreg [dreg:$0x8]  }
0x244: {  	[hbm4b:s18+s21] =	stream.strided.scatter [tilespmem:s30], [sflag:$0x4], $0x2000, s17, s21, $0x38;
	[tilespmem:$0x1E200] =	vst v63  }
0x245: {  	s19 =	rddreg [dreg:$0x9];
	s20 =	simm.s32 $0x5  }
0x246: {  	[hbm4b:s19+s21] =	stream.strided.scatter [tilespmem:s7], [sflag:$0x4], $0x2000, s17, s21, $0x38;
	[tilespmem:$0x1E200] =	vst v63  }
0x247: {  	_ =	swait.ge [sflag:s20], $0x2000  }
0x248: {  	[sflag:s20] =	ssyncset.done $0x0  }
0x249: {  	[sflag:s20] =	ssyncadd.s32 $0xFFFFE000  }
0x24a: {  	_ =	swait.ge [sflag:s20], $0x2000  }
0x24b: {  	[sflag:s20] =	ssyncset.done $0x0  }
0x24c: {  	[sflag:s20] =	ssyncadd.s32 $0xFFFFE000  }
0x24d: {  	_ =	swait.ge [sflag:s20], $0x2000  }
0x24e: {  	[sflag:s20] =	ssyncset.done $0x0  }
0x24f: {  	[sflag:s20] =	ssyncadd.s32 $0xFFFFE000  }
0x250: {  	_ =	swait.ge [sflag:s20], $0x2000  }
0x251: {  	[sflag:s20] =	ssyncset.done $0x0  }
0x252: {  	s22 =	simm.s32 $0x6;
	[sflag:s20] =	ssyncadd.s32 $0xFFFFE000  }
0x253: {  	_ =	swait.ge [sflag:s22], $0x2000  }
0x254: {  	[sflag:s22] =	ssyncset.done $0x0  }
0x255: {  	[sflag:s22] =	ssyncadd.s32 $0xFFFFE000  }
0x256: {  	_ =	swait.ge [sflag:s22], $0x2000  }
0x257: {  	[sflag:s22] =	ssyncset.done $0x0  }
0x258: {  	[sflag:s22] =	ssyncadd.s32 $0xFFFFE000  }
0x259: {  	_ =	swait.ge [sflag:s22], $0x2000  }
0x25a: {  	[sflag:s22] =	ssyncset.done $0x0  }
0x25b: {  	[sflag:s22] =	ssyncadd.s32 $0xFFFFE000  }
0x25c: {  	_ =	swait.ge [sflag:s22], $0x2000  }
0x25d: {  	[sflag:s22] =	ssyncset.done $0x0  }
0x25e: {  	[sflag:s22] =	ssyncadd.s32 $0xFFFFE000  }
0x25f: {  	_ =	swait.ge [sflag:s16], $0x2000  }
0x260: {  	[sflag:s16] =	ssyncset.done $0x0  }
0x261: {  	[sflag:s16] =	ssyncadd.s32 $0xFFFFE000  }
0x262: {  	_ =	swait.ge [sflag:s16], $0x2000  }
0x263: {  	[sflag:s16] =	ssyncset.done $0x0  }
0x264: {  	[sflag:s16] =	ssyncadd.s32 $0xFFFFE000  }
0x265: {  	_ =	swait.ge [sflag:s16], $0x2000  }
0x266: {  	[sflag:s16] =	ssyncset.done $0x0  }
0x267: {  	[sflag:s16] =	ssyncadd.s32 $0xFFFFE000  }
0x268: {  	_ =	swait.ge [sflag:s16], $0x2000  }
0x269: {  	s3 =	rddreg [dreg:$0xb]  }
0x26a: {  	s24 =	rddreg [dreg:$0xa];
	s3 =	sadd.s32 $0x1, s3  }
0x26b: {  	p0 =	sne.s32 s3, s24  }
.Ltmp5:
0x26c: {  	_ = 	snop;
	(pc) =	sbr.rel @p0 .LBB2_1-.Ltmp5, $3  }
0x26d: {  	_ =	sdelay $0x1  }
0x26e: {  	[sflag:s16] =	ssyncset.done $0x0  }
0x26f: {  	[sflag:s16] =	ssyncadd.s32 $0xFFFFE000  }
0x270: {  	_ =	sfence.sel $0x180000  }
0x271: {  	[bflag:$0x0] =	sbarrier.arrive $0xFFFF  }
0x272: {  	_ =	strace $0x90000047  }
0x273: {  	s0 =	stileid.u32;
	[bflag:$0x2] =	sbarrier.arrive $0xFFFF  }
0x274: {  	p0 =	sne.s32 s0, $0x0;
	s0 =	rddreg [dreg:$0x3]  }
0x275: {  	s0 =	sadd.s32 @!p0 $0x100000, s0  }
0x276: {  	[sflag:s0] =	ssyncadd.tile.s32 @!p0 $0x1;
	_ =	shalt  }
.Lfunc_end2:
_tile_overlayer_lowered:
.L_overlay_start_2:
0x277: {  	(tag) =	ssettag $0x2  }
0x278: {  	s0 =	rddreg [dreg:$0x0];
	s2 =	stileid.u32  }
0x279: {  	s1 =	rddreg [dreg:$0x1];
	p0 =	sne.s32 s2, $0x0  }
0x27a: {  	s3 =	rddreg [dreg:$0x2];
	[bflag:$0x3] =	sbarrier.arrive $0xFFFF;
	s2 =	simm.s32 @!p0 $0x1C07  }
0x27b: {  	[timem:s3], [sflag:s2] =	dma.local @!p0 [hbm:s0], s1  }
0x27c: {  	s0 =	simm.s32 @!p0 $0x7  }
0x27d: {  	_ =	swait.ge @!p0 [sflag:s0], s1  }
0x27e: {  	s1 =	ssub.s32 @!p0 $0x0, s1;
	[sflag:s0] =	ssyncset.done @!p0 $0x0  }
0x27f: {  	[sflag:s0] =	ssyncadd.s32 @!p0 s1  }
0x280: {  	[bflag:$0x3] =	sbarrier.arrive $0xFFFF  }
0x281: {  	_ =	shalt  }

</sc_bundles>
